<compile_context>
chip_gen: v7x
topology: tpu7x:2x2x1
jax: 0.10.2.dev20260603
libtpu: 0.0.44.dev20260713+nightly
codegen_flags: <defaults>
</compile_context>

<pallas_src>
import math

import jax
import jax.numpy as jnp
from jax import lax
from jax.experimental import pallas as pl
from jax.experimental.pallas import tpu as pltpu
from jax.experimental.pallas import tpu_sc as plsc

N_NODES = 50000
N_EDGES = 800000
NP = 51200
NR = NP // 128
E_TOT = N_EDGES + N_NODES
EW = 6656
EP = EW * 128
HID = 128
NCH = 4
CW = 32
N_TILES = 16
WPT = EW // N_TILES
RPT = NP // N_TILES

BN = 2048
BNR = BN // 128

def _vec_mesh():
  return plsc.VectorSubcoreMesh(core_axis_name="c", subcore_axis_name="s",
                                num_cores=2, num_subcores=16)


EWP = EW + 12


def _db_pass(table_j, accum, srcw_b, dstw_b, w0, sidx, didx, rows,
             isem, gsem, ssem, K):
  nblk = WPT // K

  def _idx_pairs(iset, blk):
    w = w0 + blk * K
    return [(srcw_b.at[pl.ds(w, K)], sidx.at[iset]),
            (dstw_b.at[pl.ds(w, K)], didx.at[iset])]

  def issue_idx(iset, blk):
    for a, bb in _idx_pairs(iset, blk):
      pltpu.async_copy(a, bb, isem.at[iset])

  def wait_idx(iset, blk):
    for a, bb in _idx_pairs(iset, blk):
      pltpu.make_async_copy(a, bb, isem.at[iset]).wait()

  def g_copies(rset, iset):
    return [(table_j.at[sidx.at[iset].at[k]],
             rows.at[rset].at[pl.ds(k * 128, 128)]) for k in range(K)]

  def issue_gather(rset, iset):
    for a, bb in g_copies(rset, iset):
      pltpu.async_copy(a, bb, gsem.at[rset])

  def wait_gather(rset, iset):
    for a, bb in g_copies(rset, iset):
      pltpu.make_async_copy(a, bb, gsem.at[rset]).wait()

  def s_copies(rset, iset):
    return [(rows.at[rset].at[pl.ds(k * 128, 128)],
             accum.at[didx.at[iset].at[k]]) for k in range(K)]

  def issue_scatter(rset, iset):
    for a, bb in s_copies(rset, iset):
      pltpu.async_copy(a, bb, ssem.at[rset], add=True)

  def wait_scatter(rset, iset):
    for a, bb in s_copies(rset, iset):
      pltpu.make_async_copy(a, bb, ssem.at[rset]).wait()

  issue_idx(0, 0)
  issue_idx(1, 1)
  issue_idx(2, 2)
  wait_idx(0, 0)
  issue_gather(0, 0)

  def sub(b0, t, A, B, C, D, first_guard):
    wait_gather(0, A)
    issue_scatter(0, A)
    wait_idx(B, b0 + 1)
    if first_guard:
      @pl.when(t > 0)
      def _():
        wait_scatter(1, D)
    else:
      wait_scatter(1, D)
    issue_gather(1, B)
    issue_idx(D, b0 + 3)
    wait_scatter(0, A)
    wait_idx(C, b0 + 2)
    issue_gather(0, C)
    issue_idx(A, b0 + 4)
    wait_gather(1, B)
    issue_scatter(1, B)

  @pl.loop(0, nblk // 4)
  def _(t):
    b0 = 4 * t
    sub(b0, t, 0, 1, 2, 3, True)
    sub(b0 + 2, t, 2, 3, 0, 1, False)

  wait_scatter(1, 3)
  wait_gather(0, 0)
  wait_idx(1, nblk + 1)
  wait_idx(2, nblk + 2)


def _sc_wide_body(table, srcw, dstw, out, accum, zbuf, sidx, didx, rows,
                  i1, i2, gs):
  c = lax.axis_index("c")
  s = lax.axis_index("s")
  w0 = s * WPT
  r0 = s * RPT

  @pl.loop(0, RPT // 32)
  def _(r):
    @pl.loop(0, CW, step=16)
    def _(col):
      zbuf[r, pl.ds(col, 16)] = jnp.zeros((16,), jnp.float32)

  for job in range(4):
    jid = c * 4 + job

    @pl.loop(0, 32)
    def _(z):
      pltpu.sync_copy(zbuf, accum.at[pl.ds(r0 + z * (RPT // 32), RPT // 32)])
    plsc.subcore_barrier()

    _db_pass(table.at[jid], accum, srcw.at[c], dstw.at[c], w0,
             sidx, didx, rows, i1, i2, gs, 2)

    plsc.subcore_barrier()
    pltpu.sync_copy(accum.at[pl.ds(r0, RPT)], out.at[jid].at[pl.ds(r0, RPT)])
    plsc.subcore_barrier()


@jax.jit
def _sc_wide(table, srcw, dstw):
  kern = pl.kernel(
      _sc_wide_body,
      out_type=jax.ShapeDtypeStruct((8, NP, CW), jnp.float32),
      mesh=_vec_mesh(),
      compiler_params=pltpu.CompilerParams(use_tc_tiling_on_sc=False),
      scratch_types=[
          pltpu.VMEM_SHARED((NP, CW), jnp.float32),
          pltpu.VMEM((RPT // 32, CW), jnp.float32),
          pltpu.VMEM((4, 2, 128), jnp.int32),
          pltpu.VMEM((4, 2, 128), jnp.int32),
          pltpu.VMEM((2, 256, CW), jnp.float32),
          pltpu.SemaphoreType.DMA((4,)),
          pltpu.SemaphoreType.DMA((2,)),
          pltpu.SemaphoreType.DMA((2,)),
      ],
  )
  return kern(table, srcw, dstw)


def _sc_deg_body(alive, srcw, dstw, out, accum, zbuf, sidx, didx, vals,
                 i1, i2, gs):
  b = lax.axis_index("c")
  s = lax.axis_index("s")
  w0 = s * WPT
  r0 = s * RPT

  @pl.loop(0, RPT // 8)
  def _(r):
    zbuf[r, pl.ds(0, 16)] = jnp.zeros((16,), jnp.float32)

  for z in range(8):
    pltpu.sync_copy(zbuf, accum.at[pl.ds(r0 + z * (RPT // 8), RPT // 8)])
  plsc.subcore_barrier()

  _db_pass(alive.at[b], accum, srcw.at[b], dstw.at[b], w0,
           sidx, didx, vals, i1, i2, gs, 4)

  plsc.subcore_barrier()
  pltpu.sync_copy(accum.at[pl.ds(r0, RPT)], out.at[b].at[pl.ds(r0, RPT)])
  plsc.subcore_barrier()


@jax.jit
def _sc_deg(alive, srcw, dstw):
  kern = pl.kernel(
      _sc_deg_body,
      out_type=jax.ShapeDtypeStruct((2, NP, 16), jnp.float32),
      mesh=_vec_mesh(),
      compiler_params=pltpu.CompilerParams(use_tc_tiling_on_sc=False),
      scratch_types=[
          pltpu.VMEM_SHARED((NP, 16), jnp.float32),
          pltpu.VMEM((RPT // 8, 16), jnp.float32),
          pltpu.VMEM((4, 4, 128), jnp.int32),
          pltpu.VMEM((4, 4, 128), jnp.int32),
          pltpu.VMEM((2, 512, 16), jnp.float32),
          pltpu.SemaphoreType.DMA((4,)),
          pltpu.SemaphoreType.DMA((2,)),
          pltpu.SemaphoreType.DMA((2,)),
      ],
  )
  return kern(alive, srcw, dstw)


def _k1_body(xm_ref, coef_ref, deg_ref, w_ref, xw_ref, y_ref):
  xm = jnp.concatenate([xm_ref[0, i] for i in range(NCH)], axis=-1)
  coef = coef_ref[0]
  xw = jnp.dot((xm * coef).astype(jnp.bfloat16), w_ref[0].astype(jnp.bfloat16),
               preferred_element_type=jnp.float32)
  xw_ref[0] = xw
  scale = 1.0 / jnp.sqrt(deg_ref[0] + 1.0)
  y = xw * scale
  for i in range(NCH):
    y_ref[0, i] = y[:, i * CW:(i + 1) * CW]


def _k1(xm, coef, deg, W):
  return pl.pallas_call(
      _k1_body,
      grid=(2, NP // BN),
      in_specs=[
          pl.BlockSpec((1, NCH, BN, CW), lambda b, i: (b, 0, i, 0)),
          pl.BlockSpec((1, BN, 1), lambda b, i: (b, i, 0)),
          pl.BlockSpec((1, BN, 1), lambda b, i: (b, i, 0)),
          pl.BlockSpec((1, HID, HID), lambda b, i: (b, 0, 0)),
      ],
      out_specs=[
          pl.BlockSpec((1, BN, HID), lambda b, i: (b, i, 0)),
          pl.BlockSpec((1, NCH, BN, CW), lambda b, i: (b, 0, i, 0)),
      ],
      out_shape=[
          jax.ShapeDtypeStruct((2, NP, HID), jnp.float32),
          jax.ShapeDtypeStruct((2, NCH, NP, CW), jnp.float32),
      ],
  )(xm, coef, deg, W)


def _k3_body(msg_ref, xw_ref, deg_ref, alive_ref, b_ref, out_ref):
  scale = 1.0 / jnp.sqrt(deg_ref[0] + 1.0)
  alive = alive_ref[0]
  msg = jnp.concatenate([msg_ref[0, i] for i in range(NCH)], axis=-1)
  xw = xw_ref[0]
  out = jnp.maximum(msg * scale + xw * (scale * scale) + b_ref[0], 0.0) * alive
  for i in range(NCH):
    out_ref[0, i] = out[:, i * CW:(i + 1) * CW]


def _k3(msg, xw, deg, alive, b):
  return pl.pallas_call(
      _k3_body,
      grid=(2, NP // BN),
      in_specs=[
          pl.BlockSpec((1, NCH, BN, CW), lambda b_, i: (b_, 0, i, 0)),
          pl.BlockSpec((1, BN, HID), lambda b_, i: (b_, i, 0)),
          pl.BlockSpec((1, BN, 1), lambda b_, i: (b_, i, 0)),
          pl.BlockSpec((1, BN, 1), lambda b_, i: (b_, i, 0)),
          pl.BlockSpec((1, 1, HID), lambda b_, i: (b_, 0, 0)),
      ],
      out_specs=pl.BlockSpec((1, NCH, BN, CW), lambda b_, i: (b_, 0, i, 0)),
      out_shape=jax.ShapeDtypeStruct((2, NCH, NP, CW), jnp.float32),
  )(msg, xw, deg, alive, b)


def _k4_body(agg_ref, xm_ref, relw_ref, rootw_ref, relb_ref, alive_ref,
             out_ref, tanh_ref):
  b = pl.program_id(0)
  def b16(v):
    return v.astype(jnp.bfloat16).astype(jnp.float32)

  srow = jnp.zeros((BN, 1), jnp.float32)
  for i in range(NCH):
    srow += jnp.sum(b16(agg_ref[0, i]) * b16(relw_ref[0, :, i * CW:(i + 1) * CW]),
                    axis=-1, keepdims=True)
    srow += jnp.sum(b16(xm_ref[0, i]) * b16(rootw_ref[0, :, i * CW:(i + 1) * CW]),
                    axis=-1, keepdims=True)
  pre = srow + relb_ref[b]
  alive = alive_ref[0]
  out_ref[0] = jnp.where(alive > 0.0, pre, -1e30)
  tanh_ref[0] = jnp.tanh(pre)


def _k4(agg, xm, relw, rootw, relb, alive):
  return pl.pallas_call(
      _k4_body,
      grid=(2, NP // BN),
      in_specs=[
          pl.BlockSpec((1, NCH, BN, CW), lambda b, i: (b, 0, i, 0)),
          pl.BlockSpec((1, NCH, BN, CW), lambda b, i: (b, 0, i, 0)),
          pl.BlockSpec((1, 1, HID), lambda b, i: (b, 0, 0)),
          pl.BlockSpec((1, 1, HID), lambda b, i: (b, 0, 0)),
          pl.BlockSpec(memory_space=pltpu.SMEM),
          pl.BlockSpec((1, BN, 1), lambda b, i: (b, i, 0)),
      ],
      out_specs=[
          pl.BlockSpec((1, BN, 1), lambda b, i: (b, i, 0)),
          pl.BlockSpec((1, BN, 1), lambda b, i: (b, i, 0)),
      ],
      out_shape=[
          jax.ShapeDtypeStruct((2, NP, 1), jnp.float32),
          jax.ShapeDtypeStruct((2, NP, 1), jnp.float32),
      ],
  )(agg, xm, relw, rootw, relb, alive)


def _k5_body(k_arr, msc_ref, tanh_ref, coef_ref, alive_ref):
  idx = (lax.broadcasted_iota(jnp.int32, (NR, 128), 0) * 128
         + lax.broadcasted_iota(jnp.int32, (NR, 128), 1))
  for b in range(2):
    k = k_arr[b]
    score = msc_ref[b]
    u = lax.bitcast_convert_type(score, jnp.int32)
    key = jnp.where(u >= 0, u, u ^ jnp.int32(0x7FFFFFFF))

    def cnt_ge(t):
      return jnp.sum((key >= t).astype(jnp.int32))

    t0 = jnp.where(cnt_ge(jnp.int32(0)) >= k, jnp.int32(0),
                   jnp.int32(-2147483648))

    def bit_step(i, t):
      t_try = jnp.bitwise_or(t, jnp.left_shift(jnp.int32(1), 30 - i))
      return jnp.where(cnt_ge(t_try) >= k, t_try, t)

    tau = lax.fori_loop(0, 31, bit_step, t0)
    n_gt = jnp.sum((key > tau).astype(jnp.int32))
    r = k - n_gt

    def tie_step(_, lohi):
      lo, hi = lohi
      mid = (lo + hi) // 2
      c = jnp.sum(((key == tau) & (idx < mid)).astype(jnp.int32))
      good = c >= r
      return jnp.where(good, lo, mid + 1), jnp.where(good, mid, hi)

    _, cut = lax.fori_loop(0, 17, tie_step, (jnp.int32(0), jnp.int32(NP)))
    sel = ((key > tau) | ((key == tau) & (idx < cut))).astype(jnp.float32)
    coef_ref[b] = tanh_ref[b] * sel
    alive_ref[b] = sel


def _k5(ks, msc, tanhv):
  return pl.pallas_call(
      _k5_body,
      in_specs=[
          pl.BlockSpec(memory_space=pltpu.SMEM),
          pl.BlockSpec((2, NR, 128), lambda: (0, 0, 0)),
          pl.BlockSpec((2, NR, 128), lambda: (0, 0, 0)),
      ],
      out_specs=[
          pl.BlockSpec((2, NR, 128), lambda: (0, 0, 0)),
          pl.BlockSpec((2, NR, 128), lambda: (0, 0, 0)),
      ],
      out_shape=[
          jax.ShapeDtypeStruct((2, NR, 128), jnp.float32),
          jax.ShapeDtypeStruct((2, NR, 128), jnp.float32),
      ],
  )(ks, msc, tanhv)


def _k6_body(kinv_ref, xm_ref, coef_ref, g_ref):
  b = pl.program_id(0)
  i = pl.program_id(1)
  coef = coef_ref[0]
  parts = [jnp.sum(xm_ref[0, c] * coef, axis=0, keepdims=True)
           for c in range(NCH)]
  res = jnp.broadcast_to(jnp.concatenate(parts, axis=-1) * kinv_ref[b],
                         (8, HID))

  @pl.when(i == 0)
  def _():
    g_ref[0] = res

  @pl.when(i > 0)
  def _():
    g_ref[0] += res


def _k6(kinv, xm, coef):
  return pl.pallas_call(
      _k6_body,
      grid=(2, NP // BN),
      in_specs=[
          pl.BlockSpec(memory_space=pltpu.SMEM),
          pl.BlockSpec((1, NCH, BN, CW), lambda b, i: (b, 0, i, 0)),
          pl.BlockSpec((1, BN, 1), lambda b, i: (b, i, 0)),
      ],
      out_specs=pl.BlockSpec((1, 8, HID), lambda b, i: (b, 0, 0)),
      out_shape=jax.ShapeDtypeStruct((2, 8, HID), jnp.float32),
  )(kinv, xm, coef)


def _ln_relu(x, g, b):
  mu = jnp.mean(x, axis=-1, keepdims=True)
  var = jnp.mean((x - mu) ** 2, axis=-1, keepdims=True)
  return jnp.maximum((x - mu) / jnp.sqrt(var + 1e-5) * g + b, 0.0)


def _dot16(a, b):
  return jnp.dot(a.astype(jnp.bfloat16), b.astype(jnp.bfloat16),
                 preferred_element_type=jnp.float32)


def _apply_fc(x, flat):
  ws, lns = flat[:8], flat[8:14]
  for i in range(3):
    x = _dot16(x, ws[2 * i][...]) + ws[2 * i + 1][...]
    x = _ln_relu(x, lns[2 * i][...], lns[2 * i + 1][...])
  return _dot16(x, ws[6][...]) + ws[7][...]


def _k7_body(*refs):
  g_ref = refs[0]
  out_ref = refs[-1]
  flat = refs[1:-1]
  o1 = _apply_fc(g_ref[0:1, :], flat[0:14])
  o2 = _apply_fc(g_ref[1:2, :], flat[14:28])
  out_ref[...] = _apply_fc(jnp.concatenate([o1, o2], axis=-1), flat[28:42])


def _zmap(nd):
  return lambda *a: (0,) * nd


def _k7(g, fc_gp, fc_sp, fc_fin):
  operands = [g]
  for fc in (fc_gp, fc_sp, fc_fin):
    for (W, b) in fc['lin']:
      operands += [W, b.reshape(1, -1)]
    for (ga, be) in fc['ln']:
      operands += [ga.reshape(1, -1), be.reshape(1, -1)]
  return pl.pallas_call(
      _k7_body,
      in_specs=[pl.BlockSpec(o.shape, _zmap(o.ndim)) for o in operands],
      out_specs=pl.BlockSpec((1, HID), lambda: (0, 0)),
      out_shape=jax.ShapeDtypeStruct((1, HID), jnp.float32),
  )(*operands)


def kernel(gp_x, gp_edge_index, sp_x, sp_edge_index, params):
  f32 = jnp.float32
  ratios = [0.8 * (0.8 ** i) for i in range(4)]

  loops = jnp.arange(N_NODES, dtype=jnp.int32)
  pad = (jnp.arange(EWP * 128 - E_TOT, dtype=jnp.int32)
         % (NP - N_NODES)) + N_NODES

  def edges(ei):
    src = jnp.concatenate([ei[0].astype(jnp.int32), loops, pad])
    dst = jnp.concatenate([ei[1].astype(jnp.int32), loops, pad])
    return src.reshape(EWP, 128), dst.reshape(EWP, 128)

  gs, gd = edges(gp_edge_index)
  ss, sd = edges(sp_edge_index)
  srcw = jnp.stack([gs, ss])
  dstw = jnp.stack([gd, sd])

  def chunk(x):
    xp = jnp.zeros((NP, HID), f32).at[:N_NODES, :x.shape[1]].set(x)
    return xp.reshape(NP, NCH, CW).transpose(1, 0, 2)

  xm = jnp.stack([chunk(gp_x), chunk(sp_x)])
  alive0 = jnp.zeros((2, NP, 1), f32).at[:, :N_NODES].set(1.0)
  coef = alive0
  alive_nv = alive0

  n_live = N_NODES
  for i in range(4):
    Wg, bg = params['gp']['convs'][i]
    Ws, bs = params['sp']['convs'][i]
    W = jnp.stack([jnp.zeros((HID, HID), f32).at[:Wg.shape[0]].set(Wg),
                   jnp.zeros((HID, HID), f32).at[:Ws.shape[0]].set(Ws)])
    b = jnp.stack([bg, bs]).reshape(2, 1, HID)

    alive16 = jnp.pad(alive_nv, ((0, 0), (0, 0), (0, 15)))
    deg = _sc_deg(alive16, srcw, dstw)[:, :, 0:1]
    xw, y = _k1(xm, coef, deg, W)
    msg = _sc_wide(y.reshape(8, NP, CW), srcw, dstw).reshape(2, NCH, NP, CW)
    xm = _k3(msg, xw, deg, alive_nv, b)
    agg = _sc_wide(xm.reshape(8, NP, CW), srcw, dstw).reshape(2, NCH, NP, CW)

    pg = params['gp']['pools'][i]
    ps = params['sp']['pools'][i]
    relw = jnp.stack([pg[0].reshape(-1), ps[0].reshape(-1)]).reshape(2, 1, HID)
    rootw = jnp.stack([pg[2].reshape(-1),
                       ps[2].reshape(-1)]).reshape(2, 1, HID)
    relb = jnp.stack([pg[1].reshape(()), ps[1].reshape(())])

    msc, tanhv = _k4(agg, xm, relw, rootw, relb, alive_nv)
    k = int(math.ceil(ratios[i] * n_live))
    n_live = k
    ks = jnp.array([k, k], jnp.int32)
    coef, alive_nv = _k5(ks, msc.reshape(2, NR, 128),
                         tanhv.reshape(2, NR, 128))
    coef = coef.reshape(2, NP, 1)
    alive_nv = alive_nv.reshape(2, NP, 1)

  kinv = jnp.array([1.0 / n_live, 1.0 / n_live], f32)
  g = _k6(kinv, xm, coef)[:, 0, :]
  out = _k7(g, params['gp']['fc'], params['sp']['fc'], params['fc'])
  return out.reshape(HID)

# --- scband reference (transcript-rebuilt; emitter-appended) ---
"""Pipeline reference for scband-net-38749194944886 (READ-ONLY COPY).

The authoritative reference and input builder live on the scoring server;
editing this copy changes nothing except your own understanding.
"""

import jax, jax.numpy as jnp
import numpy as np
import math

HID = 128
IN_DIM = 45
NUM_LAYERS = 4
D_OUT = 128
RATIOS = [0.8 * (0.8 ** i) for i in range(NUM_LAYERS)]
N_NODES = 50000
N_EDGES = 800000


def _fc_params(key, d_in, d_out, nlayers=4):
    dims = [int(v) for v in np.linspace(d_in, d_out, nlayers + 1)]
    lins = []
    lns = []
    for i in range(nlayers - 1):
        key, k1 = jax.random.split(key)
        lins.append((jax.random.normal(k1, (dims[i], dims[i + 1]), jnp.float32) / np.sqrt(dims[i]), jnp.zeros((dims[i + 1],), jnp.float32)))
        lns.append((jnp.ones((dims[i + 1],), jnp.float32), jnp.zeros((dims[i + 1],), jnp.float32)))
    key, k1 = jax.random.split(key)
    lins.append((jax.random.normal(k1, (dims[-2], dims[-1]), jnp.float32) / np.sqrt(dims[-2]), jnp.zeros((dims[-1],), jnp.float32)))
    return {'lin': lins, 'ln': lns}


def _branch_params(key):
    convs = []
    pools = []
    for i in range(NUM_LAYERS):
        cin = IN_DIM if i == 0 else HID
        key, k1, k2, k3 = jax.random.split(key, 4)
        convs.append((jax.random.normal(k1, (cin, HID), jnp.float32) / np.sqrt(cin), jnp.zeros((HID,), jnp.float32)))
        pools.append((jax.random.normal(k2, (HID, 1), jnp.float32) / np.sqrt(HID), jnp.zeros((1,), jnp.float32), jax.random.normal(k3, (HID, 1), jnp.float32) / np.sqrt(HID)))
    key, k1 = jax.random.split(key)
    return {'convs': convs, 'pools': pools, 'fc': _fc_params(k1, HID, HID)}


def setup_inputs(seed: int = 0):
    key = jax.random.key(seed)
    ks = jax.random.split(key, 8)
    gp_x = jax.random.normal(ks[0], (N_NODES, IN_DIM), jnp.float32)
    sp_x = jax.random.normal(ks[1], (N_NODES, IN_DIM), jnp.float32)
    gp_edge_index = jax.random.randint(ks[2], (2, N_EDGES), 0, N_NODES)
    sp_edge_index = jax.random.randint(ks[3], (2, N_EDGES), 0, N_NODES)
    params = {'gp': _branch_params(ks[4]), 'sp': _branch_params(ks[5]), 'fc': _fc_params(ks[6], 2 * HID, D_OUT)}
    return {'gp_x': gp_x, 'gp_edge_index': gp_edge_index, 'sp_x': sp_x, 'sp_edge_index': sp_edge_index, 'params': params}


def _gcn_conv(x, src, dst, ew, W, b):
    # GCNConv: internally adds self loops (gcn_norm) and sym-normalizes; edge weight ew in {0,1}
    # marks edges removed by earlier SAGPooling steps (kept at fixed size for static shapes).
    N = x.shape[0]
    loops = jnp.arange(N, dtype=src.dtype)
    s = jnp.concatenate([src, loops])
    d = jnp.concatenate([dst, loops])
    w = jnp.concatenate([ew, jnp.ones((N,), jnp.float32)])
    deg = jnp.zeros((N,), jnp.float32).at[d].add(w)
    dinv = jnp.where(deg > 0, 1.0 / jnp.sqrt(deg), 0.0)
    norm = dinv[s] * w * dinv[d]
    xw = x @ W
    return jnp.zeros((N, W.shape[1]), jnp.float32).at[d].add(xw[s] * norm[:, None]) + b


def _sag_pool(x, src, dst, ew, ratio, pw):
    # SAGPooling with default GraphConv scorer (sum aggregation) and tanh nonlinearity.
    rel_w, rel_b, root_w = pw
    N = x.shape[0]
    agg = jnp.zeros_like(x).at[dst].add(x[src] * ew[:, None])
    score = jnp.tanh((agg @ rel_w + rel_b + x @ root_w).reshape(-1))
    k = int(math.ceil(ratio * N))
    vals, perm = jax.lax.top_k(score, k)
    x_new = x[perm] * vals[:, None]
    mask = jnp.zeros((N,), bool).at[perm].set(True)
    newidx = jnp.zeros((N,), src.dtype).at[perm].set(jnp.arange(k, dtype=src.dtype))
    w_new = ew * mask[src] * mask[dst]
    return x_new, newidx[src], newidx[dst], w_new


def _layer_norm(x, g, b):
    mu = jnp.mean(x, axis=-1, keepdims=True)
    var = jnp.var(x, axis=-1, keepdims=True)
    return (x - mu) / jnp.sqrt(var + 1e-5) * g + b


def _fc_apply(x, p):
    n = len(p['lin'])
    for i in range(n - 1):
        W, b = p['lin'][i]
        x = x @ W + b
        g, be = p['ln'][i]
        x = jax.nn.relu(_layer_norm(x, g, be))
    W, b = p['lin'][-1]
    return x @ W + b


def _conv_gnn(x, edge_index, p):
    # external add_self_loops (applied once, before the layer loop, as in the torch code)
    N = x.shape[0]
    loops = jnp.arange(N, dtype=edge_index.dtype)
    src = jnp.concatenate([edge_index[0], loops])
    dst = jnp.concatenate([edge_index[1], loops])
    ew = jnp.ones((src.shape[0],), jnp.float32)
    for i in range(NUM_LAYERS):
        W, b = p['convs'][i]
        x = jax.nn.relu(_gcn_conv(x, src, dst, ew, W, b))
        x, src, dst, ew = _sag_pool(x, src, dst, ew, RATIOS[i], p['pools'][i])
    g = jnp.mean(x, axis=0)  # global_mean_pool, single graph (batch all zeros)
    return _fc_apply(g, p['fc'])


def reference(gp_x, gp_edge_index, sp_x, sp_edge_index, params):
    out1 = _conv_gnn(gp_x, gp_edge_index, params['gp'])
    out2 = _conv_gnn(sp_x, sp_edge_index, params['sp'])
    cat = jnp.concatenate([out1.reshape(-1), out2.reshape(-1)])
    return _fc_apply(cat, params['fc'])

if __name__ == "__main__":
    import jax
    _d = setup_inputs()
    print(jax.jit(kernel)(*tuple(_d.values())))

</pallas_src>

<mosaic_0001>
#map = affine_map<(d0, d1) -> (0, 0, 0)>
module attributes {stable_mosaic.version = 14 : i64} {
  func.func @_sc_deg_body(%arg0: i32, %arg1: i32, %arg2: memref<2x51200x16xf32, #tpu.memory_space<hbm>>, %arg3: memref<2x6668x128xi32, #tpu.memory_space<hbm>>, %arg4: memref<2x6668x128xi32, #tpu.memory_space<hbm>>, %arg5: memref<2x51200x16xf32, #tpu.memory_space<hbm>>, %arg6: memref<51200x16xf32, #tpu.memory_space<vmem_shared>>, %arg7: memref<400x16xf32, #tpu.memory_space<vmem>>, %arg8: memref<4x4x128xi32, #tpu.memory_space<vmem>>, %arg9: memref<4x4x128xi32, #tpu.memory_space<vmem>>, %arg10: memref<2x512x16xf32, #tpu.memory_space<vmem>>, %arg11: memref<4x!tpu.dma_semaphore, #tpu.memory_space<semaphore_mem>>, %arg12: memref<2x!tpu.dma_semaphore, #tpu.memory_space<semaphore_mem>>, %arg13: memref<2x!tpu.dma_semaphore, #tpu.memory_space<semaphore_mem>>) attributes {dimension_semantics = [#tpu.dimension_semantics<core_parallel>, #tpu.dimension_semantics<subcore_parallel>], iteration_bounds = array<i64: 2, 16>, scalar_prefetch = 0 : i64, scratch_operands = 8 : i64, tpu.core_type = #tpu.core_type<sc_vector_subcore>, window_params = [{transform_indices = #map}, {transform_indices = #map}, {transform_indices = #map}, {transform_indices = #map}]} {
    %mul3A = arith.constant 416 : i32
    %mul3A_0 = arith.muli %arg1, %mul3A : i32
    %mul3A_1 = arith.constant 3200 : i32
    %mul3A_2 = arith.muli %arg1, %mul3A_1 : i32
    %scan3A = arith.constant 0 : i32
    %scan3A_3 = arith.constant 400 : i32
    %scan3A_4 = arith.addi %scan3A, %scan3A_3 : i32
    %scan3A_5 = arith.constant 1 : i32
    scf.for %scan3A_635 = %scan3A to %scan3A_4 step %scan3A_5  : i32 {
      %mul3A_636 = arith.constant 1 : i32
      %mul3A_637 = arith.muli %scan3A_635, %mul3A_636 : i32
      %add3A_638 = arith.constant 0 : i32
      %add3A_639 = arith.addi %add3A_638, %mul3A_637 : i32
      %broadcast_in_dim3A = arith.constant 0.000000e+00 : f32
      %broadcast_in_dim3A_640 = vector.broadcast %broadcast_in_dim3A : f32 to vector<16xf32>
      %swap3A = arith.index_cast %add3A_639 : i32 to index
      %swap3A_641 = arith.constant 0 : index
      %swap3A_642 = tpu.vector_load %arg7[%swap3A, %swap3A_641] {strides = array<i32>} : memref<400x16xf32, #tpu.memory_space<vmem>>, vector<1x16xf32>,
      %swap3A_643 = vector.shape_cast %swap3A_642 : vector<1x16xf32> to vector<16xf32>
      %swap3A_644 = vector.shape_cast %broadcast_in_dim3A_640 : vector<16xf32> to vector<1x16xf32>
      tpu.vector_store %arg7[%swap3A, %swap3A_641], %swap3A_644 {strides = array<i32>} : memref<400x16xf32, #tpu.memory_space<vmem>>, vector<1x16xf32>,
    }
    %scan3A_6 = arith.constant 400 : i32
    %add3A = arith.constant 0 : i32
    %add3A_7 = arith.addi %mul3A_2, %add3A : i32
    "tpu.region"() ({
      %run_scoped3A = tpu.sem_alloc : memref<!tpu.dma_semaphore, #tpu.memory_space<semaphore_mem>>
      %dma_start3A_635 = arith.constant 0 : i32
      %dma_start3A_636 = tpu.memref_slice %arg6[%add3A_7, %dma_start3A_635] : memref<51200x16xf32, #tpu.memory_space<vmem_shared>> -> memref<400x16xf32, #tpu.memory_space<vmem_shared>>
      %dma_start3A_637 = arith.constant 0 : i32
      %dma_start3A_638 = tpu.memref_slice %arg6[%add3A_7, %dma_start3A_637] : memref<51200x16xf32, #tpu.memory_space<vmem_shared>> -> memref<400x16xf32, #tpu.memory_space<vmem_shared>>
      tpu.enqueue_dma source(%arg7 : memref<400x16xf32, #tpu.memory_space<vmem>>) target(%dma_start3A_638 : memref<400x16xf32, #tpu.memory_space<vmem_shared>>) target_semaphore(%run_scoped3A : memref<!tpu.dma_semaphore, #tpu.memory_space<semaphore_mem>>)
      %dma_wait3A_639 = arith.constant 0 : i32
      %dma_wait3A_640 = tpu.memref_slice %arg6[%add3A_7, %dma_wait3A_639] : memref<51200x16xf32, #tpu.memory_space<vmem_shared>> -> memref<400x16xf32, #tpu.memory_space<vmem_shared>>
      %dma_wait3A_641 = arith.constant 0 : i32
      %dma_wait3A_642 = tpu.memref_slice %arg6[%add3A_7, %dma_wait3A_641] : memref<51200x16xf32, #tpu.memory_space<vmem_shared>> -> memref<400x16xf32, #tpu.memory_space<vmem_shared>>
      tpu.wait_dma2 semaphore(%run_scoped3A : memref<!tpu.dma_semaphore, #tpu.memory_space<semaphore_mem>>) src(%arg7 : memref<400x16xf32, #tpu.memory_space<vmem>>) dst(%dma_wait3A_642 : memref<400x16xf32, #tpu.memory_space<vmem_shared>>)
      tpu.yield
    }) : () -> ()
    %add3A_8 = arith.constant 400 : i32
    %add3A_9 = arith.addi %mul3A_2, %add3A_8 : i32
    "tpu.region"() ({
      %run_scoped3A = tpu.sem_alloc : memref<!tpu.dma_semaphore, #tpu.memory_space<semaphore_mem>>
      %dma_start3A_635 = arith.constant 0 : i32
      %dma_start3A_636 = tpu.memref_slice %arg6[%add3A_9, %dma_start3A_635] : memref<51200x16xf32, #tpu.memory_space<vmem_shared>> -> memref<400x16xf32, #tpu.memory_space<vmem_shared>>
      %dma_start3A_637 = arith.constant 0 : i32
      %dma_start3A_638 = tpu.memref_slice %arg6[%add3A_9, %dma_start3A_637] : memref<51200x16xf32, #tpu.memory_space<vmem_shared>> -> memref<400x16xf32, #tpu.memory_space<vmem_shared>>
      tpu.enqueue_dma source(%arg7 : memref<400x16xf32, #tpu.memory_space<vmem>>) target(%dma_start3A_638 : memref<400x16xf32, #tpu.memory_space<vmem_shared>>) target_semaphore(%run_scoped3A : memref<!tpu.dma_semaphore, #tpu.memory_space<semaphore_mem>>)
      %dma_wait3A_639 = arith.constant 0 : i32
      %dma_wait3A_640 = tpu.memref_slice %arg6[%add3A_9, %dma_wait3A_639] : memref<51200x16xf32, #tpu.memory_space<vmem_shared>> -> memref<400x16xf32, #tpu.memory_space<vmem_shared>>
      %dma_wait3A_641 = arith.constant 0 : i32
      %dma_wait3A_642 = tpu.memref_slice %arg6[%add3A_9, %dma_wait3A_641] : memref<51200x16xf32, #tpu.memory_space<vmem_shared>> -> memref<400x16xf32, #tpu.memory_space<vmem_shared>>
      tpu.wait_dma2 semaphore(%run_scoped3A : memref<!tpu.dma_semaphore, #tpu.memory_space<semaphore_mem>>) src(%arg7 : memref<400x16xf32, #tpu.memory_space<vmem>>) dst(%dma_wait3A_642 : memref<400x16xf32, #tpu.memory_space<vmem_shared>>)
      tpu.yield
    }) : () -> ()
    %add3A_10 = arith.constant 800 : i32
    %add3A_11 = arith.addi %mul3A_2, %add3A_10 : i32
    "tpu.region"() ({
      %run_scoped3A = tpu.sem_alloc : memref<!tpu.dma_semaphore, #tpu.memory_space<semaphore_mem>>
      %dma_start3A_635 = arith.constant 0 : i32
      %dma_start3A_636 = tpu.memref_slice %arg6[%add3A_11, %dma_start3A_635] : memref<51200x16xf32, #tpu.memory_space<vmem_shared>> -> memref<400x16xf32, #tpu.memory_space<vmem_shared>>
      %dma_start3A_637 = arith.constant 0 : i32
      %dma_start3A_638 = tpu.memref_slice %arg6[%add3A_11, %dma_start3A_637] : memref<51200x16xf32, #tpu.memory_space<vmem_shared>> -> memref<400x16xf32, #tpu.memory_space<vmem_shared>>
      tpu.enqueue_dma source(%arg7 : memref<400x16xf32, #tpu.memory_space<vmem>>) target(%dma_start3A_638 : memref<400x16xf32, #tpu.memory_space<vmem_shared>>) target_semaphore(%run_scoped3A : memref<!tpu.dma_semaphore, #tpu.memory_space<semaphore_mem>>)
      %dma_wait3A_639 = arith.constant 0 : i32
      %dma_wait3A_640 = tpu.memref_slice %arg6[%add3A_11, %dma_wait3A_639] : memref<51200x16xf32, #tpu.memory_space<vmem_shared>> -> memref<400x16xf32, #tpu.memory_space<vmem_shared>>
      %dma_wait3A_641 = arith.constant 0 : i32
      %dma_wait3A_642 = tpu.memref_slice %arg6[%add3A_11, %dma_wait3A_641] : memref<51200x16xf32, #tpu.memory_space<vmem_shared>> -> memref<400x16xf32, #tpu.memory_space<vmem_shared>>
      tpu.wait_dma2 semaphore(%run_scoped3A : memref<!tpu.dma_semaphore, #tpu.memory_space<semaphore_mem>>) src(%arg7 : memref<400x16xf32, #tpu.memory_space<vmem>>) dst(%dma_wait3A_642 : memref<400x16xf32, #tpu.memory_space<vmem_shared>>)
      tpu.yield
    }) : () -> ()
    %add3A_12 = arith.constant 1200 : i32
    %add3A_13 = arith.addi %mul3A_2, %add3A_12 : i32
    "tpu.region"() ({
      %run_scoped3A = tpu.sem_alloc : memref<!tpu.dma_semaphore, #tpu.memory_space<semaphore_mem>>
      %dma_start3A_635 = arith.constant 0 : i32
      %dma_start3A_636 = tpu.memref_slice %arg6[%add3A_13, %dma_start3A_635] : memref<51200x16xf32, #tpu.memory_space<vmem_shared>> -> memref<400x16xf32, #tpu.memory_space<vmem_shared>>
      %dma_start3A_637 = arith.constant 0 : i32
      %dma_start3A_638 = tpu.memref_slice %arg6[%add3A_13, %dma_start3A_637] : memref<51200x16xf32, #tpu.memory_space<vmem_shared>> -> memref<400x16xf32, #tpu.memory_space<vmem_shared>>
      tpu.enqueue_dma source(%arg7 : memref<400x16xf32, #tpu.memory_space<vmem>>) target(%dma_start3A_638 : memref<400x16xf32, #tpu.memory_space<vmem_shared>>) target_semaphore(%run_scoped3A : memref<!tpu.dma_semaphore, #tpu.memory_space<semaphore_mem>>)
      %dma_wait3A_639 = arith.constant 0 : i32
      %dma_wait3A_640 = tpu.memref_slice %arg6[%add3A_13, %dma_wait3A_639] : memref<51200x16xf32, #tpu.memory_space<vmem_shared>> -> memref<400x16xf32, #tpu.memory_space<vmem_shared>>
      %dma_wait3A_641 = arith.constant 0 : i32
      %dma_wait3A_642 = tpu.memref_slice %arg6[%add3A_13, %dma_wait3A_641] : memref<51200x16xf32, #tpu.memory_space<vmem_shared>> -> memref<400x16xf32, #tpu.memory_space<vmem_shared>>
      tpu.wait_dma2 semaphore(%run_scoped3A : memref<!tpu.dma_semaphore, #tpu.memory_space<semaphore_mem>>) src(%arg7 : memref<400x16xf32, #tpu.memory_space<vmem>>) dst(%dma_wait3A_642 : memref<400x16xf32, #tpu.memory_space<vmem_shared>>)
      tpu.yield
    }) : () -> ()
    %add3A_14 = arith.constant 1600 : i32
    %add3A_15 = arith.addi %mul3A_2, %add3A_14 : i32
    "tpu.region"() ({
      %run_scoped3A = tpu.sem_alloc : memref<!tpu.dma_semaphore, #tpu.memory_space<semaphore_mem>>
      %dma_start3A_635 = arith.constant 0 : i32
      %dma_start3A_636 = tpu.memref_slice %arg6[%add3A_15, %dma_start3A_635] : memref<51200x16xf32, #tpu.memory_space<vmem_shared>> -> memref<400x16xf32, #tpu.memory_space<vmem_shared>>
      %dma_start3A_637 = arith.constant 0 : i32
      %dma_start3A_638 = tpu.memref_slice %arg6[%add3A_15, %dma_start3A_637] : memref<51200x16xf32, #tpu.memory_space<vmem_shared>> -> memref<400x16xf32, #tpu.memory_space<vmem_shared>>
      tpu.enqueue_dma source(%arg7 : memref<400x16xf32, #tpu.memory_space<vmem>>) target(%dma_start3A_638 : memref<400x16xf32, #tpu.memory_space<vmem_shared>>) target_semaphore(%run_scoped3A : memref<!tpu.dma_semaphore, #tpu.memory_space<semaphore_mem>>)
      %dma_wait3A_639 = arith.constant 0 : i32
      %dma_wait3A_640 = tpu.memref_slice %arg6[%add3A_15, %dma_wait3A_639] : memref<51200x16xf32, #tpu.memory_space<vmem_shared>> -> memref<400x16xf32, #tpu.memory_space<vmem_shared>>
      %dma_wait3A_641 = arith.constant 0 : i32
      %dma_wait3A_642 = tpu.memref_slice %arg6[%add3A_15, %dma_wait3A_641] : memref<51200x16xf32, #tpu.memory_space<vmem_shared>> -> memref<400x16xf32, #tpu.memory_space<vmem_shared>>
      tpu.wait_dma2 semaphore(%run_scoped3A : memref<!tpu.dma_semaphore, #tpu.memory_space<semaphore_mem>>) src(%arg7 : memref<400x16xf32, #tpu.memory_space<vmem>>) dst(%dma_wait3A_642 : memref<400x16xf32, #tpu.memory_space<vmem_shared>>)
      tpu.yield
    }) : () -> ()
    %add3A_16 = arith.constant 2000 : i32
    %add3A_17 = arith.addi %mul3A_2, %add3A_16 : i32
    "tpu.region"() ({
      %run_scoped3A = tpu.sem_alloc : memref<!tpu.dma_semaphore, #tpu.memory_space<semaphore_mem>>
      %dma_start3A_635 = arith.constant 0 : i32
      %dma_start3A_636 = tpu.memref_slice %arg6[%add3A_17, %dma_start3A_635] : memref<51200x16xf32, #tpu.memory_space<vmem_shared>> -> memref<400x16xf32, #tpu.memory_space<vmem_shared>>
      %dma_start3A_637 = arith.constant 0 : i32
      %dma_start3A_638 = tpu.memref_slice %arg6[%add3A_17, %dma_start3A_637] : memref<51200x16xf32, #tpu.memory_space<vmem_shared>> -> memref<400x16xf32, #tpu.memory_space<vmem_shared>>
      tpu.enqueue_dma source(%arg7 : memref<400x16xf32, #tpu.memory_space<vmem>>) target(%dma_start3A_638 : memref<400x16xf32, #tpu.memory_space<vmem_shared>>) target_semaphore(%run_scoped3A : memref<!tpu.dma_semaphore, #tpu.memory_space<semaphore_mem>>)
      %dma_wait3A_639 = arith.constant 0 : i32
      %dma_wait3A_640 = tpu.memref_slice %arg6[%add3A_17, %dma_wait3A_639] : memref<51200x16xf32, #tpu.memory_space<vmem_shared>> -> memref<400x16xf32, #tpu.memory_space<vmem_shared>>
      %dma_wait3A_641 = arith.constant 0 : i32
      %dma_wait3A_642 = tpu.memref_slice %arg6[%add3A_17, %dma_wait3A_641] : memref<51200x16xf32, #tpu.memory_space<vmem_shared>> -> memref<400x16xf32, #tpu.memory_space<vmem_shared>>
      tpu.wait_dma2 semaphore(%run_scoped3A : memref<!tpu.dma_semaphore, #tpu.memory_space<semaphore_mem>>) src(%arg7 : memref<400x16xf32, #tpu.memory_space<vmem>>) dst(%dma_wait3A_642 : memref<400x16xf32, #tpu.memory_space<vmem_shared>>)
      tpu.yield
    }) : () -> ()
    %add3A_18 = arith.constant 2400 : i32
    %add3A_19 = arith.addi %mul3A_2, %add3A_18 : i32
    "tpu.region"() ({
      %run_scoped3A = tpu.sem_alloc : memref<!tpu.dma_semaphore, #tpu.memory_space<semaphore_mem>>
      %dma_start3A_635 = arith.constant 0 : i32
      %dma_start3A_636 = tpu.memref_slice %arg6[%add3A_19, %dma_start3A_635] : memref<51200x16xf32, #tpu.memory_space<vmem_shared>> -> memref<400x16xf32, #tpu.memory_space<vmem_shared>>
      %dma_start3A_637 = arith.constant 0 : i32
      %dma_start3A_638 = tpu.memref_slice %arg6[%add3A_19, %dma_start3A_637] : memref<51200x16xf32, #tpu.memory_space<vmem_shared>> -> memref<400x16xf32, #tpu.memory_space<vmem_shared>>
      tpu.enqueue_dma source(%arg7 : memref<400x16xf32, #tpu.memory_space<vmem>>) target(%dma_start3A_638 : memref<400x16xf32, #tpu.memory_space<vmem_shared>>) target_semaphore(%run_scoped3A : memref<!tpu.dma_semaphore, #tpu.memory_space<semaphore_mem>>)
      %dma_wait3A_639 = arith.constant 0 : i32
      %dma_wait3A_640 = tpu.memref_slice %arg6[%add3A_19, %dma_wait3A_639] : memref<51200x16xf32, #tpu.memory_space<vmem_shared>> -> memref<400x16xf32, #tpu.memory_space<vmem_shared>>
      %dma_wait3A_641 = arith.constant 0 : i32
      %dma_wait3A_642 = tpu.memref_slice %arg6[%add3A_19, %dma_wait3A_641] : memref<51200x16xf32, #tpu.memory_space<vmem_shared>> -> memref<400x16xf32, #tpu.memory_space<vmem_shared>>
      tpu.wait_dma2 semaphore(%run_scoped3A : memref<!tpu.dma_semaphore, #tpu.memory_space<semaphore_mem>>) src(%arg7 : memref<400x16xf32, #tpu.memory_space<vmem>>) dst(%dma_wait3A_642 : memref<400x16xf32, #tpu.memory_space<vmem_shared>>)
      tpu.yield
    }) : () -> ()
    %add3A_20 = arith.constant 2800 : i32
    %add3A_21 = arith.addi %mul3A_2, %add3A_20 : i32
    "tpu.region"() ({
      %run_scoped3A = tpu.sem_alloc : memref<!tpu.dma_semaphore, #tpu.memory_space<semaphore_mem>>
      %dma_start3A_635 = arith.constant 0 : i32
      %dma_start3A_636 = tpu.memref_slice %arg6[%add3A_21, %dma_start3A_635] : memref<51200x16xf32, #tpu.memory_space<vmem_shared>> -> memref<400x16xf32, #tpu.memory_space<vmem_shared>>
      %dma_start3A_637 = arith.constant 0 : i32
      %dma_start3A_638 = tpu.memref_slice %arg6[%add3A_21, %dma_start3A_637] : memref<51200x16xf32, #tpu.memory_space<vmem_shared>> -> memref<400x16xf32, #tpu.memory_space<vmem_shared>>
      tpu.enqueue_dma source(%arg7 : memref<400x16xf32, #tpu.memory_space<vmem>>) target(%dma_start3A_638 : memref<400x16xf32, #tpu.memory_space<vmem_shared>>) target_semaphore(%run_scoped3A : memref<!tpu.dma_semaphore, #tpu.memory_space<semaphore_mem>>)
      %dma_wait3A_639 = arith.constant 0 : i32
      %dma_wait3A_640 = tpu.memref_slice %arg6[%add3A_21, %dma_wait3A_639] : memref<51200x16xf32, #tpu.memory_space<vmem_shared>> -> memref<400x16xf32, #tpu.memory_space<vmem_shared>>
      %dma_wait3A_641 = arith.constant 0 : i32
      %dma_wait3A_642 = tpu.memref_slice %arg6[%add3A_21, %dma_wait3A_641] : memref<51200x16xf32, #tpu.memory_space<vmem_shared>> -> memref<400x16xf32, #tpu.memory_space<vmem_shared>>
      tpu.wait_dma2 semaphore(%run_scoped3A : memref<!tpu.dma_semaphore, #tpu.memory_space<semaphore_mem>>) src(%arg7 : memref<400x16xf32, #tpu.memory_space<vmem>>) dst(%dma_wait3A_642 : memref<400x16xf32, #tpu.memory_space<vmem_shared>>)
      tpu.yield
    }) : () -> ()
    %barrier3A = arith.constant 0 : index
    tpu.barrier barrier_id(%barrier3A)
    %add3A_22 = arith.constant 0 : i32
    %add3A_23 = arith.addi %mul3A_0, %add3A_22 : i32
    %dma_start3A = arith.constant 0 : i32
    %dma_start3A_24 = arith.constant 0 : i32
    %dma_start3A_25 = arith.constant 0 : i32
    %dma_start3A_26 = arith.constant 0 : i32
    %dma_start3A_27 = tpu.memref_slice %arg8[%dma_start3A, %dma_start3A_25, %dma_start3A_26] : memref<4x4x128xi32, #tpu.memory_space<vmem>> -> memref<1x4x128xi32, #tpu.memory_space<vmem>>
    %dma_start3A_28 = tpu.memref_squeeze %dma_start3A_27 : memref<1x4x128xi32, #tpu.memory_space<vmem>> -> memref<4x128xi32, #tpu.memory_space<vmem>>
    %dma_start3A_29 = arith.constant 0 : i32
    %dma_start3A_30 = arith.constant 0 : i32
    %dma_start3A_31 = tpu.memref_slice %arg3[%arg0, %dma_start3A_29, %dma_start3A_30] : memref<2x6668x128xi32, #tpu.memory_space<hbm>> -> memref<1x6668x128xi32, #tpu.memory_space<hbm>>
    %dma_start3A_32 = tpu.memref_squeeze %dma_start3A_31 : memref<1x6668x128xi32, #tpu.memory_space<hbm>> -> memref<6668x128xi32, #tpu.memory_space<hbm>>
    %dma_start3A_33 = arith.constant 0 : i32
    %dma_start3A_34 = tpu.memref_slice %dma_start3A_32[%add3A_23, %dma_start3A_33] : memref<6668x128xi32, #tpu.memory_space<hbm>> -> memref<4x128xi32, #tpu.memory_space<hbm>>
    %dma_start3A_35 = tpu.memref_slice %arg11[%dma_start3A_24] : memref<4x!tpu.dma_semaphore, #tpu.memory_space<semaphore_mem>> -> memref<1x!tpu.dma_semaphore, #tpu.memory_space<semaphore_mem>>
    %dma_start3A_36 = tpu.memref_squeeze %dma_start3A_35 : memref<1x!tpu.dma_semaphore, #tpu.memory_space<semaphore_mem>> -> memref<!tpu.dma_semaphore, #tpu.memory_space<semaphore_mem>>
    %dma_start3A_37 = arith.constant 0 : i32
    %dma_start3A_38 = arith.constant 0 : i32
    %dma_start3A_39 = tpu.memref_slice %arg8[%dma_start3A, %dma_start3A_37, %dma_start3A_38] : memref<4x4x128xi32, #tpu.memory_space<vmem>> -> memref<1x4x128xi32, #tpu.memory_space<vmem>>
    %dma_start3A_40 = tpu.memref_squeeze %dma_start3A_39 : memref<1x4x128xi32, #tpu.memory_space<vmem>> -> memref<4x128xi32, #tpu.memory_space<vmem>>
    %dma_start3A_41 = arith.constant 0 : i32
    %dma_start3A_42 = arith.constant 0 : i32
    %dma_start3A_43 = tpu.memref_slice %arg3[%arg0, %dma_start3A_41, %dma_start3A_42] : memref<2x6668x128xi32, #tpu.memory_space<hbm>> -> memref<1x6668x128xi32, #tpu.memory_space<hbm>>
    %dma_start3A_44 = tpu.memref_squeeze %dma_start3A_43 : memref<1x6668x128xi32, #tpu.memory_space<hbm>> -> memref<6668x128xi32, #tpu.memory_space<hbm>>
    %dma_start3A_45 = arith.constant 0 : i32
    %dma_start3A_46 = tpu.memref_slice %dma_start3A_44[%add3A_23, %dma_start3A_45] : memref<6668x128xi32, #tpu.memory_space<hbm>> -> memref<4x128xi32, #tpu.memory_space<hbm>>
    tpu.enqueue_dma source(%dma_start3A_46 : memref<4x128xi32, #tpu.memory_space<hbm>>) target(%dma_start3A_40 : memref<4x128xi32, #tpu.memory_space<vmem>>) target_semaphore(%dma_start3A_36 : memref<!tpu.dma_semaphore, #tpu.memory_space<semaphore_mem>>)
    %dma_start3A_47 = arith.constant 0 : i32
    %dma_start3A_48 = arith.constant 0 : i32
    %dma_start3A_49 = arith.constant 0 : i32
    %dma_start3A_50 = arith.constant 0 : i32
    %dma_start3A_51 = tpu.memref_slice %arg9[%dma_start3A_47, %dma_start3A_49, %dma_start3A_50] : memref<4x4x128xi32, #tpu.memory_space<vmem>> -> memref<1x4x128xi32, #tpu.memory_space<vmem>>
    %dma_start3A_52 = tpu.memref_squeeze %dma_start3A_51 : memref<1x4x128xi32, #tpu.memory_space<vmem>> -> memref<4x128xi32, #tpu.memory_space<vmem>>
    %dma_start3A_53 = arith.constant 0 : i32
    %dma_start3A_54 = arith.constant 0 : i32
    %dma_start3A_55 = tpu.memref_slice %arg4[%arg0, %dma_start3A_53, %dma_start3A_54] : memref<2x6668x128xi32, #tpu.memory_space<hbm>> -> memref<1x6668x128xi32, #tpu.memory_space<hbm>>
    %dma_start3A_56 = tpu.memref_squeeze %dma_start3A_55 : memref<1x6668x128xi32, #tpu.memory_space<hbm>> -> memref<6668x128xi32, #tpu.memory_space<hbm>>
    %dma_start3A_57 = arith.constant 0 : i32
    %dma_start3A_58 = tpu.memref_slice %dma_start3A_56[%add3A_23, %dma_start3A_57] : memref<6668x128xi32, #tpu.memory_space<hbm>> -> memref<4x128xi32, #tpu.memory_space<hbm>>
    %dma_start3A_59 = tpu.memref_slice %arg11[%dma_start3A_48] : memref<4x!tpu.dma_semaphore, #tpu.memory_space<semaphore_mem>> -> memref<1x!tpu.dma_semaphore, #tpu.memory_space<semaphore_mem>>
    %dma_start3A_60 = tpu.memref_squeeze %dma_start3A_59 : memref<1x!tpu.dma_semaphore, #tpu.memory_space<semaphore_mem>> -> memref<!tpu.dma_semaphore, #tpu.memory_space<semaphore_mem>>
    %dma_start3A_61 = arith.constant 0 : i32
    %dma_start3A_62 = arith.constant 0 : i32
    %dma_start3A_63 = tpu.memref_slice %arg9[%dma_start3A_47, %dma_start3A_61, %dma_start3A_62] : memref<4x4x128xi32, #tpu.memory_space<vmem>> -> memref<1x4x128xi32, #tpu.memory_space<vmem>>
    %dma_start3A_64 = tpu.memref_squeeze %dma_start3A_63 : memref<1x4x128xi32, #tpu.memory_space<vmem>> -> memref<4x128xi32, #tpu.memory_space<vmem>>
    %dma_start3A_65 = arith.constant 0 : i32
    %dma_start3A_66 = arith.constant 0 : i32
    %dma_start3A_67 = tpu.memref_slice %arg4[%arg0, %dma_start3A_65, %dma_start3A_66] : memref<2x6668x128xi32, #tpu.memory_space<hbm>> -> memref<1x6668x128xi32, #tpu.memory_space<hbm>>
    %dma_start3A_68 = tpu.memref_squeeze %dma_start3A_67 : memref<1x6668x128xi32, #tpu.memory_space<hbm>> -> memref<6668x128xi32, #tpu.memory_space<hbm>>
    %dma_start3A_69 = arith.constant 0 : i32
    %dma_start3A_70 = tpu.memref_slice %dma_start3A_68[%add3A_23, %dma_start3A_69] : memref<6668x128xi32, #tpu.memory_space<hbm>> -> memref<4x128xi32, #tpu.memory_space<hbm>>
    tpu.enqueue_dma source(%dma_start3A_70 : memref<4x128xi32, #tpu.memory_space<hbm>>) target(%dma_start3A_64 : memref<4x128xi32, #tpu.memory_space<vmem>>) target_semaphore(%dma_start3A_60 : memref<!tpu.dma_semaphore, #tpu.memory_space<semaphore_mem>>)
    %add3A_71 = arith.constant 4 : i32
    %add3A_72 = arith.addi %mul3A_0, %add3A_71 : i32
    %dma_start3A_73 = arith.constant 1 : i32
    %dma_start3A_74 = arith.constant 1 : i32
    %dma_start3A_75 = arith.constant 0 : i32
    %dma_start3A_76 = arith.constant 0 : i32
    %dma_start3A_77 = tpu.memref_slice %arg8[%dma_start3A_73, %dma_start3A_75, %dma_start3A_76] : memref<4x4x128xi32, #tpu.memory_space<vmem>> -> memref<1x4x128xi32, #tpu.memory_space<vmem>>
    %dma_start3A_78 = tpu.memref_squeeze %dma_start3A_77 : memref<1x4x128xi32, #tpu.memory_space<vmem>> -> memref<4x128xi32, #tpu.memory_space<vmem>>
    %dma_start3A_79 = arith.constant 0 : i32
    %dma_start3A_80 = arith.constant 0 : i32
    %dma_start3A_81 = tpu.memref_slice %arg3[%arg0, %dma_start3A_79, %dma_start3A_80] : memref<2x6668x128xi32, #tpu.memory_space<hbm>> -> memref<1x6668x128xi32, #tpu.memory_space<hbm>>
    %dma_start3A_82 = tpu.memref_squeeze %dma_start3A_81 : memref<1x6668x128xi32, #tpu.memory_space<hbm>> -> memref<6668x128xi32, #tpu.memory_space<hbm>>
    %dma_start3A_83 = arith.constant 0 : i32
    %dma_start3A_84 = tpu.memref_slice %dma_start3A_82[%add3A_72, %dma_start3A_83] : memref<6668x128xi32, #tpu.memory_space<hbm>> -> memref<4x128xi32, #tpu.memory_space<hbm>>
    %dma_start3A_85 = tpu.memref_slice %arg11[%dma_start3A_74] : memref<4x!tpu.dma_semaphore, #tpu.memory_space<semaphore_mem>> -> memref<1x!tpu.dma_semaphore, #tpu.memory_space<semaphore_mem>>
    %dma_start3A_86 = tpu.memref_squeeze %dma_start3A_85 : memref<1x!tpu.dma_semaphore, #tpu.memory_space<semaphore_mem>> -> memref<!tpu.dma_semaphore, #tpu.memory_space<semaphore_mem>>
    %dma_start3A_87 = arith.constant 0 : i32
    %dma_start3A_88 = arith.constant 0 : i32
    %dma_start3A_89 = tpu.memref_slice %arg8[%dma_start3A_73, %dma_start3A_87, %dma_start3A_88] : memref<4x4x128xi32, #tpu.memory_space<vmem>> -> memref<1x4x128xi32, #tpu.memory_space<vmem>>
    %dma_start3A_90 = tpu.memref_squeeze %dma_start3A_89 : memref<1x4x128xi32, #tpu.memory_space<vmem>> -> memref<4x128xi32, #tpu.memory_space<vmem>>
    %dma_start3A_91 = arith.constant 0 : i32
    %dma_start3A_92 = arith.constant 0 : i32
    %dma_start3A_93 = tpu.memref_slice %arg3[%arg0, %dma_start3A_91, %dma_start3A_92] : memref<2x6668x128xi32, #tpu.memory_space<hbm>> -> memref<1x6668x128xi32, #tpu.memory_space<hbm>>
    %dma_start3A_94 = tpu.memref_squeeze %dma_start3A_93 : memref<1x6668x128xi32, #tpu.memory_space<hbm>> -> memref<6668x128xi32, #tpu.memory_space<hbm>>
    %dma_start3A_95 = arith.constant 0 : i32
    %dma_start3A_96 = tpu.memref_slice %dma_start3A_94[%add3A_72, %dma_start3A_95] : memref<6668x128xi32, #tpu.memory_space<hbm>> -> memref<4x128xi32, #tpu.memory_space<hbm>>
    tpu.enqueue_dma source(%dma_start3A_96 : memref<4x128xi32, #tpu.memory_space<hbm>>) target(%dma_start3A_90 : memref<4x128xi32, #tpu.memory_space<vmem>>) target_semaphore(%dma_start3A_86 : memref<!tpu.dma_semaphore, #tpu.memory_space<semaphore_mem>>)
    %dma_start3A_97 = arith.constant 1 : i32
    %dma_start3A_98 = arith.constant 1 : i32
    %dma_start3A_99 = arith.constant 0 : i32
    %dma_start3A_100 = arith.constant 0 : i32
    %dma_start3A_101 = tpu.memref_slice %arg9[%dma_start3A_97, %dma_start3A_99, %dma_start3A_100] : memref<4x4x128xi32, #tpu.memory_space<vmem>> -> memref<1x4x128xi32, #tpu.memory_space<vmem>>
    %dma_start3A_102 = tpu.memref_squeeze %dma_start3A_101 : memref<1x4x128xi32, #tpu.memory_space<vmem>> -> memref<4x128xi32, #tpu.memory_space<vmem>>
    %dma_start3A_103 = arith.constant 0 : i32
    %dma_start3A_104 = arith.constant 0 : i32
    %dma_start3A_105 = tpu.memref_slice %arg4[%arg0, %dma_start3A_103, %dma_start3A_104] : memref<2x6668x128xi32, #tpu.memory_space<hbm>> -> memref<1x6668x128xi32, #tpu.memory_space<hbm>>
    %dma_start3A_106 = tpu.memref_squeeze %dma_start3A_105 : memref<1x6668x128xi32, #tpu.memory_space<hbm>> -> memref<6668x128xi32, #tpu.memory_space<hbm>>
    %dma_start3A_107 = arith.constant 0 : i32
    %dma_start3A_108 = tpu.memref_slice %dma_start3A_106[%add3A_72, %dma_start3A_107] : memref<6668x128xi32, #tpu.memory_space<hbm>> -> memref<4x128xi32, #tpu.memory_space<hbm>>
    %dma_start3A_109 = tpu.memref_slice %arg11[%dma_start3A_98] : memref<4x!tpu.dma_semaphore, #tpu.memory_space<semaphore_mem>> -> memref<1x!tpu.dma_semaphore, #tpu.memory_space<semaphore_mem>>
    %dma_start3A_110 = tpu.memref_squeeze %dma_start3A_109 : memref<1x!tpu.dma_semaphore, #tpu.memory_space<semaphore_mem>> -> memref<!tpu.dma_semaphore, #tpu.memory_space<semaphore_mem>>
    %dma_start3A_111 = arith.constant 0 : i32
    %dma_start3A_112 = arith.constant 0 : i32
    %dma_start3A_113 = tpu.memref_slice %arg9[%dma_start3A_97, %dma_start3A_111, %dma_start3A_112] : memref<4x4x128xi32, #tpu.memory_space<vmem>> -> memref<1x4x128xi32, #tpu.memory_space<vmem>>
    %dma_start3A_114 = tpu.memref_squeeze %dma_start3A_113 : memref<1x4x128xi32, #tpu.memory_space<vmem>> -> memref<4x128xi32, #tpu.memory_space<vmem>>
    %dma_start3A_115 = arith.constant 0 : i32
    %dma_start3A_116 = arith.constant 0 : i32
    %dma_start3A_117 = tpu.memref_slice %arg4[%arg0, %dma_start3A_115, %dma_start3A_116] : memref<2x6668x128xi32, #tpu.memory_space<hbm>> -> memref<1x6668x128xi32, #tpu.memory_space<hbm>>
    %dma_start3A_118 = tpu.memref_squeeze %dma_start3A_117 : memref<1x6668x128xi32, #tpu.memory_space<hbm>> -> memref<6668x128xi32, #tpu.memory_space<hbm>>
    %dma_start3A_119 = arith.constant 0 : i32
    %dma_start3A_120 = tpu.memref_slice %dma_start3A_118[%add3A_72, %dma_start3A_119] : memref<6668x128xi32, #tpu.memory_space<hbm>> -> memref<4x128xi32, #tpu.memory_space<hbm>>
    tpu.enqueue_dma source(%dma_start3A_120 : memref<4x128xi32, #tpu.memory_space<hbm>>) target(%dma_start3A_114 : memref<4x128xi32, #tpu.memory_space<vmem>>) target_semaphore(%dma_start3A_110 : memref<!tpu.dma_semaphore, #tpu.memory_space<semaphore_mem>>)
    %add3A_121 = arith.constant 8 : i32
    %add3A_122 = arith.addi %mul3A_0, %add3A_121 : i32
    %dma_start3A_123 = arith.constant 2 : i32
    %dma_start3A_124 = arith.constant 2 : i32
    %dma_start3A_125 = arith.constant 0 : i32
    %dma_start3A_126 = arith.constant 0 : i32
    %dma_start3A_127 = tpu.memref_slice %arg8[%dma_start3A_123, %dma_start3A_125, %dma_start3A_126] : memref<4x4x128xi32, #tpu.memory_space<vmem>> -> memref<1x4x128xi32, #tpu.memory_space<vmem>>
    %dma_start3A_128 = tpu.memref_squeeze %dma_start3A_127 : memref<1x4x128xi32, #tpu.memory_space<vmem>> -> memref<4x128xi32, #tpu.memory_space<vmem>>
    %dma_start3A_129 = arith.constant 0 : i32
    %dma_start3A_130 = arith.constant 0 : i32
    %dma_start3A_131 = tpu.memref_slice %arg3[%arg0, %dma_start3A_129, %dma_start3A_130] : memref<2x6668x128xi32, #tpu.memory_space<hbm>> -> memref<1x6668x128xi32, #tpu.memory_space<hbm>>
    %dma_start3A_132 = tpu.memref_squeeze %dma_start3A_131 : memref<1x6668x128xi32, #tpu.memory_space<hbm>> -> memref<6668x128xi32, #tpu.memory_space<hbm>>
    %dma_start3A_133 = arith.constant 0 : i32
    %dma_start3A_134 = tpu.memref_slice %dma_start3A_132[%add3A_122, %dma_start3A_133] : memref<6668x128xi32, #tpu.memory_space<hbm>> -> memref<4x128xi32, #tpu.memory_space<hbm>>
    %dma_start3A_135 = tpu.memref_slice %arg11[%dma_start3A_124] : memref<4x!tpu.dma_semaphore, #tpu.memory_space<semaphore_mem>> -> memref<1x!tpu.dma_semaphore, #tpu.memory_space<semaphore_mem>>
    %dma_start3A_136 = tpu.memref_squeeze %dma_start3A_135 : memref<1x!tpu.dma_semaphore, #tpu.memory_space<semaphore_mem>> -> memref<!tpu.dma_semaphore, #tpu.memory_space<semaphore_mem>>
    %dma_start3A_137 = arith.constant 0 : i32
    %dma_start3A_138 = arith.constant 0 : i32
    %dma_start3A_139 = tpu.memref_slice %arg8[%dma_start3A_123, %dma_start3A_137, %dma_start3A_138] : memref<4x4x128xi32, #tpu.memory_space<vmem>> -> memref<1x4x128xi32, #tpu.memory_space<vmem>>
    %dma_start3A_140 = tpu.memref_squeeze %dma_start3A_139 : memref<1x4x128xi32, #tpu.memory_space<vmem>> -> memref<4x128xi32, #tpu.memory_space<vmem>>
    %dma_start3A_141 = arith.constant 0 : i32
    %dma_start3A_142 = arith.constant 0 : i32
    %dma_start3A_143 = tpu.memref_slice %arg3[%arg0, %dma_start3A_141, %dma_start3A_142] : memref<2x6668x128xi32, #tpu.memory_space<hbm>> -> memref<1x6668x128xi32, #tpu.memory_space<hbm>>
    %dma_start3A_144 = tpu.memref_squeeze %dma_start3A_143 : memref<1x6668x128xi32, #tpu.memory_space<hbm>> -> memref<6668x128xi32, #tpu.memory_space<hbm>>
    %dma_start3A_145 = arith.constant 0 : i32
    %dma_start3A_146 = tpu.memref_slice %dma_start3A_144[%add3A_122, %dma_start3A_145] : memref<6668x128xi32, #tpu.memory_space<hbm>> -> memref<4x128xi32, #tpu.memory_space<hbm>>
    tpu.enqueue_dma source(%dma_start3A_146 : memref<4x128xi32, #tpu.memory_space<hbm>>) target(%dma_start3A_140 : memref<4x128xi32, #tpu.memory_space<vmem>>) target_semaphore(%dma_start3A_136 : memref<!tpu.dma_semaphore, #tpu.memory_space<semaphore_mem>>)
    %dma_start3A_147 = arith.constant 2 : i32
    %dma_start3A_148 = arith.constant 2 : i32
    %dma_start3A_149 = arith.constant 0 : i32
    %dma_start3A_150 = arith.constant 0 : i32
    %dma_start3A_151 = tpu.memref_slice %arg9[%dma_start3A_147, %dma_start3A_149, %dma_start3A_150] : memref<4x4x128xi32, #tpu.memory_space<vmem>> -> memref<1x4x128xi32, #tpu.memory_space<vmem>>
    %dma_start3A_152 = tpu.memref_squeeze %dma_start3A_151 : memref<1x4x128xi32, #tpu.memory_space<vmem>> -> memref<4x128xi32, #tpu.memory_space<vmem>>
    %dma_start3A_153 = arith.constant 0 : i32
    %dma_start3A_154 = arith.constant 0 : i32
    %dma_start3A_155 = tpu.memref_slice %arg4[%arg0, %dma_start3A_153, %dma_start3A_154] : memref<2x6668x128xi32, #tpu.memory_space<hbm>> -> memref<1x6668x128xi32, #tpu.memory_space<hbm>>
    %dma_start3A_156 = tpu.memref_squeeze %dma_start3A_155 : memref<1x6668x128xi32, #tpu.memory_space<hbm>> -> memref<6668x128xi32, #tpu.memory_space<hbm>>
    %dma_start3A_157 = arith.constant 0 : i32
    %dma_start3A_158 = tpu.memref_slice %dma_start3A_156[%add3A_122, %dma_start3A_157] : memref<6668x128xi32, #tpu.memory_space<hbm>> -> memref<4x128xi32, #tpu.memory_space<hbm>>
    %dma_start3A_159 = tpu.memref_slice %arg11[%dma_start3A_148] : memref<4x!tpu.dma_semaphore, #tpu.memory_space<semaphore_mem>> -> memref<1x!tpu.dma_semaphore, #tpu.memory_space<semaphore_mem>>
    %dma_start3A_160 = tpu.memref_squeeze %dma_start3A_159 : memref<1x!tpu.dma_semaphore, #tpu.memory_space<semaphore_mem>> -> memref<!tpu.dma_semaphore, #tpu.memory_space<semaphore_mem>>
    %dma_start3A_161 = arith.constant 0 : i32
    %dma_start3A_162 = arith.constant 0 : i32
    %dma_start3A_163 = tpu.memref_slice %arg9[%dma_start3A_147, %dma_start3A_161, %dma_start3A_162] : memref<4x4x128xi32, #tpu.memory_space<vmem>> -> memref<1x4x128xi32, #tpu.memory_space<vmem>>
    %dma_start3A_164 = tpu.memref_squeeze %dma_start3A_163 : memref<1x4x128xi32, #tpu.memory_space<vmem>> -> memref<4x128xi32, #tpu.memory_space<vmem>>
    %dma_start3A_165 = arith.constant 0 : i32
    %dma_start3A_166 = arith.constant 0 : i32
    %dma_start3A_167 = tpu.memref_slice %arg4[%arg0, %dma_start3A_165, %dma_start3A_166] : memref<2x6668x128xi32, #tpu.memory_space<hbm>> -> memref<1x6668x128xi32, #tpu.memory_space<hbm>>
    %dma_start3A_168 = tpu.memref_squeeze %dma_start3A_167 : memref<1x6668x128xi32, #tpu.memory_space<hbm>> -> memref<6668x128xi32, #tpu.memory_space<hbm>>
    %dma_start3A_169 = arith.constant 0 : i32
    %dma_start3A_170 = tpu.memref_slice %dma_start3A_168[%add3A_122, %dma_start3A_169] : memref<6668x128xi32, #tpu.memory_space<hbm>> -> memref<4x128xi32, #tpu.memory_space<hbm>>
    tpu.enqueue_dma source(%dma_start3A_170 : memref<4x128xi32, #tpu.memory_space<hbm>>) target(%dma_start3A_164 : memref<4x128xi32, #tpu.memory_space<vmem>>) target_semaphore(%dma_start3A_160 : memref<!tpu.dma_semaphore, #tpu.memory_space<semaphore_mem>>)
    %add3A_171 = arith.constant 0 : i32
    %add3A_172 = arith.addi %mul3A_0, %add3A_171 : i32
    %dma_wait3A = arith.constant 0 : i32
    %dma_wait3A_173 = arith.constant 0 : i32
    %dma_wait3A_174 = arith.constant 0 : i32
    %dma_wait3A_175 = arith.constant 0 : i32
    %dma_wait3A_176 = tpu.memref_slice %arg8[%dma_wait3A, %dma_wait3A_174, %dma_wait3A_175] : memref<4x4x128xi32, #tpu.memory_space<vmem>> -> memref<1x4x128xi32, #tpu.memory_space<vmem>>
    %dma_wait3A_177 = tpu.memref_squeeze %dma_wait3A_176 : memref<1x4x128xi32, #tpu.memory_space<vmem>> -> memref<4x128xi32, #tpu.memory_space<vmem>>
    %dma_wait3A_178 = arith.constant 0 : i32
    %dma_wait3A_179 = arith.constant 0 : i32
    %dma_wait3A_180 = tpu.memref_slice %arg3[%arg0, %dma_wait3A_178, %dma_wait3A_179] : memref<2x6668x128xi32, #tpu.memory_space<hbm>> -> memref<1x6668x128xi32, #tpu.memory_space<hbm>>
    %dma_wait3A_181 = tpu.memref_squeeze %dma_wait3A_180 : memref<1x6668x128xi32, #tpu.memory_space<hbm>> -> memref<6668x128xi32, #tpu.memory_space<hbm>>
    %dma_wait3A_182 = arith.constant 0 : i32
    %dma_wait3A_183 = tpu.memref_slice %dma_wait3A_181[%add3A_172, %dma_wait3A_182] : memref<6668x128xi32, #tpu.memory_space<hbm>> -> memref<4x128xi32, #tpu.memory_space<hbm>>
    %dma_wait3A_184 = tpu.memref_slice %arg11[%dma_wait3A_173] : memref<4x!tpu.dma_semaphore, #tpu.memory_space<semaphore_mem>> -> memref<1x!tpu.dma_semaphore, #tpu.memory_space<semaphore_mem>>
    %dma_wait3A_185 = tpu.memref_squeeze %dma_wait3A_184 : memref<1x!tpu.dma_semaphore, #tpu.memory_space<semaphore_mem>> -> memref<!tpu.dma_semaphore, #tpu.memory_space<semaphore_mem>>
    %dma_wait3A_186 = arith.constant 0 : i32
    %dma_wait3A_187 = arith.constant 0 : i32
    %dma_wait3A_188 = tpu.memref_slice %arg8[%dma_wait3A, %dma_wait3A_186, %dma_wait3A_187] : memref<4x4x128xi32, #tpu.memory_space<vmem>> -> memref<1x4x128xi32, #tpu.memory_space<vmem>>
    %dma_wait3A_189 = tpu.memref_squeeze %dma_wait3A_188 : memref<1x4x128xi32, #tpu.memory_space<vmem>> -> memref<4x128xi32, #tpu.memory_space<vmem>>
    %dma_wait3A_190 = arith.constant 0 : i32
    %dma_wait3A_191 = arith.constant 0 : i32
    %dma_wait3A_192 = tpu.memref_slice %arg3[%arg0, %dma_wait3A_190, %dma_wait3A_191] : memref<2x6668x128xi32, #tpu.memory_space<hbm>> -> memref<1x6668x128xi32, #tpu.memory_space<hbm>>
    %dma_wait3A_193 = tpu.memref_squeeze %dma_wait3A_192 : memref<1x6668x128xi32, #tpu.memory_space<hbm>> -> memref<6668x128xi32, #tpu.memory_space<hbm>>
    %dma_wait3A_194 = arith.constant 0 : i32
    %dma_wait3A_195 = tpu.memref_slice %dma_wait3A_193[%add3A_172, %dma_wait3A_194] : memref<6668x128xi32, #tpu.memory_space<hbm>> -> memref<4x128xi32, #tpu.memory_space<hbm>>
    tpu.wait_dma2 semaphore(%dma_wait3A_185 : memref<!tpu.dma_semaphore, #tpu.memory_space<semaphore_mem>>) src(%dma_wait3A_195 : memref<4x128xi32, #tpu.memory_space<hbm>>) dst(%dma_wait3A_189 : memref<4x128xi32, #tpu.memory_space<vmem>>)
    %dma_wait3A_196 = arith.constant 0 : i32
    %dma_wait3A_197 = arith.constant 0 : i32
    %dma_wait3A_198 = arith.constant 0 : i32
    %dma_wait3A_199 = arith.constant 0 : i32
    %dma_wait3A_200 = tpu.memref_slice %arg9[%dma_wait3A_196, %dma_wait3A_198, %dma_wait3A_199] : memref<4x4x128xi32, #tpu.memory_space<vmem>> -> memref<1x4x128xi32, #tpu.memory_space<vmem>>
    %dma_wait3A_201 = tpu.memref_squeeze %dma_wait3A_200 : memref<1x4x128xi32, #tpu.memory_space<vmem>> -> memref<4x128xi32, #tpu.memory_space<vmem>>
    %dma_wait3A_202 = arith.constant 0 : i32
    %dma_wait3A_203 = arith.constant 0 : i32
    %dma_wait3A_204 = tpu.memref_slice %arg4[%arg0, %dma_wait3A_202, %dma_wait3A_203] : memref<2x6668x128xi32, #tpu.memory_space<hbm>> -> memref<1x6668x128xi32, #tpu.memory_space<hbm>>
    %dma_wait3A_205 = tpu.memref_squeeze %dma_wait3A_204 : memref<1x6668x128xi32, #tpu.memory_space<hbm>> -> memref<6668x128xi32, #tpu.memory_space<hbm>>
    %dma_wait3A_206 = arith.constant 0 : i32
    %dma_wait3A_207 = tpu.memref_slice %dma_wait3A_205[%add3A_172, %dma_wait3A_206] : memref<6668x128xi32, #tpu.memory_space<hbm>> -> memref<4x128xi32, #tpu.memory_space<hbm>>
    %dma_wait3A_208 = tpu.memref_slice %arg11[%dma_wait3A_197] : memref<4x!tpu.dma_semaphore, #tpu.memory_space<semaphore_mem>> -> memref<1x!tpu.dma_semaphore, #tpu.memory_space<semaphore_mem>>
    %dma_wait3A_209 = tpu.memref_squeeze %dma_wait3A_208 : memref<1x!tpu.dma_semaphore, #tpu.memory_space<semaphore_mem>> -> memref<!tpu.dma_semaphore, #tpu.memory_space<semaphore_mem>>
    %dma_wait3A_210 = arith.constant 0 : i32
    %dma_wait3A_211 = arith.constant 0 : i32
    %dma_wait3A_212 = tpu.memref_slice %arg9[%dma_wait3A_196, %dma_wait3A_210, %dma_wait3A_211] : memref<4x4x128xi32, #tpu.memory_space<vmem>> -> memref<1x4x128xi32, #tpu.memory_space<vmem>>
    %dma_wait3A_213 = tpu.memref_squeeze %dma_wait3A_212 : memref<1x4x128xi32, #tpu.memory_space<vmem>> -> memref<4x128xi32, #tpu.memory_space<vmem>>
    %dma_wait3A_214 = arith.constant 0 : i32
    %dma_wait3A_215 = arith.constant 0 : i32
    %dma_wait3A_216 = tpu.memref_slice %arg4[%arg0, %dma_wait3A_214, %dma_wait3A_215] : memref<2x6668x128xi32, #tpu.memory_space<hbm>> -> memref<1x6668x128xi32, #tpu.memory_space<hbm>>
    %dma_wait3A_217 = tpu.memref_squeeze %dma_wait3A_216 : memref<1x6668x128xi32, #tpu.memory_space<hbm>> -> memref<6668x128xi32, #tpu.memory_space<hbm>>
    %dma_wait3A_218 = arith.constant 0 : i32
    %dma_wait3A_219 = tpu.memref_slice %dma_wait3A_217[%add3A_172, %dma_wait3A_218] : memref<6668x128xi32, #tpu.memory_space<hbm>> -> memref<4x128xi32, #tpu.memory_space<hbm>>
    tpu.wait_dma2 semaphore(%dma_wait3A_209 : memref<!tpu.dma_semaphore, #tpu.memory_space<semaphore_mem>>) src(%dma_wait3A_219 : memref<4x128xi32, #tpu.memory_space<hbm>>) dst(%dma_wait3A_213 : memref<4x128xi32, #tpu.memory_space<vmem>>)
    %dma_start3A_220 = arith.constant 0 : i32
    %dma_start3A_221 = arith.constant 0 : i32
    %dma_start3A_222 = arith.constant 0 : i32
    %dma_start3A_223 = arith.constant 0 : i32
    %dma_start3A_224 = arith.constant 0 : i32
    %dma_start3A_225 = arith.constant 0 : i32
    %dma_start3A_226 = tpu.memref_slice %arg10[%dma_start3A_222, %dma_start3A_224, %dma_start3A_225] : memref<2x512x16xf32, #tpu.memory_space<vmem>> -> memref<1x512x16xf32, #tpu.memory_space<vmem>>
    %dma_start3A_227 = tpu.memref_squeeze %dma_start3A_226 : memref<1x512x16xf32, #tpu.memory_space<vmem>> -> memref<512x16xf32, #tpu.memory_space<vmem>>
    %dma_start3A_228 = arith.constant 0 : i32
    %dma_start3A_229 = arith.constant 0 : i32
    %dma_start3A_230 = tpu.memref_slice %dma_start3A_227[%dma_start3A_228, %dma_start3A_229] : memref<512x16xf32, #tpu.memory_space<vmem>> -> memref<128x16xf32, #tpu.memory_space<vmem>>
    %dma_start3A_231 = arith.constant 0 : i32
    %dma_start3A_232 = arith.constant 0 : i32
    %dma_start3A_233 = tpu.memref_slice %arg8[%dma_start3A_220, %dma_start3A_231, %dma_start3A_232] : memref<4x4x128xi32, #tpu.memory_space<vmem>> -> memref<1x4x128xi32, #tpu.memory_space<vmem>>
    %dma_start3A_234 = tpu.memref_squeeze %dma_start3A_233 : memref<1x4x128xi32, #tpu.memory_space<vmem>> -> memref<4x128xi32, #tpu.memory_space<vmem>>
    %dma_start3A_235 = arith.constant 0 : i32
    %dma_start3A_236 = tpu.memref_slice %dma_start3A_234[%dma_start3A_221, %dma_start3A_235] : memref<4x128xi32, #tpu.memory_space<vmem>> -> memref<1x128xi32, #tpu.memory_space<vmem>>
    %dma_start3A_237 = tpu.memref_squeeze %dma_start3A_236 : memref<1x128xi32, #tpu.memory_space<vmem>> -> memref<128xi32, #tpu.memory_space<vmem>>
    %dma_start3A_238 = arith.constant 0 : i32
    %dma_start3A_239 = arith.constant 0 : i32
    %dma_start3A_240 = tpu.memref_slice %arg2[%arg0, %dma_start3A_238, %dma_start3A_239] : memref<2x51200x16xf32, #tpu.memory_space<hbm>> -> memref<1x51200x16xf32, #tpu.memory_space<hbm>>
    %dma_start3A_241 = tpu.memref_squeeze %dma_start3A_240 : memref<1x51200x16xf32, #tpu.memory_space<hbm>> -> memref<51200x16xf32, #tpu.memory_space<hbm>>
    %dma_start3A_242 = arith.constant 0 : i32
    %dma_start3A_243 = arith.constant 0 : i32
    %dma_start3A_244 = tpu.memref_slice %dma_start3A_241[%dma_start3A_242, %dma_start3A_243] : memref<51200x16xf32, #tpu.memory_space<hbm>> -> memref<51200x16xf32, #tpu.memory_space<hbm>>
    %dma_start3A_245 = tpu.memref_slice %arg12[%dma_start3A_223] : memref<2x!tpu.dma_semaphore, #tpu.memory_space<semaphore_mem>> -> memref<1x!tpu.dma_semaphore, #tpu.memory_space<semaphore_mem>>
    %dma_start3A_246 = tpu.memref_squeeze %dma_start3A_245 : memref<1x!tpu.dma_semaphore, #tpu.memory_space<semaphore_mem>> -> memref<!tpu.dma_semaphore, #tpu.memory_space<semaphore_mem>>
    tpu.enqueue_indirect_dma source(%dma_start3A_244 : memref<51200x16xf32, #tpu.memory_space<hbm>>) target(%dma_start3A_230 : memref<128x16xf32, #tpu.memory_space<vmem>>) offsets(%dma_start3A_237 : memref<128xi32, #tpu.memory_space<vmem>>) semaphore(%dma_start3A_246 : memref<!tpu.dma_semaphore, #tpu.memory_space<semaphore_mem>>)
    %dma_start3A_247 = arith.constant 0 : i32
    %dma_start3A_248 = arith.constant 1 : i32
    %dma_start3A_249 = arith.constant 0 : i32
    %dma_start3A_250 = arith.constant 0 : i32
    %dma_start3A_251 = arith.constant 0 : i32
    %dma_start3A_252 = arith.constant 0 : i32
    %dma_start3A_253 = tpu.memref_slice %arg10[%dma_start3A_249, %dma_start3A_251, %dma_start3A_252] : memref<2x512x16xf32, #tpu.memory_space<vmem>> -> memref<1x512x16xf32, #tpu.memory_space<vmem>>
    %dma_start3A_254 = tpu.memref_squeeze %dma_start3A_253 : memref<1x512x16xf32, #tpu.memory_space<vmem>> -> memref<512x16xf32, #tpu.memory_space<vmem>>
    %dma_start3A_255 = arith.constant 128 : i32
    %dma_start3A_256 = arith.constant 0 : i32
    %dma_start3A_257 = tpu.memref_slice %dma_start3A_254[%dma_start3A_255, %dma_start3A_256] : memref<512x16xf32, #tpu.memory_space<vmem>> -> memref<128x16xf32, #tpu.memory_space<vmem>>
    %dma_start3A_258 = arith.constant 0 : i32
    %dma_start3A_259 = arith.constant 0 : i32
    %dma_start3A_260 = tpu.memref_slice %arg8[%dma_start3A_247, %dma_start3A_258, %dma_start3A_259] : memref<4x4x128xi32, #tpu.memory_space<vmem>> -> memref<1x4x128xi32, #tpu.memory_space<vmem>>
    %dma_start3A_261 = tpu.memref_squeeze %dma_start3A_260 : memref<1x4x128xi32, #tpu.memory_space<vmem>> -> memref<4x128xi32, #tpu.memory_space<vmem>>
    %dma_start3A_262 = arith.constant 0 : i32
    %dma_start3A_263 = tpu.memref_slice %dma_start3A_261[%dma_start3A_248, %dma_start3A_262] : memref<4x128xi32, #tpu.memory_space<vmem>> -> memref<1x128xi32, #tpu.memory_space<vmem>>
    %dma_start3A_264 = tpu.memref_squeeze %dma_start3A_263 : memref<1x128xi32, #tpu.memory_space<vmem>> -> memref<128xi32, #tpu.memory_space<vmem>>
    %dma_start3A_265 = arith.constant 0 : i32
    %dma_start3A_266 = arith.constant 0 : i32
    %dma_start3A_267 = tpu.memref_slice %arg2[%arg0, %dma_start3A_265, %dma_start3A_266] : memref<2x51200x16xf32, #tpu.memory_space<hbm>> -> memref<1x51200x16xf32, #tpu.memory_space<hbm>>
    %dma_start3A_268 = tpu.memref_squeeze %dma_start3A_267 : memref<1x51200x16xf32, #tpu.memory_space<hbm>> -> memref<51200x16xf32, #tpu.memory_space<hbm>>
    %dma_start3A_269 = arith.constant 0 : i32
    %dma_start3A_270 = arith.constant 0 : i32
    %dma_start3A_271 = tpu.memref_slice %dma_start3A_268[%dma_start3A_269, %dma_start3A_270] : memref<51200x16xf32, #tpu.memory_space<hbm>> -> memref<51200x16xf32, #tpu.memory_space<hbm>>
    %dma_start3A_272 = tpu.memref_slice %arg12[%dma_start3A_250] : memref<2x!tpu.dma_semaphore, #tpu.memory_space<semaphore_mem>> -> memref<1x!tpu.dma_semaphore, #tpu.memory_space<semaphore_mem>>
    %dma_start3A_273 = tpu.memref_squeeze %dma_start3A_272 : memref<1x!tpu.dma_semaphore, #tpu.memory_space<semaphore_mem>> -> memref<!tpu.dma_semaphore, #tpu.memory_space<semaphore_mem>>
    tpu.enqueue_indirect_dma source(%dma_start3A_271 : memref<51200x16xf32, #tpu.memory_space<hbm>>) target(%dma_start3A_257 : memref<128x16xf32, #tpu.memory_space<vmem>>) offsets(%dma_start3A_264 : memref<128xi32, #tpu.memory_space<vmem>>) semaphore(%dma_start3A_273 : memref<!tpu.dma_semaphore, #tpu.memory_space<semaphore_mem>>)
    %dma_start3A_274 = arith.constant 0 : i32
    %dma_start3A_275 = arith.constant 2 : i32
    %dma_start3A_276 = arith.constant 0 : i32
    %dma_start3A_277 = arith.constant 0 : i32
    %dma_start3A_278 = arith.constant 0 : i32
    %dma_start3A_279 = arith.constant 0 : i32
    %dma_start3A_280 = tpu.memref_slice %arg10[%dma_start3A_276, %dma_start3A_278, %dma_start3A_279] : memref<2x512x16xf32, #tpu.memory_space<vmem>> -> memref<1x512x16xf32, #tpu.memory_space<vmem>>
    %dma_start3A_281 = tpu.memref_squeeze %dma_start3A_280 : memref<1x512x16xf32, #tpu.memory_space<vmem>> -> memref<512x16xf32, #tpu.memory_space<vmem>>
    %dma_start3A_282 = arith.constant 256 : i32
    %dma_start3A_283 = arith.constant 0 : i32
    %dma_start3A_284 = tpu.memref_slice %dma_start3A_281[%dma_start3A_282, %dma_start3A_283] : memref<512x16xf32, #tpu.memory_space<vmem>> -> memref<128x16xf32, #tpu.memory_space<vmem>>
    %dma_start3A_285 = arith.constant 0 : i32
    %dma_start3A_286 = arith.constant 0 : i32
    %dma_start3A_287 = tpu.memref_slice %arg8[%dma_start3A_274, %dma_start3A_285, %dma_start3A_286] : memref<4x4x128xi32, #tpu.memory_space<vmem>> -> memref<1x4x128xi32, #tpu.memory_space<vmem>>
    %dma_start3A_288 = tpu.memref_squeeze %dma_start3A_287 : memref<1x4x128xi32, #tpu.memory_space<vmem>> -> memref<4x128xi32, #tpu.memory_space<vmem>>
    %dma_start3A_289 = arith.constant 0 : i32
    %dma_start3A_290 = tpu.memref_slice %dma_start3A_288[%dma_start3A_275, %dma_start3A_289] : memref<4x128xi32, #tpu.memory_space<vmem>> -> memref<1x128xi32, #tpu.memory_space<vmem>>
    %dma_start3A_291 = tpu.memref_squeeze %dma_start3A_290 : memref<1x128xi32, #tpu.memory_space<vmem>> -> memref<128xi32, #tpu.memory_space<vmem>>
    %dma_start3A_292 = arith.constant 0 : i32
    %dma_start3A_293 = arith.constant 0 : i32
    %dma_start3A_294 = tpu.memref_slice %arg2[%arg0, %dma_start3A_292, %dma_start3A_293] : memref<2x51200x16xf32, #tpu.memory_space<hbm>> -> memref<1x51200x16xf32, #tpu.memory_space<hbm>>
    %dma_start3A_295 = tpu.memref_squeeze %dma_start3A_294 : memref<1x51200x16xf32, #tpu.memory_space<hbm>> -> memref<51200x16xf32, #tpu.memory_space<hbm>>
    %dma_start3A_296 = arith.constant 0 : i32
    %dma_start3A_297 = arith.constant 0 : i32
    %dma_start3A_298 = tpu.memref_slice %dma_start3A_295[%dma_start3A_296, %dma_start3A_297] : memref<51200x16xf32, #tpu.memory_space<hbm>> -> memref<51200x16xf32, #tpu.memory_space<hbm>>
    %dma_start3A_299 = tpu.memref_slice %arg12[%dma_start3A_277] : memref<2x!tpu.dma_semaphore, #tpu.memory_space<semaphore_mem>> -> memref<1x!tpu.dma_semaphore, #tpu.memory_space<semaphore_mem>>
    %dma_start3A_300 = tpu.memref_squeeze %dma_start3A_299 : memref<1x!tpu.dma_semaphore, #tpu.memory_space<semaphore_mem>> -> memref<!tpu.dma_semaphore, #tpu.memory_space<semaphore_mem>>
    tpu.enqueue_indirect_dma source(%dma_start3A_298 : memref<51200x16xf32, #tpu.memory_space<hbm>>) target(%dma_start3A_284 : memref<128x16xf32, #tpu.memory_space<vmem>>) offsets(%dma_start3A_291 : memref<128xi32, #tpu.memory_space<vmem>>) semaphore(%dma_start3A_300 : memref<!tpu.dma_semaphore, #tpu.memory_space<semaphore_mem>>)
    %dma_start3A_301 = arith.constant 0 : i32
    %dma_start3A_302 = arith.constant 3 : i32
    %dma_start3A_303 = arith.constant 0 : i32
    %dma_start3A_304 = arith.constant 0 : i32
    %dma_start3A_305 = arith.constant 0 : i32
    %dma_start3A_306 = arith.constant 0 : i32
    %dma_start3A_307 = tpu.memref_slice %arg10[%dma_start3A_303, %dma_start3A_305, %dma_start3A_306] : memref<2x512x16xf32, #tpu.memory_space<vmem>> -> memref<1x512x16xf32, #tpu.memory_space<vmem>>
    %dma_start3A_308 = tpu.memref_squeeze %dma_start3A_307 : memref<1x512x16xf32, #tpu.memory_space<vmem>> -> memref<512x16xf32, #tpu.memory_space<vmem>>
    %dma_start3A_309 = arith.constant 384 : i32
    %dma_start3A_310 = arith.constant 0 : i32
    %dma_start3A_311 = tpu.memref_slice %dma_start3A_308[%dma_start3A_309, %dma_start3A_310] : memref<512x16xf32, #tpu.memory_space<vmem>> -> memref<128x16xf32, #tpu.memory_space<vmem>>
    %dma_start3A_312 = arith.constant 0 : i32
    %dma_start3A_313 = arith.constant 0 : i32
    %dma_start3A_314 = tpu.memref_slice %arg8[%dma_start3A_301, %dma_start3A_312, %dma_start3A_313] : memref<4x4x128xi32, #tpu.memory_space<vmem>> -> memref<1x4x128xi32, #tpu.memory_space<vmem>>
    %dma_start3A_315 = tpu.memref_squeeze %dma_start3A_314 : memref<1x4x128xi32, #tpu.memory_space<vmem>> -> memref<4x128xi32, #tpu.memory_space<vmem>>
    %dma_start3A_316 = arith.constant 0 : i32
    %dma_start3A_317 = tpu.memref_slice %dma_start3A_315[%dma_start3A_302, %dma_start3A_316] : memref<4x128xi32, #tpu.memory_space<vmem>> -> memref<1x128xi32, #tpu.memory_space<vmem>>
    %dma_start3A_318 = tpu.memref_squeeze %dma_start3A_317 : memref<1x128xi32, #tpu.memory_space<vmem>> -> memref<128xi32, #tpu.memory_space<vmem>>
    %dma_start3A_319 = arith.constant 0 : i32
    %dma_start3A_320 = arith.constant 0 : i32
    %dma_start3A_321 = tpu.memref_slice %arg2[%arg0, %dma_start3A_319, %dma_start3A_320] : memref<2x51200x16xf32, #tpu.memory_space<hbm>> -> memref<1x51200x16xf32, #tpu.memory_space<hbm>>
    %dma_start3A_322 = tpu.memref_squeeze %dma_start3A_321 : memref<1x51200x16xf32, #tpu.memory_space<hbm>> -> memref<51200x16xf32, #tpu.memory_space<hbm>>
    %dma_start3A_323 = arith.constant 0 : i32
    %dma_start3A_324 = arith.constant 0 : i32
    %dma_start3A_325 = tpu.memref_slice %dma_start3A_322[%dma_start3A_323, %dma_start3A_324] : memref<51200x16xf32, #tpu.memory_space<hbm>> -> memref<51200x16xf32, #tpu.memory_space<hbm>>
    %dma_start3A_326 = tpu.memref_slice %arg12[%dma_start3A_304] : memref<2x!tpu.dma_semaphore, #tpu.memory_space<semaphore_mem>> -> memref<1x!tpu.dma_semaphore, #tpu.memory_space<semaphore_mem>>
    %dma_start3A_327 = tpu.memref_squeeze %dma_start3A_326 : memref<1x!tpu.dma_semaphore, #tpu.memory_space<semaphore_mem>> -> memref<!tpu.dma_semaphore, #tpu.memory_space<semaphore_mem>>
    tpu.enqueue_indirect_dma source(%dma_start3A_325 : memref<51200x16xf32, #tpu.memory_space<hbm>>) target(%dma_start3A_311 : memref<128x16xf32, #tpu.memory_space<vmem>>) offsets(%dma_start3A_318 : memref<128xi32, #tpu.memory_space<vmem>>) semaphore(%dma_start3A_327 : memref<!tpu.dma_semaphore, #tpu.memory_space<semaphore_mem>>)
    %scan3A_328 = arith.constant 0 : i32
    %scan3A_329 = arith.constant 26 : i32
    %scan3A_330 = arith.addi %scan3A_328, %scan3A_329 : i32
    %scan3A_331 = arith.constant 1 : i32
    scf.for %scan3A_635 = %scan3A_328 to %scan3A_330 step %scan3A_331  : i32 {
      %mul3A_636 = arith.constant 1 : i32
      %mul3A_637 = arith.muli %scan3A_635, %mul3A_636 : i32
      %add3A_638 = arith.constant 0 : i32
      %add3A_639 = arith.addi %add3A_638, %mul3A_637 : i32
      %mul3A_640 = arith.constant 4 : i32
      %mul3A_641 = arith.muli %mul3A_640, %add3A_639 : i32
      %dma_wait3A_642 = arith.constant 0 : i32
      %dma_wait3A_643 = arith.constant 0 : i32
      %dma_wait3A_644 = arith.constant 0 : i32
      %dma_wait3A_645 = arith.constant 0 : i32
      %dma_wait3A_646 = arith.constant 0 : i32
      %dma_wait3A_647 = arith.constant 0 : i32
      %dma_wait3A_648 = tpu.memref_slice %arg10[%dma_wait3A_644, %dma_wait3A_646, %dma_wait3A_647] : memref<2x512x16xf32, #tpu.memory_space<vmem>> -> memref<1x512x16xf32, #tpu.memory_space<vmem>>
      %dma_wait3A_649 = tpu.memref_squeeze %dma_wait3A_648 : memref<1x512x16xf32, #tpu.memory_space<vmem>> -> memref<512x16xf32, #tpu.memory_space<vmem>>
      %dma_wait3A_650 = arith.constant 0 : i32
      %dma_wait3A_651 = arith.constant 0 : i32
      %dma_wait3A_652 = tpu.memref_slice %dma_wait3A_649[%dma_wait3A_650, %dma_wait3A_651] : memref<512x16xf32, #tpu.memory_space<vmem>> -> memref<128x16xf32, #tpu.memory_space<vmem>>
      %dma_wait3A_653 = arith.constant 0 : i32
      %dma_wait3A_654 = arith.constant 0 : i32
      %dma_wait3A_655 = tpu.memref_slice %arg8[%dma_wait3A_642, %dma_wait3A_653, %dma_wait3A_654] : memref<4x4x128xi32, #tpu.memory_space<vmem>> -> memref<1x4x128xi32, #tpu.memory_space<vmem>>
      %dma_wait3A_656 = tpu.memref_squeeze %dma_wait3A_655 : memref<1x4x128xi32, #tpu.memory_space<vmem>> -> memref<4x128xi32, #tpu.memory_space<vmem>>
      %dma_wait3A_657 = arith.constant 0 : i32
      %dma_wait3A_658 = tpu.memref_slice %dma_wait3A_656[%dma_wait3A_643, %dma_wait3A_657] : memref<4x128xi32, #tpu.memory_space<vmem>> -> memref<1x128xi32, #tpu.memory_space<vmem>>
      %dma_wait3A_659 = tpu.memref_squeeze %dma_wait3A_658 : memref<1x128xi32, #tpu.memory_space<vmem>> -> memref<128xi32, #tpu.memory_space<vmem>>
      %dma_wait3A_660 = arith.constant 0 : i32
      %dma_wait3A_661 = arith.constant 0 : i32
      %dma_wait3A_662 = tpu.memref_slice %arg2[%arg0, %dma_wait3A_660, %dma_wait3A_661] : memref<2x51200x16xf32, #tpu.memory_space<hbm>> -> memref<1x51200x16xf32, #tpu.memory_space<hbm>>
      %dma_wait3A_663 = tpu.memref_squeeze %dma_wait3A_662 : memref<1x51200x16xf32, #tpu.memory_space<hbm>> -> memref<51200x16xf32, #tpu.memory_space<hbm>>
      %dma_wait3A_664 = arith.constant 0 : i32
      %dma_wait3A_665 = arith.constant 0 : i32
      %dma_wait3A_666 = tpu.memref_slice %dma_wait3A_663[%dma_wait3A_664, %dma_wait3A_665] : memref<51200x16xf32, #tpu.memory_space<hbm>> -> memref<51200x16xf32, #tpu.memory_space<hbm>>
      %dma_wait3A_667 = tpu.memref_slice %arg12[%dma_wait3A_645] : memref<2x!tpu.dma_semaphore, #tpu.memory_space<semaphore_mem>> -> memref<1x!tpu.dma_semaphore, #tpu.memory_space<semaphore_mem>>
      %dma_wait3A_668 = tpu.memref_squeeze %dma_wait3A_667 : memref<1x!tpu.dma_semaphore, #tpu.memory_space<semaphore_mem>> -> memref<!tpu.dma_semaphore, #tpu.memory_space<semaphore_mem>>
      tpu.wait_indirect_dma semaphore(%dma_wait3A_668 : memref<!tpu.dma_semaphore, #tpu.memory_space<semaphore_mem>>) src(%dma_wait3A_666 : memref<51200x16xf32, #tpu.memory_space<hbm>>) dst(%dma_wait3A_652 : memref<128x16xf32, #tpu.memory_space<vmem>>)
      %dma_wait3A_669 = arith.constant 0 : i32
      %dma_wait3A_670 = arith.constant 1 : i32
      %dma_wait3A_671 = arith.constant 0 : i32
      %dma_wait3A_672 = arith.constant 0 : i32
      %dma_wait3A_673 = arith.constant 0 : i32
      %dma_wait3A_674 = arith.constant 0 : i32
      %dma_wait3A_675 = tpu.memref_slice %arg10[%dma_wait3A_671, %dma_wait3A_673, %dma_wait3A_674] : memref<2x512x16xf32, #tpu.memory_space<vmem>> -> memref<1x512x16xf32, #tpu.memory_space<vmem>>
      %dma_wait3A_676 = tpu.memref_squeeze %dma_wait3A_675 : memref<1x512x16xf32, #tpu.memory_space<vmem>> -> memref<512x16xf32, #tpu.memory_space<vmem>>
      %dma_wait3A_677 = arith.constant 128 : i32
      %dma_wait3A_678 = arith.constant 0 : i32
      %dma_wait3A_679 = tpu.memref_slice %dma_wait3A_676[%dma_wait3A_677, %dma_wait3A_678] : memref<512x16xf32, #tpu.memory_space<vmem>> -> memref<128x16xf32, #tpu.memory_space<vmem>>
      %dma_wait3A_680 = arith.constant 0 : i32
      %dma_wait3A_681 = arith.constant 0 : i32
      %dma_wait3A_682 = tpu.memref_slice %arg8[%dma_wait3A_669, %dma_wait3A_680, %dma_wait3A_681] : memref<4x4x128xi32, #tpu.memory_space<vmem>> -> memref<1x4x128xi32, #tpu.memory_space<vmem>>
      %dma_wait3A_683 = tpu.memref_squeeze %dma_wait3A_682 : memref<1x4x128xi32, #tpu.memory_space<vmem>> -> memref<4x128xi32, #tpu.memory_space<vmem>>
      %dma_wait3A_684 = arith.constant 0 : i32
      %dma_wait3A_685 = tpu.memref_slice %dma_wait3A_683[%dma_wait3A_670, %dma_wait3A_684] : memref<4x128xi32, #tpu.memory_space<vmem>> -> memref<1x128xi32, #tpu.memory_space<vmem>>
      %dma_wait3A_686 = tpu.memref_squeeze %dma_wait3A_685 : memref<1x128xi32, #tpu.memory_space<vmem>> -> memref<128xi32, #tpu.memory_space<vmem>>
      %dma_wait3A_687 = arith.constant 0 : i32
      %dma_wait3A_688 = arith.constant 0 : i32
      %dma_wait3A_689 = tpu.memref_slice %arg2[%arg0, %dma_wait3A_687, %dma_wait3A_688] : memref<2x51200x16xf32, #tpu.memory_space<hbm>> -> memref<1x51200x16xf32, #tpu.memory_space<hbm>>
      %dma_wait3A_690 = tpu.memref_squeeze %dma_wait3A_689 : memref<1x51200x16xf32, #tpu.memory_space<hbm>> -> memref<51200x16xf32, #tpu.memory_space<hbm>>
      %dma_wait3A_691 = arith.constant 0 : i32
      %dma_wait3A_692 = arith.constant 0 : i32
      %dma_wait3A_693 = tpu.memref_slice %dma_wait3A_690[%dma_wait3A_691, %dma_wait3A_692] : memref<51200x16xf32, #tpu.memory_space<hbm>> -> memref<51200x16xf32, #tpu.memory_space<hbm>>
      %dma_wait3A_694 = tpu.memref_slice %arg12[%dma_wait3A_672] : memref<2x!tpu.dma_semaphore, #tpu.memory_space<semaphore_mem>> -> memref<1x!tpu.dma_semaphore, #tpu.memory_space<semaphore_mem>>
      %dma_wait3A_695 = tpu.memref_squeeze %dma_wait3A_694 : memref<1x!tpu.dma_semaphore, #tpu.memory_space<semaphore_mem>> -> memref<!tpu.dma_semaphore, #tpu.memory_space<semaphore_mem>>
      tpu.wait_indirect_dma semaphore(%dma_wait3A_695 : memref<!tpu.dma_semaphore, #tpu.memory_space<semaphore_mem>>) src(%dma_wait3A_693 : memref<51200x16xf32, #tpu.memory_space<hbm>>) dst(%dma_wait3A_679 : memref<128x16xf32, #tpu.memory_space<vmem>>)
      %dma_wait3A_696 = arith.constant 0 : i32
      %dma_wait3A_697 = arith.constant 2 : i32
      %dma_wait3A_698 = arith.constant 0 : i32
      %dma_wait3A_699 = arith.constant 0 : i32
      %dma_wait3A_700 = arith.constant 0 : i32
      %dma_wait3A_701 = arith.constant 0 : i32
      %dma_wait3A_702 = tpu.memref_slice %arg10[%dma_wait3A_698, %dma_wait3A_700, %dma_wait3A_701] : memref<2x512x16xf32, #tpu.memory_space<vmem>> -> memref<1x512x16xf32, #tpu.memory_space<vmem>>
      %dma_wait3A_703 = tpu.memref_squeeze %dma_wait3A_702 : memref<1x512x16xf32, #tpu.memory_space<vmem>> -> memref<512x16xf32, #tpu.memory_space<vmem>>
      %dma_wait3A_704 = arith.constant 256 : i32
      %dma_wait3A_705 = arith.constant 0 : i32
      %dma_wait3A_706 = tpu.memref_slice %dma_wait3A_703[%dma_wait3A_704, %dma_wait3A_705] : memref<512x16xf32, #tpu.memory_space<vmem>> -> memref<128x16xf32, #tpu.memory_space<vmem>>
      %dma_wait3A_707 = arith.constant 0 : i32
      %dma_wait3A_708 = arith.constant 0 : i32
      %dma_wait3A_709 = tpu.memref_slice %arg8[%dma_wait3A_696, %dma_wait3A_707, %dma_wait3A_708] : memref<4x4x128xi32, #tpu.memory_space<vmem>> -> memref<1x4x128xi32, #tpu.memory_space<vmem>>
      %dma_wait3A_710 = tpu.memref_squeeze %dma_wait3A_709 : memref<1x4x128xi32, #tpu.memory_space<vmem>> -> memref<4x128xi32, #tpu.memory_space<vmem>>
      %dma_wait3A_711 = arith.constant 0 : i32
      %dma_wait3A_712 = tpu.memref_slice %dma_wait3A_710[%dma_wait3A_697, %dma_wait3A_711] : memref<4x128xi32, #tpu.memory_space<vmem>> -> memref<1x128xi32, #tpu.memory_space<vmem>>
      %dma_wait3A_713 = tpu.memref_squeeze %dma_wait3A_712 : memref<1x128xi32, #tpu.memory_space<vmem>> -> memref<128xi32, #tpu.memory_space<vmem>>
      %dma_wait3A_714 = arith.constant 0 : i32
      %dma_wait3A_715 = arith.constant 0 : i32
      %dma_wait3A_716 = tpu.memref_slice %arg2[%arg0, %dma_wait3A_714, %dma_wait3A_715] : memref<2x51200x16xf32, #tpu.memory_space<hbm>> -> memref<1x51200x16xf32, #tpu.memory_space<hbm>>
      %dma_wait3A_717 = tpu.memref_squeeze %dma_wait3A_716 : memref<1x51200x16xf32, #tpu.memory_space<hbm>> -> memref<51200x16xf32, #tpu.memory_space<hbm>>
      %dma_wait3A_718 = arith.constant 0 : i32
      %dma_wait3A_719 = arith.constant 0 : i32
      %dma_wait3A_720 = tpu.memref_slice %dma_wait3A_717[%dma_wait3A_718, %dma_wait3A_719] : memref<51200x16xf32, #tpu.memory_space<hbm>> -> memref<51200x16xf32, #tpu.memory_space<hbm>>
      %dma_wait3A_721 = tpu.memref_slice %arg12[%dma_wait3A_699] : memref<2x!tpu.dma_semaphore, #tpu.memory_space<semaphore_mem>> -> memref<1x!tpu.dma_semaphore, #tpu.memory_space<semaphore_mem>>
      %dma_wait3A_722 = tpu.memref_squeeze %dma_wait3A_721 : memref<1x!tpu.dma_semaphore, #tpu.memory_space<semaphore_mem>> -> memref<!tpu.dma_semaphore, #tpu.memory_space<semaphore_mem>>
      tpu.wait_indirect_dma semaphore(%dma_wait3A_722 : memref<!tpu.dma_semaphore, #tpu.memory_space<semaphore_mem>>) src(%dma_wait3A_720 : memref<51200x16xf32, #tpu.memory_space<hbm>>) dst(%dma_wait3A_706 : memref<128x16xf32, #tpu.memory_space<vmem>>)
      %dma_wait3A_723 = arith.constant 0 : i32
      %dma_wait3A_724 = arith.constant 3 : i32
      %dma_wait3A_725 = arith.constant 0 : i32
      %dma_wait3A_726 = arith.constant 0 : i32
      %dma_wait3A_727 = arith.constant 0 : i32
      %dma_wait3A_728 = arith.constant 0 : i32
      %dma_wait3A_729 = tpu.memref_slice %arg10[%dma_wait3A_725, %dma_wait3A_727, %dma_wait3A_728] : memref<2x512x16xf32, #tpu.memory_space<vmem>> -> memref<1x512x16xf32, #tpu.memory_space<vmem>>
      %dma_wait3A_730 = tpu.memref_squeeze %dma_wait3A_729 : memref<1x512x16xf32, #tpu.memory_space<vmem>> -> memref<512x16xf32, #tpu.memory_space<vmem>>
      %dma_wait3A_731 = arith.constant 384 : i32
      %dma_wait3A_732 = arith.constant 0 : i32
      %dma_wait3A_733 = tpu.memref_slice %dma_wait3A_730[%dma_wait3A_731, %dma_wait3A_732] : memref<512x16xf32, #tpu.memory_space<vmem>> -> memref<128x16xf32, #tpu.memory_space<vmem>>
      %dma_wait3A_734 = arith.constant 0 : i32
      %dma_wait3A_735 = arith.constant 0 : i32
      %dma_wait3A_736 = tpu.memref_slice %arg8[%dma_wait3A_723, %dma_wait3A_734, %dma_wait3A_735] : memref<4x4x128xi32, #tpu.memory_space<vmem>> -> memref<1x4x128xi32, #tpu.memory_space<vmem>>
      %dma_wait3A_737 = tpu.memref_squeeze %dma_wait3A_736 : memref<1x4x128xi32, #tpu.memory_space<vmem>> -> memref<4x128xi32, #tpu.memory_space<vmem>>
      %dma_wait3A_738 = arith.constant 0 : i32
      %dma_wait3A_739 = tpu.memref_slice %dma_wait3A_737[%dma_wait3A_724, %dma_wait3A_738] : memref<4x128xi32, #tpu.memory_space<vmem>> -> memref<1x128xi32, #tpu.memory_space<vmem>>
      %dma_wait3A_740 = tpu.memref_squeeze %dma_wait3A_739 : memref<1x128xi32, #tpu.memory_space<vmem>> -> memref<128xi32, #tpu.memory_space<vmem>>
      %dma_wait3A_741 = arith.constant 0 : i32
      %dma_wait3A_742 = arith.constant 0 : i32
      %dma_wait3A_743 = tpu.memref_slice %arg2[%arg0, %dma_wait3A_741, %dma_wait3A_742] : memref<2x51200x16xf32, #tpu.memory_space<hbm>> -> memref<1x51200x16xf32, #tpu.memory_space<hbm>>
      %dma_wait3A_744 = tpu.memref_squeeze %dma_wait3A_743 : memref<1x51200x16xf32, #tpu.memory_space<hbm>> -> memref<51200x16xf32, #tpu.memory_space<hbm>>
      %dma_wait3A_745 = arith.constant 0 : i32
      %dma_wait3A_746 = arith.constant 0 : i32
      %dma_wait3A_747 = tpu.memref_slice %dma_wait3A_744[%dma_wait3A_745, %dma_wait3A_746] : memref<51200x16xf32, #tpu.memory_space<hbm>> -> memref<51200x16xf32, #tpu.memory_space<hbm>>
      %dma_wait3A_748 = tpu.memref_slice %arg12[%dma_wait3A_726] : memref<2x!tpu.dma_semaphore, #tpu.memory_space<semaphore_mem>> -> memref<1x!tpu.dma_semaphore, #tpu.memory_space<semaphore_mem>>
      %dma_wait3A_749 = tpu.memref_squeeze %dma_wait3A_748 : memref<1x!tpu.dma_semaphore, #tpu.memory_space<semaphore_mem>> -> memref<!tpu.dma_semaphore, #tpu.memory_space<semaphore_mem>>
      tpu.wait_indirect_dma semaphore(%dma_wait3A_749 : memref<!tpu.dma_semaphore, #tpu.memory_space<semaphore_mem>>) src(%dma_wait3A_747 : memref<51200x16xf32, #tpu.memory_space<hbm>>) dst(%dma_wait3A_733 : memref<128x16xf32, #tpu.memory_space<vmem>>)
      %dma_start3A_750 = arith.constant 0 : i32
      %dma_start3A_751 = arith.constant 0 : i32
      %dma_start3A_752 = arith.constant 0 : i32
      %dma_start3A_753 = arith.constant 0 : i32
      %dma_start3A_754 = arith.constant 0 : i32
      %dma_start3A_755 = arith.constant 0 : i32
      %dma_start3A_756 = tpu.memref_slice %arg10[%dma_start3A_750, %dma_start3A_754, %dma_start3A_755] : memref<2x512x16xf32, #tpu.memory_space<vmem>> -> memref<1x512x16xf32, #tpu.memory_space<vmem>>
      %dma_start3A_757 = tpu.memref_squeeze %dma_start3A_756 : memref<1x512x16xf32, #tpu.memory_space<vmem>> -> memref<512x16xf32, #tpu.memory_space<vmem>>
      %dma_start3A_758 = arith.constant 0 : i32
      %dma_start3A_759 = arith.constant 0 : i32
      %dma_start3A_760 = tpu.memref_slice %dma_start3A_757[%dma_start3A_758, %dma_start3A_759] : memref<512x16xf32, #tpu.memory_space<vmem>> -> memref<128x16xf32, #tpu.memory_space<vmem>>
      %dma_start3A_761 = arith.constant 0 : i32
      %dma_start3A_762 = arith.constant 0 : i32
      %dma_start3A_763 = tpu.memref_slice %arg9[%dma_start3A_751, %dma_start3A_761, %dma_start3A_762] : memref<4x4x128xi32, #tpu.memory_space<vmem>> -> memref<1x4x128xi32, #tpu.memory_space<vmem>>
      %dma_start3A_764 = tpu.memref_squeeze %dma_start3A_763 : memref<1x4x128xi32, #tpu.memory_space<vmem>> -> memref<4x128xi32, #tpu.memory_space<vmem>>
      %dma_start3A_765 = arith.constant 0 : i32
      %dma_start3A_766 = tpu.memref_slice %dma_start3A_764[%dma_start3A_752, %dma_start3A_765] : memref<4x128xi32, #tpu.memory_space<vmem>> -> memref<1x128xi32, #tpu.memory_space<vmem>>
      %dma_start3A_767 = tpu.memref_squeeze %dma_start3A_766 : memref<1x128xi32, #tpu.memory_space<vmem>> -> memref<128xi32, #tpu.memory_space<vmem>>
      %dma_start3A_768 = arith.constant 0 : i32
      %dma_start3A_769 = arith.constant 0 : i32
      %dma_start3A_770 = tpu.memref_slice %arg6[%dma_start3A_768, %dma_start3A_769] : memref<51200x16xf32, #tpu.memory_space<vmem_shared>> -> memref<51200x16xf32, #tpu.memory_space<vmem_shared>>
      %dma_start3A_771 = tpu.memref_slice %arg13[%dma_start3A_753] : memref<2x!tpu.dma_semaphore, #tpu.memory_space<semaphore_mem>> -> memref<1x!tpu.dma_semaphore, #tpu.memory_space<semaphore_mem>>
      %dma_start3A_772 = tpu.memref_squeeze %dma_start3A_771 : memref<1x!tpu.dma_semaphore, #tpu.memory_space<semaphore_mem>> -> memref<!tpu.dma_semaphore, #tpu.memory_space<semaphore_mem>>
      tpu.enqueue_indirect_dma source(%dma_start3A_760 : memref<128x16xf32, #tpu.memory_space<vmem>>) target(%dma_start3A_770 : memref<51200x16xf32, #tpu.memory_space<vmem_shared>>) offsets(%dma_start3A_767 : memref<128xi32, #tpu.memory_space<vmem>>) semaphore(%dma_start3A_772 : memref<!tpu.dma_semaphore, #tpu.memory_space<semaphore_mem>>) {add = true}
      %dma_start3A_773 = arith.constant 0 : i32
      %dma_start3A_774 = arith.constant 0 : i32
      %dma_start3A_775 = arith.constant 1 : i32
      %dma_start3A_776 = arith.constant 0 : i32
      %dma_start3A_777 = arith.constant 0 : i32
      %dma_start3A_778 = arith.constant 0 : i32
      %dma_start3A_779 = tpu.memref_slice %arg10[%dma_start3A_773, %dma_start3A_777, %dma_start3A_778] : memref<2x512x16xf32, #tpu.memory_space<vmem>> -> memref<1x512x16xf32, #tpu.memory_space<vmem>>
      %dma_start3A_780 = tpu.memref_squeeze %dma_start3A_779 : memref<1x512x16xf32, #tpu.memory_space<vmem>> -> memref<512x16xf32, #tpu.memory_space<vmem>>
      %dma_start3A_781 = arith.constant 128 : i32
      %dma_start3A_782 = arith.constant 0 : i32
      %dma_start3A_783 = tpu.memref_slice %dma_start3A_780[%dma_start3A_781, %dma_start3A_782] : memref<512x16xf32, #tpu.memory_space<vmem>> -> memref<128x16xf32, #tpu.memory_space<vmem>>
      %dma_start3A_784 = arith.constant 0 : i32
      %dma_start3A_785 = arith.constant 0 : i32
      %dma_start3A_786 = tpu.memref_slice %arg9[%dma_start3A_774, %dma_start3A_784, %dma_start3A_785] : memref<4x4x128xi32, #tpu.memory_space<vmem>> -> memref<1x4x128xi32, #tpu.memory_space<vmem>>
      %dma_start3A_787 = tpu.memref_squeeze %dma_start3A_786 : memref<1x4x128xi32, #tpu.memory_space<vmem>> -> memref<4x128xi32, #tpu.memory_space<vmem>>
      %dma_start3A_788 = arith.constant 0 : i32
      %dma_start3A_789 = tpu.memref_slice %dma_start3A_787[%dma_start3A_775, %dma_start3A_788] : memref<4x128xi32, #tpu.memory_space<vmem>> -> memref<1x128xi32, #tpu.memory_space<vmem>>
      %dma_start3A_790 = tpu.memref_squeeze %dma_start3A_789 : memref<1x128xi32, #tpu.memory_space<vmem>> -> memref<128xi32, #tpu.memory_space<vmem>>
      %dma_start3A_791 = arith.constant 0 : i32
      %dma_start3A_792 = arith.constant 0 : i32
      %dma_start3A_793 = tpu.memref_slice %arg6[%dma_start3A_791, %dma_start3A_792] : memref<51200x16xf32, #tpu.memory_space<vmem_shared>> -> memref<51200x16xf32, #tpu.memory_space<vmem_shared>>
      %dma_start3A_794 = tpu.memref_slice %arg13[%dma_start3A_776] : memref<2x!tpu.dma_semaphore, #tpu.memory_space<semaphore_mem>> -> memref<1x!tpu.dma_semaphore, #tpu.memory_space<semaphore_mem>>
      %dma_start3A_795 = tpu.memref_squeeze %dma_start3A_794 : memref<1x!tpu.dma_semaphore, #tpu.memory_space<semaphore_mem>> -> memref<!tpu.dma_semaphore, #tpu.memory_space<semaphore_mem>>
      tpu.enqueue_indirect_dma source(%dma_start3A_783 : memref<128x16xf32, #tpu.memory_space<vmem>>) target(%dma_start3A_793 : memref<51200x16xf32, #tpu.memory_space<vmem_shared>>) offsets(%dma_start3A_790 : memref<128xi32, #tpu.memory_space<vmem>>) semaphore(%dma_start3A_795 : memref<!tpu.dma_semaphore, #tpu.memory_space<semaphore_mem>>) {add = true}
      %dma_start3A_796 = arith.constant 0 : i32
      %dma_start3A_797 = arith.constant 0 : i32
      %dma_start3A_798 = arith.constant 2 : i32
      %dma_start3A_799 = arith.constant 0 : i32
      %dma_start3A_800 = arith.constant 0 : i32
      %dma_start3A_801 = arith.constant 0 : i32
      %dma_start3A_802 = tpu.memref_slice %arg10[%dma_start3A_796, %dma_start3A_800, %dma_start3A_801] : memref<2x512x16xf32, #tpu.memory_space<vmem>> -> memref<1x512x16xf32, #tpu.memory_space<vmem>>
      %dma_start3A_803 = tpu.memref_squeeze %dma_start3A_802 : memref<1x512x16xf32, #tpu.memory_space<vmem>> -> memref<512x16xf32, #tpu.memory_space<vmem>>
      %dma_start3A_804 = arith.constant 256 : i32
      %dma_start3A_805 = arith.constant 0 : i32
      %dma_start3A_806 = tpu.memref_slice %dma_start3A_803[%dma_start3A_804, %dma_start3A_805] : memref<512x16xf32, #tpu.memory_space<vmem>> -> memref<128x16xf32, #tpu.memory_space<vmem>>
      %dma_start3A_807 = arith.constant 0 : i32
      %dma_start3A_808 = arith.constant 0 : i32
      %dma_start3A_809 = tpu.memref_slice %arg9[%dma_start3A_797, %dma_start3A_807, %dma_start3A_808] : memref<4x4x128xi32, #tpu.memory_space<vmem>> -> memref<1x4x128xi32, #tpu.memory_space<vmem>>
      %dma_start3A_810 = tpu.memref_squeeze %dma_start3A_809 : memref<1x4x128xi32, #tpu.memory_space<vmem>> -> memref<4x128xi32, #tpu.memory_space<vmem>>
      %dma_start3A_811 = arith.constant 0 : i32
      %dma_start3A_812 = tpu.memref_slice %dma_start3A_810[%dma_start3A_798, %dma_start3A_811] : memref<4x128xi32, #tpu.memory_space<vmem>> -> memref<1x128xi32, #tpu.memory_space<vmem>>
      %dma_start3A_813 = tpu.memref_squeeze %dma_start3A_812 : memref<1x128xi32, #tpu.memory_space<vmem>> -> memref<128xi32, #tpu.memory_space<vmem>>
      %dma_start3A_814 = arith.constant 0 : i32
      %dma_start3A_815 = arith.constant 0 : i32
      %dma_start3A_816 = tpu.memref_slice %arg6[%dma_start3A_814, %dma_start3A_815] : memref<51200x16xf32, #tpu.memory_space<vmem_shared>> -> memref<51200x16xf32, #tpu.memory_space<vmem_shared>>
      %dma_start3A_817 = tpu.memref_slice %arg13[%dma_start3A_799] : memref<2x!tpu.dma_semaphore, #tpu.memory_space<semaphore_mem>> -> memref<1x!tpu.dma_semaphore, #tpu.memory_space<semaphore_mem>>
      %dma_start3A_818 = tpu.memref_squeeze %dma_start3A_817 : memref<1x!tpu.dma_semaphore, #tpu.memory_space<semaphore_mem>> -> memref<!tpu.dma_semaphore, #tpu.memory_space<semaphore_mem>>
      tpu.enqueue_indirect_dma source(%dma_start3A_806 : memref<128x16xf32, #tpu.memory_space<vmem>>) target(%dma_start3A_816 : memref<51200x16xf32, #tpu.memory_space<vmem_shared>>) offsets(%dma_start3A_813 : memref<128xi32, #tpu.memory_space<vmem>>) semaphore(%dma_start3A_818 : memref<!tpu.dma_semaphore, #tpu.memory_space<semaphore_mem>>) {add = true}
      %dma_start3A_819 = arith.constant 0 : i32
      %dma_start3A_820 = arith.constant 0 : i32
      %dma_start3A_821 = arith.constant 3 : i32
      %dma_start3A_822 = arith.constant 0 : i32
      %dma_start3A_823 = arith.constant 0 : i32
      %dma_start3A_824 = arith.constant 0 : i32
      %dma_start3A_825 = tpu.memref_slice %arg10[%dma_start3A_819, %dma_start3A_823, %dma_start3A_824] : memref<2x512x16xf32, #tpu.memory_space<vmem>> -> memref<1x512x16xf32, #tpu.memory_space<vmem>>
      %dma_start3A_826 = tpu.memref_squeeze %dma_start3A_825 : memref<1x512x16xf32, #tpu.memory_space<vmem>> -> memref<512x16xf32, #tpu.memory_space<vmem>>
      %dma_start3A_827 = arith.constant 384 : i32
      %dma_start3A_828 = arith.constant 0 : i32
      %dma_start3A_829 = tpu.memref_slice %dma_start3A_826[%dma_start3A_827, %dma_start3A_828] : memref<512x16xf32, #tpu.memory_space<vmem>> -> memref<128x16xf32, #tpu.memory_space<vmem>>
      %dma_start3A_830 = arith.constant 0 : i32
      %dma_start3A_831 = arith.constant 0 : i32
      %dma_start3A_832 = tpu.memref_slice %arg9[%dma_start3A_820, %dma_start3A_830, %dma_start3A_831] : memref<4x4x128xi32, #tpu.memory_space<vmem>> -> memref<1x4x128xi32, #tpu.memory_space<vmem>>
      %dma_start3A_833 = tpu.memref_squeeze %dma_start3A_832 : memref<1x4x128xi32, #tpu.memory_space<vmem>> -> memref<4x128xi32, #tpu.memory_space<vmem>>
      %dma_start3A_834 = arith.constant 0 : i32
      %dma_start3A_835 = tpu.memref_slice %dma_start3A_833[%dma_start3A_821, %dma_start3A_834] : memref<4x128xi32, #tpu.memory_space<vmem>> -> memref<1x128xi32, #tpu.memory_space<vmem>>
      %dma_start3A_836 = tpu.memref_squeeze %dma_start3A_835 : memref<1x128xi32, #tpu.memory_space<vmem>> -> memref<128xi32, #tpu.memory_space<vmem>>
      %dma_start3A_837 = arith.constant 0 : i32
      %dma_start3A_838 = arith.constant 0 : i32
      %dma_start3A_839 = tpu.memref_slice %arg6[%dma_start3A_837, %dma_start3A_838] : memref<51200x16xf32, #tpu.memory_space<vmem_shared>> -> memref<51200x16xf32, #tpu.memory_space<vmem_shared>>
      %dma_start3A_840 = tpu.memref_slice %arg13[%dma_start3A_822] : memref<2x!tpu.dma_semaphore, #tpu.memory_space<semaphore_mem>> -> memref<1x!tpu.dma_semaphore, #tpu.memory_space<semaphore_mem>>
      %dma_start3A_841 = tpu.memref_squeeze %dma_start3A_840 : memref<1x!tpu.dma_semaphore, #tpu.memory_space<semaphore_mem>> -> memref<!tpu.dma_semaphore, #tpu.memory_space<semaphore_mem>>
      tpu.enqueue_indirect_dma source(%dma_start3A_829 : memref<128x16xf32, #tpu.memory_space<vmem>>) target(%dma_start3A_839 : memref<51200x16xf32, #tpu.memory_space<vmem_shared>>) offsets(%dma_start3A_836 : memref<128xi32, #tpu.memory_space<vmem>>) semaphore(%dma_start3A_841 : memref<!tpu.dma_semaphore, #tpu.memory_space<semaphore_mem>>) {add = true}
      %add3A_842 = arith.constant 1 : i32
      %add3A_843 = arith.addi %mul3A_641, %add3A_842 : i32
      %mul3A_844 = arith.constant 4 : i32
      %mul3A_845 = arith.muli %add3A_843, %mul3A_844 : i32
      %add3A_846 = arith.addi %mul3A_0, %mul3A_845 : i32
      %dma_wait3A_847 = arith.constant 1 : i32
      %dma_wait3A_848 = arith.constant 1 : i32
      %dma_wait3A_849 = arith.constant 0 : i32
      %dma_wait3A_850 = arith.constant 0 : i32
      %dma_wait3A_851 = tpu.memref_slice %arg8[%dma_wait3A_847, %dma_wait3A_849, %dma_wait3A_850] : memref<4x4x128xi32, #tpu.memory_space<vmem>> -> memref<1x4x128xi32, #tpu.memory_space<vmem>>
      %dma_wait3A_852 = tpu.memref_squeeze %dma_wait3A_851 : memref<1x4x128xi32, #tpu.memory_space<vmem>> -> memref<4x128xi32, #tpu.memory_space<vmem>>
      %dma_wait3A_853 = arith.constant 0 : i32
      %dma_wait3A_854 = arith.constant 0 : i32
      %dma_wait3A_855 = tpu.memref_slice %arg3[%arg0, %dma_wait3A_853, %dma_wait3A_854] : memref<2x6668x128xi32, #tpu.memory_space<hbm>> -> memref<1x6668x128xi32, #tpu.memory_space<hbm>>
      %dma_wait3A_856 = tpu.memref_squeeze %dma_wait3A_855 : memref<1x6668x128xi32, #tpu.memory_space<hbm>> -> memref<6668x128xi32, #tpu.memory_space<hbm>>
      %dma_wait3A_857 = arith.constant 0 : i32
      %dma_wait3A_858 = tpu.memref_slice %dma_wait3A_856[%add3A_846, %dma_wait3A_857] : memref<6668x128xi32, #tpu.memory_space<hbm>> -> memref<4x128xi32, #tpu.memory_space<hbm>>
      %dma_wait3A_859 = tpu.memref_slice %arg11[%dma_wait3A_848] : memref<4x!tpu.dma_semaphore, #tpu.memory_space<semaphore_mem>> -> memref<1x!tpu.dma_semaphore, #tpu.memory_space<semaphore_mem>>
      %dma_wait3A_860 = tpu.memref_squeeze %dma_wait3A_859 : memref<1x!tpu.dma_semaphore, #tpu.memory_space<semaphore_mem>> -> memref<!tpu.dma_semaphore, #tpu.memory_space<semaphore_mem>>
      %dma_wait3A_861 = arith.constant 0 : i32
      %dma_wait3A_862 = arith.constant 0 : i32
      %dma_wait3A_863 = tpu.memref_slice %arg8[%dma_wait3A_847, %dma_wait3A_861, %dma_wait3A_862] : memref<4x4x128xi32, #tpu.memory_space<vmem>> -> memref<1x4x128xi32, #tpu.memory_space<vmem>>
      %dma_wait3A_864 = tpu.memref_squeeze %dma_wait3A_863 : memref<1x4x128xi32, #tpu.memory_space<vmem>> -> memref<4x128xi32, #tpu.memory_space<vmem>>
      %dma_wait3A_865 = arith.constant 0 : i32
      %dma_wait3A_866 = arith.constant 0 : i32
      %dma_wait3A_867 = tpu.memref_slice %arg3[%arg0, %dma_wait3A_865, %dma_wait3A_866] : memref<2x6668x128xi32, #tpu.memory_space<hbm>> -> memref<1x6668x128xi32, #tpu.memory_space<hbm>>
      %dma_wait3A_868 = tpu.memref_squeeze %dma_wait3A_867 : memref<1x6668x128xi32, #tpu.memory_space<hbm>> -> memref<6668x128xi32, #tpu.memory_space<hbm>>
      %dma_wait3A_869 = arith.constant 0 : i32
      %dma_wait3A_870 = tpu.memref_slice %dma_wait3A_868[%add3A_846, %dma_wait3A_869] : memref<6668x128xi32, #tpu.memory_space<hbm>> -> memref<4x128xi32, #tpu.memory_space<hbm>>
      tpu.wait_dma2 semaphore(%dma_wait3A_860 : memref<!tpu.dma_semaphore, #tpu.memory_space<semaphore_mem>>) src(%dma_wait3A_870 : memref<4x128xi32, #tpu.memory_space<hbm>>) dst(%dma_wait3A_864 : memref<4x128xi32, #tpu.memory_space<vmem>>)
      %dma_wait3A_871 = arith.constant 1 : i32
      %dma_wait3A_872 = arith.constant 1 : i32
      %dma_wait3A_873 = arith.constant 0 : i32
      %dma_wait3A_874 = arith.constant 0 : i32
      %dma_wait3A_875 = tpu.memref_slice %arg9[%dma_wait3A_871, %dma_wait3A_873, %dma_wait3A_874] : memref<4x4x128xi32, #tpu.memory_space<vmem>> -> memref<1x4x128xi32, #tpu.memory_space<vmem>>
      %dma_wait3A_876 = tpu.memref_squeeze %dma_wait3A_875 : memref<1x4x128xi32, #tpu.memory_space<vmem>> -> memref<4x128xi32, #tpu.memory_space<vmem>>
      %dma_wait3A_877 = arith.constant 0 : i32
      %dma_wait3A_878 = arith.constant 0 : i32
      %dma_wait3A_879 = tpu.memref_slice %arg4[%arg0, %dma_wait3A_877, %dma_wait3A_878] : memref<2x6668x128xi32, #tpu.memory_space<hbm>> -> memref<1x6668x128xi32, #tpu.memory_space<hbm>>
      %dma_wait3A_880 = tpu.memref_squeeze %dma_wait3A_879 : memref<1x6668x128xi32, #tpu.memory_space<hbm>> -> memref<6668x128xi32, #tpu.memory_space<hbm>>
      %dma_wait3A_881 = arith.constant 0 : i32
      %dma_wait3A_882 = tpu.memref_slice %dma_wait3A_880[%add3A_846, %dma_wait3A_881] : memref<6668x128xi32, #tpu.memory_space<hbm>> -> memref<4x128xi32, #tpu.memory_space<hbm>>
      %dma_wait3A_883 = tpu.memref_slice %arg11[%dma_wait3A_872] : memref<4x!tpu.dma_semaphore, #tpu.memory_space<semaphore_mem>> -> memref<1x!tpu.dma_semaphore, #tpu.memory_space<semaphore_mem>>
      %dma_wait3A_884 = tpu.memref_squeeze %dma_wait3A_883 : memref<1x!tpu.dma_semaphore, #tpu.memory_space<semaphore_mem>> -> memref<!tpu.dma_semaphore, #tpu.memory_space<semaphore_mem>>
      %dma_wait3A_885 = arith.constant 0 : i32
      %dma_wait3A_886 = arith.constant 0 : i32
      %dma_wait3A_887 = tpu.memref_slice %arg9[%dma_wait3A_871, %dma_wait3A_885, %dma_wait3A_886] : memref<4x4x128xi32, #tpu.memory_space<vmem>> -> memref<1x4x128xi32, #tpu.memory_space<vmem>>
      %dma_wait3A_888 = tpu.memref_squeeze %dma_wait3A_887 : memref<1x4x128xi32, #tpu.memory_space<vmem>> -> memref<4x128xi32, #tpu.memory_space<vmem>>
      %dma_wait3A_889 = arith.constant 0 : i32
      %dma_wait3A_890 = arith.constant 0 : i32
      %dma_wait3A_891 = tpu.memref_slice %arg4[%arg0, %dma_wait3A_889, %dma_wait3A_890] : memref<2x6668x128xi32, #tpu.memory_space<hbm>> -> memref<1x6668x128xi32, #tpu.memory_space<hbm>>
      %dma_wait3A_892 = tpu.memref_squeeze %dma_wait3A_891 : memref<1x6668x128xi32, #tpu.memory_space<hbm>> -> memref<6668x128xi32, #tpu.memory_space<hbm>>
      %dma_wait3A_893 = arith.constant 0 : i32
      %dma_wait3A_894 = tpu.memref_slice %dma_wait3A_892[%add3A_846, %dma_wait3A_893] : memref<6668x128xi32, #tpu.memory_space<hbm>> -> memref<4x128xi32, #tpu.memory_space<hbm>>
      tpu.wait_dma2 semaphore(%dma_wait3A_884 : memref<!tpu.dma_semaphore, #tpu.memory_space<semaphore_mem>>) src(%dma_wait3A_894 : memref<4x128xi32, #tpu.memory_space<hbm>>) dst(%dma_wait3A_888 : memref<4x128xi32, #tpu.memory_space<vmem>>)
      %gt3A = arith.constant 0 : i32
      %gt3A_895 = arith.cmpi sgt, %add3A_639, %gt3A : i32
      %convert_element_type3A = arith.extui %gt3A_895 : i1 to i32
      %cond3A = arith.constant 0 : i32
      %cond3A_896 = arith.cmpi ne, %convert_element_type3A, %cond3A : i32
      scf.if %cond3A_896 {
        %dma_wait3A_2578 = arith.constant 1 : i32
        %dma_wait3A_2579 = arith.constant 3 : i32
        %dma_wait3A_2580 = arith.constant 0 : i32
        %dma_wait3A_2581 = arith.constant 1 : i32
        %dma_wait3A_2582 = arith.constant 0 : i32
        %dma_wait3A_2583 = arith.constant 0 : i32
        %dma_wait3A_2584 = tpu.memref_slice %arg10[%dma_wait3A_2578, %dma_wait3A_2582, %dma_wait3A_2583] : memref<2x512x16xf32, #tpu.memory_space<vmem>> -> memref<1x512x16xf32, #tpu.memory_space<vmem>>
        %dma_wait3A_2585 = tpu.memref_squeeze %dma_wait3A_2584 : memref<1x512x16xf32, #tpu.memory_space<vmem>> -> memref<512x16xf32, #tpu.memory_space<vmem>>
        %dma_wait3A_2586 = arith.constant 0 : i32
        %dma_wait3A_2587 = arith.constant 0 : i32
        %dma_wait3A_2588 = tpu.memref_slice %dma_wait3A_2585[%dma_wait3A_2586, %dma_wait3A_2587] : memref<512x16xf32, #tpu.memory_space<vmem>> -> memref<128x16xf32, #tpu.memory_space<vmem>>
        %dma_wait3A_2589 = arith.constant 0 : i32
        %dma_wait3A_2590 = arith.constant 0 : i32
        %dma_wait3A_2591 = tpu.memref_slice %arg9[%dma_wait3A_2579, %dma_wait3A_2589, %dma_wait3A_2590] : memref<4x4x128xi32, #tpu.memory_space<vmem>> -> memref<1x4x128xi32, #tpu.memory_space<vmem>>
        %dma_wait3A_2592 = tpu.memref_squeeze %dma_wait3A_2591 : memref<1x4x128xi32, #tpu.memory_space<vmem>> -> memref<4x128xi32, #tpu.memory_space<vmem>>
        %dma_wait3A_2593 = arith.constant 0 : i32
        %dma_wait3A_2594 = tpu.memref_slice %dma_wait3A_2592[%dma_wait3A_2580, %dma_wait3A_2593] : memref<4x128xi32, #tpu.memory_space<vmem>> -> memref<1x128xi32, #tpu.memory_space<vmem>>
        %dma_wait3A_2595 = tpu.memref_squeeze %dma_wait3A_2594 : memref<1x128xi32, #tpu.memory_space<vmem>> -> memref<128xi32, #tpu.memory_space<vmem>>
        %dma_wait3A_2596 = arith.constant 0 : i32
        %dma_wait3A_2597 = arith.constant 0 : i32
        %dma_wait3A_2598 = tpu.memref_slice %arg6[%dma_wait3A_2596, %dma_wait3A_2597] : memref<51200x16xf32, #tpu.memory_space<vmem_shared>> -> memref<51200x16xf32, #tpu.memory_space<vmem_shared>>
        %dma_wait3A_2599 = tpu.memref_slice %arg13[%dma_wait3A_2581] : memref<2x!tpu.dma_semaphore, #tpu.memory_space<semaphore_mem>> -> memref<1x!tpu.dma_semaphore, #tpu.memory_space<semaphore_mem>>
        %dma_wait3A_2600 = tpu.memref_squeeze %dma_wait3A_2599 : memref<1x!tpu.dma_semaphore, #tpu.memory_space<semaphore_mem>> -> memref<!tpu.dma_semaphore, #tpu.memory_space<semaphore_mem>>
        tpu.wait_indirect_dma semaphore(%dma_wait3A_2600 : memref<!tpu.dma_semaphore, #tpu.memory_space<semaphore_mem>>) src(%dma_wait3A_2588 : memref<128x16xf32, #tpu.memory_space<vmem>>) dst(%dma_wait3A_2598 : memref<51200x16xf32, #tpu.memory_space<vmem_shared>>)
        %dma_wait3A_2601 = arith.constant 1 : i32
        %dma_wait3A_2602 = arith.constant 3 : i32
        %dma_wait3A_2603 = arith.constant 1 : i32
        %dma_wait3A_2604 = arith.constant 1 : i32
        %dma_wait3A_2605 = arith.constant 0 : i32
        %dma_wait3A_2606 = arith.constant 0 : i32
        %dma_wait3A_2607 = tpu.memref_slice %arg10[%dma_wait3A_2601, %dma_wait3A_2605, %dma_wait3A_2606] : memref<2x512x16xf32, #tpu.memory_space<vmem>> -> memref<1x512x16xf32, #tpu.memory_space<vmem>>
        %dma_wait3A_2608 = tpu.memref_squeeze %dma_wait3A_2607 : memref<1x512x16xf32, #tpu.memory_space<vmem>> -> memref<512x16xf32, #tpu.memory_space<vmem>>
        %dma_wait3A_2609 = arith.constant 128 : i32
        %dma_wait3A_2610 = arith.constant 0 : i32
        %dma_wait3A_2611 = tpu.memref_slice %dma_wait3A_2608[%dma_wait3A_2609, %dma_wait3A_2610] : memref<512x16xf32, #tpu.memory_space<vmem>> -> memref<128x16xf32, #tpu.memory_space<vmem>>
        %dma_wait3A_2612 = arith.constant 0 : i32
        %dma_wait3A_2613 = arith.constant 0 : i32
        %dma_wait3A_2614 = tpu.memref_slice %arg9[%dma_wait3A_2602, %dma_wait3A_2612, %dma_wait3A_2613] : memref<4x4x128xi32, #tpu.memory_space<vmem>> -> memref<1x4x128xi32, #tpu.memory_space<vmem>>
        %dma_wait3A_2615 = tpu.memref_squeeze %dma_wait3A_2614 : memref<1x4x128xi32, #tpu.memory_space<vmem>> -> memref<4x128xi32, #tpu.memory_space<vmem>>
        %dma_wait3A_2616 = arith.constant 0 : i32
        %dma_wait3A_2617 = tpu.memref_slice %dma_wait3A_2615[%dma_wait3A_2603, %dma_wait3A_2616] : memref<4x128xi32, #tpu.memory_space<vmem>> -> memref<1x128xi32, #tpu.memory_space<vmem>>
        %dma_wait3A_2618 = tpu.memref_squeeze %dma_wait3A_2617 : memref<1x128xi32, #tpu.memory_space<vmem>> -> memref<128xi32, #tpu.memory_space<vmem>>
        %dma_wait3A_2619 = arith.constant 0 : i32
        %dma_wait3A_2620 = arith.constant 0 : i32
        %dma_wait3A_2621 = tpu.memref_slice %arg6[%dma_wait3A_2619, %dma_wait3A_2620] : memref<51200x16xf32, #tpu.memory_space<vmem_shared>> -> memref<51200x16xf32, #tpu.memory_space<vmem_shared>>
        %dma_wait3A_2622 = tpu.memref_slice %arg13[%dma_wait3A_2604] : memref<2x!tpu.dma_semaphore, #tpu.memory_space<semaphore_mem>> -> memref<1x!tpu.dma_semaphore, #tpu.memory_space<semaphore_mem>>
        %dma_wait3A_2623 = tpu.memref_squeeze %dma_wait3A_2622 : memref<1x!tpu.dma_semaphore, #tpu.memory_space<semaphore_mem>> -> memref<!tpu.dma_semaphore, #tpu.memory_space<semaphore_mem>>
        tpu.wait_indirect_dma semaphore(%dma_wait3A_2623 : memref<!tpu.dma_semaphore, #tpu.memory_space<semaphore_mem>>) src(%dma_wait3A_2611 : memref<128x16xf32, #tpu.memory_space<vmem>>) dst(%dma_wait3A_2621 : memref<51200x16xf32, #tpu.memory_space<vmem_shared>>)
        %dma_wait3A_2624 = arith.constant 1 : i32
        %dma_wait3A_2625 = arith.constant 3 : i32
        %dma_wait3A_2626 = arith.constant 2 : i32
        %dma_wait3A_2627 = arith.constant 1 : i32
        %dma_wait3A_2628 = arith.constant 0 : i32
        %dma_wait3A_2629 = arith.constant 0 : i32
        %dma_wait3A_2630 = tpu.memref_slice %arg10[%dma_wait3A_2624, %dma_wait3A_2628, %dma_wait3A_2629] : memref<2x512x16xf32, #tpu.memory_space<vmem>> -> memref<1x512x16xf32, #tpu.memory_space<vmem>>
        %dma_wait3A_2631 = tpu.memref_squeeze %dma_wait3A_2630 : memref<1x512x16xf32, #tpu.memory_space<vmem>> -> memref<512x16xf32, #tpu.memory_space<vmem>>
        %dma_wait3A_2632 = arith.constant 256 : i32
        %dma_wait3A_2633 = arith.constant 0 : i32
        %dma_wait3A_2634 = tpu.memref_slice %dma_wait3A_2631[%dma_wait3A_2632, %dma_wait3A_2633] : memref<512x16xf32, #tpu.memory_space<vmem>> -> memref<128x16xf32, #tpu.memory_space<vmem>>
        %dma_wait3A_2635 = arith.constant 0 : i32
        %dma_wait3A_2636 = arith.constant 0 : i32
        %dma_wait3A_2637 = tpu.memref_slice %arg9[%dma_wait3A_2625, %dma_wait3A_2635, %dma_wait3A_2636] : memref<4x4x128xi32, #tpu.memory_space<vmem>> -> memref<1x4x128xi32, #tpu.memory_space<vmem>>
        %dma_wait3A_2638 = tpu.memref_squeeze %dma_wait3A_2637 : memref<1x4x128xi32, #tpu.memory_space<vmem>> -> memref<4x128xi32, #tpu.memory_space<vmem>>
        %dma_wait3A_2639 = arith.constant 0 : i32
        %dma_wait3A_2640 = tpu.memref_slice %dma_wait3A_2638[%dma_wait3A_2626, %dma_wait3A_2639] : memref<4x128xi32, #tpu.memory_space<vmem>> -> memref<1x128xi32, #tpu.memory_space<vmem>>
        %dma_wait3A_2641 = tpu.memref_squeeze %dma_wait3A_2640 : memref<1x128xi32, #tpu.memory_space<vmem>> -> memref<128xi32, #tpu.memory_space<vmem>>
        %dma_wait3A_2642 = arith.constant 0 : i32
        %dma_wait3A_2643 = arith.constant 0 : i32
        %dma_wait3A_2644 = tpu.memref_slice %arg6[%dma_wait3A_2642, %dma_wait3A_2643] : memref<51200x16xf32, #tpu.memory_space<vmem_shared>> -> memref<51200x16xf32, #tpu.memory_space<vmem_shared>>
        %dma_wait3A_2645 = tpu.memref_slice %arg13[%dma_wait3A_2627] : memref<2x!tpu.dma_semaphore, #tpu.memory_space<semaphore_mem>> -> memref<1x!tpu.dma_semaphore, #tpu.memory_space<semaphore_mem>>
        %dma_wait3A_2646 = tpu.memref_squeeze %dma_wait3A_2645 : memref<1x!tpu.dma_semaphore, #tpu.memory_space<semaphore_mem>> -> memref<!tpu.dma_semaphore, #tpu.memory_space<semaphore_mem>>
        tpu.wait_indirect_dma semaphore(%dma_wait3A_2646 : memref<!tpu.dma_semaphore, #tpu.memory_space<semaphore_mem>>) src(%dma_wait3A_2634 : memref<128x16xf32, #tpu.memory_space<vmem>>) dst(%dma_wait3A_2644 : memref<51200x16xf32, #tpu.memory_space<vmem_shared>>)
        %dma_wait3A_2647 = arith.constant 1 : i32
        %dma_wait3A_2648 = arith.constant 3 : i32
        %dma_wait3A_2649 = arith.constant 3 : i32
        %dma_wait3A_2650 = arith.constant 1 : i32
        %dma_wait3A_2651 = arith.constant 0 : i32
        %dma_wait3A_2652 = arith.constant 0 : i32
        %dma_wait3A_2653 = tpu.memref_slice %arg10[%dma_wait3A_2647, %dma_wait3A_2651, %dma_wait3A_2652] : memref<2x512x16xf32, #tpu.memory_space<vmem>> -> memref<1x512x16xf32, #tpu.memory_space<vmem>>
        %dma_wait3A_2654 = tpu.memref_squeeze %dma_wait3A_2653 : memref<1x512x16xf32, #tpu.memory_space<vmem>> -> memref<512x16xf32, #tpu.memory_space<vmem>>
        %dma_wait3A_2655 = arith.constant 384 : i32
        %dma_wait3A_2656 = arith.constant 0 : i32
        %dma_wait3A_2657 = tpu.memref_slice %dma_wait3A_2654[%dma_wait3A_2655, %dma_wait3A_2656] : memref<512x16xf32, #tpu.memory_space<vmem>> -> memref<128x16xf32, #tpu.memory_space<vmem>>
        %dma_wait3A_2658 = arith.constant 0 : i32
        %dma_wait3A_2659 = arith.constant 0 : i32
        %dma_wait3A_2660 = tpu.memref_slice %arg9[%dma_wait3A_2648, %dma_wait3A_2658, %dma_wait3A_2659] : memref<4x4x128xi32, #tpu.memory_space<vmem>> -> memref<1x4x128xi32, #tpu.memory_space<vmem>>
        %dma_wait3A_2661 = tpu.memref_squeeze %dma_wait3A_2660 : memref<1x4x128xi32, #tpu.memory_space<vmem>> -> memref<4x128xi32, #tpu.memory_space<vmem>>
        %dma_wait3A_2662 = arith.constant 0 : i32
        %dma_wait3A_2663 = tpu.memref_slice %dma_wait3A_2661[%dma_wait3A_2649, %dma_wait3A_2662] : memref<4x128xi32, #tpu.memory_space<vmem>> -> memref<1x128xi32, #tpu.memory_space<vmem>>
        %dma_wait3A_2664 = tpu.memref_squeeze %dma_wait3A_2663 : memref<1x128xi32, #tpu.memory_space<vmem>> -> memref<128xi32, #tpu.memory_space<vmem>>
        %dma_wait3A_2665 = arith.constant 0 : i32
        %dma_wait3A_2666 = arith.constant 0 : i32
        %dma_wait3A_2667 = tpu.memref_slice %arg6[%dma_wait3A_2665, %dma_wait3A_2666] : memref<51200x16xf32, #tpu.memory_space<vmem_shared>> -> memref<51200x16xf32, #tpu.memory_space<vmem_shared>>
        %dma_wait3A_2668 = tpu.memref_slice %arg13[%dma_wait3A_2650] : memref<2x!tpu.dma_semaphore, #tpu.memory_space<semaphore_mem>> -> memref<1x!tpu.dma_semaphore, #tpu.memory_space<semaphore_mem>>
        %dma_wait3A_2669 = tpu.memref_squeeze %dma_wait3A_2668 : memref<1x!tpu.dma_semaphore, #tpu.memory_space<semaphore_mem>> -> memref<!tpu.dma_semaphore, #tpu.memory_space<semaphore_mem>>
        tpu.wait_indirect_dma semaphore(%dma_wait3A_2669 : memref<!tpu.dma_semaphore, #tpu.memory_space<semaphore_mem>>) src(%dma_wait3A_2657 : memref<128x16xf32, #tpu.memory_space<vmem>>) dst(%dma_wait3A_2667 : memref<51200x16xf32, #tpu.memory_space<vmem_shared>>)
      } else {
      }
      %dma_start3A_897 = arith.constant 1 : i32
      %dma_start3A_898 = arith.constant 0 : i32
      %dma_start3A_899 = arith.constant 1 : i32
      %dma_start3A_900 = arith.constant 1 : i32
      %dma_start3A_901 = arith.constant 0 : i32
      %dma_start3A_902 = arith.constant 0 : i32
      %dma_start3A_903 = tpu.memref_slice %arg10[%dma_start3A_899, %dma_start3A_901, %dma_start3A_902] : memref<2x512x16xf32, #tpu.memory_space<vmem>> -> memref<1x512x16xf32, #tpu.memory_space<vmem>>
      %dma_start3A_904 = tpu.memref_squeeze %dma_start3A_903 : memref<1x512x16xf32, #tpu.memory_space<vmem>> -> memref<512x16xf32, #tpu.memory_space<vmem>>
      %dma_start3A_905 = arith.constant 0 : i32
      %dma_start3A_906 = arith.constant 0 : i32
      %dma_start3A_907 = tpu.memref_slice %dma_start3A_904[%dma_start3A_905, %dma_start3A_906] : memref<512x16xf32, #tpu.memory_space<vmem>> -> memref<128x16xf32, #tpu.memory_space<vmem>>
      %dma_start3A_908 = arith.constant 0 : i32
      %dma_start3A_909 = arith.constant 0 : i32
      %dma_start3A_910 = tpu.memref_slice %arg8[%dma_start3A_897, %dma_start3A_908, %dma_start3A_909] : memref<4x4x128xi32, #tpu.memory_space<vmem>> -> memref<1x4x128xi32, #tpu.memory_space<vmem>>
      %dma_start3A_911 = tpu.memref_squeeze %dma_start3A_910 : memref<1x4x128xi32, #tpu.memory_space<vmem>> -> memref<4x128xi32, #tpu.memory_space<vmem>>
      %dma_start3A_912 = arith.constant 0 : i32
      %dma_start3A_913 = tpu.memref_slice %dma_start3A_911[%dma_start3A_898, %dma_start3A_912] : memref<4x128xi32, #tpu.memory_space<vmem>> -> memref<1x128xi32, #tpu.memory_space<vmem>>
      %dma_start3A_914 = tpu.memref_squeeze %dma_start3A_913 : memref<1x128xi32, #tpu.memory_space<vmem>> -> memref<128xi32, #tpu.memory_space<vmem>>
      %dma_start3A_915 = arith.constant 0 : i32
      %dma_start3A_916 = arith.constant 0 : i32
      %dma_start3A_917 = tpu.memref_slice %arg2[%arg0, %dma_start3A_915, %dma_start3A_916] : memref<2x51200x16xf32, #tpu.memory_space<hbm>> -> memref<1x51200x16xf32, #tpu.memory_space<hbm>>
      %dma_start3A_918 = tpu.memref_squeeze %dma_start3A_917 : memref<1x51200x16xf32, #tpu.memory_space<hbm>> -> memref<51200x16xf32, #tpu.memory_space<hbm>>
      %dma_start3A_919 = arith.constant 0 : i32
      %dma_start3A_920 = arith.constant 0 : i32
      %dma_start3A_921 = tpu.memref_slice %dma_start3A_918[%dma_start3A_919, %dma_start3A_920] : memref<51200x16xf32, #tpu.memory_space<hbm>> -> memref<51200x16xf32, #tpu.memory_space<hbm>>
      %dma_start3A_922 = tpu.memref_slice %arg12[%dma_start3A_900] : memref<2x!tpu.dma_semaphore, #tpu.memory_space<semaphore_mem>> -> memref<1x!tpu.dma_semaphore, #tpu.memory_space<semaphore_mem>>
      %dma_start3A_923 = tpu.memref_squeeze %dma_start3A_922 : memref<1x!tpu.dma_semaphore, #tpu.memory_space<semaphore_mem>> -> memref<!tpu.dma_semaphore, #tpu.memory_space<semaphore_mem>>
      tpu.enqueue_indirect_dma source(%dma_start3A_921 : memref<51200x16xf32, #tpu.memory_space<hbm>>) target(%dma_start3A_907 : memref<128x16xf32, #tpu.memory_space<vmem>>) offsets(%dma_start3A_914 : memref<128xi32, #tpu.memory_space<vmem>>) semaphore(%dma_start3A_923 : memref<!tpu.dma_semaphore, #tpu.memory_space<semaphore_mem>>)
      %dma_start3A_924 = arith.constant 1 : i32
      %dma_start3A_925 = arith.constant 1 : i32
      %dma_start3A_926 = arith.constant 1 : i32
      %dma_start3A_927 = arith.constant 1 : i32
      %dma_start3A_928 = arith.constant 0 : i32
      %dma_start3A_929 = arith.constant 0 : i32
      %dma_start3A_930 = tpu.memref_slice %arg10[%dma_start3A_926, %dma_start3A_928, %dma_start3A_929] : memref<2x512x16xf32, #tpu.memory_space<vmem>> -> memref<1x512x16xf32, #tpu.memory_space<vmem>>
      %dma_start3A_931 = tpu.memref_squeeze %dma_start3A_930 : memref<1x512x16xf32, #tpu.memory_space<vmem>> -> memref<512x16xf32, #tpu.memory_space<vmem>>
      %dma_start3A_932 = arith.constant 128 : i32
      %dma_start3A_933 = arith.constant 0 : i32
      %dma_start3A_934 = tpu.memref_slice %dma_start3A_931[%dma_start3A_932, %dma_start3A_933] : memref<512x16xf32, #tpu.memory_space<vmem>> -> memref<128x16xf32, #tpu.memory_space<vmem>>
      %dma_start3A_935 = arith.constant 0 : i32
      %dma_start3A_936 = arith.constant 0 : i32
      %dma_start3A_937 = tpu.memref_slice %arg8[%dma_start3A_924, %dma_start3A_935, %dma_start3A_936] : memref<4x4x128xi32, #tpu.memory_space<vmem>> -> memref<1x4x128xi32, #tpu.memory_space<vmem>>
      %dma_start3A_938 = tpu.memref_squeeze %dma_start3A_937 : memref<1x4x128xi32, #tpu.memory_space<vmem>> -> memref<4x128xi32, #tpu.memory_space<vmem>>
      %dma_start3A_939 = arith.constant 0 : i32
      %dma_start3A_940 = tpu.memref_slice %dma_start3A_938[%dma_start3A_925, %dma_start3A_939] : memref<4x128xi32, #tpu.memory_space<vmem>> -> memref<1x128xi32, #tpu.memory_space<vmem>>
      %dma_start3A_941 = tpu.memref_squeeze %dma_start3A_940 : memref<1x128xi32, #tpu.memory_space<vmem>> -> memref<128xi32, #tpu.memory_space<vmem>>
      %dma_start3A_942 = arith.constant 0 : i32
      %dma_start3A_943 = arith.constant 0 : i32
      %dma_start3A_944 = tpu.memref_slice %arg2[%arg0, %dma_start3A_942, %dma_start3A_943] : memref<2x51200x16xf32, #tpu.memory_space<hbm>> -> memref<1x51200x16xf32, #tpu.memory_space<hbm>>
      %dma_start3A_945 = tpu.memref_squeeze %dma_start3A_944 : memref<1x51200x16xf32, #tpu.memory_space<hbm>> -> memref<51200x16xf32, #tpu.memory_space<hbm>>
      %dma_start3A_946 = arith.constant 0 : i32
      %dma_start3A_947 = arith.constant 0 : i32
      %dma_start3A_948 = tpu.memref_slice %dma_start3A_945[%dma_start3A_946, %dma_start3A_947] : memref<51200x16xf32, #tpu.memory_space<hbm>> -> memref<51200x16xf32, #tpu.memory_space<hbm>>
      %dma_start3A_949 = tpu.memref_slice %arg12[%dma_start3A_927] : memref<2x!tpu.dma_semaphore, #tpu.memory_space<semaphore_mem>> -> memref<1x!tpu.dma_semaphore, #tpu.memory_space<semaphore_mem>>
      %dma_start3A_950 = tpu.memref_squeeze %dma_start3A_949 : memref<1x!tpu.dma_semaphore, #tpu.memory_space<semaphore_mem>> -> memref<!tpu.dma_semaphore, #tpu.memory_space<semaphore_mem>>
      tpu.enqueue_indirect_dma source(%dma_start3A_948 : memref<51200x16xf32, #tpu.memory_space<hbm>>) target(%dma_start3A_934 : memref<128x16xf32, #tpu.memory_space<vmem>>) offsets(%dma_start3A_941 : memref<128xi32, #tpu.memory_space<vmem>>) semaphore(%dma_start3A_950 : memref<!tpu.dma_semaphore, #tpu.memory_space<semaphore_mem>>)
      %dma_start3A_951 = arith.constant 1 : i32
      %dma_start3A_952 = arith.constant 2 : i32
      %dma_start3A_953 = arith.constant 1 : i32
      %dma_start3A_954 = arith.constant 1 : i32
      %dma_start3A_955 = arith.constant 0 : i32
      %dma_start3A_956 = arith.constant 0 : i32
      %dma_start3A_957 = tpu.memref_slice %arg10[%dma_start3A_953, %dma_start3A_955, %dma_start3A_956] : memref<2x512x16xf32, #tpu.memory_space<vmem>> -> memref<1x512x16xf32, #tpu.memory_space<vmem>>
      %dma_start3A_958 = tpu.memref_squeeze %dma_start3A_957 : memref<1x512x16xf32, #tpu.memory_space<vmem>> -> memref<512x16xf32, #tpu.memory_space<vmem>>
      %dma_start3A_959 = arith.constant 256 : i32
      %dma_start3A_960 = arith.constant 0 : i32
      %dma_start3A_961 = tpu.memref_slice %dma_start3A_958[%dma_start3A_959, %dma_start3A_960] : memref<512x16xf32, #tpu.memory_space<vmem>> -> memref<128x16xf32, #tpu.memory_space<vmem>>
      %dma_start3A_962 = arith.constant 0 : i32
      %dma_start3A_963 = arith.constant 0 : i32
      %dma_start3A_964 = tpu.memref_slice %arg8[%dma_start3A_951, %dma_start3A_962, %dma_start3A_963] : memref<4x4x128xi32, #tpu.memory_space<vmem>> -> memref<1x4x128xi32, #tpu.memory_space<vmem>>
      %dma_start3A_965 = tpu.memref_squeeze %dma_start3A_964 : memref<1x4x128xi32, #tpu.memory_space<vmem>> -> memref<4x128xi32, #tpu.memory_space<vmem>>
      %dma_start3A_966 = arith.constant 0 : i32
      %dma_start3A_967 = tpu.memref_slice %dma_start3A_965[%dma_start3A_952, %dma_start3A_966] : memref<4x128xi32, #tpu.memory_space<vmem>> -> memref<1x128xi32, #tpu.memory_space<vmem>>
      %dma_start3A_968 = tpu.memref_squeeze %dma_start3A_967 : memref<1x128xi32, #tpu.memory_space<vmem>> -> memref<128xi32, #tpu.memory_space<vmem>>
      %dma_start3A_969 = arith.constant 0 : i32
      %dma_start3A_970 = arith.constant 0 : i32
      %dma_start3A_971 = tpu.memref_slice %arg2[%arg0, %dma_start3A_969, %dma_start3A_970] : memref<2x51200x16xf32, #tpu.memory_space<hbm>> -> memref<1x51200x16xf32, #tpu.memory_space<hbm>>
      %dma_start3A_972 = tpu.memref_squeeze %dma_start3A_971 : memref<1x51200x16xf32, #tpu.memory_space<hbm>> -> memref<51200x16xf32, #tpu.memory_space<hbm>>
      %dma_start3A_973 = arith.constant 0 : i32
      %dma_start3A_974 = arith.constant 0 : i32
      %dma_start3A_975 = tpu.memref_slice %dma_start3A_972[%dma_start3A_973, %dma_start3A_974] : memref<51200x16xf32, #tpu.memory_space<hbm>> -> memref<51200x16xf32, #tpu.memory_space<hbm>>
      %dma_start3A_976 = tpu.memref_slice %arg12[%dma_start3A_954] : memref<2x!tpu.dma_semaphore, #tpu.memory_space<semaphore_mem>> -> memref<1x!tpu.dma_semaphore, #tpu.memory_space<semaphore_mem>>
      %dma_start3A_977 = tpu.memref_squeeze %dma_start3A_976 : memref<1x!tpu.dma_semaphore, #tpu.memory_space<semaphore_mem>> -> memref<!tpu.dma_semaphore, #tpu.memory_space<semaphore_mem>>
      tpu.enqueue_indirect_dma source(%dma_start3A_975 : memref<51200x16xf32, #tpu.memory_space<hbm>>) target(%dma_start3A_961 : memref<128x16xf32, #tpu.memory_space<vmem>>) offsets(%dma_start3A_968 : memref<128xi32, #tpu.memory_space<vmem>>) semaphore(%dma_start3A_977 : memref<!tpu.dma_semaphore, #tpu.memory_space<semaphore_mem>>)
      %dma_start3A_978 = arith.constant 1 : i32
      %dma_start3A_979 = arith.constant 3 : i32
      %dma_start3A_980 = arith.constant 1 : i32
      %dma_start3A_981 = arith.constant 1 : i32
      %dma_start3A_982 = arith.constant 0 : i32
      %dma_start3A_983 = arith.constant 0 : i32
      %dma_start3A_984 = tpu.memref_slice %arg10[%dma_start3A_980, %dma_start3A_982, %dma_start3A_983] : memref<2x512x16xf32, #tpu.memory_space<vmem>> -> memref<1x512x16xf32, #tpu.memory_space<vmem>>
      %dma_start3A_985 = tpu.memref_squeeze %dma_start3A_984 : memref<1x512x16xf32, #tpu.memory_space<vmem>> -> memref<512x16xf32, #tpu.memory_space<vmem>>
      %dma_start3A_986 = arith.constant 384 : i32
      %dma_start3A_987 = arith.constant 0 : i32
      %dma_start3A_988 = tpu.memref_slice %dma_start3A_985[%dma_start3A_986, %dma_start3A_987] : memref<512x16xf32, #tpu.memory_space<vmem>> -> memref<128x16xf32, #tpu.memory_space<vmem>>
      %dma_start3A_989 = arith.constant 0 : i32
      %dma_start3A_990 = arith.constant 0 : i32
      %dma_start3A_991 = tpu.memref_slice %arg8[%dma_start3A_978, %dma_start3A_989, %dma_start3A_990] : memref<4x4x128xi32, #tpu.memory_space<vmem>> -> memref<1x4x128xi32, #tpu.memory_space<vmem>>
      %dma_start3A_992 = tpu.memref_squeeze %dma_start3A_991 : memref<1x4x128xi32, #tpu.memory_space<vmem>> -> memref<4x128xi32, #tpu.memory_space<vmem>>
      %dma_start3A_993 = arith.constant 0 : i32
      %dma_start3A_994 = tpu.memref_slice %dma_start3A_992[%dma_start3A_979, %dma_start3A_993] : memref<4x128xi32, #tpu.memory_space<vmem>> -> memref<1x128xi32, #tpu.memory_space<vmem>>
      %dma_start3A_995 = tpu.memref_squeeze %dma_start3A_994 : memref<1x128xi32, #tpu.memory_space<vmem>> -> memref<128xi32, #tpu.memory_space<vmem>>
      %dma_start3A_996 = arith.constant 0 : i32
      %dma_start3A_997 = arith.constant 0 : i32
      %dma_start3A_998 = tpu.memref_slice %arg2[%arg0, %dma_start3A_996, %dma_start3A_997] : memref<2x51200x16xf32, #tpu.memory_space<hbm>> -> memref<1x51200x16xf32, #tpu.memory_space<hbm>>
      %dma_start3A_999 = tpu.memref_squeeze %dma_start3A_998 : memref<1x51200x16xf32, #tpu.memory_space<hbm>> -> memref<51200x16xf32, #tpu.memory_space<hbm>>
      %dma_start3A_1000 = arith.constant 0 : i32
      %dma_start3A_1001 = arith.constant 0 : i32
      %dma_start3A_1002 = tpu.memref_slice %dma_start3A_999[%dma_start3A_1000, %dma_start3A_1001] : memref<51200x16xf32, #tpu.memory_space<hbm>> -> memref<51200x16xf32, #tpu.memory_space<hbm>>
      %dma_start3A_1003 = tpu.memref_slice %arg12[%dma_start3A_981] : memref<2x!tpu.dma_semaphore, #tpu.memory_space<semaphore_mem>> -> memref<1x!tpu.dma_semaphore, #tpu.memory_space<semaphore_mem>>
      %dma_start3A_1004 = tpu.memref_squeeze %dma_start3A_1003 : memref<1x!tpu.dma_semaphore, #tpu.memory_space<semaphore_mem>> -> memref<!tpu.dma_semaphore, #tpu.memory_space<semaphore_mem>>
      tpu.enqueue_indirect_dma source(%dma_start3A_1002 : memref<51200x16xf32, #tpu.memory_space<hbm>>) target(%dma_start3A_988 : memref<128x16xf32, #tpu.memory_space<vmem>>) offsets(%dma_start3A_995 : memref<128xi32, #tpu.memory_space<vmem>>) semaphore(%dma_start3A_1004 : memref<!tpu.dma_semaphore, #tpu.memory_space<semaphore_mem>>)
      %add3A_1005 = arith.constant 3 : i32
      %add3A_1006 = arith.addi %mul3A_641, %add3A_1005 : i32
      %mul3A_1007 = arith.constant 4 : i32
      %mul3A_1008 = arith.muli %add3A_1006, %mul3A_1007 : i32
      %add3A_1009 = arith.addi %mul3A_0, %mul3A_1008 : i32
      %dma_start3A_1010 = arith.constant 3 : i32
      %dma_start3A_1011 = arith.constant 3 : i32
      %dma_start3A_1012 = arith.constant 0 : i32
      %dma_start3A_1013 = arith.constant 0 : i32
      %dma_start3A_1014 = tpu.memref_slice %arg8[%dma_start3A_1010, %dma_start3A_1012, %dma_start3A_1013] : memref<4x4x128xi32, #tpu.memory_space<vmem>> -> memref<1x4x128xi32, #tpu.memory_space<vmem>>
      %dma_start3A_1015 = tpu.memref_squeeze %dma_start3A_1014 : memref<1x4x128xi32, #tpu.memory_space<vmem>> -> memref<4x128xi32, #tpu.memory_space<vmem>>
      %dma_start3A_1016 = arith.constant 0 : i32
      %dma_start3A_1017 = arith.constant 0 : i32
      %dma_start3A_1018 = tpu.memref_slice %arg3[%arg0, %dma_start3A_1016, %dma_start3A_1017] : memref<2x6668x128xi32, #tpu.memory_space<hbm>> -> memref<1x6668x128xi32, #tpu.memory_space<hbm>>
      %dma_start3A_1019 = tpu.memref_squeeze %dma_start3A_1018 : memref<1x6668x128xi32, #tpu.memory_space<hbm>> -> memref<6668x128xi32, #tpu.memory_space<hbm>>
      %dma_start3A_1020 = arith.constant 0 : i32
      %dma_start3A_1021 = tpu.memref_slice %dma_start3A_1019[%add3A_1009, %dma_start3A_1020] : memref<6668x128xi32, #tpu.memory_space<hbm>> -> memref<4x128xi32, #tpu.memory_space<hbm>>
      %dma_start3A_1022 = tpu.memref_slice %arg11[%dma_start3A_1011] : memref<4x!tpu.dma_semaphore, #tpu.memory_space<semaphore_mem>> -> memref<1x!tpu.dma_semaphore, #tpu.memory_space<semaphore_mem>>
      %dma_start3A_1023 = tpu.memref_squeeze %dma_start3A_1022 : memref<1x!tpu.dma_semaphore, #tpu.memory_space<semaphore_mem>> -> memref<!tpu.dma_semaphore, #tpu.memory_space<semaphore_mem>>
      %dma_start3A_1024 = arith.constant 0 : i32
      %dma_start3A_1025 = arith.constant 0 : i32
      %dma_start3A_1026 = tpu.memref_slice %arg8[%dma_start3A_1010, %dma_start3A_1024, %dma_start3A_1025] : memref<4x4x128xi32, #tpu.memory_space<vmem>> -> memref<1x4x128xi32, #tpu.memory_space<vmem>>
      %dma_start3A_1027 = tpu.memref_squeeze %dma_start3A_1026 : memref<1x4x128xi32, #tpu.memory_space<vmem>> -> memref<4x128xi32, #tpu.memory_space<vmem>>
      %dma_start3A_1028 = arith.constant 0 : i32
      %dma_start3A_1029 = arith.constant 0 : i32
      %dma_start3A_1030 = tpu.memref_slice %arg3[%arg0, %dma_start3A_1028, %dma_start3A_1029] : memref<2x6668x128xi32, #tpu.memory_space<hbm>> -> memref<1x6668x128xi32, #tpu.memory_space<hbm>>
      %dma_start3A_1031 = tpu.memref_squeeze %dma_start3A_1030 : memref<1x6668x128xi32, #tpu.memory_space<hbm>> -> memref<6668x128xi32, #tpu.memory_space<hbm>>
      %dma_start3A_1032 = arith.constant 0 : i32
      %dma_start3A_1033 = tpu.memref_slice %dma_start3A_1031[%add3A_1009, %dma_start3A_1032] : memref<6668x128xi32, #tpu.memory_space<hbm>> -> memref<4x128xi32, #tpu.memory_space<hbm>>
      tpu.enqueue_dma source(%dma_start3A_1033 : memref<4x128xi32, #tpu.memory_space<hbm>>) target(%dma_start3A_1027 : memref<4x128xi32, #tpu.memory_space<vmem>>) target_semaphore(%dma_start3A_1023 : memref<!tpu.dma_semaphore, #tpu.memory_space<semaphore_mem>>)
      %dma_start3A_1034 = arith.constant 3 : i32
      %dma_start3A_1035 = arith.constant 3 : i32
      %dma_start3A_1036 = arith.constant 0 : i32
      %dma_start3A_1037 = arith.constant 0 : i32
      %dma_start3A_1038 = tpu.memref_slice %arg9[%dma_start3A_1034, %dma_start3A_1036, %dma_start3A_1037] : memref<4x4x128xi32, #tpu.memory_space<vmem>> -> memref<1x4x128xi32, #tpu.memory_space<vmem>>
      %dma_start3A_1039 = tpu.memref_squeeze %dma_start3A_1038 : memref<1x4x128xi32, #tpu.memory_space<vmem>> -> memref<4x128xi32, #tpu.memory_space<vmem>>
      %dma_start3A_1040 = arith.constant 0 : i32
      %dma_start3A_1041 = arith.constant 0 : i32
      %dma_start3A_1042 = tpu.memref_slice %arg4[%arg0, %dma_start3A_1040, %dma_start3A_1041] : memref<2x6668x128xi32, #tpu.memory_space<hbm>> -> memref<1x6668x128xi32, #tpu.memory_space<hbm>>
      %dma_start3A_1043 = tpu.memref_squeeze %dma_start3A_1042 : memref<1x6668x128xi32, #tpu.memory_space<hbm>> -> memref<6668x128xi32, #tpu.memory_space<hbm>>
      %dma_start3A_1044 = arith.constant 0 : i32
      %dma_start3A_1045 = tpu.memref_slice %dma_start3A_1043[%add3A_1009, %dma_start3A_1044] : memref<6668x128xi32, #tpu.memory_space<hbm>> -> memref<4x128xi32, #tpu.memory_space<hbm>>
      %dma_start3A_1046 = tpu.memref_slice %arg11[%dma_start3A_1035] : memref<4x!tpu.dma_semaphore, #tpu.memory_space<semaphore_mem>> -> memref<1x!tpu.dma_semaphore, #tpu.memory_space<semaphore_mem>>
      %dma_start3A_1047 = tpu.memref_squeeze %dma_start3A_1046 : memref<1x!tpu.dma_semaphore, #tpu.memory_space<semaphore_mem>> -> memref<!tpu.dma_semaphore, #tpu.memory_space<semaphore_mem>>
      %dma_start3A_1048 = arith.constant 0 : i32
      %dma_start3A_1049 = arith.constant 0 : i32
      %dma_start3A_1050 = tpu.memref_slice %arg9[%dma_start3A_1034, %dma_start3A_1048, %dma_start3A_1049] : memref<4x4x128xi32, #tpu.memory_space<vmem>> -> memref<1x4x128xi32, #tpu.memory_space<vmem>>
      %dma_start3A_1051 = tpu.memref_squeeze %dma_start3A_1050 : memref<1x4x128xi32, #tpu.memory_space<vmem>> -> memref<4x128xi32, #tpu.memory_space<vmem>>
      %dma_start3A_1052 = arith.constant 0 : i32
      %dma_start3A_1053 = arith.constant 0 : i32
      %dma_start3A_1054 = tpu.memref_slice %arg4[%arg0, %dma_start3A_1052, %dma_start3A_1053] : memref<2x6668x128xi32, #tpu.memory_space<hbm>> -> memref<1x6668x128xi32, #tpu.memory_space<hbm>>
      %dma_start3A_1055 = tpu.memref_squeeze %dma_start3A_1054 : memref<1x6668x128xi32, #tpu.memory_space<hbm>> -> memref<6668x128xi32, #tpu.memory_space<hbm>>
      %dma_start3A_1056 = arith.constant 0 : i32
      %dma_start3A_1057 = tpu.memref_slice %dma_start3A_1055[%add3A_1009, %dma_start3A_1056] : memref<6668x128xi32, #tpu.memory_space<hbm>> -> memref<4x128xi32, #tpu.memory_space<hbm>>
      tpu.enqueue_dma source(%dma_start3A_1057 : memref<4x128xi32, #tpu.memory_space<hbm>>) target(%dma_start3A_1051 : memref<4x128xi32, #tpu.memory_space<vmem>>) target_semaphore(%dma_start3A_1047 : memref<!tpu.dma_semaphore, #tpu.memory_space<semaphore_mem>>)
      %dma_wait3A_1058 = arith.constant 0 : i32
      %dma_wait3A_1059 = arith.constant 0 : i32
      %dma_wait3A_1060 = arith.constant 0 : i32
      %dma_wait3A_1061 = arith.constant 0 : i32
      %dma_wait3A_1062 = arith.constant 0 : i32
      %dma_wait3A_1063 = arith.constant 0 : i32
      %dma_wait3A_1064 = tpu.memref_slice %arg10[%dma_wait3A_1058, %dma_wait3A_1062, %dma_wait3A_1063] : memref<2x512x16xf32, #tpu.memory_space<vmem>> -> memref<1x512x16xf32, #tpu.memory_space<vmem>>
      %dma_wait3A_1065 = tpu.memref_squeeze %dma_wait3A_1064 : memref<1x512x16xf32, #tpu.memory_space<vmem>> -> memref<512x16xf32, #tpu.memory_space<vmem>>
      %dma_wait3A_1066 = arith.constant 0 : i32
      %dma_wait3A_1067 = arith.constant 0 : i32
      %dma_wait3A_1068 = tpu.memref_slice %dma_wait3A_1065[%dma_wait3A_1066, %dma_wait3A_1067] : memref<512x16xf32, #tpu.memory_space<vmem>> -> memref<128x16xf32, #tpu.memory_space<vmem>>
      %dma_wait3A_1069 = arith.constant 0 : i32
      %dma_wait3A_1070 = arith.constant 0 : i32
      %dma_wait3A_1071 = tpu.memref_slice %arg9[%dma_wait3A_1059, %dma_wait3A_1069, %dma_wait3A_1070] : memref<4x4x128xi32, #tpu.memory_space<vmem>> -> memref<1x4x128xi32, #tpu.memory_space<vmem>>
      %dma_wait3A_1072 = tpu.memref_squeeze %dma_wait3A_1071 : memref<1x4x128xi32, #tpu.memory_space<vmem>> -> memref<4x128xi32, #tpu.memory_space<vmem>>
      %dma_wait3A_1073 = arith.constant 0 : i32
      %dma_wait3A_1074 = tpu.memref_slice %dma_wait3A_1072[%dma_wait3A_1060, %dma_wait3A_1073] : memref<4x128xi32, #tpu.memory_space<vmem>> -> memref<1x128xi32, #tpu.memory_space<vmem>>
      %dma_wait3A_1075 = tpu.memref_squeeze %dma_wait3A_1074 : memref<1x128xi32, #tpu.memory_space<vmem>> -> memref<128xi32, #tpu.memory_space<vmem>>
      %dma_wait3A_1076 = arith.constant 0 : i32
      %dma_wait3A_1077 = arith.constant 0 : i32
      %dma_wait3A_1078 = tpu.memref_slice %arg6[%dma_wait3A_1076, %dma_wait3A_1077] : memref<51200x16xf32, #tpu.memory_space<vmem_shared>> -> memref<51200x16xf32, #tpu.memory_space<vmem_shared>>
      %dma_wait3A_1079 = tpu.memref_slice %arg13[%dma_wait3A_1061] : memref<2x!tpu.dma_semaphore, #tpu.memory_space<semaphore_mem>> -> memref<1x!tpu.dma_semaphore, #tpu.memory_space<semaphore_mem>>
      %dma_wait3A_1080 = tpu.memref_squeeze %dma_wait3A_1079 : memref<1x!tpu.dma_semaphore, #tpu.memory_space<semaphore_mem>> -> memref<!tpu.dma_semaphore, #tpu.memory_space<semaphore_mem>>
      tpu.wait_indirect_dma semaphore(%dma_wait3A_1080 : memref<!tpu.dma_semaphore, #tpu.memory_space<semaphore_mem>>) src(%dma_wait3A_1068 : memref<128x16xf32, #tpu.memory_space<vmem>>) dst(%dma_wait3A_1078 : memref<51200x16xf32, #tpu.memory_space<vmem_shared>>)
      %dma_wait3A_1081 = arith.constant 0 : i32
      %dma_wait3A_1082 = arith.constant 0 : i32
      %dma_wait3A_1083 = arith.constant 1 : i32
      %dma_wait3A_1084 = arith.constant 0 : i32
      %dma_wait3A_1085 = arith.constant 0 : i32
      %dma_wait3A_1086 = arith.constant 0 : i32
      %dma_wait3A_1087 = tpu.memref_slice %arg10[%dma_wait3A_1081, %dma_wait3A_1085, %dma_wait3A_1086] : memref<2x512x16xf32, #tpu.memory_space<vmem>> -> memref<1x512x16xf32, #tpu.memory_space<vmem>>
      %dma_wait3A_1088 = tpu.memref_squeeze %dma_wait3A_1087 : memref<1x512x16xf32, #tpu.memory_space<vmem>> -> memref<512x16xf32, #tpu.memory_space<vmem>>
      %dma_wait3A_1089 = arith.constant 128 : i32
      %dma_wait3A_1090 = arith.constant 0 : i32
      %dma_wait3A_1091 = tpu.memref_slice %dma_wait3A_1088[%dma_wait3A_1089, %dma_wait3A_1090] : memref<512x16xf32, #tpu.memory_space<vmem>> -> memref<128x16xf32, #tpu.memory_space<vmem>>
      %dma_wait3A_1092 = arith.constant 0 : i32
      %dma_wait3A_1093 = arith.constant 0 : i32
      %dma_wait3A_1094 = tpu.memref_slice %arg9[%dma_wait3A_1082, %dma_wait3A_1092, %dma_wait3A_1093] : memref<4x4x128xi32, #tpu.memory_space<vmem>> -> memref<1x4x128xi32, #tpu.memory_space<vmem>>
      %dma_wait3A_1095 = tpu.memref_squeeze %dma_wait3A_1094 : memref<1x4x128xi32, #tpu.memory_space<vmem>> -> memref<4x128xi32, #tpu.memory_space<vmem>>
      %dma_wait3A_1096 = arith.constant 0 : i32
      %dma_wait3A_1097 = tpu.memref_slice %dma_wait3A_1095[%dma_wait3A_1083, %dma_wait3A_1096] : memref<4x128xi32, #tpu.memory_space<vmem>> -> memref<1x128xi32, #tpu.memory_space<vmem>>
      %dma_wait3A_1098 = tpu.memref_squeeze %dma_wait3A_1097 : memref<1x128xi32, #tpu.memory_space<vmem>> -> memref<128xi32, #tpu.memory_space<vmem>>
      %dma_wait3A_1099 = arith.constant 0 : i32
      %dma_wait3A_1100 = arith.constant 0 : i32
      %dma_wait3A_1101 = tpu.memref_slice %arg6[%dma_wait3A_1099, %dma_wait3A_1100] : memref<51200x16xf32, #tpu.memory_space<vmem_shared>> -> memref<51200x16xf32, #tpu.memory_space<vmem_shared>>
      %dma_wait3A_1102 = tpu.memref_slice %arg13[%dma_wait3A_1084] : memref<2x!tpu.dma_semaphore, #tpu.memory_space<semaphore_mem>> -> memref<1x!tpu.dma_semaphore, #tpu.memory_space<semaphore_mem>>
      %dma_wait3A_1103 = tpu.memref_squeeze %dma_wait3A_1102 : memref<1x!tpu.dma_semaphore, #tpu.memory_space<semaphore_mem>> -> memref<!tpu.dma_semaphore, #tpu.memory_space<semaphore_mem>>
      tpu.wait_indirect_dma semaphore(%dma_wait3A_1103 : memref<!tpu.dma_semaphore, #tpu.memory_space<semaphore_mem>>) src(%dma_wait3A_1091 : memref<128x16xf32, #tpu.memory_space<vmem>>) dst(%dma_wait3A_1101 : memref<51200x16xf32, #tpu.memory_space<vmem_shared>>)
      %dma_wait3A_1104 = arith.constant 0 : i32
      %dma_wait3A_1105 = arith.constant 0 : i32
      %dma_wait3A_1106 = arith.constant 2 : i32
      %dma_wait3A_1107 = arith.constant 0 : i32
      %dma_wait3A_1108 = arith.constant 0 : i32
      %dma_wait3A_1109 = arith.constant 0 : i32
      %dma_wait3A_1110 = tpu.memref_slice %arg10[%dma_wait3A_1104, %dma_wait3A_1108, %dma_wait3A_1109] : memref<2x512x16xf32, #tpu.memory_space<vmem>> -> memref<1x512x16xf32, #tpu.memory_space<vmem>>
      %dma_wait3A_1111 = tpu.memref_squeeze %dma_wait3A_1110 : memref<1x512x16xf32, #tpu.memory_space<vmem>> -> memref<512x16xf32, #tpu.memory_space<vmem>>
      %dma_wait3A_1112 = arith.constant 256 : i32
      %dma_wait3A_1113 = arith.constant 0 : i32
      %dma_wait3A_1114 = tpu.memref_slice %dma_wait3A_1111[%dma_wait3A_1112, %dma_wait3A_1113] : memref<512x16xf32, #tpu.memory_space<vmem>> -> memref<128x16xf32, #tpu.memory_space<vmem>>
      %dma_wait3A_1115 = arith.constant 0 : i32
      %dma_wait3A_1116 = arith.constant 0 : i32
      %dma_wait3A_1117 = tpu.memref_slice %arg9[%dma_wait3A_1105, %dma_wait3A_1115, %dma_wait3A_1116] : memref<4x4x128xi32, #tpu.memory_space<vmem>> -> memref<1x4x128xi32, #tpu.memory_space<vmem>>
      %dma_wait3A_1118 = tpu.memref_squeeze %dma_wait3A_1117 : memref<1x4x128xi32, #tpu.memory_space<vmem>> -> memref<4x128xi32, #tpu.memory_space<vmem>>
      %dma_wait3A_1119 = arith.constant 0 : i32
      %dma_wait3A_1120 = tpu.memref_slice %dma_wait3A_1118[%dma_wait3A_1106, %dma_wait3A_1119] : memref<4x128xi32, #tpu.memory_space<vmem>> -> memref<1x128xi32, #tpu.memory_space<vmem>>
      %dma_wait3A_1121 = tpu.memref_squeeze %dma_wait3A_1120 : memref<1x128xi32, #tpu.memory_space<vmem>> -> memref<128xi32, #tpu.memory_space<vmem>>
      %dma_wait3A_1122 = arith.constant 0 : i32
      %dma_wait3A_1123 = arith.constant 0 : i32
      %dma_wait3A_1124 = tpu.memref_slice %arg6[%dma_wait3A_1122, %dma_wait3A_1123] : memref<51200x16xf32, #tpu.memory_space<vmem_shared>> -> memref<51200x16xf32, #tpu.memory_space<vmem_shared>>
      %dma_wait3A_1125 = tpu.memref_slice %arg13[%dma_wait3A_1107] : memref<2x!tpu.dma_semaphore, #tpu.memory_space<semaphore_mem>> -> memref<1x!tpu.dma_semaphore, #tpu.memory_space<semaphore_mem>>
      %dma_wait3A_1126 = tpu.memref_squeeze %dma_wait3A_1125 : memref<1x!tpu.dma_semaphore, #tpu.memory_space<semaphore_mem>> -> memref<!tpu.dma_semaphore, #tpu.memory_space<semaphore_mem>>
      tpu.wait_indirect_dma semaphore(%dma_wait3A_1126 : memref<!tpu.dma_semaphore, #tpu.memory_space<semaphore_mem>>) src(%dma_wait3A_1114 : memref<128x16xf32, #tpu.memory_space<vmem>>) dst(%dma_wait3A_1124 : memref<51200x16xf32, #tpu.memory_space<vmem_shared>>)
      %dma_wait3A_1127 = arith.constant 0 : i32
      %dma_wait3A_1128 = arith.constant 0 : i32
      %dma_wait3A_1129 = arith.constant 3 : i32
      %dma_wait3A_1130 = arith.constant 0 : i32
      %dma_wait3A_1131 = arith.constant 0 : i32
      %dma_wait3A_1132 = arith.constant 0 : i32
      %dma_wait3A_1133 = tpu.memref_slice %arg10[%dma_wait3A_1127, %dma_wait3A_1131, %dma_wait3A_1132] : memref<2x512x16xf32, #tpu.memory_space<vmem>> -> memref<1x512x16xf32, #tpu.memory_space<vmem>>
      %dma_wait3A_1134 = tpu.memref_squeeze %dma_wait3A_1133 : memref<1x512x16xf32, #tpu.memory_space<vmem>> -> memref<512x16xf32, #tpu.memory_space<vmem>>
      %dma_wait3A_1135 = arith.constant 384 : i32
      %dma_wait3A_1136 = arith.constant 0 : i32
      %dma_wait3A_1137 = tpu.memref_slice %dma_wait3A_1134[%dma_wait3A_1135, %dma_wait3A_1136] : memref<512x16xf32, #tpu.memory_space<vmem>> -> memref<128x16xf32, #tpu.memory_space<vmem>>
      %dma_wait3A_1138 = arith.constant 0 : i32
      %dma_wait3A_1139 = arith.constant 0 : i32
      %dma_wait3A_1140 = tpu.memref_slice %arg9[%dma_wait3A_1128, %dma_wait3A_1138, %dma_wait3A_1139] : memref<4x4x128xi32, #tpu.memory_space<vmem>> -> memref<1x4x128xi32, #tpu.memory_space<vmem>>
      %dma_wait3A_1141 = tpu.memref_squeeze %dma_wait3A_1140 : memref<1x4x128xi32, #tpu.memory_space<vmem>> -> memref<4x128xi32, #tpu.memory_space<vmem>>
      %dma_wait3A_1142 = arith.constant 0 : i32
      %dma_wait3A_1143 = tpu.memref_slice %dma_wait3A_1141[%dma_wait3A_1129, %dma_wait3A_1142] : memref<4x128xi32, #tpu.memory_space<vmem>> -> memref<1x128xi32, #tpu.memory_space<vmem>>
      %dma_wait3A_1144 = tpu.memref_squeeze %dma_wait3A_1143 : memref<1x128xi32, #tpu.memory_space<vmem>> -> memref<128xi32, #tpu.memory_space<vmem>>
      %dma_wait3A_1145 = arith.constant 0 : i32
      %dma_wait3A_1146 = arith.constant 0 : i32
      %dma_wait3A_1147 = tpu.memref_slice %arg6[%dma_wait3A_1145, %dma_wait3A_1146] : memref<51200x16xf32, #tpu.memory_space<vmem_shared>> -> memref<51200x16xf32, #tpu.memory_space<vmem_shared>>
      %dma_wait3A_1148 = tpu.memref_slice %arg13[%dma_wait3A_1130] : memref<2x!tpu.dma_semaphore, #tpu.memory_space<semaphore_mem>> -> memref<1x!tpu.dma_semaphore, #tpu.memory_space<semaphore_mem>>
      %dma_wait3A_1149 = tpu.memref_squeeze %dma_wait3A_1148 : memref<1x!tpu.dma_semaphore, #tpu.memory_space<semaphore_mem>> -> memref<!tpu.dma_semaphore, #tpu.memory_space<semaphore_mem>>
      tpu.wait_indirect_dma semaphore(%dma_wait3A_1149 : memref<!tpu.dma_semaphore, #tpu.memory_space<semaphore_mem>>) src(%dma_wait3A_1137 : memref<128x16xf32, #tpu.memory_space<vmem>>) dst(%dma_wait3A_1147 : memref<51200x16xf32, #tpu.memory_space<vmem_shared>>)
      %add3A_1150 = arith.constant 2 : i32
      %add3A_1151 = arith.addi %mul3A_641, %add3A_1150 : i32
      %mul3A_1152 = arith.constant 4 : i32
      %mul3A_1153 = arith.muli %add3A_1151, %mul3A_1152 : i32
      %add3A_1154 = arith.addi %mul3A_0, %mul3A_1153 : i32
      %dma_wait3A_1155 = arith.constant 2 : i32
      %dma_wait3A_1156 = arith.constant 2 : i32
      %dma_wait3A_1157 = arith.constant 0 : i32
      %dma_wait3A_1158 = arith.constant 0 : i32
      %dma_wait3A_1159 = tpu.memref_slice %arg8[%dma_wait3A_1155, %dma_wait3A_1157, %dma_wait3A_1158] : memref<4x4x128xi32, #tpu.memory_space<vmem>> -> memref<1x4x128xi32, #tpu.memory_space<vmem>>
      %dma_wait3A_1160 = tpu.memref_squeeze %dma_wait3A_1159 : memref<1x4x128xi32, #tpu.memory_space<vmem>> -> memref<4x128xi32, #tpu.memory_space<vmem>>
      %dma_wait3A_1161 = arith.constant 0 : i32
      %dma_wait3A_1162 = arith.constant 0 : i32
      %dma_wait3A_1163 = tpu.memref_slice %arg3[%arg0, %dma_wait3A_1161, %dma_wait3A_1162] : memref<2x6668x128xi32, #tpu.memory_space<hbm>> -> memref<1x6668x128xi32, #tpu.memory_space<hbm>>
      %dma_wait3A_1164 = tpu.memref_squeeze %dma_wait3A_1163 : memref<1x6668x128xi32, #tpu.memory_space<hbm>> -> memref<6668x128xi32, #tpu.memory_space<hbm>>
      %dma_wait3A_1165 = arith.constant 0 : i32
      %dma_wait3A_1166 = tpu.memref_slice %dma_wait3A_1164[%add3A_1154, %dma_wait3A_1165] : memref<6668x128xi32, #tpu.memory_space<hbm>> -> memref<4x128xi32, #tpu.memory_space<hbm>>
      %dma_wait3A_1167 = tpu.memref_slice %arg11[%dma_wait3A_1156] : memref<4x!tpu.dma_semaphore, #tpu.memory_space<semaphore_mem>> -> memref<1x!tpu.dma_semaphore, #tpu.memory_space<semaphore_mem>>
      %dma_wait3A_1168 = tpu.memref_squeeze %dma_wait3A_1167 : memref<1x!tpu.dma_semaphore, #tpu.memory_space<semaphore_mem>> -> memref<!tpu.dma_semaphore, #tpu.memory_space<semaphore_mem>>
      %dma_wait3A_1169 = arith.constant 0 : i32
      %dma_wait3A_1170 = arith.constant 0 : i32
      %dma_wait3A_1171 = tpu.memref_slice %arg8[%dma_wait3A_1155, %dma_wait3A_1169, %dma_wait3A_1170] : memref<4x4x128xi32, #tpu.memory_space<vmem>> -> memref<1x4x128xi32, #tpu.memory_space<vmem>>
      %dma_wait3A_1172 = tpu.memref_squeeze %dma_wait3A_1171 : memref<1x4x128xi32, #tpu.memory_space<vmem>> -> memref<4x128xi32, #tpu.memory_space<vmem>>
      %dma_wait3A_1173 = arith.constant 0 : i32
      %dma_wait3A_1174 = arith.constant 0 : i32
      %dma_wait3A_1175 = tpu.memref_slice %arg3[%arg0, %dma_wait3A_1173, %dma_wait3A_1174] : memref<2x6668x128xi32, #tpu.memory_space<hbm>> -> memref<1x6668x128xi32, #tpu.memory_space<hbm>>
      %dma_wait3A_1176 = tpu.memref_squeeze %dma_wait3A_1175 : memref<1x6668x128xi32, #tpu.memory_space<hbm>> -> memref<6668x128xi32, #tpu.memory_space<hbm>>
      %dma_wait3A_1177 = arith.constant 0 : i32
      %dma_wait3A_1178 = tpu.memref_slice %dma_wait3A_1176[%add3A_1154, %dma_wait3A_1177] : memref<6668x128xi32, #tpu.memory_space<hbm>> -> memref<4x128xi32, #tpu.memory_space<hbm>>
      tpu.wait_dma2 semaphore(%dma_wait3A_1168 : memref<!tpu.dma_semaphore, #tpu.memory_space<semaphore_mem>>) src(%dma_wait3A_1178 : memref<4x128xi32, #tpu.memory_space<hbm>>) dst(%dma_wait3A_1172 : memref<4x128xi32, #tpu.memory_space<vmem>>)
      %dma_wait3A_1179 = arith.constant 2 : i32
      %dma_wait3A_1180 = arith.constant 2 : i32
      %dma_wait3A_1181 = arith.constant 0 : i32
      %dma_wait3A_1182 = arith.constant 0 : i32
      %dma_wait3A_1183 = tpu.memref_slice %arg9[%dma_wait3A_1179, %dma_wait3A_1181, %dma_wait3A_1182] : memref<4x4x128xi32, #tpu.memory_space<vmem>> -> memref<1x4x128xi32, #tpu.memory_space<vmem>>
      %dma_wait3A_1184 = tpu.memref_squeeze %dma_wait3A_1183 : memref<1x4x128xi32, #tpu.memory_space<vmem>> -> memref<4x128xi32, #tpu.memory_space<vmem>>
      %dma_wait3A_1185 = arith.constant 0 : i32
      %dma_wait3A_1186 = arith.constant 0 : i32
      %dma_wait3A_1187 = tpu.memref_slice %arg4[%arg0, %dma_wait3A_1185, %dma_wait3A_1186] : memref<2x6668x128xi32, #tpu.memory_space<hbm>> -> memref<1x6668x128xi32, #tpu.memory_space<hbm>>
      %dma_wait3A_1188 = tpu.memref_squeeze %dma_wait3A_1187 : memref<1x6668x128xi32, #tpu.memory_space<hbm>> -> memref<6668x128xi32, #tpu.memory_space<hbm>>
      %dma_wait3A_1189 = arith.constant 0 : i32
      %dma_wait3A_1190 = tpu.memref_slice %dma_wait3A_1188[%add3A_1154, %dma_wait3A_1189] : memref<6668x128xi32, #tpu.memory_space<hbm>> -> memref<4x128xi32, #tpu.memory_space<hbm>>
      %dma_wait3A_1191 = tpu.memref_slice %arg11[%dma_wait3A_1180] : memref<4x!tpu.dma_semaphore, #tpu.memory_space<semaphore_mem>> -> memref<1x!tpu.dma_semaphore, #tpu.memory_space<semaphore_mem>>
      %dma_wait3A_1192 = tpu.memref_squeeze %dma_wait3A_1191 : memref<1x!tpu.dma_semaphore, #tpu.memory_space<semaphore_mem>> -> memref<!tpu.dma_semaphore, #tpu.memory_space<semaphore_mem>>
      %dma_wait3A_1193 = arith.constant 0 : i32
      %dma_wait3A_1194 = arith.constant 0 : i32
      %dma_wait3A_1195 = tpu.memref_slice %arg9[%dma_wait3A_1179, %dma_wait3A_1193, %dma_wait3A_1194] : memref<4x4x128xi32, #tpu.memory_space<vmem>> -> memref<1x4x128xi32, #tpu.memory_space<vmem>>
      %dma_wait3A_1196 = tpu.memref_squeeze %dma_wait3A_1195 : memref<1x4x128xi32, #tpu.memory_space<vmem>> -> memref<4x128xi32, #tpu.memory_space<vmem>>
      %dma_wait3A_1197 = arith.constant 0 : i32
      %dma_wait3A_1198 = arith.constant 0 : i32
      %dma_wait3A_1199 = tpu.memref_slice %arg4[%arg0, %dma_wait3A_1197, %dma_wait3A_1198] : memref<2x6668x128xi32, #tpu.memory_space<hbm>> -> memref<1x6668x128xi32, #tpu.memory_space<hbm>>
      %dma_wait3A_1200 = tpu.memref_squeeze %dma_wait3A_1199 : memref<1x6668x128xi32, #tpu.memory_space<hbm>> -> memref<6668x128xi32, #tpu.memory_space<hbm>>
      %dma_wait3A_1201 = arith.constant 0 : i32
      %dma_wait3A_1202 = tpu.memref_slice %dma_wait3A_1200[%add3A_1154, %dma_wait3A_1201] : memref<6668x128xi32, #tpu.memory_space<hbm>> -> memref<4x128xi32, #tpu.memory_space<hbm>>
      tpu.wait_dma2 semaphore(%dma_wait3A_1192 : memref<!tpu.dma_semaphore, #tpu.memory_space<semaphore_mem>>) src(%dma_wait3A_1202 : memref<4x128xi32, #tpu.memory_space<hbm>>) dst(%dma_wait3A_1196 : memref<4x128xi32, #tpu.memory_space<vmem>>)
      %dma_start3A_1203 = arith.constant 2 : i32
      %dma_start3A_1204 = arith.constant 0 : i32
      %dma_start3A_1205 = arith.constant 0 : i32
      %dma_start3A_1206 = arith.constant 0 : i32
      %dma_start3A_1207 = arith.constant 0 : i32
      %dma_start3A_1208 = arith.constant 0 : i32
      %dma_start3A_1209 = tpu.memref_slice %arg10[%dma_start3A_1205, %dma_start3A_1207, %dma_start3A_1208] : memref<2x512x16xf32, #tpu.memory_space<vmem>> -> memref<1x512x16xf32, #tpu.memory_space<vmem>>
      %dma_start3A_1210 = tpu.memref_squeeze %dma_start3A_1209 : memref<1x512x16xf32, #tpu.memory_space<vmem>> -> memref<512x16xf32, #tpu.memory_space<vmem>>
      %dma_start3A_1211 = arith.constant 0 : i32
      %dma_start3A_1212 = arith.constant 0 : i32
      %dma_start3A_1213 = tpu.memref_slice %dma_start3A_1210[%dma_start3A_1211, %dma_start3A_1212] : memref<512x16xf32, #tpu.memory_space<vmem>> -> memref<128x16xf32, #tpu.memory_space<vmem>>
      %dma_start3A_1214 = arith.constant 0 : i32
      %dma_start3A_1215 = arith.constant 0 : i32
      %dma_start3A_1216 = tpu.memref_slice %arg8[%dma_start3A_1203, %dma_start3A_1214, %dma_start3A_1215] : memref<4x4x128xi32, #tpu.memory_space<vmem>> -> memref<1x4x128xi32, #tpu.memory_space<vmem>>
      %dma_start3A_1217 = tpu.memref_squeeze %dma_start3A_1216 : memref<1x4x128xi32, #tpu.memory_space<vmem>> -> memref<4x128xi32, #tpu.memory_space<vmem>>
      %dma_start3A_1218 = arith.constant 0 : i32
      %dma_start3A_1219 = tpu.memref_slice %dma_start3A_1217[%dma_start3A_1204, %dma_start3A_1218] : memref<4x128xi32, #tpu.memory_space<vmem>> -> memref<1x128xi32, #tpu.memory_space<vmem>>
      %dma_start3A_1220 = tpu.memref_squeeze %dma_start3A_1219 : memref<1x128xi32, #tpu.memory_space<vmem>> -> memref<128xi32, #tpu.memory_space<vmem>>
      %dma_start3A_1221 = arith.constant 0 : i32
      %dma_start3A_1222 = arith.constant 0 : i32
      %dma_start3A_1223 = tpu.memref_slice %arg2[%arg0, %dma_start3A_1221, %dma_start3A_1222] : memref<2x51200x16xf32, #tpu.memory_space<hbm>> -> memref<1x51200x16xf32, #tpu.memory_space<hbm>>
      %dma_start3A_1224 = tpu.memref_squeeze %dma_start3A_1223 : memref<1x51200x16xf32, #tpu.memory_space<hbm>> -> memref<51200x16xf32, #tpu.memory_space<hbm>>
      %dma_start3A_1225 = arith.constant 0 : i32
      %dma_start3A_1226 = arith.constant 0 : i32
      %dma_start3A_1227 = tpu.memref_slice %dma_start3A_1224[%dma_start3A_1225, %dma_start3A_1226] : memref<51200x16xf32, #tpu.memory_space<hbm>> -> memref<51200x16xf32, #tpu.memory_space<hbm>>
      %dma_start3A_1228 = tpu.memref_slice %arg12[%dma_start3A_1206] : memref<2x!tpu.dma_semaphore, #tpu.memory_space<semaphore_mem>> -> memref<1x!tpu.dma_semaphore, #tpu.memory_space<semaphore_mem>>
      %dma_start3A_1229 = tpu.memref_squeeze %dma_start3A_1228 : memref<1x!tpu.dma_semaphore, #tpu.memory_space<semaphore_mem>> -> memref<!tpu.dma_semaphore, #tpu.memory_space<semaphore_mem>>
      tpu.enqueue_indirect_dma source(%dma_start3A_1227 : memref<51200x16xf32, #tpu.memory_space<hbm>>) target(%dma_start3A_1213 : memref<128x16xf32, #tpu.memory_space<vmem>>) offsets(%dma_start3A_1220 : memref<128xi32, #tpu.memory_space<vmem>>) semaphore(%dma_start3A_1229 : memref<!tpu.dma_semaphore, #tpu.memory_space<semaphore_mem>>)
      %dma_start3A_1230 = arith.constant 2 : i32
      %dma_start3A_1231 = arith.constant 1 : i32
      %dma_start3A_1232 = arith.constant 0 : i32
      %dma_start3A_1233 = arith.constant 0 : i32
      %dma_start3A_1234 = arith.constant 0 : i32
      %dma_start3A_1235 = arith.constant 0 : i32
      %dma_start3A_1236 = tpu.memref_slice %arg10[%dma_start3A_1232, %dma_start3A_1234, %dma_start3A_1235] : memref<2x512x16xf32, #tpu.memory_space<vmem>> -> memref<1x512x16xf32, #tpu.memory_space<vmem>>
      %dma_start3A_1237 = tpu.memref_squeeze %dma_start3A_1236 : memref<1x512x16xf32, #tpu.memory_space<vmem>> -> memref<512x16xf32, #tpu.memory_space<vmem>>
      %dma_start3A_1238 = arith.constant 128 : i32
      %dma_start3A_1239 = arith.constant 0 : i32
      %dma_start3A_1240 = tpu.memref_slice %dma_start3A_1237[%dma_start3A_1238, %dma_start3A_1239] : memref<512x16xf32, #tpu.memory_space<vmem>> -> memref<128x16xf32, #tpu.memory_space<vmem>>
      %dma_start3A_1241 = arith.constant 0 : i32
      %dma_start3A_1242 = arith.constant 0 : i32
      %dma_start3A_1243 = tpu.memref_slice %arg8[%dma_start3A_1230, %dma_start3A_1241, %dma_start3A_1242] : memref<4x4x128xi32, #tpu.memory_space<vmem>> -> memref<1x4x128xi32, #tpu.memory_space<vmem>>
      %dma_start3A_1244 = tpu.memref_squeeze %dma_start3A_1243 : memref<1x4x128xi32, #tpu.memory_space<vmem>> -> memref<4x128xi32, #tpu.memory_space<vmem>>
      %dma_start3A_1245 = arith.constant 0 : i32
      %dma_start3A_1246 = tpu.memref_slice %dma_start3A_1244[%dma_start3A_1231, %dma_start3A_1245] : memref<4x128xi32, #tpu.memory_space<vmem>> -> memref<1x128xi32, #tpu.memory_space<vmem>>
      %dma_start3A_1247 = tpu.memref_squeeze %dma_start3A_1246 : memref<1x128xi32, #tpu.memory_space<vmem>> -> memref<128xi32, #tpu.memory_space<vmem>>
      %dma_start3A_1248 = arith.constant 0 : i32
      %dma_start3A_1249 = arith.constant 0 : i32
      %dma_start3A_1250 = tpu.memref_slice %arg2[%arg0, %dma_start3A_1248, %dma_start3A_1249] : memref<2x51200x16xf32, #tpu.memory_space<hbm>> -> memref<1x51200x16xf32, #tpu.memory_space<hbm>>
      %dma_start3A_1251 = tpu.memref_squeeze %dma_start3A_1250 : memref<1x51200x16xf32, #tpu.memory_space<hbm>> -> memref<51200x16xf32, #tpu.memory_space<hbm>>
      %dma_start3A_1252 = arith.constant 0 : i32
      %dma_start3A_1253 = arith.constant 0 : i32
      %dma_start3A_1254 = tpu.memref_slice %dma_start3A_1251[%dma_start3A_1252, %dma_start3A_1253] : memref<51200x16xf32, #tpu.memory_space<hbm>> -> memref<51200x16xf32, #tpu.memory_space<hbm>>
      %dma_start3A_1255 = tpu.memref_slice %arg12[%dma_start3A_1233] : memref<2x!tpu.dma_semaphore, #tpu.memory_space<semaphore_mem>> -> memref<1x!tpu.dma_semaphore, #tpu.memory_space<semaphore_mem>>
      %dma_start3A_1256 = tpu.memref_squeeze %dma_start3A_1255 : memref<1x!tpu.dma_semaphore, #tpu.memory_space<semaphore_mem>> -> memref<!tpu.dma_semaphore, #tpu.memory_space<semaphore_mem>>
      tpu.enqueue_indirect_dma source(%dma_start3A_1254 : memref<51200x16xf32, #tpu.memory_space<hbm>>) target(%dma_start3A_1240 : memref<128x16xf32, #tpu.memory_space<vmem>>) offsets(%dma_start3A_1247 : memref<128xi32, #tpu.memory_space<vmem>>) semaphore(%dma_start3A_1256 : memref<!tpu.dma_semaphore, #tpu.memory_space<semaphore_mem>>)
      %dma_start3A_1257 = arith.constant 2 : i32
      %dma_start3A_1258 = arith.constant 2 : i32
      %dma_start3A_1259 = arith.constant 0 : i32
      %dma_start3A_1260 = arith.constant 0 : i32
      %dma_start3A_1261 = arith.constant 0 : i32
      %dma_start3A_1262 = arith.constant 0 : i32
      %dma_start3A_1263 = tpu.memref_slice %arg10[%dma_start3A_1259, %dma_start3A_1261, %dma_start3A_1262] : memref<2x512x16xf32, #tpu.memory_space<vmem>> -> memref<1x512x16xf32, #tpu.memory_space<vmem>>
      %dma_start3A_1264 = tpu.memref_squeeze %dma_start3A_1263 : memref<1x512x16xf32, #tpu.memory_space<vmem>> -> memref<512x16xf32, #tpu.memory_space<vmem>>
      %dma_start3A_1265 = arith.constant 256 : i32
      %dma_start3A_1266 = arith.constant 0 : i32
      %dma_start3A_1267 = tpu.memref_slice %dma_start3A_1264[%dma_start3A_1265, %dma_start3A_1266] : memref<512x16xf32, #tpu.memory_space<vmem>> -> memref<128x16xf32, #tpu.memory_space<vmem>>
      %dma_start3A_1268 = arith.constant 0 : i32
      %dma_start3A_1269 = arith.constant 0 : i32
      %dma_start3A_1270 = tpu.memref_slice %arg8[%dma_start3A_1257, %dma_start3A_1268, %dma_start3A_1269] : memref<4x4x128xi32, #tpu.memory_space<vmem>> -> memref<1x4x128xi32, #tpu.memory_space<vmem>>
      %dma_start3A_1271 = tpu.memref_squeeze %dma_start3A_1270 : memref<1x4x128xi32, #tpu.memory_space<vmem>> -> memref<4x128xi32, #tpu.memory_space<vmem>>
      %dma_start3A_1272 = arith.constant 0 : i32
      %dma_start3A_1273 = tpu.memref_slice %dma_start3A_1271[%dma_start3A_1258, %dma_start3A_1272] : memref<4x128xi32, #tpu.memory_space<vmem>> -> memref<1x128xi32, #tpu.memory_space<vmem>>
      %dma_start3A_1274 = tpu.memref_squeeze %dma_start3A_1273 : memref<1x128xi32, #tpu.memory_space<vmem>> -> memref<128xi32, #tpu.memory_space<vmem>>
      %dma_start3A_1275 = arith.constant 0 : i32
      %dma_start3A_1276 = arith.constant 0 : i32
      %dma_start3A_1277 = tpu.memref_slice %arg2[%arg0, %dma_start3A_1275, %dma_start3A_1276] : memref<2x51200x16xf32, #tpu.memory_space<hbm>> -> memref<1x51200x16xf32, #tpu.memory_space<hbm>>
      %dma_start3A_1278 = tpu.memref_squeeze %dma_start3A_1277 : memref<1x51200x16xf32, #tpu.memory_space<hbm>> -> memref<51200x16xf32, #tpu.memory_space<hbm>>
      %dma_start3A_1279 = arith.constant 0 : i32
      %dma_start3A_1280 = arith.constant 0 : i32
      %dma_start3A_1281 = tpu.memref_slice %dma_start3A_1278[%dma_start3A_1279, %dma_start3A_1280] : memref<51200x16xf32, #tpu.memory_space<hbm>> -> memref<51200x16xf32, #tpu.memory_space<hbm>>
      %dma_start3A_1282 = tpu.memref_slice %arg12[%dma_start3A_1260] : memref<2x!tpu.dma_semaphore, #tpu.memory_space<semaphore_mem>> -> memref<1x!tpu.dma_semaphore, #tpu.memory_space<semaphore_mem>>
      %dma_start3A_1283 = tpu.memref_squeeze %dma_start3A_1282 : memref<1x!tpu.dma_semaphore, #tpu.memory_space<semaphore_mem>> -> memref<!tpu.dma_semaphore, #tpu.memory_space<semaphore_mem>>
      tpu.enqueue_indirect_dma source(%dma_start3A_1281 : memref<51200x16xf32, #tpu.memory_space<hbm>>) target(%dma_start3A_1267 : memref<128x16xf32, #tpu.memory_space<vmem>>) offsets(%dma_start3A_1274 : memref<128xi32, #tpu.memory_space<vmem>>) semaphore(%dma_start3A_1283 : memref<!tpu.dma_semaphore, #tpu.memory_space<semaphore_mem>>)
      %dma_start3A_1284 = arith.constant 2 : i32
      %dma_start3A_1285 = arith.constant 3 : i32
      %dma_start3A_1286 = arith.constant 0 : i32
      %dma_start3A_1287 = arith.constant 0 : i32
      %dma_start3A_1288 = arith.constant 0 : i32
      %dma_start3A_1289 = arith.constant 0 : i32
      %dma_start3A_1290 = tpu.memref_slice %arg10[%dma_start3A_1286, %dma_start3A_1288, %dma_start3A_1289] : memref<2x512x16xf32, #tpu.memory_space<vmem>> -> memref<1x512x16xf32, #tpu.memory_space<vmem>>
      %dma_start3A_1291 = tpu.memref_squeeze %dma_start3A_1290 : memref<1x512x16xf32, #tpu.memory_space<vmem>> -> memref<512x16xf32, #tpu.memory_space<vmem>>
      %dma_start3A_1292 = arith.constant 384 : i32
      %dma_start3A_1293 = arith.constant 0 : i32
      %dma_start3A_1294 = tpu.memref_slice %dma_start3A_1291[%dma_start3A_1292, %dma_start3A_1293] : memref<512x16xf32, #tpu.memory_space<vmem>> -> memref<128x16xf32, #tpu.memory_space<vmem>>
      %dma_start3A_1295 = arith.constant 0 : i32
      %dma_start3A_1296 = arith.constant 0 : i32
      %dma_start3A_1297 = tpu.memref_slice %arg8[%dma_start3A_1284, %dma_start3A_1295, %dma_start3A_1296] : memref<4x4x128xi32, #tpu.memory_space<vmem>> -> memref<1x4x128xi32, #tpu.memory_space<vmem>>
      %dma_start3A_1298 = tpu.memref_squeeze %dma_start3A_1297 : memref<1x4x128xi32, #tpu.memory_space<vmem>> -> memref<4x128xi32, #tpu.memory_space<vmem>>
      %dma_start3A_1299 = arith.constant 0 : i32
      %dma_start3A_1300 = tpu.memref_slice %dma_start3A_1298[%dma_start3A_1285, %dma_start3A_1299] : memref<4x128xi32, #tpu.memory_space<vmem>> -> memref<1x128xi32, #tpu.memory_space<vmem>>
      %dma_start3A_1301 = tpu.memref_squeeze %dma_start3A_1300 : memref<1x128xi32, #tpu.memory_space<vmem>> -> memref<128xi32, #tpu.memory_space<vmem>>
      %dma_start3A_1302 = arith.constant 0 : i32
      %dma_start3A_1303 = arith.constant 0 : i32
      %dma_start3A_1304 = tpu.memref_slice %arg2[%arg0, %dma_start3A_1302, %dma_start3A_1303] : memref<2x51200x16xf32, #tpu.memory_space<hbm>> -> memref<1x51200x16xf32, #tpu.memory_space<hbm>>
      %dma_start3A_1305 = tpu.memref_squeeze %dma_start3A_1304 : memref<1x51200x16xf32, #tpu.memory_space<hbm>> -> memref<51200x16xf32, #tpu.memory_space<hbm>>
      %dma_start3A_1306 = arith.constant 0 : i32
      %dma_start3A_1307 = arith.constant 0 : i32
      %dma_start3A_1308 = tpu.memref_slice %dma_start3A_1305[%dma_start3A_1306, %dma_start3A_1307] : memref<51200x16xf32, #tpu.memory_space<hbm>> -> memref<51200x16xf32, #tpu.memory_space<hbm>>
      %dma_start3A_1309 = tpu.memref_slice %arg12[%dma_start3A_1287] : memref<2x!tpu.dma_semaphore, #tpu.memory_space<semaphore_mem>> -> memref<1x!tpu.dma_semaphore, #tpu.memory_space<semaphore_mem>>
      %dma_start3A_1310 = tpu.memref_squeeze %dma_start3A_1309 : memref<1x!tpu.dma_semaphore, #tpu.memory_space<semaphore_mem>> -> memref<!tpu.dma_semaphore, #tpu.memory_space<semaphore_mem>>
      tpu.enqueue_indirect_dma source(%dma_start3A_1308 : memref<51200x16xf32, #tpu.memory_space<hbm>>) target(%dma_start3A_1294 : memref<128x16xf32, #tpu.memory_space<vmem>>) offsets(%dma_start3A_1301 : memref<128xi32, #tpu.memory_space<vmem>>) semaphore(%dma_start3A_1310 : memref<!tpu.dma_semaphore, #tpu.memory_space<semaphore_mem>>)
      %add3A_1311 = arith.constant 4 : i32
      %add3A_1312 = arith.addi %mul3A_641, %add3A_1311 : i32
      %mul3A_1313 = arith.constant 4 : i32
      %mul3A_1314 = arith.muli %add3A_1312, %mul3A_1313 : i32
      %add3A_1315 = arith.addi %mul3A_0, %mul3A_1314 : i32
      %dma_start3A_1316 = arith.constant 0 : i32
      %dma_start3A_1317 = arith.constant 0 : i32
      %dma_start3A_1318 = arith.constant 0 : i32
      %dma_start3A_1319 = arith.constant 0 : i32
      %dma_start3A_1320 = tpu.memref_slice %arg8[%dma_start3A_1316, %dma_start3A_1318, %dma_start3A_1319] : memref<4x4x128xi32, #tpu.memory_space<vmem>> -> memref<1x4x128xi32, #tpu.memory_space<vmem>>
      %dma_start3A_1321 = tpu.memref_squeeze %dma_start3A_1320 : memref<1x4x128xi32, #tpu.memory_space<vmem>> -> memref<4x128xi32, #tpu.memory_space<vmem>>
      %dma_start3A_1322 = arith.constant 0 : i32
      %dma_start3A_1323 = arith.constant 0 : i32
      %dma_start3A_1324 = tpu.memref_slice %arg3[%arg0, %dma_start3A_1322, %dma_start3A_1323] : memref<2x6668x128xi32, #tpu.memory_space<hbm>> -> memref<1x6668x128xi32, #tpu.memory_space<hbm>>
      %dma_start3A_1325 = tpu.memref_squeeze %dma_start3A_1324 : memref<1x6668x128xi32, #tpu.memory_space<hbm>> -> memref<6668x128xi32, #tpu.memory_space<hbm>>
      %dma_start3A_1326 = arith.constant 0 : i32
      %dma_start3A_1327 = tpu.memref_slice %dma_start3A_1325[%add3A_1315, %dma_start3A_1326] : memref<6668x128xi32, #tpu.memory_space<hbm>> -> memref<4x128xi32, #tpu.memory_space<hbm>>
      %dma_start3A_1328 = tpu.memref_slice %arg11[%dma_start3A_1317] : memref<4x!tpu.dma_semaphore, #tpu.memory_space<semaphore_mem>> -> memref<1x!tpu.dma_semaphore, #tpu.memory_space<semaphore_mem>>
      %dma_start3A_1329 = tpu.memref_squeeze %dma_start3A_1328 : memref<1x!tpu.dma_semaphore, #tpu.memory_space<semaphore_mem>> -> memref<!tpu.dma_semaphore, #tpu.memory_space<semaphore_mem>>
      %dma_start3A_1330 = arith.constant 0 : i32
      %dma_start3A_1331 = arith.constant 0 : i32
      %dma_start3A_1332 = tpu.memref_slice %arg8[%dma_start3A_1316, %dma_start3A_1330, %dma_start3A_1331] : memref<4x4x128xi32, #tpu.memory_space<vmem>> -> memref<1x4x128xi32, #tpu.memory_space<vmem>>
      %dma_start3A_1333 = tpu.memref_squeeze %dma_start3A_1332 : memref<1x4x128xi32, #tpu.memory_space<vmem>> -> memref<4x128xi32, #tpu.memory_space<vmem>>
      %dma_start3A_1334 = arith.constant 0 : i32
      %dma_start3A_1335 = arith.constant 0 : i32
      %dma_start3A_1336 = tpu.memref_slice %arg3[%arg0, %dma_start3A_1334, %dma_start3A_1335] : memref<2x6668x128xi32, #tpu.memory_space<hbm>> -> memref<1x6668x128xi32, #tpu.memory_space<hbm>>
      %dma_start3A_1337 = tpu.memref_squeeze %dma_start3A_1336 : memref<1x6668x128xi32, #tpu.memory_space<hbm>> -> memref<6668x128xi32, #tpu.memory_space<hbm>>
      %dma_start3A_1338 = arith.constant 0 : i32
      %dma_start3A_1339 = tpu.memref_slice %dma_start3A_1337[%add3A_1315, %dma_start3A_1338] : memref<6668x128xi32, #tpu.memory_space<hbm>> -> memref<4x128xi32, #tpu.memory_space<hbm>>
      tpu.enqueue_dma source(%dma_start3A_1339 : memref<4x128xi32, #tpu.memory_space<hbm>>) target(%dma_start3A_1333 : memref<4x128xi32, #tpu.memory_space<vmem>>) target_semaphore(%dma_start3A_1329 : memref<!tpu.dma_semaphore, #tpu.memory_space<semaphore_mem>>)
      %dma_start3A_1340 = arith.constant 0 : i32
      %dma_start3A_1341 = arith.constant 0 : i32
      %dma_start3A_1342 = arith.constant 0 : i32
      %dma_start3A_1343 = arith.constant 0 : i32
      %dma_start3A_1344 = tpu.memref_slice %arg9[%dma_start3A_1340, %dma_start3A_1342, %dma_start3A_1343] : memref<4x4x128xi32, #tpu.memory_space<vmem>> -> memref<1x4x128xi32, #tpu.memory_space<vmem>>
      %dma_start3A_1345 = tpu.memref_squeeze %dma_start3A_1344 : memref<1x4x128xi32, #tpu.memory_space<vmem>> -> memref<4x128xi32, #tpu.memory_space<vmem>>
      %dma_start3A_1346 = arith.constant 0 : i32
      %dma_start3A_1347 = arith.constant 0 : i32
      %dma_start3A_1348 = tpu.memref_slice %arg4[%arg0, %dma_start3A_1346, %dma_start3A_1347] : memref<2x6668x128xi32, #tpu.memory_space<hbm>> -> memref<1x6668x128xi32, #tpu.memory_space<hbm>>
      %dma_start3A_1349 = tpu.memref_squeeze %dma_start3A_1348 : memref<1x6668x128xi32, #tpu.memory_space<hbm>> -> memref<6668x128xi32, #tpu.memory_space<hbm>>
      %dma_start3A_1350 = arith.constant 0 : i32
      %dma_start3A_1351 = tpu.memref_slice %dma_start3A_1349[%add3A_1315, %dma_start3A_1350] : memref<6668x128xi32, #tpu.memory_space<hbm>> -> memref<4x128xi32, #tpu.memory_space<hbm>>
      %dma_start3A_1352 = tpu.memref_slice %arg11[%dma_start3A_1341] : memref<4x!tpu.dma_semaphore, #tpu.memory_space<semaphore_mem>> -> memref<1x!tpu.dma_semaphore, #tpu.memory_space<semaphore_mem>>
      %dma_start3A_1353 = tpu.memref_squeeze %dma_start3A_1352 : memref<1x!tpu.dma_semaphore, #tpu.memory_space<semaphore_mem>> -> memref<!tpu.dma_semaphore, #tpu.memory_space<semaphore_mem>>
      %dma_start3A_1354 = arith.constant 0 : i32
      %dma_start3A_1355 = arith.constant 0 : i32
      %dma_start3A_1356 = tpu.memref_slice %arg9[%dma_start3A_1340, %dma_start3A_1354, %dma_start3A_1355] : memref<4x4x128xi32, #tpu.memory_space<vmem>> -> memref<1x4x128xi32, #tpu.memory_space<vmem>>
      %dma_start3A_1357 = tpu.memref_squeeze %dma_start3A_1356 : memref<1x4x128xi32, #tpu.memory_space<vmem>> -> memref<4x128xi32, #tpu.memory_space<vmem>>
      %dma_start3A_1358 = arith.constant 0 : i32
      %dma_start3A_1359 = arith.constant 0 : i32
      %dma_start3A_1360 = tpu.memref_slice %arg4[%arg0, %dma_start3A_1358, %dma_start3A_1359] : memref<2x6668x128xi32, #tpu.memory_space<hbm>> -> memref<1x6668x128xi32, #tpu.memory_space<hbm>>
      %dma_start3A_1361 = tpu.memref_squeeze %dma_start3A_1360 : memref<1x6668x128xi32, #tpu.memory_space<hbm>> -> memref<6668x128xi32, #tpu.memory_space<hbm>>
      %dma_start3A_1362 = arith.constant 0 : i32
      %dma_start3A_1363 = tpu.memref_slice %dma_start3A_1361[%add3A_1315, %dma_start3A_1362] : memref<6668x128xi32, #tpu.memory_space<hbm>> -> memref<4x128xi32, #tpu.memory_space<hbm>>
      tpu.enqueue_dma source(%dma_start3A_1363 : memref<4x128xi32, #tpu.memory_space<hbm>>) target(%dma_start3A_1357 : memref<4x128xi32, #tpu.memory_space<vmem>>) target_semaphore(%dma_start3A_1353 : memref<!tpu.dma_semaphore, #tpu.memory_space<semaphore_mem>>)
      %dma_wait3A_1364 = arith.constant 1 : i32
      %dma_wait3A_1365 = arith.constant 0 : i32
      %dma_wait3A_1366 = arith.constant 1 : i32
      %dma_wait3A_1367 = arith.constant 1 : i32
      %dma_wait3A_1368 = arith.constant 0 : i32
      %dma_wait3A_1369 = arith.constant 0 : i32
      %dma_wait3A_1370 = tpu.memref_slice %arg10[%dma_wait3A_1366, %dma_wait3A_1368, %dma_wait3A_1369] : memref<2x512x16xf32, #tpu.memory_space<vmem>> -> memref<1x512x16xf32, #tpu.memory_space<vmem>>
      %dma_wait3A_1371 = tpu.memref_squeeze %dma_wait3A_1370 : memref<1x512x16xf32, #tpu.memory_space<vmem>> -> memref<512x16xf32, #tpu.memory_space<vmem>>
      %dma_wait3A_1372 = arith.constant 0 : i32
      %dma_wait3A_1373 = arith.constant 0 : i32
      %dma_wait3A_1374 = tpu.memref_slice %dma_wait3A_1371[%dma_wait3A_1372, %dma_wait3A_1373] : memref<512x16xf32, #tpu.memory_space<vmem>> -> memref<128x16xf32, #tpu.memory_space<vmem>>
      %dma_wait3A_1375 = arith.constant 0 : i32
      %dma_wait3A_1376 = arith.constant 0 : i32
      %dma_wait3A_1377 = tpu.memref_slice %arg8[%dma_wait3A_1364, %dma_wait3A_1375, %dma_wait3A_1376] : memref<4x4x128xi32, #tpu.memory_space<vmem>> -> memref<1x4x128xi32, #tpu.memory_space<vmem>>
      %dma_wait3A_1378 = tpu.memref_squeeze %dma_wait3A_1377 : memref<1x4x128xi32, #tpu.memory_space<vmem>> -> memref<4x128xi32, #tpu.memory_space<vmem>>
      %dma_wait3A_1379 = arith.constant 0 : i32
      %dma_wait3A_1380 = tpu.memref_slice %dma_wait3A_1378[%dma_wait3A_1365, %dma_wait3A_1379] : memref<4x128xi32, #tpu.memory_space<vmem>> -> memref<1x128xi32, #tpu.memory_space<vmem>>
      %dma_wait3A_1381 = tpu.memref_squeeze %dma_wait3A_1380 : memref<1x128xi32, #tpu.memory_space<vmem>> -> memref<128xi32, #tpu.memory_space<vmem>>
      %dma_wait3A_1382 = arith.constant 0 : i32
      %dma_wait3A_1383 = arith.constant 0 : i32
      %dma_wait3A_1384 = tpu.memref_slice %arg2[%arg0, %dma_wait3A_1382, %dma_wait3A_1383] : memref<2x51200x16xf32, #tpu.memory_space<hbm>> -> memref<1x51200x16xf32, #tpu.memory_space<hbm>>
      %dma_wait3A_1385 = tpu.memref_squeeze %dma_wait3A_1384 : memref<1x51200x16xf32, #tpu.memory_space<hbm>> -> memref<51200x16xf32, #tpu.memory_space<hbm>>
      %dma_wait3A_1386 = arith.constant 0 : i32
      %dma_wait3A_1387 = arith.constant 0 : i32
      %dma_wait3A_1388 = tpu.memref_slice %dma_wait3A_1385[%dma_wait3A_1386, %dma_wait3A_1387] : memref<51200x16xf32, #tpu.memory_space<hbm>> -> memref<51200x16xf32, #tpu.memory_space<hbm>>
      %dma_wait3A_1389 = tpu.memref_slice %arg12[%dma_wait3A_1367] : memref<2x!tpu.dma_semaphore, #tpu.memory_space<semaphore_mem>> -> memref<1x!tpu.dma_semaphore, #tpu.memory_space<semaphore_mem>>
      %dma_wait3A_1390 = tpu.memref_squeeze %dma_wait3A_1389 : memref<1x!tpu.dma_semaphore, #tpu.memory_space<semaphore_mem>> -> memref<!tpu.dma_semaphore, #tpu.memory_space<semaphore_mem>>
      tpu.wait_indirect_dma semaphore(%dma_wait3A_1390 : memref<!tpu.dma_semaphore, #tpu.memory_space<semaphore_mem>>) src(%dma_wait3A_1388 : memref<51200x16xf32, #tpu.memory_space<hbm>>) dst(%dma_wait3A_1374 : memref<128x16xf32, #tpu.memory_space<vmem>>)
      %dma_wait3A_1391 = arith.constant 1 : i32
      %dma_wait3A_1392 = arith.constant 1 : i32
      %dma_wait3A_1393 = arith.constant 1 : i32
      %dma_wait3A_1394 = arith.constant 1 : i32
      %dma_wait3A_1395 = arith.constant 0 : i32
      %dma_wait3A_1396 = arith.constant 0 : i32
      %dma_wait3A_1397 = tpu.memref_slice %arg10[%dma_wait3A_1393, %dma_wait3A_1395, %dma_wait3A_1396] : memref<2x512x16xf32, #tpu.memory_space<vmem>> -> memref<1x512x16xf32, #tpu.memory_space<vmem>>
      %dma_wait3A_1398 = tpu.memref_squeeze %dma_wait3A_1397 : memref<1x512x16xf32, #tpu.memory_space<vmem>> -> memref<512x16xf32, #tpu.memory_space<vmem>>
      %dma_wait3A_1399 = arith.constant 128 : i32
      %dma_wait3A_1400 = arith.constant 0 : i32
      %dma_wait3A_1401 = tpu.memref_slice %dma_wait3A_1398[%dma_wait3A_1399, %dma_wait3A_1400] : memref<512x16xf32, #tpu.memory_space<vmem>> -> memref<128x16xf32, #tpu.memory_space<vmem>>
      %dma_wait3A_1402 = arith.constant 0 : i32
      %dma_wait3A_1403 = arith.constant 0 : i32
      %dma_wait3A_1404 = tpu.memref_slice %arg8[%dma_wait3A_1391, %dma_wait3A_1402, %dma_wait3A_1403] : memref<4x4x128xi32, #tpu.memory_space<vmem>> -> memref<1x4x128xi32, #tpu.memory_space<vmem>>
      %dma_wait3A_1405 = tpu.memref_squeeze %dma_wait3A_1404 : memref<1x4x128xi32, #tpu.memory_space<vmem>> -> memref<4x128xi32, #tpu.memory_space<vmem>>
      %dma_wait3A_1406 = arith.constant 0 : i32
      %dma_wait3A_1407 = tpu.memref_slice %dma_wait3A_1405[%dma_wait3A_1392, %dma_wait3A_1406] : memref<4x128xi32, #tpu.memory_space<vmem>> -> memref<1x128xi32, #tpu.memory_space<vmem>>
      %dma_wait3A_1408 = tpu.memref_squeeze %dma_wait3A_1407 : memref<1x128xi32, #tpu.memory_space<vmem>> -> memref<128xi32, #tpu.memory_space<vmem>>
      %dma_wait3A_1409 = arith.constant 0 : i32
      %dma_wait3A_1410 = arith.constant 0 : i32
      %dma_wait3A_1411 = tpu.memref_slice %arg2[%arg0, %dma_wait3A_1409, %dma_wait3A_1410] : memref<2x51200x16xf32, #tpu.memory_space<hbm>> -> memref<1x51200x16xf32, #tpu.memory_space<hbm>>
      %dma_wait3A_1412 = tpu.memref_squeeze %dma_wait3A_1411 : memref<1x51200x16xf32, #tpu.memory_space<hbm>> -> memref<51200x16xf32, #tpu.memory_space<hbm>>
      %dma_wait3A_1413 = arith.constant 0 : i32
      %dma_wait3A_1414 = arith.constant 0 : i32
      %dma_wait3A_1415 = tpu.memref_slice %dma_wait3A_1412[%dma_wait3A_1413, %dma_wait3A_1414] : memref<51200x16xf32, #tpu.memory_space<hbm>> -> memref<51200x16xf32, #tpu.memory_space<hbm>>
      %dma_wait3A_1416 = tpu.memref_slice %arg12[%dma_wait3A_1394] : memref<2x!tpu.dma_semaphore, #tpu.memory_space<semaphore_mem>> -> memref<1x!tpu.dma_semaphore, #tpu.memory_space<semaphore_mem>>
      %dma_wait3A_1417 = tpu.memref_squeeze %dma_wait3A_1416 : memref<1x!tpu.dma_semaphore, #tpu.memory_space<semaphore_mem>> -> memref<!tpu.dma_semaphore, #tpu.memory_space<semaphore_mem>>
      tpu.wait_indirect_dma semaphore(%dma_wait3A_1417 : memref<!tpu.dma_semaphore, #tpu.memory_space<semaphore_mem>>) src(%dma_wait3A_1415 : memref<51200x16xf32, #tpu.memory_space<hbm>>) dst(%dma_wait3A_1401 : memref<128x16xf32, #tpu.memory_space<vmem>>)
      %dma_wait3A_1418 = arith.constant 1 : i32
      %dma_wait3A_1419 = arith.constant 2 : i32
      %dma_wait3A_1420 = arith.constant 1 : i32
      %dma_wait3A_1421 = arith.constant 1 : i32
      %dma_wait3A_1422 = arith.constant 0 : i32
      %dma_wait3A_1423 = arith.constant 0 : i32
      %dma_wait3A_1424 = tpu.memref_slice %arg10[%dma_wait3A_1420, %dma_wait3A_1422, %dma_wait3A_1423] : memref<2x512x16xf32, #tpu.memory_space<vmem>> -> memref<1x512x16xf32, #tpu.memory_space<vmem>>
      %dma_wait3A_1425 = tpu.memref_squeeze %dma_wait3A_1424 : memref<1x512x16xf32, #tpu.memory_space<vmem>> -> memref<512x16xf32, #tpu.memory_space<vmem>>
      %dma_wait3A_1426 = arith.constant 256 : i32
      %dma_wait3A_1427 = arith.constant 0 : i32
      %dma_wait3A_1428 = tpu.memref_slice %dma_wait3A_1425[%dma_wait3A_1426, %dma_wait3A_1427] : memref<512x16xf32, #tpu.memory_space<vmem>> -> memref<128x16xf32, #tpu.memory_space<vmem>>
      %dma_wait3A_1429 = arith.constant 0 : i32
      %dma_wait3A_1430 = arith.constant 0 : i32
      %dma_wait3A_1431 = tpu.memref_slice %arg8[%dma_wait3A_1418, %dma_wait3A_1429, %dma_wait3A_1430] : memref<4x4x128xi32, #tpu.memory_space<vmem>> -> memref<1x4x128xi32, #tpu.memory_space<vmem>>
      %dma_wait3A_1432 = tpu.memref_squeeze %dma_wait3A_1431 : memref<1x4x128xi32, #tpu.memory_space<vmem>> -> memref<4x128xi32, #tpu.memory_space<vmem>>
      %dma_wait3A_1433 = arith.constant 0 : i32
      %dma_wait3A_1434 = tpu.memref_slice %dma_wait3A_1432[%dma_wait3A_1419, %dma_wait3A_1433] : memref<4x128xi32, #tpu.memory_space<vmem>> -> memref<1x128xi32, #tpu.memory_space<vmem>>
      %dma_wait3A_1435 = tpu.memref_squeeze %dma_wait3A_1434 : memref<1x128xi32, #tpu.memory_space<vmem>> -> memref<128xi32, #tpu.memory_space<vmem>>
      %dma_wait3A_1436 = arith.constant 0 : i32
      %dma_wait3A_1437 = arith.constant 0 : i32
      %dma_wait3A_1438 = tpu.memref_slice %arg2[%arg0, %dma_wait3A_1436, %dma_wait3A_1437] : memref<2x51200x16xf32, #tpu.memory_space<hbm>> -> memref<1x51200x16xf32, #tpu.memory_space<hbm>>
      %dma_wait3A_1439 = tpu.memref_squeeze %dma_wait3A_1438 : memref<1x51200x16xf32, #tpu.memory_space<hbm>> -> memref<51200x16xf32, #tpu.memory_space<hbm>>
      %dma_wait3A_1440 = arith.constant 0 : i32
      %dma_wait3A_1441 = arith.constant 0 : i32
      %dma_wait3A_1442 = tpu.memref_slice %dma_wait3A_1439[%dma_wait3A_1440, %dma_wait3A_1441] : memref<51200x16xf32, #tpu.memory_space<hbm>> -> memref<51200x16xf32, #tpu.memory_space<hbm>>
      %dma_wait3A_1443 = tpu.memref_slice %arg12[%dma_wait3A_1421] : memref<2x!tpu.dma_semaphore, #tpu.memory_space<semaphore_mem>> -> memref<1x!tpu.dma_semaphore, #tpu.memory_space<semaphore_mem>>
      %dma_wait3A_1444 = tpu.memref_squeeze %dma_wait3A_1443 : memref<1x!tpu.dma_semaphore, #tpu.memory_space<semaphore_mem>> -> memref<!tpu.dma_semaphore, #tpu.memory_space<semaphore_mem>>
      tpu.wait_indirect_dma semaphore(%dma_wait3A_1444 : memref<!tpu.dma_semaphore, #tpu.memory_space<semaphore_mem>>) src(%dma_wait3A_1442 : memref<51200x16xf32, #tpu.memory_space<hbm>>) dst(%dma_wait3A_1428 : memref<128x16xf32, #tpu.memory_space<vmem>>)
      %dma_wait3A_1445 = arith.constant 1 : i32
      %dma_wait3A_1446 = arith.constant 3 : i32
      %dma_wait3A_1447 = arith.constant 1 : i32
      %dma_wait3A_1448 = arith.constant 1 : i32
      %dma_wait3A_1449 = arith.constant 0 : i32
      %dma_wait3A_1450 = arith.constant 0 : i32
      %dma_wait3A_1451 = tpu.memref_slice %arg10[%dma_wait3A_1447, %dma_wait3A_1449, %dma_wait3A_1450] : memref<2x512x16xf32, #tpu.memory_space<vmem>> -> memref<1x512x16xf32, #tpu.memory_space<vmem>>
      %dma_wait3A_1452 = tpu.memref_squeeze %dma_wait3A_1451 : memref<1x512x16xf32, #tpu.memory_space<vmem>> -> memref<512x16xf32, #tpu.memory_space<vmem>>
      %dma_wait3A_1453 = arith.constant 384 : i32
      %dma_wait3A_1454 = arith.constant 0 : i32
      %dma_wait3A_1455 = tpu.memref_slice %dma_wait3A_1452[%dma_wait3A_1453, %dma_wait3A_1454] : memref<512x16xf32, #tpu.memory_space<vmem>> -> memref<128x16xf32, #tpu.memory_space<vmem>>
      %dma_wait3A_1456 = arith.constant 0 : i32
      %dma_wait3A_1457 = arith.constant 0 : i32
      %dma_wait3A_1458 = tpu.memref_slice %arg8[%dma_wait3A_1445, %dma_wait3A_1456, %dma_wait3A_1457] : memref<4x4x128xi32, #tpu.memory_space<vmem>> -> memref<1x4x128xi32, #tpu.memory_space<vmem>>
      %dma_wait3A_1459 = tpu.memref_squeeze %dma_wait3A_1458 : memref<1x4x128xi32, #tpu.memory_space<vmem>> -> memref<4x128xi32, #tpu.memory_space<vmem>>
      %dma_wait3A_1460 = arith.constant 0 : i32
      %dma_wait3A_1461 = tpu.memref_slice %dma_wait3A_1459[%dma_wait3A_1446, %dma_wait3A_1460] : memref<4x128xi32, #tpu.memory_space<vmem>> -> memref<1x128xi32, #tpu.memory_space<vmem>>
      %dma_wait3A_1462 = tpu.memref_squeeze %dma_wait3A_1461 : memref<1x128xi32, #tpu.memory_space<vmem>> -> memref<128xi32, #tpu.memory_space<vmem>>
      %dma_wait3A_1463 = arith.constant 0 : i32
      %dma_wait3A_1464 = arith.constant 0 : i32
      %dma_wait3A_1465 = tpu.memref_slice %arg2[%arg0, %dma_wait3A_1463, %dma_wait3A_1464] : memref<2x51200x16xf32, #tpu.memory_space<hbm>> -> memref<1x51200x16xf32, #tpu.memory_space<hbm>>
      %dma_wait3A_1466 = tpu.memref_squeeze %dma_wait3A_1465 : memref<1x51200x16xf32, #tpu.memory_space<hbm>> -> memref<51200x16xf32, #tpu.memory_space<hbm>>
      %dma_wait3A_1467 = arith.constant 0 : i32
      %dma_wait3A_1468 = arith.constant 0 : i32
      %dma_wait3A_1469 = tpu.memref_slice %dma_wait3A_1466[%dma_wait3A_1467, %dma_wait3A_1468] : memref<51200x16xf32, #tpu.memory_space<hbm>> -> memref<51200x16xf32, #tpu.memory_space<hbm>>
      %dma_wait3A_1470 = tpu.memref_slice %arg12[%dma_wait3A_1448] : memref<2x!tpu.dma_semaphore, #tpu.memory_space<semaphore_mem>> -> memref<1x!tpu.dma_semaphore, #tpu.memory_space<semaphore_mem>>
      %dma_wait3A_1471 = tpu.memref_squeeze %dma_wait3A_1470 : memref<1x!tpu.dma_semaphore, #tpu.memory_space<semaphore_mem>> -> memref<!tpu.dma_semaphore, #tpu.memory_space<semaphore_mem>>
      tpu.wait_indirect_dma semaphore(%dma_wait3A_1471 : memref<!tpu.dma_semaphore, #tpu.memory_space<semaphore_mem>>) src(%dma_wait3A_1469 : memref<51200x16xf32, #tpu.memory_space<hbm>>) dst(%dma_wait3A_1455 : memref<128x16xf32, #tpu.memory_space<vmem>>)
      %dma_start3A_1472 = arith.constant 1 : i32
      %dma_start3A_1473 = arith.constant 1 : i32
      %dma_start3A_1474 = arith.constant 0 : i32
      %dma_start3A_1475 = arith.constant 1 : i32
      %dma_start3A_1476 = arith.constant 0 : i32
      %dma_start3A_1477 = arith.constant 0 : i32
      %dma_start3A_1478 = tpu.memref_slice %arg10[%dma_start3A_1472, %dma_start3A_1476, %dma_start3A_1477] : memref<2x512x16xf32, #tpu.memory_space<vmem>> -> memref<1x512x16xf32, #tpu.memory_space<vmem>>
      %dma_start3A_1479 = tpu.memref_squeeze %dma_start3A_1478 : memref<1x512x16xf32, #tpu.memory_space<vmem>> -> memref<512x16xf32, #tpu.memory_space<vmem>>
      %dma_start3A_1480 = arith.constant 0 : i32
      %dma_start3A_1481 = arith.constant 0 : i32
      %dma_start3A_1482 = tpu.memref_slice %dma_start3A_1479[%dma_start3A_1480, %dma_start3A_1481] : memref<512x16xf32, #tpu.memory_space<vmem>> -> memref<128x16xf32, #tpu.memory_space<vmem>>
      %dma_start3A_1483 = arith.constant 0 : i32
      %dma_start3A_1484 = arith.constant 0 : i32
      %dma_start3A_1485 = tpu.memref_slice %arg9[%dma_start3A_1473, %dma_start3A_1483, %dma_start3A_1484] : memref<4x4x128xi32, #tpu.memory_space<vmem>> -> memref<1x4x128xi32, #tpu.memory_space<vmem>>
      %dma_start3A_1486 = tpu.memref_squeeze %dma_start3A_1485 : memref<1x4x128xi32, #tpu.memory_space<vmem>> -> memref<4x128xi32, #tpu.memory_space<vmem>>
      %dma_start3A_1487 = arith.constant 0 : i32
      %dma_start3A_1488 = tpu.memref_slice %dma_start3A_1486[%dma_start3A_1474, %dma_start3A_1487] : memref<4x128xi32, #tpu.memory_space<vmem>> -> memref<1x128xi32, #tpu.memory_space<vmem>>
      %dma_start3A_1489 = tpu.memref_squeeze %dma_start3A_1488 : memref<1x128xi32, #tpu.memory_space<vmem>> -> memref<128xi32, #tpu.memory_space<vmem>>
      %dma_start3A_1490 = arith.constant 0 : i32
      %dma_start3A_1491 = arith.constant 0 : i32
      %dma_start3A_1492 = tpu.memref_slice %arg6[%dma_start3A_1490, %dma_start3A_1491] : memref<51200x16xf32, #tpu.memory_space<vmem_shared>> -> memref<51200x16xf32, #tpu.memory_space<vmem_shared>>
      %dma_start3A_1493 = tpu.memref_slice %arg13[%dma_start3A_1475] : memref<2x!tpu.dma_semaphore, #tpu.memory_space<semaphore_mem>> -> memref<1x!tpu.dma_semaphore, #tpu.memory_space<semaphore_mem>>
      %dma_start3A_1494 = tpu.memref_squeeze %dma_start3A_1493 : memref<1x!tpu.dma_semaphore, #tpu.memory_space<semaphore_mem>> -> memref<!tpu.dma_semaphore, #tpu.memory_space<semaphore_mem>>
      tpu.enqueue_indirect_dma source(%dma_start3A_1482 : memref<128x16xf32, #tpu.memory_space<vmem>>) target(%dma_start3A_1492 : memref<51200x16xf32, #tpu.memory_space<vmem_shared>>) offsets(%dma_start3A_1489 : memref<128xi32, #tpu.memory_space<vmem>>) semaphore(%dma_start3A_1494 : memref<!tpu.dma_semaphore, #tpu.memory_space<semaphore_mem>>) {add = true}
      %dma_start3A_1495 = arith.constant 1 : i32
      %dma_start3A_1496 = arith.constant 1 : i32
      %dma_start3A_1497 = arith.constant 1 : i32
      %dma_start3A_1498 = arith.constant 1 : i32
      %dma_start3A_1499 = arith.constant 0 : i32
      %dma_start3A_1500 = arith.constant 0 : i32
      %dma_start3A_1501 = tpu.memref_slice %arg10[%dma_start3A_1495, %dma_start3A_1499, %dma_start3A_1500] : memref<2x512x16xf32, #tpu.memory_space<vmem>> -> memref<1x512x16xf32, #tpu.memory_space<vmem>>
      %dma_start3A_1502 = tpu.memref_squeeze %dma_start3A_1501 : memref<1x512x16xf32, #tpu.memory_space<vmem>> -> memref<512x16xf32, #tpu.memory_space<vmem>>
      %dma_start3A_1503 = arith.constant 128 : i32
      %dma_start3A_1504 = arith.constant 0 : i32
      %dma_start3A_1505 = tpu.memref_slice %dma_start3A_1502[%dma_start3A_1503, %dma_start3A_1504] : memref<512x16xf32, #tpu.memory_space<vmem>> -> memref<128x16xf32, #tpu.memory_space<vmem>>
      %dma_start3A_1506 = arith.constant 0 : i32
      %dma_start3A_1507 = arith.constant 0 : i32
      %dma_start3A_1508 = tpu.memref_slice %arg9[%dma_start3A_1496, %dma_start3A_1506, %dma_start3A_1507] : memref<4x4x128xi32, #tpu.memory_space<vmem>> -> memref<1x4x128xi32, #tpu.memory_space<vmem>>
      %dma_start3A_1509 = tpu.memref_squeeze %dma_start3A_1508 : memref<1x4x128xi32, #tpu.memory_space<vmem>> -> memref<4x128xi32, #tpu.memory_space<vmem>>
      %dma_start3A_1510 = arith.constant 0 : i32
      %dma_start3A_1511 = tpu.memref_slice %dma_start3A_1509[%dma_start3A_1497, %dma_start3A_1510] : memref<4x128xi32, #tpu.memory_space<vmem>> -> memref<1x128xi32, #tpu.memory_space<vmem>>
      %dma_start3A_1512 = tpu.memref_squeeze %dma_start3A_1511 : memref<1x128xi32, #tpu.memory_space<vmem>> -> memref<128xi32, #tpu.memory_space<vmem>>
      %dma_start3A_1513 = arith.constant 0 : i32
      %dma_start3A_1514 = arith.constant 0 : i32
      %dma_start3A_1515 = tpu.memref_slice %arg6[%dma_start3A_1513, %dma_start3A_1514] : memref<51200x16xf32, #tpu.memory_space<vmem_shared>> -> memref<51200x16xf32, #tpu.memory_space<vmem_shared>>
      %dma_start3A_1516 = tpu.memref_slice %arg13[%dma_start3A_1498] : memref<2x!tpu.dma_semaphore, #tpu.memory_space<semaphore_mem>> -> memref<1x!tpu.dma_semaphore, #tpu.memory_space<semaphore_mem>>
      %dma_start3A_1517 = tpu.memref_squeeze %dma_start3A_1516 : memref<1x!tpu.dma_semaphore, #tpu.memory_space<semaphore_mem>> -> memref<!tpu.dma_semaphore, #tpu.memory_space<semaphore_mem>>
      tpu.enqueue_indirect_dma source(%dma_start3A_1505 : memref<128x16xf32, #tpu.memory_space<vmem>>) target(%dma_start3A_1515 : memref<51200x16xf32, #tpu.memory_space<vmem_shared>>) offsets(%dma_start3A_1512 : memref<128xi32, #tpu.memory_space<vmem>>) semaphore(%dma_start3A_1517 : memref<!tpu.dma_semaphore, #tpu.memory_space<semaphore_mem>>) {add = true}
      %dma_start3A_1518 = arith.constant 1 : i32
      %dma_start3A_1519 = arith.constant 1 : i32
      %dma_start3A_1520 = arith.constant 2 : i32
      %dma_start3A_1521 = arith.constant 1 : i32
      %dma_start3A_1522 = arith.constant 0 : i32
      %dma_start3A_1523 = arith.constant 0 : i32
      %dma_start3A_1524 = tpu.memref_slice %arg10[%dma_start3A_1518, %dma_start3A_1522, %dma_start3A_1523] : memref<2x512x16xf32, #tpu.memory_space<vmem>> -> memref<1x512x16xf32, #tpu.memory_space<vmem>>
      %dma_start3A_1525 = tpu.memref_squeeze %dma_start3A_1524 : memref<1x512x16xf32, #tpu.memory_space<vmem>> -> memref<512x16xf32, #tpu.memory_space<vmem>>
      %dma_start3A_1526 = arith.constant 256 : i32
      %dma_start3A_1527 = arith.constant 0 : i32
      %dma_start3A_1528 = tpu.memref_slice %dma_start3A_1525[%dma_start3A_1526, %dma_start3A_1527] : memref<512x16xf32, #tpu.memory_space<vmem>> -> memref<128x16xf32, #tpu.memory_space<vmem>>
      %dma_start3A_1529 = arith.constant 0 : i32
      %dma_start3A_1530 = arith.constant 0 : i32
      %dma_start3A_1531 = tpu.memref_slice %arg9[%dma_start3A_1519, %dma_start3A_1529, %dma_start3A_1530] : memref<4x4x128xi32, #tpu.memory_space<vmem>> -> memref<1x4x128xi32, #tpu.memory_space<vmem>>
      %dma_start3A_1532 = tpu.memref_squeeze %dma_start3A_1531 : memref<1x4x128xi32, #tpu.memory_space<vmem>> -> memref<4x128xi32, #tpu.memory_space<vmem>>
      %dma_start3A_1533 = arith.constant 0 : i32
      %dma_start3A_1534 = tpu.memref_slice %dma_start3A_1532[%dma_start3A_1520, %dma_start3A_1533] : memref<4x128xi32, #tpu.memory_space<vmem>> -> memref<1x128xi32, #tpu.memory_space<vmem>>
      %dma_start3A_1535 = tpu.memref_squeeze %dma_start3A_1534 : memref<1x128xi32, #tpu.memory_space<vmem>> -> memref<128xi32, #tpu.memory_space<vmem>>
      %dma_start3A_1536 = arith.constant 0 : i32
      %dma_start3A_1537 = arith.constant 0 : i32
      %dma_start3A_1538 = tpu.memref_slice %arg6[%dma_start3A_1536, %dma_start3A_1537] : memref<51200x16xf32, #tpu.memory_space<vmem_shared>> -> memref<51200x16xf32, #tpu.memory_space<vmem_shared>>
      %dma_start3A_1539 = tpu.memref_slice %arg13[%dma_start3A_1521] : memref<2x!tpu.dma_semaphore, #tpu.memory_space<semaphore_mem>> -> memref<1x!tpu.dma_semaphore, #tpu.memory_space<semaphore_mem>>
      %dma_start3A_1540 = tpu.memref_squeeze %dma_start3A_1539 : memref<1x!tpu.dma_semaphore, #tpu.memory_space<semaphore_mem>> -> memref<!tpu.dma_semaphore, #tpu.memory_space<semaphore_mem>>
      tpu.enqueue_indirect_dma source(%dma_start3A_1528 : memref<128x16xf32, #tpu.memory_space<vmem>>) target(%dma_start3A_1538 : memref<51200x16xf32, #tpu.memory_space<vmem_shared>>) offsets(%dma_start3A_1535 : memref<128xi32, #tpu.memory_space<vmem>>) semaphore(%dma_start3A_1540 : memref<!tpu.dma_semaphore, #tpu.memory_space<semaphore_mem>>) {add = true}
      %dma_start3A_1541 = arith.constant 1 : i32
      %dma_start3A_1542 = arith.constant 1 : i32
      %dma_start3A_1543 = arith.constant 3 : i32
      %dma_start3A_1544 = arith.constant 1 : i32
      %dma_start3A_1545 = arith.constant 0 : i32
      %dma_start3A_1546 = arith.constant 0 : i32
      %dma_start3A_1547 = tpu.memref_slice %arg10[%dma_start3A_1541, %dma_start3A_1545, %dma_start3A_1546] : memref<2x512x16xf32, #tpu.memory_space<vmem>> -> memref<1x512x16xf32, #tpu.memory_space<vmem>>
      %dma_start3A_1548 = tpu.memref_squeeze %dma_start3A_1547 : memref<1x512x16xf32, #tpu.memory_space<vmem>> -> memref<512x16xf32, #tpu.memory_space<vmem>>
      %dma_start3A_1549 = arith.constant 384 : i32
      %dma_start3A_1550 = arith.constant 0 : i32
      %dma_start3A_1551 = tpu.memref_slice %dma_start3A_1548[%dma_start3A_1549, %dma_start3A_1550] : memref<512x16xf32, #tpu.memory_space<vmem>> -> memref<128x16xf32, #tpu.memory_space<vmem>>
      %dma_start3A_1552 = arith.constant 0 : i32
      %dma_start3A_1553 = arith.constant 0 : i32
      %dma_start3A_1554 = tpu.memref_slice %arg9[%dma_start3A_1542, %dma_start3A_1552, %dma_start3A_1553] : memref<4x4x128xi32, #tpu.memory_space<vmem>> -> memref<1x4x128xi32, #tpu.memory_space<vmem>>
      %dma_start3A_1555 = tpu.memref_squeeze %dma_start3A_1554 : memref<1x4x128xi32, #tpu.memory_space<vmem>> -> memref<4x128xi32, #tpu.memory_space<vmem>>
      %dma_start3A_1556 = arith.constant 0 : i32
      %dma_start3A_1557 = tpu.memref_slice %dma_start3A_1555[%dma_start3A_1543, %dma_start3A_1556] : memref<4x128xi32, #tpu.memory_space<vmem>> -> memref<1x128xi32, #tpu.memory_space<vmem>>
      %dma_start3A_1558 = tpu.memref_squeeze %dma_start3A_1557 : memref<1x128xi32, #tpu.memory_space<vmem>> -> memref<128xi32, #tpu.memory_space<vmem>>
      %dma_start3A_1559 = arith.constant 0 : i32
      %dma_start3A_1560 = arith.constant 0 : i32
      %dma_start3A_1561 = tpu.memref_slice %arg6[%dma_start3A_1559, %dma_start3A_1560] : memref<51200x16xf32, #tpu.memory_space<vmem_shared>> -> memref<51200x16xf32, #tpu.memory_space<vmem_shared>>
      %dma_start3A_1562 = tpu.memref_slice %arg13[%dma_start3A_1544] : memref<2x!tpu.dma_semaphore, #tpu.memory_space<semaphore_mem>> -> memref<1x!tpu.dma_semaphore, #tpu.memory_space<semaphore_mem>>
      %dma_start3A_1563 = tpu.memref_squeeze %dma_start3A_1562 : memref<1x!tpu.dma_semaphore, #tpu.memory_space<semaphore_mem>> -> memref<!tpu.dma_semaphore, #tpu.memory_space<semaphore_mem>>
      tpu.enqueue_indirect_dma source(%dma_start3A_1551 : memref<128x16xf32, #tpu.memory_space<vmem>>) target(%dma_start3A_1561 : memref<51200x16xf32, #tpu.memory_space<vmem_shared>>) offsets(%dma_start3A_1558 : memref<128xi32, #tpu.memory_space<vmem>>) semaphore(%dma_start3A_1563 : memref<!tpu.dma_semaphore, #tpu.memory_space<semaphore_mem>>) {add = true}
      %add3A_1564 = arith.constant 2 : i32
      %add3A_1565 = arith.addi %mul3A_641, %add3A_1564 : i32
      %dma_wait3A_1566 = arith.constant 2 : i32
      %dma_wait3A_1567 = arith.constant 0 : i32
      %dma_wait3A_1568 = arith.constant 0 : i32
      %dma_wait3A_1569 = arith.constant 0 : i32
      %dma_wait3A_1570 = arith.constant 0 : i32
      %dma_wait3A_1571 = arith.constant 0 : i32
      %dma_wait3A_1572 = tpu.memref_slice %arg10[%dma_wait3A_1568, %dma_wait3A_1570, %dma_wait3A_1571] : memref<2x512x16xf32, #tpu.memory_space<vmem>> -> memref<1x512x16xf32, #tpu.memory_space<vmem>>
      %dma_wait3A_1573 = tpu.memref_squeeze %dma_wait3A_1572 : memref<1x512x16xf32, #tpu.memory_space<vmem>> -> memref<512x16xf32, #tpu.memory_space<vmem>>
      %dma_wait3A_1574 = arith.constant 0 : i32
      %dma_wait3A_1575 = arith.constant 0 : i32
      %dma_wait3A_1576 = tpu.memref_slice %dma_wait3A_1573[%dma_wait3A_1574, %dma_wait3A_1575] : memref<512x16xf32, #tpu.memory_space<vmem>> -> memref<128x16xf32, #tpu.memory_space<vmem>>
      %dma_wait3A_1577 = arith.constant 0 : i32
      %dma_wait3A_1578 = arith.constant 0 : i32
      %dma_wait3A_1579 = tpu.memref_slice %arg8[%dma_wait3A_1566, %dma_wait3A_1577, %dma_wait3A_1578] : memref<4x4x128xi32, #tpu.memory_space<vmem>> -> memref<1x4x128xi32, #tpu.memory_space<vmem>>
      %dma_wait3A_1580 = tpu.memref_squeeze %dma_wait3A_1579 : memref<1x4x128xi32, #tpu.memory_space<vmem>> -> memref<4x128xi32, #tpu.memory_space<vmem>>
      %dma_wait3A_1581 = arith.constant 0 : i32
      %dma_wait3A_1582 = tpu.memref_slice %dma_wait3A_1580[%dma_wait3A_1567, %dma_wait3A_1581] : memref<4x128xi32, #tpu.memory_space<vmem>> -> memref<1x128xi32, #tpu.memory_space<vmem>>
      %dma_wait3A_1583 = tpu.memref_squeeze %dma_wait3A_1582 : memref<1x128xi32, #tpu.memory_space<vmem>> -> memref<128xi32, #tpu.memory_space<vmem>>
      %dma_wait3A_1584 = arith.constant 0 : i32
      %dma_wait3A_1585 = arith.constant 0 : i32
      %dma_wait3A_1586 = tpu.memref_slice %arg2[%arg0, %dma_wait3A_1584, %dma_wait3A_1585] : memref<2x51200x16xf32, #tpu.memory_space<hbm>> -> memref<1x51200x16xf32, #tpu.memory_space<hbm>>
      %dma_wait3A_1587 = tpu.memref_squeeze %dma_wait3A_1586 : memref<1x51200x16xf32, #tpu.memory_space<hbm>> -> memref<51200x16xf32, #tpu.memory_space<hbm>>
      %dma_wait3A_1588 = arith.constant 0 : i32
      %dma_wait3A_1589 = arith.constant 0 : i32
      %dma_wait3A_1590 = tpu.memref_slice %dma_wait3A_1587[%dma_wait3A_1588, %dma_wait3A_1589] : memref<51200x16xf32, #tpu.memory_space<hbm>> -> memref<51200x16xf32, #tpu.memory_space<hbm>>
      %dma_wait3A_1591 = tpu.memref_slice %arg12[%dma_wait3A_1569] : memref<2x!tpu.dma_semaphore, #tpu.memory_space<semaphore_mem>> -> memref<1x!tpu.dma_semaphore, #tpu.memory_space<semaphore_mem>>
      %dma_wait3A_1592 = tpu.memref_squeeze %dma_wait3A_1591 : memref<1x!tpu.dma_semaphore, #tpu.memory_space<semaphore_mem>> -> memref<!tpu.dma_semaphore, #tpu.memory_space<semaphore_mem>>
      tpu.wait_indirect_dma semaphore(%dma_wait3A_1592 : memref<!tpu.dma_semaphore, #tpu.memory_space<semaphore_mem>>) src(%dma_wait3A_1590 : memref<51200x16xf32, #tpu.memory_space<hbm>>) dst(%dma_wait3A_1576 : memref<128x16xf32, #tpu.memory_space<vmem>>)
      %dma_wait3A_1593 = arith.constant 2 : i32
      %dma_wait3A_1594 = arith.constant 1 : i32
      %dma_wait3A_1595 = arith.constant 0 : i32
      %dma_wait3A_1596 = arith.constant 0 : i32
      %dma_wait3A_1597 = arith.constant 0 : i32
      %dma_wait3A_1598 = arith.constant 0 : i32
      %dma_wait3A_1599 = tpu.memref_slice %arg10[%dma_wait3A_1595, %dma_wait3A_1597, %dma_wait3A_1598] : memref<2x512x16xf32, #tpu.memory_space<vmem>> -> memref<1x512x16xf32, #tpu.memory_space<vmem>>
      %dma_wait3A_1600 = tpu.memref_squeeze %dma_wait3A_1599 : memref<1x512x16xf32, #tpu.memory_space<vmem>> -> memref<512x16xf32, #tpu.memory_space<vmem>>
      %dma_wait3A_1601 = arith.constant 128 : i32
      %dma_wait3A_1602 = arith.constant 0 : i32
      %dma_wait3A_1603 = tpu.memref_slice %dma_wait3A_1600[%dma_wait3A_1601, %dma_wait3A_1602] : memref<512x16xf32, #tpu.memory_space<vmem>> -> memref<128x16xf32, #tpu.memory_space<vmem>>
      %dma_wait3A_1604 = arith.constant 0 : i32
      %dma_wait3A_1605 = arith.constant 0 : i32
      %dma_wait3A_1606 = tpu.memref_slice %arg8[%dma_wait3A_1593, %dma_wait3A_1604, %dma_wait3A_1605] : memref<4x4x128xi32, #tpu.memory_space<vmem>> -> memref<1x4x128xi32, #tpu.memory_space<vmem>>
      %dma_wait3A_1607 = tpu.memref_squeeze %dma_wait3A_1606 : memref<1x4x128xi32, #tpu.memory_space<vmem>> -> memref<4x128xi32, #tpu.memory_space<vmem>>
      %dma_wait3A_1608 = arith.constant 0 : i32
      %dma_wait3A_1609 = tpu.memref_slice %dma_wait3A_1607[%dma_wait3A_1594, %dma_wait3A_1608] : memref<4x128xi32, #tpu.memory_space<vmem>> -> memref<1x128xi32, #tpu.memory_space<vmem>>
      %dma_wait3A_1610 = tpu.memref_squeeze %dma_wait3A_1609 : memref<1x128xi32, #tpu.memory_space<vmem>> -> memref<128xi32, #tpu.memory_space<vmem>>
      %dma_wait3A_1611 = arith.constant 0 : i32
      %dma_wait3A_1612 = arith.constant 0 : i32
      %dma_wait3A_1613 = tpu.memref_slice %arg2[%arg0, %dma_wait3A_1611, %dma_wait3A_1612] : memref<2x51200x16xf32, #tpu.memory_space<hbm>> -> memref<1x51200x16xf32, #tpu.memory_space<hbm>>
      %dma_wait3A_1614 = tpu.memref_squeeze %dma_wait3A_1613 : memref<1x51200x16xf32, #tpu.memory_space<hbm>> -> memref<51200x16xf32, #tpu.memory_space<hbm>>
      %dma_wait3A_1615 = arith.constant 0 : i32
      %dma_wait3A_1616 = arith.constant 0 : i32
      %dma_wait3A_1617 = tpu.memref_slice %dma_wait3A_1614[%dma_wait3A_1615, %dma_wait3A_1616] : memref<51200x16xf32, #tpu.memory_space<hbm>> -> memref<51200x16xf32, #tpu.memory_space<hbm>>
      %dma_wait3A_1618 = tpu.memref_slice %arg12[%dma_wait3A_1596] : memref<2x!tpu.dma_semaphore, #tpu.memory_space<semaphore_mem>> -> memref<1x!tpu.dma_semaphore, #tpu.memory_space<semaphore_mem>>
      %dma_wait3A_1619 = tpu.memref_squeeze %dma_wait3A_1618 : memref<1x!tpu.dma_semaphore, #tpu.memory_space<semaphore_mem>> -> memref<!tpu.dma_semaphore, #tpu.memory_space<semaphore_mem>>
      tpu.wait_indirect_dma semaphore(%dma_wait3A_1619 : memref<!tpu.dma_semaphore, #tpu.memory_space<semaphore_mem>>) src(%dma_wait3A_1617 : memref<51200x16xf32, #tpu.memory_space<hbm>>) dst(%dma_wait3A_1603 : memref<128x16xf32, #tpu.memory_space<vmem>>)
      %dma_wait3A_1620 = arith.constant 2 : i32
      %dma_wait3A_1621 = arith.constant 2 : i32
      %dma_wait3A_1622 = arith.constant 0 : i32
      %dma_wait3A_1623 = arith.constant 0 : i32
      %dma_wait3A_1624 = arith.constant 0 : i32
      %dma_wait3A_1625 = arith.constant 0 : i32
      %dma_wait3A_1626 = tpu.memref_slice %arg10[%dma_wait3A_1622, %dma_wait3A_1624, %dma_wait3A_1625] : memref<2x512x16xf32, #tpu.memory_space<vmem>> -> memref<1x512x16xf32, #tpu.memory_space<vmem>>
      %dma_wait3A_1627 = tpu.memref_squeeze %dma_wait3A_1626 : memref<1x512x16xf32, #tpu.memory_space<vmem>> -> memref<512x16xf32, #tpu.memory_space<vmem>>
      %dma_wait3A_1628 = arith.constant 256 : i32
      %dma_wait3A_1629 = arith.constant 0 : i32
      %dma_wait3A_1630 = tpu.memref_slice %dma_wait3A_1627[%dma_wait3A_1628, %dma_wait3A_1629] : memref<512x16xf32, #tpu.memory_space<vmem>> -> memref<128x16xf32, #tpu.memory_space<vmem>>
      %dma_wait3A_1631 = arith.constant 0 : i32
      %dma_wait3A_1632 = arith.constant 0 : i32
      %dma_wait3A_1633 = tpu.memref_slice %arg8[%dma_wait3A_1620, %dma_wait3A_1631, %dma_wait3A_1632] : memref<4x4x128xi32, #tpu.memory_space<vmem>> -> memref<1x4x128xi32, #tpu.memory_space<vmem>>
      %dma_wait3A_1634 = tpu.memref_squeeze %dma_wait3A_1633 : memref<1x4x128xi32, #tpu.memory_space<vmem>> -> memref<4x128xi32, #tpu.memory_space<vmem>>
      %dma_wait3A_1635 = arith.constant 0 : i32
      %dma_wait3A_1636 = tpu.memref_slice %dma_wait3A_1634[%dma_wait3A_1621, %dma_wait3A_1635] : memref<4x128xi32, #tpu.memory_space<vmem>> -> memref<1x128xi32, #tpu.memory_space<vmem>>
      %dma_wait3A_1637 = tpu.memref_squeeze %dma_wait3A_1636 : memref<1x128xi32, #tpu.memory_space<vmem>> -> memref<128xi32, #tpu.memory_space<vmem>>
      %dma_wait3A_1638 = arith.constant 0 : i32
      %dma_wait3A_1639 = arith.constant 0 : i32
      %dma_wait3A_1640 = tpu.memref_slice %arg2[%arg0, %dma_wait3A_1638, %dma_wait3A_1639] : memref<2x51200x16xf32, #tpu.memory_space<hbm>> -> memref<1x51200x16xf32, #tpu.memory_space<hbm>>
      %dma_wait3A_1641 = tpu.memref_squeeze %dma_wait3A_1640 : memref<1x51200x16xf32, #tpu.memory_space<hbm>> -> memref<51200x16xf32, #tpu.memory_space<hbm>>
      %dma_wait3A_1642 = arith.constant 0 : i32
      %dma_wait3A_1643 = arith.constant 0 : i32
      %dma_wait3A_1644 = tpu.memref_slice %dma_wait3A_1641[%dma_wait3A_1642, %dma_wait3A_1643] : memref<51200x16xf32, #tpu.memory_space<hbm>> -> memref<51200x16xf32, #tpu.memory_space<hbm>>
      %dma_wait3A_1645 = tpu.memref_slice %arg12[%dma_wait3A_1623] : memref<2x!tpu.dma_semaphore, #tpu.memory_space<semaphore_mem>> -> memref<1x!tpu.dma_semaphore, #tpu.memory_space<semaphore_mem>>
      %dma_wait3A_1646 = tpu.memref_squeeze %dma_wait3A_1645 : memref<1x!tpu.dma_semaphore, #tpu.memory_space<semaphore_mem>> -> memref<!tpu.dma_semaphore, #tpu.memory_space<semaphore_mem>>
      tpu.wait_indirect_dma semaphore(%dma_wait3A_1646 : memref<!tpu.dma_semaphore, #tpu.memory_space<semaphore_mem>>) src(%dma_wait3A_1644 : memref<51200x16xf32, #tpu.memory_space<hbm>>) dst(%dma_wait3A_1630 : memref<128x16xf32, #tpu.memory_space<vmem>>)
      %dma_wait3A_1647 = arith.constant 2 : i32
      %dma_wait3A_1648 = arith.constant 3 : i32
      %dma_wait3A_1649 = arith.constant 0 : i32
      %dma_wait3A_1650 = arith.constant 0 : i32
      %dma_wait3A_1651 = arith.constant 0 : i32
      %dma_wait3A_1652 = arith.constant 0 : i32
      %dma_wait3A_1653 = tpu.memref_slice %arg10[%dma_wait3A_1649, %dma_wait3A_1651, %dma_wait3A_1652] : memref<2x512x16xf32, #tpu.memory_space<vmem>> -> memref<1x512x16xf32, #tpu.memory_space<vmem>>
      %dma_wait3A_1654 = tpu.memref_squeeze %dma_wait3A_1653 : memref<1x512x16xf32, #tpu.memory_space<vmem>> -> memref<512x16xf32, #tpu.memory_space<vmem>>
      %dma_wait3A_1655 = arith.constant 384 : i32
      %dma_wait3A_1656 = arith.constant 0 : i32
      %dma_wait3A_1657 = tpu.memref_slice %dma_wait3A_1654[%dma_wait3A_1655, %dma_wait3A_1656] : memref<512x16xf32, #tpu.memory_space<vmem>> -> memref<128x16xf32, #tpu.memory_space<vmem>>
      %dma_wait3A_1658 = arith.constant 0 : i32
      %dma_wait3A_1659 = arith.constant 0 : i32
      %dma_wait3A_1660 = tpu.memref_slice %arg8[%dma_wait3A_1647, %dma_wait3A_1658, %dma_wait3A_1659] : memref<4x4x128xi32, #tpu.memory_space<vmem>> -> memref<1x4x128xi32, #tpu.memory_space<vmem>>
      %dma_wait3A_1661 = tpu.memref_squeeze %dma_wait3A_1660 : memref<1x4x128xi32, #tpu.memory_space<vmem>> -> memref<4x128xi32, #tpu.memory_space<vmem>>
      %dma_wait3A_1662 = arith.constant 0 : i32
      %dma_wait3A_1663 = tpu.memref_slice %dma_wait3A_1661[%dma_wait3A_1648, %dma_wait3A_1662] : memref<4x128xi32, #tpu.memory_space<vmem>> -> memref<1x128xi32, #tpu.memory_space<vmem>>
      %dma_wait3A_1664 = tpu.memref_squeeze %dma_wait3A_1663 : memref<1x128xi32, #tpu.memory_space<vmem>> -> memref<128xi32, #tpu.memory_space<vmem>>
      %dma_wait3A_1665 = arith.constant 0 : i32
      %dma_wait3A_1666 = arith.constant 0 : i32
      %dma_wait3A_1667 = tpu.memref_slice %arg2[%arg0, %dma_wait3A_1665, %dma_wait3A_1666] : memref<2x51200x16xf32, #tpu.memory_space<hbm>> -> memref<1x51200x16xf32, #tpu.memory_space<hbm>>
      %dma_wait3A_1668 = tpu.memref_squeeze %dma_wait3A_1667 : memref<1x51200x16xf32, #tpu.memory_space<hbm>> -> memref<51200x16xf32, #tpu.memory_space<hbm>>
      %dma_wait3A_1669 = arith.constant 0 : i32
      %dma_wait3A_1670 = arith.constant 0 : i32
      %dma_wait3A_1671 = tpu.memref_slice %dma_wait3A_1668[%dma_wait3A_1669, %dma_wait3A_1670] : memref<51200x16xf32, #tpu.memory_space<hbm>> -> memref<51200x16xf32, #tpu.memory_space<hbm>>
      %dma_wait3A_1672 = tpu.memref_slice %arg12[%dma_wait3A_1650] : memref<2x!tpu.dma_semaphore, #tpu.memory_space<semaphore_mem>> -> memref<1x!tpu.dma_semaphore, #tpu.memory_space<semaphore_mem>>
      %dma_wait3A_1673 = tpu.memref_squeeze %dma_wait3A_1672 : memref<1x!tpu.dma_semaphore, #tpu.memory_space<semaphore_mem>> -> memref<!tpu.dma_semaphore, #tpu.memory_space<semaphore_mem>>
      tpu.wait_indirect_dma semaphore(%dma_wait3A_1673 : memref<!tpu.dma_semaphore, #tpu.memory_space<semaphore_mem>>) src(%dma_wait3A_1671 : memref<51200x16xf32, #tpu.memory_space<hbm>>) dst(%dma_wait3A_1657 : memref<128x16xf32, #tpu.memory_space<vmem>>)
      %dma_start3A_1674 = arith.constant 0 : i32
      %dma_start3A_1675 = arith.constant 2 : i32
      %dma_start3A_1676 = arith.constant 0 : i32
      %dma_start3A_1677 = arith.constant 0 : i32
      %dma_start3A_1678 = arith.constant 0 : i32
      %dma_start3A_1679 = arith.constant 0 : i32
      %dma_start3A_1680 = tpu.memref_slice %arg10[%dma_start3A_1674, %dma_start3A_1678, %dma_start3A_1679] : memref<2x512x16xf32, #tpu.memory_space<vmem>> -> memref<1x512x16xf32, #tpu.memory_space<vmem>>
      %dma_start3A_1681 = tpu.memref_squeeze %dma_start3A_1680 : memref<1x512x16xf32, #tpu.memory_space<vmem>> -> memref<512x16xf32, #tpu.memory_space<vmem>>
      %dma_start3A_1682 = arith.constant 0 : i32
      %dma_start3A_1683 = arith.constant 0 : i32
      %dma_start3A_1684 = tpu.memref_slice %dma_start3A_1681[%dma_start3A_1682, %dma_start3A_1683] : memref<512x16xf32, #tpu.memory_space<vmem>> -> memref<128x16xf32, #tpu.memory_space<vmem>>
      %dma_start3A_1685 = arith.constant 0 : i32
      %dma_start3A_1686 = arith.constant 0 : i32
      %dma_start3A_1687 = tpu.memref_slice %arg9[%dma_start3A_1675, %dma_start3A_1685, %dma_start3A_1686] : memref<4x4x128xi32, #tpu.memory_space<vmem>> -> memref<1x4x128xi32, #tpu.memory_space<vmem>>
      %dma_start3A_1688 = tpu.memref_squeeze %dma_start3A_1687 : memref<1x4x128xi32, #tpu.memory_space<vmem>> -> memref<4x128xi32, #tpu.memory_space<vmem>>
      %dma_start3A_1689 = arith.constant 0 : i32
      %dma_start3A_1690 = tpu.memref_slice %dma_start3A_1688[%dma_start3A_1676, %dma_start3A_1689] : memref<4x128xi32, #tpu.memory_space<vmem>> -> memref<1x128xi32, #tpu.memory_space<vmem>>
      %dma_start3A_1691 = tpu.memref_squeeze %dma_start3A_1690 : memref<1x128xi32, #tpu.memory_space<vmem>> -> memref<128xi32, #tpu.memory_space<vmem>>
      %dma_start3A_1692 = arith.constant 0 : i32
      %dma_start3A_1693 = arith.constant 0 : i32
      %dma_start3A_1694 = tpu.memref_slice %arg6[%dma_start3A_1692, %dma_start3A_1693] : memref<51200x16xf32, #tpu.memory_space<vmem_shared>> -> memref<51200x16xf32, #tpu.memory_space<vmem_shared>>
      %dma_start3A_1695 = tpu.memref_slice %arg13[%dma_start3A_1677] : memref<2x!tpu.dma_semaphore, #tpu.memory_space<semaphore_mem>> -> memref<1x!tpu.dma_semaphore, #tpu.memory_space<semaphore_mem>>
      %dma_start3A_1696 = tpu.memref_squeeze %dma_start3A_1695 : memref<1x!tpu.dma_semaphore, #tpu.memory_space<semaphore_mem>> -> memref<!tpu.dma_semaphore, #tpu.memory_space<semaphore_mem>>
      tpu.enqueue_indirect_dma source(%dma_start3A_1684 : memref<128x16xf32, #tpu.memory_space<vmem>>) target(%dma_start3A_1694 : memref<51200x16xf32, #tpu.memory_space<vmem_shared>>) offsets(%dma_start3A_1691 : memref<128xi32, #tpu.memory_space<vmem>>) semaphore(%dma_start3A_1696 : memref<!tpu.dma_semaphore, #tpu.memory_space<semaphore_mem>>) {add = true}
      %dma_start3A_1697 = arith.constant 0 : i32
      %dma_start3A_1698 = arith.constant 2 : i32
      %dma_start3A_1699 = arith.constant 1 : i32
      %dma_start3A_1700 = arith.constant 0 : i32
      %dma_start3A_1701 = arith.constant 0 : i32
      %dma_start3A_1702 = arith.constant 0 : i32
      %dma_start3A_1703 = tpu.memref_slice %arg10[%dma_start3A_1697, %dma_start3A_1701, %dma_start3A_1702] : memref<2x512x16xf32, #tpu.memory_space<vmem>> -> memref<1x512x16xf32, #tpu.memory_space<vmem>>
      %dma_start3A_1704 = tpu.memref_squeeze %dma_start3A_1703 : memref<1x512x16xf32, #tpu.memory_space<vmem>> -> memref<512x16xf32, #tpu.memory_space<vmem>>
      %dma_start3A_1705 = arith.constant 128 : i32
      %dma_start3A_1706 = arith.constant 0 : i32
      %dma_start3A_1707 = tpu.memref_slice %dma_start3A_1704[%dma_start3A_1705, %dma_start3A_1706] : memref<512x16xf32, #tpu.memory_space<vmem>> -> memref<128x16xf32, #tpu.memory_space<vmem>>
      %dma_start3A_1708 = arith.constant 0 : i32
      %dma_start3A_1709 = arith.constant 0 : i32
      %dma_start3A_1710 = tpu.memref_slice %arg9[%dma_start3A_1698, %dma_start3A_1708, %dma_start3A_1709] : memref<4x4x128xi32, #tpu.memory_space<vmem>> -> memref<1x4x128xi32, #tpu.memory_space<vmem>>
      %dma_start3A_1711 = tpu.memref_squeeze %dma_start3A_1710 : memref<1x4x128xi32, #tpu.memory_space<vmem>> -> memref<4x128xi32, #tpu.memory_space<vmem>>
      %dma_start3A_1712 = arith.constant 0 : i32
      %dma_start3A_1713 = tpu.memref_slice %dma_start3A_1711[%dma_start3A_1699, %dma_start3A_1712] : memref<4x128xi32, #tpu.memory_space<vmem>> -> memref<1x128xi32, #tpu.memory_space<vmem>>
      %dma_start3A_1714 = tpu.memref_squeeze %dma_start3A_1713 : memref<1x128xi32, #tpu.memory_space<vmem>> -> memref<128xi32, #tpu.memory_space<vmem>>
      %dma_start3A_1715 = arith.constant 0 : i32
      %dma_start3A_1716 = arith.constant 0 : i32
      %dma_start3A_1717 = tpu.memref_slice %arg6[%dma_start3A_1715, %dma_start3A_1716] : memref<51200x16xf32, #tpu.memory_space<vmem_shared>> -> memref<51200x16xf32, #tpu.memory_space<vmem_shared>>
      %dma_start3A_1718 = tpu.memref_slice %arg13[%dma_start3A_1700] : memref<2x!tpu.dma_semaphore, #tpu.memory_space<semaphore_mem>> -> memref<1x!tpu.dma_semaphore, #tpu.memory_space<semaphore_mem>>
      %dma_start3A_1719 = tpu.memref_squeeze %dma_start3A_1718 : memref<1x!tpu.dma_semaphore, #tpu.memory_space<semaphore_mem>> -> memref<!tpu.dma_semaphore, #tpu.memory_space<semaphore_mem>>
      tpu.enqueue_indirect_dma source(%dma_start3A_1707 : memref<128x16xf32, #tpu.memory_space<vmem>>) target(%dma_start3A_1717 : memref<51200x16xf32, #tpu.memory_space<vmem_shared>>) offsets(%dma_start3A_1714 : memref<128xi32, #tpu.memory_space<vmem>>) semaphore(%dma_start3A_1719 : memref<!tpu.dma_semaphore, #tpu.memory_space<semaphore_mem>>) {add = true}
      %dma_start3A_1720 = arith.constant 0 : i32
      %dma_start3A_1721 = arith.constant 2 : i32
      %dma_start3A_1722 = arith.constant 2 : i32
      %dma_start3A_1723 = arith.constant 0 : i32
      %dma_start3A_1724 = arith.constant 0 : i32
      %dma_start3A_1725 = arith.constant 0 : i32
      %dma_start3A_1726 = tpu.memref_slice %arg10[%dma_start3A_1720, %dma_start3A_1724, %dma_start3A_1725] : memref<2x512x16xf32, #tpu.memory_space<vmem>> -> memref<1x512x16xf32, #tpu.memory_space<vmem>>
      %dma_start3A_1727 = tpu.memref_squeeze %dma_start3A_1726 : memref<1x512x16xf32, #tpu.memory_space<vmem>> -> memref<512x16xf32, #tpu.memory_space<vmem>>
      %dma_start3A_1728 = arith.constant 256 : i32
      %dma_start3A_1729 = arith.constant 0 : i32
      %dma_start3A_1730 = tpu.memref_slice %dma_start3A_1727[%dma_start3A_1728, %dma_start3A_1729] : memref<512x16xf32, #tpu.memory_space<vmem>> -> memref<128x16xf32, #tpu.memory_space<vmem>>
      %dma_start3A_1731 = arith.constant 0 : i32
      %dma_start3A_1732 = arith.constant 0 : i32
      %dma_start3A_1733 = tpu.memref_slice %arg9[%dma_start3A_1721, %dma_start3A_1731, %dma_start3A_1732] : memref<4x4x128xi32, #tpu.memory_space<vmem>> -> memref<1x4x128xi32, #tpu.memory_space<vmem>>
      %dma_start3A_1734 = tpu.memref_squeeze %dma_start3A_1733 : memref<1x4x128xi32, #tpu.memory_space<vmem>> -> memref<4x128xi32, #tpu.memory_space<vmem>>
      %dma_start3A_1735 = arith.constant 0 : i32
      %dma_start3A_1736 = tpu.memref_slice %dma_start3A_1734[%dma_start3A_1722, %dma_start3A_1735] : memref<4x128xi32, #tpu.memory_space<vmem>> -> memref<1x128xi32, #tpu.memory_space<vmem>>
      %dma_start3A_1737 = tpu.memref_squeeze %dma_start3A_1736 : memref<1x128xi32, #tpu.memory_space<vmem>> -> memref<128xi32, #tpu.memory_space<vmem>>
      %dma_start3A_1738 = arith.constant 0 : i32
      %dma_start3A_1739 = arith.constant 0 : i32
      %dma_start3A_1740 = tpu.memref_slice %arg6[%dma_start3A_1738, %dma_start3A_1739] : memref<51200x16xf32, #tpu.memory_space<vmem_shared>> -> memref<51200x16xf32, #tpu.memory_space<vmem_shared>>
      %dma_start3A_1741 = tpu.memref_slice %arg13[%dma_start3A_1723] : memref<2x!tpu.dma_semaphore, #tpu.memory_space<semaphore_mem>> -> memref<1x!tpu.dma_semaphore, #tpu.memory_space<semaphore_mem>>
      %dma_start3A_1742 = tpu.memref_squeeze %dma_start3A_1741 : memref<1x!tpu.dma_semaphore, #tpu.memory_space<semaphore_mem>> -> memref<!tpu.dma_semaphore, #tpu.memory_space<semaphore_mem>>
      tpu.enqueue_indirect_dma source(%dma_start3A_1730 : memref<128x16xf32, #tpu.memory_space<vmem>>) target(%dma_start3A_1740 : memref<51200x16xf32, #tpu.memory_space<vmem_shared>>) offsets(%dma_start3A_1737 : memref<128xi32, #tpu.memory_space<vmem>>) semaphore(%dma_start3A_1742 : memref<!tpu.dma_semaphore, #tpu.memory_space<semaphore_mem>>) {add = true}
      %dma_start3A_1743 = arith.constant 0 : i32
      %dma_start3A_1744 = arith.constant 2 : i32
      %dma_start3A_1745 = arith.constant 3 : i32
      %dma_start3A_1746 = arith.constant 0 : i32
      %dma_start3A_1747 = arith.constant 0 : i32
      %dma_start3A_1748 = arith.constant 0 : i32
      %dma_start3A_1749 = tpu.memref_slice %arg10[%dma_start3A_1743, %dma_start3A_1747, %dma_start3A_1748] : memref<2x512x16xf32, #tpu.memory_space<vmem>> -> memref<1x512x16xf32, #tpu.memory_space<vmem>>
      %dma_start3A_1750 = tpu.memref_squeeze %dma_start3A_1749 : memref<1x512x16xf32, #tpu.memory_space<vmem>> -> memref<512x16xf32, #tpu.memory_space<vmem>>
      %dma_start3A_1751 = arith.constant 384 : i32
      %dma_start3A_1752 = arith.constant 0 : i32
      %dma_start3A_1753 = tpu.memref_slice %dma_start3A_1750[%dma_start3A_1751, %dma_start3A_1752] : memref<512x16xf32, #tpu.memory_space<vmem>> -> memref<128x16xf32, #tpu.memory_space<vmem>>
      %dma_start3A_1754 = arith.constant 0 : i32
      %dma_start3A_1755 = arith.constant 0 : i32
      %dma_start3A_1756 = tpu.memref_slice %arg9[%dma_start3A_1744, %dma_start3A_1754, %dma_start3A_1755] : memref<4x4x128xi32, #tpu.memory_space<vmem>> -> memref<1x4x128xi32, #tpu.memory_space<vmem>>
      %dma_start3A_1757 = tpu.memref_squeeze %dma_start3A_1756 : memref<1x4x128xi32, #tpu.memory_space<vmem>> -> memref<4x128xi32, #tpu.memory_space<vmem>>
      %dma_start3A_1758 = arith.constant 0 : i32
      %dma_start3A_1759 = tpu.memref_slice %dma_start3A_1757[%dma_start3A_1745, %dma_start3A_1758] : memref<4x128xi32, #tpu.memory_space<vmem>> -> memref<1x128xi32, #tpu.memory_space<vmem>>
      %dma_start3A_1760 = tpu.memref_squeeze %dma_start3A_1759 : memref<1x128xi32, #tpu.memory_space<vmem>> -> memref<128xi32, #tpu.memory_space<vmem>>
      %dma_start3A_1761 = arith.constant 0 : i32
      %dma_start3A_1762 = arith.constant 0 : i32
      %dma_start3A_1763 = tpu.memref_slice %arg6[%dma_start3A_1761, %dma_start3A_1762] : memref<51200x16xf32, #tpu.memory_space<vmem_shared>> -> memref<51200x16xf32, #tpu.memory_space<vmem_shared>>
      %dma_start3A_1764 = tpu.memref_slice %arg13[%dma_start3A_1746] : memref<2x!tpu.dma_semaphore, #tpu.memory_space<semaphore_mem>> -> memref<1x!tpu.dma_semaphore, #tpu.memory_space<semaphore_mem>>
      %dma_start3A_1765 = tpu.memref_squeeze %dma_start3A_1764 : memref<1x!tpu.dma_semaphore, #tpu.memory_space<semaphore_mem>> -> memref<!tpu.dma_semaphore, #tpu.memory_space<semaphore_mem>>
      tpu.enqueue_indirect_dma source(%dma_start3A_1753 : memref<128x16xf32, #tpu.memory_space<vmem>>) target(%dma_start3A_1763 : memref<51200x16xf32, #tpu.memory_space<vmem_shared>>) offsets(%dma_start3A_1760 : memref<128xi32, #tpu.memory_space<vmem>>) semaphore(%dma_start3A_1765 : memref<!tpu.dma_semaphore, #tpu.memory_space<semaphore_mem>>) {add = true}
      %add3A_1766 = arith.constant 1 : i32
      %add3A_1767 = arith.addi %add3A_1565, %add3A_1766 : i32
      %mul3A_1768 = arith.constant 4 : i32
      %mul3A_1769 = arith.muli %add3A_1767, %mul3A_1768 : i32
      %add3A_1770 = arith.addi %mul3A_0, %mul3A_1769 : i32
      %dma_wait3A_1771 = arith.constant 3 : i32
      %dma_wait3A_1772 = arith.constant 3 : i32
      %dma_wait3A_1773 = arith.constant 0 : i32
      %dma_wait3A_1774 = arith.constant 0 : i32
      %dma_wait3A_1775 = tpu.memref_slice %arg8[%dma_wait3A_1771, %dma_wait3A_1773, %dma_wait3A_1774] : memref<4x4x128xi32, #tpu.memory_space<vmem>> -> memref<1x4x128xi32, #tpu.memory_space<vmem>>
      %dma_wait3A_1776 = tpu.memref_squeeze %dma_wait3A_1775 : memref<1x4x128xi32, #tpu.memory_space<vmem>> -> memref<4x128xi32, #tpu.memory_space<vmem>>
      %dma_wait3A_1777 = arith.constant 0 : i32
      %dma_wait3A_1778 = arith.constant 0 : i32
      %dma_wait3A_1779 = tpu.memref_slice %arg3[%arg0, %dma_wait3A_1777, %dma_wait3A_1778] : memref<2x6668x128xi32, #tpu.memory_space<hbm>> -> memref<1x6668x128xi32, #tpu.memory_space<hbm>>
      %dma_wait3A_1780 = tpu.memref_squeeze %dma_wait3A_1779 : memref<1x6668x128xi32, #tpu.memory_space<hbm>> -> memref<6668x128xi32, #tpu.memory_space<hbm>>
      %dma_wait3A_1781 = arith.constant 0 : i32
      %dma_wait3A_1782 = tpu.memref_slice %dma_wait3A_1780[%add3A_1770, %dma_wait3A_1781] : memref<6668x128xi32, #tpu.memory_space<hbm>> -> memref<4x128xi32, #tpu.memory_space<hbm>>
      %dma_wait3A_1783 = tpu.memref_slice %arg11[%dma_wait3A_1772] : memref<4x!tpu.dma_semaphore, #tpu.memory_space<semaphore_mem>> -> memref<1x!tpu.dma_semaphore, #tpu.memory_space<semaphore_mem>>
      %dma_wait3A_1784 = tpu.memref_squeeze %dma_wait3A_1783 : memref<1x!tpu.dma_semaphore, #tpu.memory_space<semaphore_mem>> -> memref<!tpu.dma_semaphore, #tpu.memory_space<semaphore_mem>>
      %dma_wait3A_1785 = arith.constant 0 : i32
      %dma_wait3A_1786 = arith.constant 0 : i32
      %dma_wait3A_1787 = tpu.memref_slice %arg8[%dma_wait3A_1771, %dma_wait3A_1785, %dma_wait3A_1786] : memref<4x4x128xi32, #tpu.memory_space<vmem>> -> memref<1x4x128xi32, #tpu.memory_space<vmem>>
      %dma_wait3A_1788 = tpu.memref_squeeze %dma_wait3A_1787 : memref<1x4x128xi32, #tpu.memory_space<vmem>> -> memref<4x128xi32, #tpu.memory_space<vmem>>
      %dma_wait3A_1789 = arith.constant 0 : i32
      %dma_wait3A_1790 = arith.constant 0 : i32
      %dma_wait3A_1791 = tpu.memref_slice %arg3[%arg0, %dma_wait3A_1789, %dma_wait3A_1790] : memref<2x6668x128xi32, #tpu.memory_space<hbm>> -> memref<1x6668x128xi32, #tpu.memory_space<hbm>>
      %dma_wait3A_1792 = tpu.memref_squeeze %dma_wait3A_1791 : memref<1x6668x128xi32, #tpu.memory_space<hbm>> -> memref<6668x128xi32, #tpu.memory_space<hbm>>
      %dma_wait3A_1793 = arith.constant 0 : i32
      %dma_wait3A_1794 = tpu.memref_slice %dma_wait3A_1792[%add3A_1770, %dma_wait3A_1793] : memref<6668x128xi32, #tpu.memory_space<hbm>> -> memref<4x128xi32, #tpu.memory_space<hbm>>
      tpu.wait_dma2 semaphore(%dma_wait3A_1784 : memref<!tpu.dma_semaphore, #tpu.memory_space<semaphore_mem>>) src(%dma_wait3A_1794 : memref<4x128xi32, #tpu.memory_space<hbm>>) dst(%dma_wait3A_1788 : memref<4x128xi32, #tpu.memory_space<vmem>>)
      %dma_wait3A_1795 = arith.constant 3 : i32
      %dma_wait3A_1796 = arith.constant 3 : i32
      %dma_wait3A_1797 = arith.constant 0 : i32
      %dma_wait3A_1798 = arith.constant 0 : i32
      %dma_wait3A_1799 = tpu.memref_slice %arg9[%dma_wait3A_1795, %dma_wait3A_1797, %dma_wait3A_1798] : memref<4x4x128xi32, #tpu.memory_space<vmem>> -> memref<1x4x128xi32, #tpu.memory_space<vmem>>
      %dma_wait3A_1800 = tpu.memref_squeeze %dma_wait3A_1799 : memref<1x4x128xi32, #tpu.memory_space<vmem>> -> memref<4x128xi32, #tpu.memory_space<vmem>>
      %dma_wait3A_1801 = arith.constant 0 : i32
      %dma_wait3A_1802 = arith.constant 0 : i32
      %dma_wait3A_1803 = tpu.memref_slice %arg4[%arg0, %dma_wait3A_1801, %dma_wait3A_1802] : memref<2x6668x128xi32, #tpu.memory_space<hbm>> -> memref<1x6668x128xi32, #tpu.memory_space<hbm>>
      %dma_wait3A_1804 = tpu.memref_squeeze %dma_wait3A_1803 : memref<1x6668x128xi32, #tpu.memory_space<hbm>> -> memref<6668x128xi32, #tpu.memory_space<hbm>>
      %dma_wait3A_1805 = arith.constant 0 : i32
      %dma_wait3A_1806 = tpu.memref_slice %dma_wait3A_1804[%add3A_1770, %dma_wait3A_1805] : memref<6668x128xi32, #tpu.memory_space<hbm>> -> memref<4x128xi32, #tpu.memory_space<hbm>>
      %dma_wait3A_1807 = tpu.memref_slice %arg11[%dma_wait3A_1796] : memref<4x!tpu.dma_semaphore, #tpu.memory_space<semaphore_mem>> -> memref<1x!tpu.dma_semaphore, #tpu.memory_space<semaphore_mem>>
      %dma_wait3A_1808 = tpu.memref_squeeze %dma_wait3A_1807 : memref<1x!tpu.dma_semaphore, #tpu.memory_space<semaphore_mem>> -> memref<!tpu.dma_semaphore, #tpu.memory_space<semaphore_mem>>
      %dma_wait3A_1809 = arith.constant 0 : i32
      %dma_wait3A_1810 = arith.constant 0 : i32
      %dma_wait3A_1811 = tpu.memref_slice %arg9[%dma_wait3A_1795, %dma_wait3A_1809, %dma_wait3A_1810] : memref<4x4x128xi32, #tpu.memory_space<vmem>> -> memref<1x4x128xi32, #tpu.memory_space<vmem>>
      %dma_wait3A_1812 = tpu.memref_squeeze %dma_wait3A_1811 : memref<1x4x128xi32, #tpu.memory_space<vmem>> -> memref<4x128xi32, #tpu.memory_space<vmem>>
      %dma_wait3A_1813 = arith.constant 0 : i32
      %dma_wait3A_1814 = arith.constant 0 : i32
      %dma_wait3A_1815 = tpu.memref_slice %arg4[%arg0, %dma_wait3A_1813, %dma_wait3A_1814] : memref<2x6668x128xi32, #tpu.memory_space<hbm>> -> memref<1x6668x128xi32, #tpu.memory_space<hbm>>
      %dma_wait3A_1816 = tpu.memref_squeeze %dma_wait3A_1815 : memref<1x6668x128xi32, #tpu.memory_space<hbm>> -> memref<6668x128xi32, #tpu.memory_space<hbm>>
      %dma_wait3A_1817 = arith.constant 0 : i32
      %dma_wait3A_1818 = tpu.memref_slice %dma_wait3A_1816[%add3A_1770, %dma_wait3A_1817] : memref<6668x128xi32, #tpu.memory_space<hbm>> -> memref<4x128xi32, #tpu.memory_space<hbm>>
      tpu.wait_dma2 semaphore(%dma_wait3A_1808 : memref<!tpu.dma_semaphore, #tpu.memory_space<semaphore_mem>>) src(%dma_wait3A_1818 : memref<4x128xi32, #tpu.memory_space<hbm>>) dst(%dma_wait3A_1812 : memref<4x128xi32, #tpu.memory_space<vmem>>)
      %dma_wait3A_1819 = arith.constant 1 : i32
      %dma_wait3A_1820 = arith.constant 1 : i32
      %dma_wait3A_1821 = arith.constant 0 : i32
      %dma_wait3A_1822 = arith.constant 1 : i32
      %dma_wait3A_1823 = arith.constant 0 : i32
      %dma_wait3A_1824 = arith.constant 0 : i32
      %dma_wait3A_1825 = tpu.memref_slice %arg10[%dma_wait3A_1819, %dma_wait3A_1823, %dma_wait3A_1824] : memref<2x512x16xf32, #tpu.memory_space<vmem>> -> memref<1x512x16xf32, #tpu.memory_space<vmem>>
      %dma_wait3A_1826 = tpu.memref_squeeze %dma_wait3A_1825 : memref<1x512x16xf32, #tpu.memory_space<vmem>> -> memref<512x16xf32, #tpu.memory_space<vmem>>
      %dma_wait3A_1827 = arith.constant 0 : i32
      %dma_wait3A_1828 = arith.constant 0 : i32
      %dma_wait3A_1829 = tpu.memref_slice %dma_wait3A_1826[%dma_wait3A_1827, %dma_wait3A_1828] : memref<512x16xf32, #tpu.memory_space<vmem>> -> memref<128x16xf32, #tpu.memory_space<vmem>>
      %dma_wait3A_1830 = arith.constant 0 : i32
      %dma_wait3A_1831 = arith.constant 0 : i32
      %dma_wait3A_1832 = tpu.memref_slice %arg9[%dma_wait3A_1820, %dma_wait3A_1830, %dma_wait3A_1831] : memref<4x4x128xi32, #tpu.memory_space<vmem>> -> memref<1x4x128xi32, #tpu.memory_space<vmem>>
      %dma_wait3A_1833 = tpu.memref_squeeze %dma_wait3A_1832 : memref<1x4x128xi32, #tpu.memory_space<vmem>> -> memref<4x128xi32, #tpu.memory_space<vmem>>
      %dma_wait3A_1834 = arith.constant 0 : i32
      %dma_wait3A_1835 = tpu.memref_slice %dma_wait3A_1833[%dma_wait3A_1821, %dma_wait3A_1834] : memref<4x128xi32, #tpu.memory_space<vmem>> -> memref<1x128xi32, #tpu.memory_space<vmem>>
      %dma_wait3A_1836 = tpu.memref_squeeze %dma_wait3A_1835 : memref<1x128xi32, #tpu.memory_space<vmem>> -> memref<128xi32, #tpu.memory_space<vmem>>
      %dma_wait3A_1837 = arith.constant 0 : i32
      %dma_wait3A_1838 = arith.constant 0 : i32
      %dma_wait3A_1839 = tpu.memref_slice %arg6[%dma_wait3A_1837, %dma_wait3A_1838] : memref<51200x16xf32, #tpu.memory_space<vmem_shared>> -> memref<51200x16xf32, #tpu.memory_space<vmem_shared>>
      %dma_wait3A_1840 = tpu.memref_slice %arg13[%dma_wait3A_1822] : memref<2x!tpu.dma_semaphore, #tpu.memory_space<semaphore_mem>> -> memref<1x!tpu.dma_semaphore, #tpu.memory_space<semaphore_mem>>
      %dma_wait3A_1841 = tpu.memref_squeeze %dma_wait3A_1840 : memref<1x!tpu.dma_semaphore, #tpu.memory_space<semaphore_mem>> -> memref<!tpu.dma_semaphore, #tpu.memory_space<semaphore_mem>>
      tpu.wait_indirect_dma semaphore(%dma_wait3A_1841 : memref<!tpu.dma_semaphore, #tpu.memory_space<semaphore_mem>>) src(%dma_wait3A_1829 : memref<128x16xf32, #tpu.memory_space<vmem>>) dst(%dma_wait3A_1839 : memref<51200x16xf32, #tpu.memory_space<vmem_shared>>)
      %dma_wait3A_1842 = arith.constant 1 : i32
      %dma_wait3A_1843 = arith.constant 1 : i32
      %dma_wait3A_1844 = arith.constant 1 : i32
      %dma_wait3A_1845 = arith.constant 1 : i32
      %dma_wait3A_1846 = arith.constant 0 : i32
      %dma_wait3A_1847 = arith.constant 0 : i32
      %dma_wait3A_1848 = tpu.memref_slice %arg10[%dma_wait3A_1842, %dma_wait3A_1846, %dma_wait3A_1847] : memref<2x512x16xf32, #tpu.memory_space<vmem>> -> memref<1x512x16xf32, #tpu.memory_space<vmem>>
      %dma_wait3A_1849 = tpu.memref_squeeze %dma_wait3A_1848 : memref<1x512x16xf32, #tpu.memory_space<vmem>> -> memref<512x16xf32, #tpu.memory_space<vmem>>
      %dma_wait3A_1850 = arith.constant 128 : i32
      %dma_wait3A_1851 = arith.constant 0 : i32
      %dma_wait3A_1852 = tpu.memref_slice %dma_wait3A_1849[%dma_wait3A_1850, %dma_wait3A_1851] : memref<512x16xf32, #tpu.memory_space<vmem>> -> memref<128x16xf32, #tpu.memory_space<vmem>>
      %dma_wait3A_1853 = arith.constant 0 : i32
      %dma_wait3A_1854 = arith.constant 0 : i32
      %dma_wait3A_1855 = tpu.memref_slice %arg9[%dma_wait3A_1843, %dma_wait3A_1853, %dma_wait3A_1854] : memref<4x4x128xi32, #tpu.memory_space<vmem>> -> memref<1x4x128xi32, #tpu.memory_space<vmem>>
      %dma_wait3A_1856 = tpu.memref_squeeze %dma_wait3A_1855 : memref<1x4x128xi32, #tpu.memory_space<vmem>> -> memref<4x128xi32, #tpu.memory_space<vmem>>
      %dma_wait3A_1857 = arith.constant 0 : i32
      %dma_wait3A_1858 = tpu.memref_slice %dma_wait3A_1856[%dma_wait3A_1844, %dma_wait3A_1857] : memref<4x128xi32, #tpu.memory_space<vmem>> -> memref<1x128xi32, #tpu.memory_space<vmem>>
      %dma_wait3A_1859 = tpu.memref_squeeze %dma_wait3A_1858 : memref<1x128xi32, #tpu.memory_space<vmem>> -> memref<128xi32, #tpu.memory_space<vmem>>
      %dma_wait3A_1860 = arith.constant 0 : i32
      %dma_wait3A_1861 = arith.constant 0 : i32
      %dma_wait3A_1862 = tpu.memref_slice %arg6[%dma_wait3A_1860, %dma_wait3A_1861] : memref<51200x16xf32, #tpu.memory_space<vmem_shared>> -> memref<51200x16xf32, #tpu.memory_space<vmem_shared>>
      %dma_wait3A_1863 = tpu.memref_slice %arg13[%dma_wait3A_1845] : memref<2x!tpu.dma_semaphore, #tpu.memory_space<semaphore_mem>> -> memref<1x!tpu.dma_semaphore, #tpu.memory_space<semaphore_mem>>
      %dma_wait3A_1864 = tpu.memref_squeeze %dma_wait3A_1863 : memref<1x!tpu.dma_semaphore, #tpu.memory_space<semaphore_mem>> -> memref<!tpu.dma_semaphore, #tpu.memory_space<semaphore_mem>>
      tpu.wait_indirect_dma semaphore(%dma_wait3A_1864 : memref<!tpu.dma_semaphore, #tpu.memory_space<semaphore_mem>>) src(%dma_wait3A_1852 : memref<128x16xf32, #tpu.memory_space<vmem>>) dst(%dma_wait3A_1862 : memref<51200x16xf32, #tpu.memory_space<vmem_shared>>)
      %dma_wait3A_1865 = arith.constant 1 : i32
      %dma_wait3A_1866 = arith.constant 1 : i32
      %dma_wait3A_1867 = arith.constant 2 : i32
      %dma_wait3A_1868 = arith.constant 1 : i32
      %dma_wait3A_1869 = arith.constant 0 : i32
      %dma_wait3A_1870 = arith.constant 0 : i32
      %dma_wait3A_1871 = tpu.memref_slice %arg10[%dma_wait3A_1865, %dma_wait3A_1869, %dma_wait3A_1870] : memref<2x512x16xf32, #tpu.memory_space<vmem>> -> memref<1x512x16xf32, #tpu.memory_space<vmem>>
      %dma_wait3A_1872 = tpu.memref_squeeze %dma_wait3A_1871 : memref<1x512x16xf32, #tpu.memory_space<vmem>> -> memref<512x16xf32, #tpu.memory_space<vmem>>
      %dma_wait3A_1873 = arith.constant 256 : i32
      %dma_wait3A_1874 = arith.constant 0 : i32
      %dma_wait3A_1875 = tpu.memref_slice %dma_wait3A_1872[%dma_wait3A_1873, %dma_wait3A_1874] : memref<512x16xf32, #tpu.memory_space<vmem>> -> memref<128x16xf32, #tpu.memory_space<vmem>>
      %dma_wait3A_1876 = arith.constant 0 : i32
      %dma_wait3A_1877 = arith.constant 0 : i32
      %dma_wait3A_1878 = tpu.memref_slice %arg9[%dma_wait3A_1866, %dma_wait3A_1876, %dma_wait3A_1877] : memref<4x4x128xi32, #tpu.memory_space<vmem>> -> memref<1x4x128xi32, #tpu.memory_space<vmem>>
      %dma_wait3A_1879 = tpu.memref_squeeze %dma_wait3A_1878 : memref<1x4x128xi32, #tpu.memory_space<vmem>> -> memref<4x128xi32, #tpu.memory_space<vmem>>
      %dma_wait3A_1880 = arith.constant 0 : i32
      %dma_wait3A_1881 = tpu.memref_slice %dma_wait3A_1879[%dma_wait3A_1867, %dma_wait3A_1880] : memref<4x128xi32, #tpu.memory_space<vmem>> -> memref<1x128xi32, #tpu.memory_space<vmem>>
      %dma_wait3A_1882 = tpu.memref_squeeze %dma_wait3A_1881 : memref<1x128xi32, #tpu.memory_space<vmem>> -> memref<128xi32, #tpu.memory_space<vmem>>
      %dma_wait3A_1883 = arith.constant 0 : i32
      %dma_wait3A_1884 = arith.constant 0 : i32
      %dma_wait3A_1885 = tpu.memref_slice %arg6[%dma_wait3A_1883, %dma_wait3A_1884] : memref<51200x16xf32, #tpu.memory_space<vmem_shared>> -> memref<51200x16xf32, #tpu.memory_space<vmem_shared>>
      %dma_wait3A_1886 = tpu.memref_slice %arg13[%dma_wait3A_1868] : memref<2x!tpu.dma_semaphore, #tpu.memory_space<semaphore_mem>> -> memref<1x!tpu.dma_semaphore, #tpu.memory_space<semaphore_mem>>
      %dma_wait3A_1887 = tpu.memref_squeeze %dma_wait3A_1886 : memref<1x!tpu.dma_semaphore, #tpu.memory_space<semaphore_mem>> -> memref<!tpu.dma_semaphore, #tpu.memory_space<semaphore_mem>>
      tpu.wait_indirect_dma semaphore(%dma_wait3A_1887 : memref<!tpu.dma_semaphore, #tpu.memory_space<semaphore_mem>>) src(%dma_wait3A_1875 : memref<128x16xf32, #tpu.memory_space<vmem>>) dst(%dma_wait3A_1885 : memref<51200x16xf32, #tpu.memory_space<vmem_shared>>)
      %dma_wait3A_1888 = arith.constant 1 : i32
      %dma_wait3A_1889 = arith.constant 1 : i32
      %dma_wait3A_1890 = arith.constant 3 : i32
      %dma_wait3A_1891 = arith.constant 1 : i32
      %dma_wait3A_1892 = arith.constant 0 : i32
      %dma_wait3A_1893 = arith.constant 0 : i32
      %dma_wait3A_1894 = tpu.memref_slice %arg10[%dma_wait3A_1888, %dma_wait3A_1892, %dma_wait3A_1893] : memref<2x512x16xf32, #tpu.memory_space<vmem>> -> memref<1x512x16xf32, #tpu.memory_space<vmem>>
      %dma_wait3A_1895 = tpu.memref_squeeze %dma_wait3A_1894 : memref<1x512x16xf32, #tpu.memory_space<vmem>> -> memref<512x16xf32, #tpu.memory_space<vmem>>
      %dma_wait3A_1896 = arith.constant 384 : i32
      %dma_wait3A_1897 = arith.constant 0 : i32
      %dma_wait3A_1898 = tpu.memref_slice %dma_wait3A_1895[%dma_wait3A_1896, %dma_wait3A_1897] : memref<512x16xf32, #tpu.memory_space<vmem>> -> memref<128x16xf32, #tpu.memory_space<vmem>>
      %dma_wait3A_1899 = arith.constant 0 : i32
      %dma_wait3A_1900 = arith.constant 0 : i32
      %dma_wait3A_1901 = tpu.memref_slice %arg9[%dma_wait3A_1889, %dma_wait3A_1899, %dma_wait3A_1900] : memref<4x4x128xi32, #tpu.memory_space<vmem>> -> memref<1x4x128xi32, #tpu.memory_space<vmem>>
      %dma_wait3A_1902 = tpu.memref_squeeze %dma_wait3A_1901 : memref<1x4x128xi32, #tpu.memory_space<vmem>> -> memref<4x128xi32, #tpu.memory_space<vmem>>
      %dma_wait3A_1903 = arith.constant 0 : i32
      %dma_wait3A_1904 = tpu.memref_slice %dma_wait3A_1902[%dma_wait3A_1890, %dma_wait3A_1903] : memref<4x128xi32, #tpu.memory_space<vmem>> -> memref<1x128xi32, #tpu.memory_space<vmem>>
      %dma_wait3A_1905 = tpu.memref_squeeze %dma_wait3A_1904 : memref<1x128xi32, #tpu.memory_space<vmem>> -> memref<128xi32, #tpu.memory_space<vmem>>
      %dma_wait3A_1906 = arith.constant 0 : i32
      %dma_wait3A_1907 = arith.constant 0 : i32
      %dma_wait3A_1908 = tpu.memref_slice %arg6[%dma_wait3A_1906, %dma_wait3A_1907] : memref<51200x16xf32, #tpu.memory_space<vmem_shared>> -> memref<51200x16xf32, #tpu.memory_space<vmem_shared>>
      %dma_wait3A_1909 = tpu.memref_slice %arg13[%dma_wait3A_1891] : memref<2x!tpu.dma_semaphore, #tpu.memory_space<semaphore_mem>> -> memref<1x!tpu.dma_semaphore, #tpu.memory_space<semaphore_mem>>
      %dma_wait3A_1910 = tpu.memref_squeeze %dma_wait3A_1909 : memref<1x!tpu.dma_semaphore, #tpu.memory_space<semaphore_mem>> -> memref<!tpu.dma_semaphore, #tpu.memory_space<semaphore_mem>>
      tpu.wait_indirect_dma semaphore(%dma_wait3A_1910 : memref<!tpu.dma_semaphore, #tpu.memory_space<semaphore_mem>>) src(%dma_wait3A_1898 : memref<128x16xf32, #tpu.memory_space<vmem>>) dst(%dma_wait3A_1908 : memref<51200x16xf32, #tpu.memory_space<vmem_shared>>)
      %dma_start3A_1911 = arith.constant 3 : i32
      %dma_start3A_1912 = arith.constant 0 : i32
      %dma_start3A_1913 = arith.constant 1 : i32
      %dma_start3A_1914 = arith.constant 1 : i32
      %dma_start3A_1915 = arith.constant 0 : i32
      %dma_start3A_1916 = arith.constant 0 : i32
      %dma_start3A_1917 = tpu.memref_slice %arg10[%dma_start3A_1913, %dma_start3A_1915, %dma_start3A_1916] : memref<2x512x16xf32, #tpu.memory_space<vmem>> -> memref<1x512x16xf32, #tpu.memory_space<vmem>>
      %dma_start3A_1918 = tpu.memref_squeeze %dma_start3A_1917 : memref<1x512x16xf32, #tpu.memory_space<vmem>> -> memref<512x16xf32, #tpu.memory_space<vmem>>
      %dma_start3A_1919 = arith.constant 0 : i32
      %dma_start3A_1920 = arith.constant 0 : i32
      %dma_start3A_1921 = tpu.memref_slice %dma_start3A_1918[%dma_start3A_1919, %dma_start3A_1920] : memref<512x16xf32, #tpu.memory_space<vmem>> -> memref<128x16xf32, #tpu.memory_space<vmem>>
      %dma_start3A_1922 = arith.constant 0 : i32
      %dma_start3A_1923 = arith.constant 0 : i32
      %dma_start3A_1924 = tpu.memref_slice %arg8[%dma_start3A_1911, %dma_start3A_1922, %dma_start3A_1923] : memref<4x4x128xi32, #tpu.memory_space<vmem>> -> memref<1x4x128xi32, #tpu.memory_space<vmem>>
      %dma_start3A_1925 = tpu.memref_squeeze %dma_start3A_1924 : memref<1x4x128xi32, #tpu.memory_space<vmem>> -> memref<4x128xi32, #tpu.memory_space<vmem>>
      %dma_start3A_1926 = arith.constant 0 : i32
      %dma_start3A_1927 = tpu.memref_slice %dma_start3A_1925[%dma_start3A_1912, %dma_start3A_1926] : memref<4x128xi32, #tpu.memory_space<vmem>> -> memref<1x128xi32, #tpu.memory_space<vmem>>
      %dma_start3A_1928 = tpu.memref_squeeze %dma_start3A_1927 : memref<1x128xi32, #tpu.memory_space<vmem>> -> memref<128xi32, #tpu.memory_space<vmem>>
      %dma_start3A_1929 = arith.constant 0 : i32
      %dma_start3A_1930 = arith.constant 0 : i32
      %dma_start3A_1931 = tpu.memref_slice %arg2[%arg0, %dma_start3A_1929, %dma_start3A_1930] : memref<2x51200x16xf32, #tpu.memory_space<hbm>> -> memref<1x51200x16xf32, #tpu.memory_space<hbm>>
      %dma_start3A_1932 = tpu.memref_squeeze %dma_start3A_1931 : memref<1x51200x16xf32, #tpu.memory_space<hbm>> -> memref<51200x16xf32, #tpu.memory_space<hbm>>
      %dma_start3A_1933 = arith.constant 0 : i32
      %dma_start3A_1934 = arith.constant 0 : i32
      %dma_start3A_1935 = tpu.memref_slice %dma_start3A_1932[%dma_start3A_1933, %dma_start3A_1934] : memref<51200x16xf32, #tpu.memory_space<hbm>> -> memref<51200x16xf32, #tpu.memory_space<hbm>>
      %dma_start3A_1936 = tpu.memref_slice %arg12[%dma_start3A_1914] : memref<2x!tpu.dma_semaphore, #tpu.memory_space<semaphore_mem>> -> memref<1x!tpu.dma_semaphore, #tpu.memory_space<semaphore_mem>>
      %dma_start3A_1937 = tpu.memref_squeeze %dma_start3A_1936 : memref<1x!tpu.dma_semaphore, #tpu.memory_space<semaphore_mem>> -> memref<!tpu.dma_semaphore, #tpu.memory_space<semaphore_mem>>
      tpu.enqueue_indirect_dma source(%dma_start3A_1935 : memref<51200x16xf32, #tpu.memory_space<hbm>>) target(%dma_start3A_1921 : memref<128x16xf32, #tpu.memory_space<vmem>>) offsets(%dma_start3A_1928 : memref<128xi32, #tpu.memory_space<vmem>>) semaphore(%dma_start3A_1937 : memref<!tpu.dma_semaphore, #tpu.memory_space<semaphore_mem>>)
      %dma_start3A_1938 = arith.constant 3 : i32
      %dma_start3A_1939 = arith.constant 1 : i32
      %dma_start3A_1940 = arith.constant 1 : i32
      %dma_start3A_1941 = arith.constant 1 : i32
      %dma_start3A_1942 = arith.constant 0 : i32
      %dma_start3A_1943 = arith.constant 0 : i32
      %dma_start3A_1944 = tpu.memref_slice %arg10[%dma_start3A_1940, %dma_start3A_1942, %dma_start3A_1943] : memref<2x512x16xf32, #tpu.memory_space<vmem>> -> memref<1x512x16xf32, #tpu.memory_space<vmem>>
      %dma_start3A_1945 = tpu.memref_squeeze %dma_start3A_1944 : memref<1x512x16xf32, #tpu.memory_space<vmem>> -> memref<512x16xf32, #tpu.memory_space<vmem>>
      %dma_start3A_1946 = arith.constant 128 : i32
      %dma_start3A_1947 = arith.constant 0 : i32
      %dma_start3A_1948 = tpu.memref_slice %dma_start3A_1945[%dma_start3A_1946, %dma_start3A_1947] : memref<512x16xf32, #tpu.memory_space<vmem>> -> memref<128x16xf32, #tpu.memory_space<vmem>>
      %dma_start3A_1949 = arith.constant 0 : i32
      %dma_start3A_1950 = arith.constant 0 : i32
      %dma_start3A_1951 = tpu.memref_slice %arg8[%dma_start3A_1938, %dma_start3A_1949, %dma_start3A_1950] : memref<4x4x128xi32, #tpu.memory_space<vmem>> -> memref<1x4x128xi32, #tpu.memory_space<vmem>>
      %dma_start3A_1952 = tpu.memref_squeeze %dma_start3A_1951 : memref<1x4x128xi32, #tpu.memory_space<vmem>> -> memref<4x128xi32, #tpu.memory_space<vmem>>
      %dma_start3A_1953 = arith.constant 0 : i32
      %dma_start3A_1954 = tpu.memref_slice %dma_start3A_1952[%dma_start3A_1939, %dma_start3A_1953] : memref<4x128xi32, #tpu.memory_space<vmem>> -> memref<1x128xi32, #tpu.memory_space<vmem>>
      %dma_start3A_1955 = tpu.memref_squeeze %dma_start3A_1954 : memref<1x128xi32, #tpu.memory_space<vmem>> -> memref<128xi32, #tpu.memory_space<vmem>>
      %dma_start3A_1956 = arith.constant 0 : i32
      %dma_start3A_1957 = arith.constant 0 : i32
      %dma_start3A_1958 = tpu.memref_slice %arg2[%arg0, %dma_start3A_1956, %dma_start3A_1957] : memref<2x51200x16xf32, #tpu.memory_space<hbm>> -> memref<1x51200x16xf32, #tpu.memory_space<hbm>>
      %dma_start3A_1959 = tpu.memref_squeeze %dma_start3A_1958 : memref<1x51200x16xf32, #tpu.memory_space<hbm>> -> memref<51200x16xf32, #tpu.memory_space<hbm>>
      %dma_start3A_1960 = arith.constant 0 : i32
      %dma_start3A_1961 = arith.constant 0 : i32
      %dma_start3A_1962 = tpu.memref_slice %dma_start3A_1959[%dma_start3A_1960, %dma_start3A_1961] : memref<51200x16xf32, #tpu.memory_space<hbm>> -> memref<51200x16xf32, #tpu.memory_space<hbm>>
      %dma_start3A_1963 = tpu.memref_slice %arg12[%dma_start3A_1941] : memref<2x!tpu.dma_semaphore, #tpu.memory_space<semaphore_mem>> -> memref<1x!tpu.dma_semaphore, #tpu.memory_space<semaphore_mem>>
      %dma_start3A_1964 = tpu.memref_squeeze %dma_start3A_1963 : memref<1x!tpu.dma_semaphore, #tpu.memory_space<semaphore_mem>> -> memref<!tpu.dma_semaphore, #tpu.memory_space<semaphore_mem>>
      tpu.enqueue_indirect_dma source(%dma_start3A_1962 : memref<51200x16xf32, #tpu.memory_space<hbm>>) target(%dma_start3A_1948 : memref<128x16xf32, #tpu.memory_space<vmem>>) offsets(%dma_start3A_1955 : memref<128xi32, #tpu.memory_space<vmem>>) semaphore(%dma_start3A_1964 : memref<!tpu.dma_semaphore, #tpu.memory_space<semaphore_mem>>)
      %dma_start3A_1965 = arith.constant 3 : i32
      %dma_start3A_1966 = arith.constant 2 : i32
      %dma_start3A_1967 = arith.constant 1 : i32
      %dma_start3A_1968 = arith.constant 1 : i32
      %dma_start3A_1969 = arith.constant 0 : i32
      %dma_start3A_1970 = arith.constant 0 : i32
      %dma_start3A_1971 = tpu.memref_slice %arg10[%dma_start3A_1967, %dma_start3A_1969, %dma_start3A_1970] : memref<2x512x16xf32, #tpu.memory_space<vmem>> -> memref<1x512x16xf32, #tpu.memory_space<vmem>>
      %dma_start3A_1972 = tpu.memref_squeeze %dma_start3A_1971 : memref<1x512x16xf32, #tpu.memory_space<vmem>> -> memref<512x16xf32, #tpu.memory_space<vmem>>
      %dma_start3A_1973 = arith.constant 256 : i32
      %dma_start3A_1974 = arith.constant 0 : i32
      %dma_start3A_1975 = tpu.memref_slice %dma_start3A_1972[%dma_start3A_1973, %dma_start3A_1974] : memref<512x16xf32, #tpu.memory_space<vmem>> -> memref<128x16xf32, #tpu.memory_space<vmem>>
      %dma_start3A_1976 = arith.constant 0 : i32
      %dma_start3A_1977 = arith.constant 0 : i32
      %dma_start3A_1978 = tpu.memref_slice %arg8[%dma_start3A_1965, %dma_start3A_1976, %dma_start3A_1977] : memref<4x4x128xi32, #tpu.memory_space<vmem>> -> memref<1x4x128xi32, #tpu.memory_space<vmem>>
      %dma_start3A_1979 = tpu.memref_squeeze %dma_start3A_1978 : memref<1x4x128xi32, #tpu.memory_space<vmem>> -> memref<4x128xi32, #tpu.memory_space<vmem>>
      %dma_start3A_1980 = arith.constant 0 : i32
      %dma_start3A_1981 = tpu.memref_slice %dma_start3A_1979[%dma_start3A_1966, %dma_start3A_1980] : memref<4x128xi32, #tpu.memory_space<vmem>> -> memref<1x128xi32, #tpu.memory_space<vmem>>
      %dma_start3A_1982 = tpu.memref_squeeze %dma_start3A_1981 : memref<1x128xi32, #tpu.memory_space<vmem>> -> memref<128xi32, #tpu.memory_space<vmem>>
      %dma_start3A_1983 = arith.constant 0 : i32
      %dma_start3A_1984 = arith.constant 0 : i32
      %dma_start3A_1985 = tpu.memref_slice %arg2[%arg0, %dma_start3A_1983, %dma_start3A_1984] : memref<2x51200x16xf32, #tpu.memory_space<hbm>> -> memref<1x51200x16xf32, #tpu.memory_space<hbm>>
      %dma_start3A_1986 = tpu.memref_squeeze %dma_start3A_1985 : memref<1x51200x16xf32, #tpu.memory_space<hbm>> -> memref<51200x16xf32, #tpu.memory_space<hbm>>
      %dma_start3A_1987 = arith.constant 0 : i32
      %dma_start3A_1988 = arith.constant 0 : i32
      %dma_start3A_1989 = tpu.memref_slice %dma_start3A_1986[%dma_start3A_1987, %dma_start3A_1988] : memref<51200x16xf32, #tpu.memory_space<hbm>> -> memref<51200x16xf32, #tpu.memory_space<hbm>>
      %dma_start3A_1990 = tpu.memref_slice %arg12[%dma_start3A_1968] : memref<2x!tpu.dma_semaphore, #tpu.memory_space<semaphore_mem>> -> memref<1x!tpu.dma_semaphore, #tpu.memory_space<semaphore_mem>>
      %dma_start3A_1991 = tpu.memref_squeeze %dma_start3A_1990 : memref<1x!tpu.dma_semaphore, #tpu.memory_space<semaphore_mem>> -> memref<!tpu.dma_semaphore, #tpu.memory_space<semaphore_mem>>
      tpu.enqueue_indirect_dma source(%dma_start3A_1989 : memref<51200x16xf32, #tpu.memory_space<hbm>>) target(%dma_start3A_1975 : memref<128x16xf32, #tpu.memory_space<vmem>>) offsets(%dma_start3A_1982 : memref<128xi32, #tpu.memory_space<vmem>>) semaphore(%dma_start3A_1991 : memref<!tpu.dma_semaphore, #tpu.memory_space<semaphore_mem>>)
      %dma_start3A_1992 = arith.constant 3 : i32
      %dma_start3A_1993 = arith.constant 3 : i32
      %dma_start3A_1994 = arith.constant 1 : i32
      %dma_start3A_1995 = arith.constant 1 : i32
      %dma_start3A_1996 = arith.constant 0 : i32
      %dma_start3A_1997 = arith.constant 0 : i32
      %dma_start3A_1998 = tpu.memref_slice %arg10[%dma_start3A_1994, %dma_start3A_1996, %dma_start3A_1997] : memref<2x512x16xf32, #tpu.memory_space<vmem>> -> memref<1x512x16xf32, #tpu.memory_space<vmem>>
      %dma_start3A_1999 = tpu.memref_squeeze %dma_start3A_1998 : memref<1x512x16xf32, #tpu.memory_space<vmem>> -> memref<512x16xf32, #tpu.memory_space<vmem>>
      %dma_start3A_2000 = arith.constant 384 : i32
      %dma_start3A_2001 = arith.constant 0 : i32
      %dma_start3A_2002 = tpu.memref_slice %dma_start3A_1999[%dma_start3A_2000, %dma_start3A_2001] : memref<512x16xf32, #tpu.memory_space<vmem>> -> memref<128x16xf32, #tpu.memory_space<vmem>>
      %dma_start3A_2003 = arith.constant 0 : i32
      %dma_start3A_2004 = arith.constant 0 : i32
      %dma_start3A_2005 = tpu.memref_slice %arg8[%dma_start3A_1992, %dma_start3A_2003, %dma_start3A_2004] : memref<4x4x128xi32, #tpu.memory_space<vmem>> -> memref<1x4x128xi32, #tpu.memory_space<vmem>>
      %dma_start3A_2006 = tpu.memref_squeeze %dma_start3A_2005 : memref<1x4x128xi32, #tpu.memory_space<vmem>> -> memref<4x128xi32, #tpu.memory_space<vmem>>
      %dma_start3A_2007 = arith.constant 0 : i32
      %dma_start3A_2008 = tpu.memref_slice %dma_start3A_2006[%dma_start3A_1993, %dma_start3A_2007] : memref<4x128xi32, #tpu.memory_space<vmem>> -> memref<1x128xi32, #tpu.memory_space<vmem>>
      %dma_start3A_2009 = tpu.memref_squeeze %dma_start3A_2008 : memref<1x128xi32, #tpu.memory_space<vmem>> -> memref<128xi32, #tpu.memory_space<vmem>>
      %dma_start3A_2010 = arith.constant 0 : i32
      %dma_start3A_2011 = arith.constant 0 : i32
      %dma_start3A_2012 = tpu.memref_slice %arg2[%arg0, %dma_start3A_2010, %dma_start3A_2011] : memref<2x51200x16xf32, #tpu.memory_space<hbm>> -> memref<1x51200x16xf32, #tpu.memory_space<hbm>>
      %dma_start3A_2013 = tpu.memref_squeeze %dma_start3A_2012 : memref<1x51200x16xf32, #tpu.memory_space<hbm>> -> memref<51200x16xf32, #tpu.memory_space<hbm>>
      %dma_start3A_2014 = arith.constant 0 : i32
      %dma_start3A_2015 = arith.constant 0 : i32
      %dma_start3A_2016 = tpu.memref_slice %dma_start3A_2013[%dma_start3A_2014, %dma_start3A_2015] : memref<51200x16xf32, #tpu.memory_space<hbm>> -> memref<51200x16xf32, #tpu.memory_space<hbm>>
      %dma_start3A_2017 = tpu.memref_slice %arg12[%dma_start3A_1995] : memref<2x!tpu.dma_semaphore, #tpu.memory_space<semaphore_mem>> -> memref<1x!tpu.dma_semaphore, #tpu.memory_space<semaphore_mem>>
      %dma_start3A_2018 = tpu.memref_squeeze %dma_start3A_2017 : memref<1x!tpu.dma_semaphore, #tpu.memory_space<semaphore_mem>> -> memref<!tpu.dma_semaphore, #tpu.memory_space<semaphore_mem>>
      tpu.enqueue_indirect_dma source(%dma_start3A_2016 : memref<51200x16xf32, #tpu.memory_space<hbm>>) target(%dma_start3A_2002 : memref<128x16xf32, #tpu.memory_space<vmem>>) offsets(%dma_start3A_2009 : memref<128xi32, #tpu.memory_space<vmem>>) semaphore(%dma_start3A_2018 : memref<!tpu.dma_semaphore, #tpu.memory_space<semaphore_mem>>)
      %add3A_2019 = arith.constant 3 : i32
      %add3A_2020 = arith.addi %add3A_1565, %add3A_2019 : i32
      %mul3A_2021 = arith.constant 4 : i32
      %mul3A_2022 = arith.muli %add3A_2020, %mul3A_2021 : i32
      %add3A_2023 = arith.addi %mul3A_0, %mul3A_2022 : i32
      %dma_start3A_2024 = arith.constant 1 : i32
      %dma_start3A_2025 = arith.constant 1 : i32
      %dma_start3A_2026 = arith.constant 0 : i32
      %dma_start3A_2027 = arith.constant 0 : i32
      %dma_start3A_2028 = tpu.memref_slice %arg8[%dma_start3A_2024, %dma_start3A_2026, %dma_start3A_2027] : memref<4x4x128xi32, #tpu.memory_space<vmem>> -> memref<1x4x128xi32, #tpu.memory_space<vmem>>
      %dma_start3A_2029 = tpu.memref_squeeze %dma_start3A_2028 : memref<1x4x128xi32, #tpu.memory_space<vmem>> -> memref<4x128xi32, #tpu.memory_space<vmem>>
      %dma_start3A_2030 = arith.constant 0 : i32
      %dma_start3A_2031 = arith.constant 0 : i32
      %dma_start3A_2032 = tpu.memref_slice %arg3[%arg0, %dma_start3A_2030, %dma_start3A_2031] : memref<2x6668x128xi32, #tpu.memory_space<hbm>> -> memref<1x6668x128xi32, #tpu.memory_space<hbm>>
      %dma_start3A_2033 = tpu.memref_squeeze %dma_start3A_2032 : memref<1x6668x128xi32, #tpu.memory_space<hbm>> -> memref<6668x128xi32, #tpu.memory_space<hbm>>
      %dma_start3A_2034 = arith.constant 0 : i32
      %dma_start3A_2035 = tpu.memref_slice %dma_start3A_2033[%add3A_2023, %dma_start3A_2034] : memref<6668x128xi32, #tpu.memory_space<hbm>> -> memref<4x128xi32, #tpu.memory_space<hbm>>
      %dma_start3A_2036 = tpu.memref_slice %arg11[%dma_start3A_2025] : memref<4x!tpu.dma_semaphore, #tpu.memory_space<semaphore_mem>> -> memref<1x!tpu.dma_semaphore, #tpu.memory_space<semaphore_mem>>
      %dma_start3A_2037 = tpu.memref_squeeze %dma_start3A_2036 : memref<1x!tpu.dma_semaphore, #tpu.memory_space<semaphore_mem>> -> memref<!tpu.dma_semaphore, #tpu.memory_space<semaphore_mem>>
      %dma_start3A_2038 = arith.constant 0 : i32
      %dma_start3A_2039 = arith.constant 0 : i32
      %dma_start3A_2040 = tpu.memref_slice %arg8[%dma_start3A_2024, %dma_start3A_2038, %dma_start3A_2039] : memref<4x4x128xi32, #tpu.memory_space<vmem>> -> memref<1x4x128xi32, #tpu.memory_space<vmem>>
      %dma_start3A_2041 = tpu.memref_squeeze %dma_start3A_2040 : memref<1x4x128xi32, #tpu.memory_space<vmem>> -> memref<4x128xi32, #tpu.memory_space<vmem>>
      %dma_start3A_2042 = arith.constant 0 : i32
      %dma_start3A_2043 = arith.constant 0 : i32
      %dma_start3A_2044 = tpu.memref_slice %arg3[%arg0, %dma_start3A_2042, %dma_start3A_2043] : memref<2x6668x128xi32, #tpu.memory_space<hbm>> -> memref<1x6668x128xi32, #tpu.memory_space<hbm>>
      %dma_start3A_2045 = tpu.memref_squeeze %dma_start3A_2044 : memref<1x6668x128xi32, #tpu.memory_space<hbm>> -> memref<6668x128xi32, #tpu.memory_space<hbm>>
      %dma_start3A_2046 = arith.constant 0 : i32
      %dma_start3A_2047 = tpu.memref_slice %dma_start3A_2045[%add3A_2023, %dma_start3A_2046] : memref<6668x128xi32, #tpu.memory_space<hbm>> -> memref<4x128xi32, #tpu.memory_space<hbm>>
      tpu.enqueue_dma source(%dma_start3A_2047 : memref<4x128xi32, #tpu.memory_space<hbm>>) target(%dma_start3A_2041 : memref<4x128xi32, #tpu.memory_space<vmem>>) target_semaphore(%dma_start3A_2037 : memref<!tpu.dma_semaphore, #tpu.memory_space<semaphore_mem>>)
      %dma_start3A_2048 = arith.constant 1 : i32
      %dma_start3A_2049 = arith.constant 1 : i32
      %dma_start3A_2050 = arith.constant 0 : i32
      %dma_start3A_2051 = arith.constant 0 : i32
      %dma_start3A_2052 = tpu.memref_slice %arg9[%dma_start3A_2048, %dma_start3A_2050, %dma_start3A_2051] : memref<4x4x128xi32, #tpu.memory_space<vmem>> -> memref<1x4x128xi32, #tpu.memory_space<vmem>>
      %dma_start3A_2053 = tpu.memref_squeeze %dma_start3A_2052 : memref<1x4x128xi32, #tpu.memory_space<vmem>> -> memref<4x128xi32, #tpu.memory_space<vmem>>
      %dma_start3A_2054 = arith.constant 0 : i32
      %dma_start3A_2055 = arith.constant 0 : i32
      %dma_start3A_2056 = tpu.memref_slice %arg4[%arg0, %dma_start3A_2054, %dma_start3A_2055] : memref<2x6668x128xi32, #tpu.memory_space<hbm>> -> memref<1x6668x128xi32, #tpu.memory_space<hbm>>
      %dma_start3A_2057 = tpu.memref_squeeze %dma_start3A_2056 : memref<1x6668x128xi32, #tpu.memory_space<hbm>> -> memref<6668x128xi32, #tpu.memory_space<hbm>>
      %dma_start3A_2058 = arith.constant 0 : i32
      %dma_start3A_2059 = tpu.memref_slice %dma_start3A_2057[%add3A_2023, %dma_start3A_2058] : memref<6668x128xi32, #tpu.memory_space<hbm>> -> memref<4x128xi32, #tpu.memory_space<hbm>>
      %dma_start3A_2060 = tpu.memref_slice %arg11[%dma_start3A_2049] : memref<4x!tpu.dma_semaphore, #tpu.memory_space<semaphore_mem>> -> memref<1x!tpu.dma_semaphore, #tpu.memory_space<semaphore_mem>>
      %dma_start3A_2061 = tpu.memref_squeeze %dma_start3A_2060 : memref<1x!tpu.dma_semaphore, #tpu.memory_space<semaphore_mem>> -> memref<!tpu.dma_semaphore, #tpu.memory_space<semaphore_mem>>
      %dma_start3A_2062 = arith.constant 0 : i32
      %dma_start3A_2063 = arith.constant 0 : i32
      %dma_start3A_2064 = tpu.memref_slice %arg9[%dma_start3A_2048, %dma_start3A_2062, %dma_start3A_2063] : memref<4x4x128xi32, #tpu.memory_space<vmem>> -> memref<1x4x128xi32, #tpu.memory_space<vmem>>
      %dma_start3A_2065 = tpu.memref_squeeze %dma_start3A_2064 : memref<1x4x128xi32, #tpu.memory_space<vmem>> -> memref<4x128xi32, #tpu.memory_space<vmem>>
      %dma_start3A_2066 = arith.constant 0 : i32
      %dma_start3A_2067 = arith.constant 0 : i32
      %dma_start3A_2068 = tpu.memref_slice %arg4[%arg0, %dma_start3A_2066, %dma_start3A_2067] : memref<2x6668x128xi32, #tpu.memory_space<hbm>> -> memref<1x6668x128xi32, #tpu.memory_space<hbm>>
      %dma_start3A_2069 = tpu.memref_squeeze %dma_start3A_2068 : memref<1x6668x128xi32, #tpu.memory_space<hbm>> -> memref<6668x128xi32, #tpu.memory_space<hbm>>
      %dma_start3A_2070 = arith.constant 0 : i32
      %dma_start3A_2071 = tpu.memref_slice %dma_start3A_2069[%add3A_2023, %dma_start3A_2070] : memref<6668x128xi32, #tpu.memory_space<hbm>> -> memref<4x128xi32, #tpu.memory_space<hbm>>
      tpu.enqueue_dma source(%dma_start3A_2071 : memref<4x128xi32, #tpu.memory_space<hbm>>) target(%dma_start3A_2065 : memref<4x128xi32, #tpu.memory_space<vmem>>) target_semaphore(%dma_start3A_2061 : memref<!tpu.dma_semaphore, #tpu.memory_space<semaphore_mem>>)
      %dma_wait3A_2072 = arith.constant 0 : i32
      %dma_wait3A_2073 = arith.constant 2 : i32
      %dma_wait3A_2074 = arith.constant 0 : i32
      %dma_wait3A_2075 = arith.constant 0 : i32
      %dma_wait3A_2076 = arith.constant 0 : i32
      %dma_wait3A_2077 = arith.constant 0 : i32
      %dma_wait3A_2078 = tpu.memref_slice %arg10[%dma_wait3A_2072, %dma_wait3A_2076, %dma_wait3A_2077] : memref<2x512x16xf32, #tpu.memory_space<vmem>> -> memref<1x512x16xf32, #tpu.memory_space<vmem>>
      %dma_wait3A_2079 = tpu.memref_squeeze %dma_wait3A_2078 : memref<1x512x16xf32, #tpu.memory_space<vmem>> -> memref<512x16xf32, #tpu.memory_space<vmem>>
      %dma_wait3A_2080 = arith.constant 0 : i32
      %dma_wait3A_2081 = arith.constant 0 : i32
      %dma_wait3A_2082 = tpu.memref_slice %dma_wait3A_2079[%dma_wait3A_2080, %dma_wait3A_2081] : memref<512x16xf32, #tpu.memory_space<vmem>> -> memref<128x16xf32, #tpu.memory_space<vmem>>
      %dma_wait3A_2083 = arith.constant 0 : i32
      %dma_wait3A_2084 = arith.constant 0 : i32
      %dma_wait3A_2085 = tpu.memref_slice %arg9[%dma_wait3A_2073, %dma_wait3A_2083, %dma_wait3A_2084] : memref<4x4x128xi32, #tpu.memory_space<vmem>> -> memref<1x4x128xi32, #tpu.memory_space<vmem>>
      %dma_wait3A_2086 = tpu.memref_squeeze %dma_wait3A_2085 : memref<1x4x128xi32, #tpu.memory_space<vmem>> -> memref<4x128xi32, #tpu.memory_space<vmem>>
      %dma_wait3A_2087 = arith.constant 0 : i32
      %dma_wait3A_2088 = tpu.memref_slice %dma_wait3A_2086[%dma_wait3A_2074, %dma_wait3A_2087] : memref<4x128xi32, #tpu.memory_space<vmem>> -> memref<1x128xi32, #tpu.memory_space<vmem>>
      %dma_wait3A_2089 = tpu.memref_squeeze %dma_wait3A_2088 : memref<1x128xi32, #tpu.memory_space<vmem>> -> memref<128xi32, #tpu.memory_space<vmem>>
      %dma_wait3A_2090 = arith.constant 0 : i32
      %dma_wait3A_2091 = arith.constant 0 : i32
      %dma_wait3A_2092 = tpu.memref_slice %arg6[%dma_wait3A_2090, %dma_wait3A_2091] : memref<51200x16xf32, #tpu.memory_space<vmem_shared>> -> memref<51200x16xf32, #tpu.memory_space<vmem_shared>>
      %dma_wait3A_2093 = tpu.memref_slice %arg13[%dma_wait3A_2075] : memref<2x!tpu.dma_semaphore, #tpu.memory_space<semaphore_mem>> -> memref<1x!tpu.dma_semaphore, #tpu.memory_space<semaphore_mem>>
      %dma_wait3A_2094 = tpu.memref_squeeze %dma_wait3A_2093 : memref<1x!tpu.dma_semaphore, #tpu.memory_space<semaphore_mem>> -> memref<!tpu.dma_semaphore, #tpu.memory_space<semaphore_mem>>
      tpu.wait_indirect_dma semaphore(%dma_wait3A_2094 : memref<!tpu.dma_semaphore, #tpu.memory_space<semaphore_mem>>) src(%dma_wait3A_2082 : memref<128x16xf32, #tpu.memory_space<vmem>>) dst(%dma_wait3A_2092 : memref<51200x16xf32, #tpu.memory_space<vmem_shared>>)
      %dma_wait3A_2095 = arith.constant 0 : i32
      %dma_wait3A_2096 = arith.constant 2 : i32
      %dma_wait3A_2097 = arith.constant 1 : i32
      %dma_wait3A_2098 = arith.constant 0 : i32
      %dma_wait3A_2099 = arith.constant 0 : i32
      %dma_wait3A_2100 = arith.constant 0 : i32
      %dma_wait3A_2101 = tpu.memref_slice %arg10[%dma_wait3A_2095, %dma_wait3A_2099, %dma_wait3A_2100] : memref<2x512x16xf32, #tpu.memory_space<vmem>> -> memref<1x512x16xf32, #tpu.memory_space<vmem>>
      %dma_wait3A_2102 = tpu.memref_squeeze %dma_wait3A_2101 : memref<1x512x16xf32, #tpu.memory_space<vmem>> -> memref<512x16xf32, #tpu.memory_space<vmem>>
      %dma_wait3A_2103 = arith.constant 128 : i32
      %dma_wait3A_2104 = arith.constant 0 : i32
      %dma_wait3A_2105 = tpu.memref_slice %dma_wait3A_2102[%dma_wait3A_2103, %dma_wait3A_2104] : memref<512x16xf32, #tpu.memory_space<vmem>> -> memref<128x16xf32, #tpu.memory_space<vmem>>
      %dma_wait3A_2106 = arith.constant 0 : i32
      %dma_wait3A_2107 = arith.constant 0 : i32
      %dma_wait3A_2108 = tpu.memref_slice %arg9[%dma_wait3A_2096, %dma_wait3A_2106, %dma_wait3A_2107] : memref<4x4x128xi32, #tpu.memory_space<vmem>> -> memref<1x4x128xi32, #tpu.memory_space<vmem>>
      %dma_wait3A_2109 = tpu.memref_squeeze %dma_wait3A_2108 : memref<1x4x128xi32, #tpu.memory_space<vmem>> -> memref<4x128xi32, #tpu.memory_space<vmem>>
      %dma_wait3A_2110 = arith.constant 0 : i32
      %dma_wait3A_2111 = tpu.memref_slice %dma_wait3A_2109[%dma_wait3A_2097, %dma_wait3A_2110] : memref<4x128xi32, #tpu.memory_space<vmem>> -> memref<1x128xi32, #tpu.memory_space<vmem>>
      %dma_wait3A_2112 = tpu.memref_squeeze %dma_wait3A_2111 : memref<1x128xi32, #tpu.memory_space<vmem>> -> memref<128xi32, #tpu.memory_space<vmem>>
      %dma_wait3A_2113 = arith.constant 0 : i32
      %dma_wait3A_2114 = arith.constant 0 : i32
      %dma_wait3A_2115 = tpu.memref_slice %arg6[%dma_wait3A_2113, %dma_wait3A_2114] : memref<51200x16xf32, #tpu.memory_space<vmem_shared>> -> memref<51200x16xf32, #tpu.memory_space<vmem_shared>>
      %dma_wait3A_2116 = tpu.memref_slice %arg13[%dma_wait3A_2098] : memref<2x!tpu.dma_semaphore, #tpu.memory_space<semaphore_mem>> -> memref<1x!tpu.dma_semaphore, #tpu.memory_space<semaphore_mem>>
      %dma_wait3A_2117 = tpu.memref_squeeze %dma_wait3A_2116 : memref<1x!tpu.dma_semaphore, #tpu.memory_space<semaphore_mem>> -> memref<!tpu.dma_semaphore, #tpu.memory_space<semaphore_mem>>
      tpu.wait_indirect_dma semaphore(%dma_wait3A_2117 : memref<!tpu.dma_semaphore, #tpu.memory_space<semaphore_mem>>) src(%dma_wait3A_2105 : memref<128x16xf32, #tpu.memory_space<vmem>>) dst(%dma_wait3A_2115 : memref<51200x16xf32, #tpu.memory_space<vmem_shared>>)
      %dma_wait3A_2118 = arith.constant 0 : i32
      %dma_wait3A_2119 = arith.constant 2 : i32
      %dma_wait3A_2120 = arith.constant 2 : i32
      %dma_wait3A_2121 = arith.constant 0 : i32
      %dma_wait3A_2122 = arith.constant 0 : i32
      %dma_wait3A_2123 = arith.constant 0 : i32
      %dma_wait3A_2124 = tpu.memref_slice %arg10[%dma_wait3A_2118, %dma_wait3A_2122, %dma_wait3A_2123] : memref<2x512x16xf32, #tpu.memory_space<vmem>> -> memref<1x512x16xf32, #tpu.memory_space<vmem>>
      %dma_wait3A_2125 = tpu.memref_squeeze %dma_wait3A_2124 : memref<1x512x16xf32, #tpu.memory_space<vmem>> -> memref<512x16xf32, #tpu.memory_space<vmem>>
      %dma_wait3A_2126 = arith.constant 256 : i32
      %dma_wait3A_2127 = arith.constant 0 : i32
      %dma_wait3A_2128 = tpu.memref_slice %dma_wait3A_2125[%dma_wait3A_2126, %dma_wait3A_2127] : memref<512x16xf32, #tpu.memory_space<vmem>> -> memref<128x16xf32, #tpu.memory_space<vmem>>
      %dma_wait3A_2129 = arith.constant 0 : i32
      %dma_wait3A_2130 = arith.constant 0 : i32
      %dma_wait3A_2131 = tpu.memref_slice %arg9[%dma_wait3A_2119, %dma_wait3A_2129, %dma_wait3A_2130] : memref<4x4x128xi32, #tpu.memory_space<vmem>> -> memref<1x4x128xi32, #tpu.memory_space<vmem>>
      %dma_wait3A_2132 = tpu.memref_squeeze %dma_wait3A_2131 : memref<1x4x128xi32, #tpu.memory_space<vmem>> -> memref<4x128xi32, #tpu.memory_space<vmem>>
      %dma_wait3A_2133 = arith.constant 0 : i32
      %dma_wait3A_2134 = tpu.memref_slice %dma_wait3A_2132[%dma_wait3A_2120, %dma_wait3A_2133] : memref<4x128xi32, #tpu.memory_space<vmem>> -> memref<1x128xi32, #tpu.memory_space<vmem>>
      %dma_wait3A_2135 = tpu.memref_squeeze %dma_wait3A_2134 : memref<1x128xi32, #tpu.memory_space<vmem>> -> memref<128xi32, #tpu.memory_space<vmem>>
      %dma_wait3A_2136 = arith.constant 0 : i32
      %dma_wait3A_2137 = arith.constant 0 : i32
      %dma_wait3A_2138 = tpu.memref_slice %arg6[%dma_wait3A_2136, %dma_wait3A_2137] : memref<51200x16xf32, #tpu.memory_space<vmem_shared>> -> memref<51200x16xf32, #tpu.memory_space<vmem_shared>>
      %dma_wait3A_2139 = tpu.memref_slice %arg13[%dma_wait3A_2121] : memref<2x!tpu.dma_semaphore, #tpu.memory_space<semaphore_mem>> -> memref<1x!tpu.dma_semaphore, #tpu.memory_space<semaphore_mem>>
      %dma_wait3A_2140 = tpu.memref_squeeze %dma_wait3A_2139 : memref<1x!tpu.dma_semaphore, #tpu.memory_space<semaphore_mem>> -> memref<!tpu.dma_semaphore, #tpu.memory_space<semaphore_mem>>
      tpu.wait_indirect_dma semaphore(%dma_wait3A_2140 : memref<!tpu.dma_semaphore, #tpu.memory_space<semaphore_mem>>) src(%dma_wait3A_2128 : memref<128x16xf32, #tpu.memory_space<vmem>>) dst(%dma_wait3A_2138 : memref<51200x16xf32, #tpu.memory_space<vmem_shared>>)
      %dma_wait3A_2141 = arith.constant 0 : i32
      %dma_wait3A_2142 = arith.constant 2 : i32
      %dma_wait3A_2143 = arith.constant 3 : i32
      %dma_wait3A_2144 = arith.constant 0 : i32
      %dma_wait3A_2145 = arith.constant 0 : i32
      %dma_wait3A_2146 = arith.constant 0 : i32
      %dma_wait3A_2147 = tpu.memref_slice %arg10[%dma_wait3A_2141, %dma_wait3A_2145, %dma_wait3A_2146] : memref<2x512x16xf32, #tpu.memory_space<vmem>> -> memref<1x512x16xf32, #tpu.memory_space<vmem>>
      %dma_wait3A_2148 = tpu.memref_squeeze %dma_wait3A_2147 : memref<1x512x16xf32, #tpu.memory_space<vmem>> -> memref<512x16xf32, #tpu.memory_space<vmem>>
      %dma_wait3A_2149 = arith.constant 384 : i32
      %dma_wait3A_2150 = arith.constant 0 : i32
      %dma_wait3A_2151 = tpu.memref_slice %dma_wait3A_2148[%dma_wait3A_2149, %dma_wait3A_2150] : memref<512x16xf32, #tpu.memory_space<vmem>> -> memref<128x16xf32, #tpu.memory_space<vmem>>
      %dma_wait3A_2152 = arith.constant 0 : i32
      %dma_wait3A_2153 = arith.constant 0 : i32
      %dma_wait3A_2154 = tpu.memref_slice %arg9[%dma_wait3A_2142, %dma_wait3A_2152, %dma_wait3A_2153] : memref<4x4x128xi32, #tpu.memory_space<vmem>> -> memref<1x4x128xi32, #tpu.memory_space<vmem>>
      %dma_wait3A_2155 = tpu.memref_squeeze %dma_wait3A_2154 : memref<1x4x128xi32, #tpu.memory_space<vmem>> -> memref<4x128xi32, #tpu.memory_space<vmem>>
      %dma_wait3A_2156 = arith.constant 0 : i32
      %dma_wait3A_2157 = tpu.memref_slice %dma_wait3A_2155[%dma_wait3A_2143, %dma_wait3A_2156] : memref<4x128xi32, #tpu.memory_space<vmem>> -> memref<1x128xi32, #tpu.memory_space<vmem>>
      %dma_wait3A_2158 = tpu.memref_squeeze %dma_wait3A_2157 : memref<1x128xi32, #tpu.memory_space<vmem>> -> memref<128xi32, #tpu.memory_space<vmem>>
      %dma_wait3A_2159 = arith.constant 0 : i32
      %dma_wait3A_2160 = arith.constant 0 : i32
      %dma_wait3A_2161 = tpu.memref_slice %arg6[%dma_wait3A_2159, %dma_wait3A_2160] : memref<51200x16xf32, #tpu.memory_space<vmem_shared>> -> memref<51200x16xf32, #tpu.memory_space<vmem_shared>>
      %dma_wait3A_2162 = tpu.memref_slice %arg13[%dma_wait3A_2144] : memref<2x!tpu.dma_semaphore, #tpu.memory_space<semaphore_mem>> -> memref<1x!tpu.dma_semaphore, #tpu.memory_space<semaphore_mem>>
      %dma_wait3A_2163 = tpu.memref_squeeze %dma_wait3A_2162 : memref<1x!tpu.dma_semaphore, #tpu.memory_space<semaphore_mem>> -> memref<!tpu.dma_semaphore, #tpu.memory_space<semaphore_mem>>
      tpu.wait_indirect_dma semaphore(%dma_wait3A_2163 : memref<!tpu.dma_semaphore, #tpu.memory_space<semaphore_mem>>) src(%dma_wait3A_2151 : memref<128x16xf32, #tpu.memory_space<vmem>>) dst(%dma_wait3A_2161 : memref<51200x16xf32, #tpu.memory_space<vmem_shared>>)
      %add3A_2164 = arith.constant 2 : i32
      %add3A_2165 = arith.addi %add3A_1565, %add3A_2164 : i32
      %mul3A_2166 = arith.constant 4 : i32
      %mul3A_2167 = arith.muli %add3A_2165, %mul3A_2166 : i32
      %add3A_2168 = arith.addi %mul3A_0, %mul3A_2167 : i32
      %dma_wait3A_2169 = arith.constant 0 : i32
      %dma_wait3A_2170 = arith.constant 0 : i32
      %dma_wait3A_2171 = arith.constant 0 : i32
      %dma_wait3A_2172 = arith.constant 0 : i32
      %dma_wait3A_2173 = tpu.memref_slice %arg8[%dma_wait3A_2169, %dma_wait3A_2171, %dma_wait3A_2172] : memref<4x4x128xi32, #tpu.memory_space<vmem>> -> memref<1x4x128xi32, #tpu.memory_space<vmem>>
      %dma_wait3A_2174 = tpu.memref_squeeze %dma_wait3A_2173 : memref<1x4x128xi32, #tpu.memory_space<vmem>> -> memref<4x128xi32, #tpu.memory_space<vmem>>
      %dma_wait3A_2175 = arith.constant 0 : i32
      %dma_wait3A_2176 = arith.constant 0 : i32
      %dma_wait3A_2177 = tpu.memref_slice %arg3[%arg0, %dma_wait3A_2175, %dma_wait3A_2176] : memref<2x6668x128xi32, #tpu.memory_space<hbm>> -> memref<1x6668x128xi32, #tpu.memory_space<hbm>>
      %dma_wait3A_2178 = tpu.memref_squeeze %dma_wait3A_2177 : memref<1x6668x128xi32, #tpu.memory_space<hbm>> -> memref<6668x128xi32, #tpu.memory_space<hbm>>
      %dma_wait3A_2179 = arith.constant 0 : i32
      %dma_wait3A_2180 = tpu.memref_slice %dma_wait3A_2178[%add3A_2168, %dma_wait3A_2179] : memref<6668x128xi32, #tpu.memory_space<hbm>> -> memref<4x128xi32, #tpu.memory_space<hbm>>
      %dma_wait3A_2181 = tpu.memref_slice %arg11[%dma_wait3A_2170] : memref<4x!tpu.dma_semaphore, #tpu.memory_space<semaphore_mem>> -> memref<1x!tpu.dma_semaphore, #tpu.memory_space<semaphore_mem>>
      %dma_wait3A_2182 = tpu.memref_squeeze %dma_wait3A_2181 : memref<1x!tpu.dma_semaphore, #tpu.memory_space<semaphore_mem>> -> memref<!tpu.dma_semaphore, #tpu.memory_space<semaphore_mem>>
      %dma_wait3A_2183 = arith.constant 0 : i32
      %dma_wait3A_2184 = arith.constant 0 : i32
      %dma_wait3A_2185 = tpu.memref_slice %arg8[%dma_wait3A_2169, %dma_wait3A_2183, %dma_wait3A_2184] : memref<4x4x128xi32, #tpu.memory_space<vmem>> -> memref<1x4x128xi32, #tpu.memory_space<vmem>>
      %dma_wait3A_2186 = tpu.memref_squeeze %dma_wait3A_2185 : memref<1x4x128xi32, #tpu.memory_space<vmem>> -> memref<4x128xi32, #tpu.memory_space<vmem>>
      %dma_wait3A_2187 = arith.constant 0 : i32
      %dma_wait3A_2188 = arith.constant 0 : i32
      %dma_wait3A_2189 = tpu.memref_slice %arg3[%arg0, %dma_wait3A_2187, %dma_wait3A_2188] : memref<2x6668x128xi32, #tpu.memory_space<hbm>> -> memref<1x6668x128xi32, #tpu.memory_space<hbm>>
      %dma_wait3A_2190 = tpu.memref_squeeze %dma_wait3A_2189 : memref<1x6668x128xi32, #tpu.memory_space<hbm>> -> memref<6668x128xi32, #tpu.memory_space<hbm>>
      %dma_wait3A_2191 = arith.constant 0 : i32
      %dma_wait3A_2192 = tpu.memref_slice %dma_wait3A_2190[%add3A_2168, %dma_wait3A_2191] : memref<6668x128xi32, #tpu.memory_space<hbm>> -> memref<4x128xi32, #tpu.memory_space<hbm>>
      tpu.wait_dma2 semaphore(%dma_wait3A_2182 : memref<!tpu.dma_semaphore, #tpu.memory_space<semaphore_mem>>) src(%dma_wait3A_2192 : memref<4x128xi32, #tpu.memory_space<hbm>>) dst(%dma_wait3A_2186 : memref<4x128xi32, #tpu.memory_space<vmem>>)
      %dma_wait3A_2193 = arith.constant 0 : i32
      %dma_wait3A_2194 = arith.constant 0 : i32
      %dma_wait3A_2195 = arith.constant 0 : i32
      %dma_wait3A_2196 = arith.constant 0 : i32
      %dma_wait3A_2197 = tpu.memref_slice %arg9[%dma_wait3A_2193, %dma_wait3A_2195, %dma_wait3A_2196] : memref<4x4x128xi32, #tpu.memory_space<vmem>> -> memref<1x4x128xi32, #tpu.memory_space<vmem>>
      %dma_wait3A_2198 = tpu.memref_squeeze %dma_wait3A_2197 : memref<1x4x128xi32, #tpu.memory_space<vmem>> -> memref<4x128xi32, #tpu.memory_space<vmem>>
      %dma_wait3A_2199 = arith.constant 0 : i32
      %dma_wait3A_2200 = arith.constant 0 : i32
      %dma_wait3A_2201 = tpu.memref_slice %arg4[%arg0, %dma_wait3A_2199, %dma_wait3A_2200] : memref<2x6668x128xi32, #tpu.memory_space<hbm>> -> memref<1x6668x128xi32, #tpu.memory_space<hbm>>
      %dma_wait3A_2202 = tpu.memref_squeeze %dma_wait3A_2201 : memref<1x6668x128xi32, #tpu.memory_space<hbm>> -> memref<6668x128xi32, #tpu.memory_space<hbm>>
      %dma_wait3A_2203 = arith.constant 0 : i32
      %dma_wait3A_2204 = tpu.memref_slice %dma_wait3A_2202[%add3A_2168, %dma_wait3A_2203] : memref<6668x128xi32, #tpu.memory_space<hbm>> -> memref<4x128xi32, #tpu.memory_space<hbm>>
      %dma_wait3A_2205 = tpu.memref_slice %arg11[%dma_wait3A_2194] : memref<4x!tpu.dma_semaphore, #tpu.memory_space<semaphore_mem>> -> memref<1x!tpu.dma_semaphore, #tpu.memory_space<semaphore_mem>>
      %dma_wait3A_2206 = tpu.memref_squeeze %dma_wait3A_2205 : memref<1x!tpu.dma_semaphore, #tpu.memory_space<semaphore_mem>> -> memref<!tpu.dma_semaphore, #tpu.memory_space<semaphore_mem>>
      %dma_wait3A_2207 = arith.constant 0 : i32
      %dma_wait3A_2208 = arith.constant 0 : i32
      %dma_wait3A_2209 = tpu.memref_slice %arg9[%dma_wait3A_2193, %dma_wait3A_2207, %dma_wait3A_2208] : memref<4x4x128xi32, #tpu.memory_space<vmem>> -> memref<1x4x128xi32, #tpu.memory_space<vmem>>
      %dma_wait3A_2210 = tpu.memref_squeeze %dma_wait3A_2209 : memref<1x4x128xi32, #tpu.memory_space<vmem>> -> memref<4x128xi32, #tpu.memory_space<vmem>>
      %dma_wait3A_2211 = arith.constant 0 : i32
      %dma_wait3A_2212 = arith.constant 0 : i32
      %dma_wait3A_2213 = tpu.memref_slice %arg4[%arg0, %dma_wait3A_2211, %dma_wait3A_2212] : memref<2x6668x128xi32, #tpu.memory_space<hbm>> -> memref<1x6668x128xi32, #tpu.memory_space<hbm>>
      %dma_wait3A_2214 = tpu.memref_squeeze %dma_wait3A_2213 : memref<1x6668x128xi32, #tpu.memory_space<hbm>> -> memref<6668x128xi32, #tpu.memory_space<hbm>>
      %dma_wait3A_2215 = arith.constant 0 : i32
      %dma_wait3A_2216 = tpu.memref_slice %dma_wait3A_2214[%add3A_2168, %dma_wait3A_2215] : memref<6668x128xi32, #tpu.memory_space<hbm>> -> memref<4x128xi32, #tpu.memory_space<hbm>>
      tpu.wait_dma2 semaphore(%dma_wait3A_2206 : memref<!tpu.dma_semaphore, #tpu.memory_space<semaphore_mem>>) src(%dma_wait3A_2216 : memref<4x128xi32, #tpu.memory_space<hbm>>) dst(%dma_wait3A_2210 : memref<4x128xi32, #tpu.memory_space<vmem>>)
      %dma_start3A_2217 = arith.constant 0 : i32
      %dma_start3A_2218 = arith.constant 0 : i32
      %dma_start3A_2219 = arith.constant 0 : i32
      %dma_start3A_2220 = arith.constant 0 : i32
      %dma_start3A_2221 = arith.constant 0 : i32
      %dma_start3A_2222 = arith.constant 0 : i32
      %dma_start3A_2223 = tpu.memref_slice %arg10[%dma_start3A_2219, %dma_start3A_2221, %dma_start3A_2222] : memref<2x512x16xf32, #tpu.memory_space<vmem>> -> memref<1x512x16xf32, #tpu.memory_space<vmem>>
      %dma_start3A_2224 = tpu.memref_squeeze %dma_start3A_2223 : memref<1x512x16xf32, #tpu.memory_space<vmem>> -> memref<512x16xf32, #tpu.memory_space<vmem>>
      %dma_start3A_2225 = arith.constant 0 : i32
      %dma_start3A_2226 = arith.constant 0 : i32
      %dma_start3A_2227 = tpu.memref_slice %dma_start3A_2224[%dma_start3A_2225, %dma_start3A_2226] : memref<512x16xf32, #tpu.memory_space<vmem>> -> memref<128x16xf32, #tpu.memory_space<vmem>>
      %dma_start3A_2228 = arith.constant 0 : i32
      %dma_start3A_2229 = arith.constant 0 : i32
      %dma_start3A_2230 = tpu.memref_slice %arg8[%dma_start3A_2217, %dma_start3A_2228, %dma_start3A_2229] : memref<4x4x128xi32, #tpu.memory_space<vmem>> -> memref<1x4x128xi32, #tpu.memory_space<vmem>>
      %dma_start3A_2231 = tpu.memref_squeeze %dma_start3A_2230 : memref<1x4x128xi32, #tpu.memory_space<vmem>> -> memref<4x128xi32, #tpu.memory_space<vmem>>
      %dma_start3A_2232 = arith.constant 0 : i32
      %dma_start3A_2233 = tpu.memref_slice %dma_start3A_2231[%dma_start3A_2218, %dma_start3A_2232] : memref<4x128xi32, #tpu.memory_space<vmem>> -> memref<1x128xi32, #tpu.memory_space<vmem>>
      %dma_start3A_2234 = tpu.memref_squeeze %dma_start3A_2233 : memref<1x128xi32, #tpu.memory_space<vmem>> -> memref<128xi32, #tpu.memory_space<vmem>>
      %dma_start3A_2235 = arith.constant 0 : i32
      %dma_start3A_2236 = arith.constant 0 : i32
      %dma_start3A_2237 = tpu.memref_slice %arg2[%arg0, %dma_start3A_2235, %dma_start3A_2236] : memref<2x51200x16xf32, #tpu.memory_space<hbm>> -> memref<1x51200x16xf32, #tpu.memory_space<hbm>>
      %dma_start3A_2238 = tpu.memref_squeeze %dma_start3A_2237 : memref<1x51200x16xf32, #tpu.memory_space<hbm>> -> memref<51200x16xf32, #tpu.memory_space<hbm>>
      %dma_start3A_2239 = arith.constant 0 : i32
      %dma_start3A_2240 = arith.constant 0 : i32
      %dma_start3A_2241 = tpu.memref_slice %dma_start3A_2238[%dma_start3A_2239, %dma_start3A_2240] : memref<51200x16xf32, #tpu.memory_space<hbm>> -> memref<51200x16xf32, #tpu.memory_space<hbm>>
      %dma_start3A_2242 = tpu.memref_slice %arg12[%dma_start3A_2220] : memref<2x!tpu.dma_semaphore, #tpu.memory_space<semaphore_mem>> -> memref<1x!tpu.dma_semaphore, #tpu.memory_space<semaphore_mem>>
      %dma_start3A_2243 = tpu.memref_squeeze %dma_start3A_2242 : memref<1x!tpu.dma_semaphore, #tpu.memory_space<semaphore_mem>> -> memref<!tpu.dma_semaphore, #tpu.memory_space<semaphore_mem>>
      tpu.enqueue_indirect_dma source(%dma_start3A_2241 : memref<51200x16xf32, #tpu.memory_space<hbm>>) target(%dma_start3A_2227 : memref<128x16xf32, #tpu.memory_space<vmem>>) offsets(%dma_start3A_2234 : memref<128xi32, #tpu.memory_space<vmem>>) semaphore(%dma_start3A_2243 : memref<!tpu.dma_semaphore, #tpu.memory_space<semaphore_mem>>)
      %dma_start3A_2244 = arith.constant 0 : i32
      %dma_start3A_2245 = arith.constant 1 : i32
      %dma_start3A_2246 = arith.constant 0 : i32
      %dma_start3A_2247 = arith.constant 0 : i32
      %dma_start3A_2248 = arith.constant 0 : i32
      %dma_start3A_2249 = arith.constant 0 : i32
      %dma_start3A_2250 = tpu.memref_slice %arg10[%dma_start3A_2246, %dma_start3A_2248, %dma_start3A_2249] : memref<2x512x16xf32, #tpu.memory_space<vmem>> -> memref<1x512x16xf32, #tpu.memory_space<vmem>>
      %dma_start3A_2251 = tpu.memref_squeeze %dma_start3A_2250 : memref<1x512x16xf32, #tpu.memory_space<vmem>> -> memref<512x16xf32, #tpu.memory_space<vmem>>
      %dma_start3A_2252 = arith.constant 128 : i32
      %dma_start3A_2253 = arith.constant 0 : i32
      %dma_start3A_2254 = tpu.memref_slice %dma_start3A_2251[%dma_start3A_2252, %dma_start3A_2253] : memref<512x16xf32, #tpu.memory_space<vmem>> -> memref<128x16xf32, #tpu.memory_space<vmem>>
      %dma_start3A_2255 = arith.constant 0 : i32
      %dma_start3A_2256 = arith.constant 0 : i32
      %dma_start3A_2257 = tpu.memref_slice %arg8[%dma_start3A_2244, %dma_start3A_2255, %dma_start3A_2256] : memref<4x4x128xi32, #tpu.memory_space<vmem>> -> memref<1x4x128xi32, #tpu.memory_space<vmem>>
      %dma_start3A_2258 = tpu.memref_squeeze %dma_start3A_2257 : memref<1x4x128xi32, #tpu.memory_space<vmem>> -> memref<4x128xi32, #tpu.memory_space<vmem>>
      %dma_start3A_2259 = arith.constant 0 : i32
      %dma_start3A_2260 = tpu.memref_slice %dma_start3A_2258[%dma_start3A_2245, %dma_start3A_2259] : memref<4x128xi32, #tpu.memory_space<vmem>> -> memref<1x128xi32, #tpu.memory_space<vmem>>
      %dma_start3A_2261 = tpu.memref_squeeze %dma_start3A_2260 : memref<1x128xi32, #tpu.memory_space<vmem>> -> memref<128xi32, #tpu.memory_space<vmem>>
      %dma_start3A_2262 = arith.constant 0 : i32
      %dma_start3A_2263 = arith.constant 0 : i32
      %dma_start3A_2264 = tpu.memref_slice %arg2[%arg0, %dma_start3A_2262, %dma_start3A_2263] : memref<2x51200x16xf32, #tpu.memory_space<hbm>> -> memref<1x51200x16xf32, #tpu.memory_space<hbm>>
      %dma_start3A_2265 = tpu.memref_squeeze %dma_start3A_2264 : memref<1x51200x16xf32, #tpu.memory_space<hbm>> -> memref<51200x16xf32, #tpu.memory_space<hbm>>
      %dma_start3A_2266 = arith.constant 0 : i32
      %dma_start3A_2267 = arith.constant 0 : i32
      %dma_start3A_2268 = tpu.memref_slice %dma_start3A_2265[%dma_start3A_2266, %dma_start3A_2267] : memref<51200x16xf32, #tpu.memory_space<hbm>> -> memref<51200x16xf32, #tpu.memory_space<hbm>>
      %dma_start3A_2269 = tpu.memref_slice %arg12[%dma_start3A_2247] : memref<2x!tpu.dma_semaphore, #tpu.memory_space<semaphore_mem>> -> memref<1x!tpu.dma_semaphore, #tpu.memory_space<semaphore_mem>>
      %dma_start3A_2270 = tpu.memref_squeeze %dma_start3A_2269 : memref<1x!tpu.dma_semaphore, #tpu.memory_space<semaphore_mem>> -> memref<!tpu.dma_semaphore, #tpu.memory_space<semaphore_mem>>
      tpu.enqueue_indirect_dma source(%dma_start3A_2268 : memref<51200x16xf32, #tpu.memory_space<hbm>>) target(%dma_start3A_2254 : memref<128x16xf32, #tpu.memory_space<vmem>>) offsets(%dma_start3A_2261 : memref<128xi32, #tpu.memory_space<vmem>>) semaphore(%dma_start3A_2270 : memref<!tpu.dma_semaphore, #tpu.memory_space<semaphore_mem>>)
      %dma_start3A_2271 = arith.constant 0 : i32
      %dma_start3A_2272 = arith.constant 2 : i32
      %dma_start3A_2273 = arith.constant 0 : i32
      %dma_start3A_2274 = arith.constant 0 : i32
      %dma_start3A_2275 = arith.constant 0 : i32
      %dma_start3A_2276 = arith.constant 0 : i32
      %dma_start3A_2277 = tpu.memref_slice %arg10[%dma_start3A_2273, %dma_start3A_2275, %dma_start3A_2276] : memref<2x512x16xf32, #tpu.memory_space<vmem>> -> memref<1x512x16xf32, #tpu.memory_space<vmem>>
      %dma_start3A_2278 = tpu.memref_squeeze %dma_start3A_2277 : memref<1x512x16xf32, #tpu.memory_space<vmem>> -> memref<512x16xf32, #tpu.memory_space<vmem>>
      %dma_start3A_2279 = arith.constant 256 : i32
      %dma_start3A_2280 = arith.constant 0 : i32
      %dma_start3A_2281 = tpu.memref_slice %dma_start3A_2278[%dma_start3A_2279, %dma_start3A_2280] : memref<512x16xf32, #tpu.memory_space<vmem>> -> memref<128x16xf32, #tpu.memory_space<vmem>>
      %dma_start3A_2282 = arith.constant 0 : i32
      %dma_start3A_2283 = arith.constant 0 : i32
      %dma_start3A_2284 = tpu.memref_slice %arg8[%dma_start3A_2271, %dma_start3A_2282, %dma_start3A_2283] : memref<4x4x128xi32, #tpu.memory_space<vmem>> -> memref<1x4x128xi32, #tpu.memory_space<vmem>>
      %dma_start3A_2285 = tpu.memref_squeeze %dma_start3A_2284 : memref<1x4x128xi32, #tpu.memory_space<vmem>> -> memref<4x128xi32, #tpu.memory_space<vmem>>
      %dma_start3A_2286 = arith.constant 0 : i32
      %dma_start3A_2287 = tpu.memref_slice %dma_start3A_2285[%dma_start3A_2272, %dma_start3A_2286] : memref<4x128xi32, #tpu.memory_space<vmem>> -> memref<1x128xi32, #tpu.memory_space<vmem>>
      %dma_start3A_2288 = tpu.memref_squeeze %dma_start3A_2287 : memref<1x128xi32, #tpu.memory_space<vmem>> -> memref<128xi32, #tpu.memory_space<vmem>>
      %dma_start3A_2289 = arith.constant 0 : i32
      %dma_start3A_2290 = arith.constant 0 : i32
      %dma_start3A_2291 = tpu.memref_slice %arg2[%arg0, %dma_start3A_2289, %dma_start3A_2290] : memref<2x51200x16xf32, #tpu.memory_space<hbm>> -> memref<1x51200x16xf32, #tpu.memory_space<hbm>>
      %dma_start3A_2292 = tpu.memref_squeeze %dma_start3A_2291 : memref<1x51200x16xf32, #tpu.memory_space<hbm>> -> memref<51200x16xf32, #tpu.memory_space<hbm>>
      %dma_start3A_2293 = arith.constant 0 : i32
      %dma_start3A_2294 = arith.constant 0 : i32
      %dma_start3A_2295 = tpu.memref_slice %dma_start3A_2292[%dma_start3A_2293, %dma_start3A_2294] : memref<51200x16xf32, #tpu.memory_space<hbm>> -> memref<51200x16xf32, #tpu.memory_space<hbm>>
      %dma_start3A_2296 = tpu.memref_slice %arg12[%dma_start3A_2274] : memref<2x!tpu.dma_semaphore, #tpu.memory_space<semaphore_mem>> -> memref<1x!tpu.dma_semaphore, #tpu.memory_space<semaphore_mem>>
      %dma_start3A_2297 = tpu.memref_squeeze %dma_start3A_2296 : memref<1x!tpu.dma_semaphore, #tpu.memory_space<semaphore_mem>> -> memref<!tpu.dma_semaphore, #tpu.memory_space<semaphore_mem>>
      tpu.enqueue_indirect_dma source(%dma_start3A_2295 : memref<51200x16xf32, #tpu.memory_space<hbm>>) target(%dma_start3A_2281 : memref<128x16xf32, #tpu.memory_space<vmem>>) offsets(%dma_start3A_2288 : memref<128xi32, #tpu.memory_space<vmem>>) semaphore(%dma_start3A_2297 : memref<!tpu.dma_semaphore, #tpu.memory_space<semaphore_mem>>)
      %dma_start3A_2298 = arith.constant 0 : i32
      %dma_start3A_2299 = arith.constant 3 : i32
      %dma_start3A_2300 = arith.constant 0 : i32
      %dma_start3A_2301 = arith.constant 0 : i32
      %dma_start3A_2302 = arith.constant 0 : i32
      %dma_start3A_2303 = arith.constant 0 : i32
      %dma_start3A_2304 = tpu.memref_slice %arg10[%dma_start3A_2300, %dma_start3A_2302, %dma_start3A_2303] : memref<2x512x16xf32, #tpu.memory_space<vmem>> -> memref<1x512x16xf32, #tpu.memory_space<vmem>>
      %dma_start3A_2305 = tpu.memref_squeeze %dma_start3A_2304 : memref<1x512x16xf32, #tpu.memory_space<vmem>> -> memref<512x16xf32, #tpu.memory_space<vmem>>
      %dma_start3A_2306 = arith.constant 384 : i32
      %dma_start3A_2307 = arith.constant 0 : i32
      %dma_start3A_2308 = tpu.memref_slice %dma_start3A_2305[%dma_start3A_2306, %dma_start3A_2307] : memref<512x16xf32, #tpu.memory_space<vmem>> -> memref<128x16xf32, #tpu.memory_space<vmem>>
      %dma_start3A_2309 = arith.constant 0 : i32
      %dma_start3A_2310 = arith.constant 0 : i32
      %dma_start3A_2311 = tpu.memref_slice %arg8[%dma_start3A_2298, %dma_start3A_2309, %dma_start3A_2310] : memref<4x4x128xi32, #tpu.memory_space<vmem>> -> memref<1x4x128xi32, #tpu.memory_space<vmem>>
      %dma_start3A_2312 = tpu.memref_squeeze %dma_start3A_2311 : memref<1x4x128xi32, #tpu.memory_space<vmem>> -> memref<4x128xi32, #tpu.memory_space<vmem>>
      %dma_start3A_2313 = arith.constant 0 : i32
      %dma_start3A_2314 = tpu.memref_slice %dma_start3A_2312[%dma_start3A_2299, %dma_start3A_2313] : memref<4x128xi32, #tpu.memory_space<vmem>> -> memref<1x128xi32, #tpu.memory_space<vmem>>
      %dma_start3A_2315 = tpu.memref_squeeze %dma_start3A_2314 : memref<1x128xi32, #tpu.memory_space<vmem>> -> memref<128xi32, #tpu.memory_space<vmem>>
      %dma_start3A_2316 = arith.constant 0 : i32
      %dma_start3A_2317 = arith.constant 0 : i32
      %dma_start3A_2318 = tpu.memref_slice %arg2[%arg0, %dma_start3A_2316, %dma_start3A_2317] : memref<2x51200x16xf32, #tpu.memory_space<hbm>> -> memref<1x51200x16xf32, #tpu.memory_space<hbm>>
      %dma_start3A_2319 = tpu.memref_squeeze %dma_start3A_2318 : memref<1x51200x16xf32, #tpu.memory_space<hbm>> -> memref<51200x16xf32, #tpu.memory_space<hbm>>
      %dma_start3A_2320 = arith.constant 0 : i32
      %dma_start3A_2321 = arith.constant 0 : i32
      %dma_start3A_2322 = tpu.memref_slice %dma_start3A_2319[%dma_start3A_2320, %dma_start3A_2321] : memref<51200x16xf32, #tpu.memory_space<hbm>> -> memref<51200x16xf32, #tpu.memory_space<hbm>>
      %dma_start3A_2323 = tpu.memref_slice %arg12[%dma_start3A_2301] : memref<2x!tpu.dma_semaphore, #tpu.memory_space<semaphore_mem>> -> memref<1x!tpu.dma_semaphore, #tpu.memory_space<semaphore_mem>>
      %dma_start3A_2324 = tpu.memref_squeeze %dma_start3A_2323 : memref<1x!tpu.dma_semaphore, #tpu.memory_space<semaphore_mem>> -> memref<!tpu.dma_semaphore, #tpu.memory_space<semaphore_mem>>
      tpu.enqueue_indirect_dma source(%dma_start3A_2322 : memref<51200x16xf32, #tpu.memory_space<hbm>>) target(%dma_start3A_2308 : memref<128x16xf32, #tpu.memory_space<vmem>>) offsets(%dma_start3A_2315 : memref<128xi32, #tpu.memory_space<vmem>>) semaphore(%dma_start3A_2324 : memref<!tpu.dma_semaphore, #tpu.memory_space<semaphore_mem>>)
      %add3A_2325 = arith.constant 4 : i32
      %add3A_2326 = arith.addi %add3A_1565, %add3A_2325 : i32
      %mul3A_2327 = arith.constant 4 : i32
      %mul3A_2328 = arith.muli %add3A_2326, %mul3A_2327 : i32
      %add3A_2329 = arith.addi %mul3A_0, %mul3A_2328 : i32
      %dma_start3A_2330 = arith.constant 2 : i32
      %dma_start3A_2331 = arith.constant 2 : i32
      %dma_start3A_2332 = arith.constant 0 : i32
      %dma_start3A_2333 = arith.constant 0 : i32
      %dma_start3A_2334 = tpu.memref_slice %arg8[%dma_start3A_2330, %dma_start3A_2332, %dma_start3A_2333] : memref<4x4x128xi32, #tpu.memory_space<vmem>> -> memref<1x4x128xi32, #tpu.memory_space<vmem>>
      %dma_start3A_2335 = tpu.memref_squeeze %dma_start3A_2334 : memref<1x4x128xi32, #tpu.memory_space<vmem>> -> memref<4x128xi32, #tpu.memory_space<vmem>>
      %dma_start3A_2336 = arith.constant 0 : i32
      %dma_start3A_2337 = arith.constant 0 : i32
      %dma_start3A_2338 = tpu.memref_slice %arg3[%arg0, %dma_start3A_2336, %dma_start3A_2337] : memref<2x6668x128xi32, #tpu.memory_space<hbm>> -> memref<1x6668x128xi32, #tpu.memory_space<hbm>>
      %dma_start3A_2339 = tpu.memref_squeeze %dma_start3A_2338 : memref<1x6668x128xi32, #tpu.memory_space<hbm>> -> memref<6668x128xi32, #tpu.memory_space<hbm>>
      %dma_start3A_2340 = arith.constant 0 : i32
      %dma_start3A_2341 = tpu.memref_slice %dma_start3A_2339[%add3A_2329, %dma_start3A_2340] : memref<6668x128xi32, #tpu.memory_space<hbm>> -> memref<4x128xi32, #tpu.memory_space<hbm>>
      %dma_start3A_2342 = tpu.memref_slice %arg11[%dma_start3A_2331] : memref<4x!tpu.dma_semaphore, #tpu.memory_space<semaphore_mem>> -> memref<1x!tpu.dma_semaphore, #tpu.memory_space<semaphore_mem>>
      %dma_start3A_2343 = tpu.memref_squeeze %dma_start3A_2342 : memref<1x!tpu.dma_semaphore, #tpu.memory_space<semaphore_mem>> -> memref<!tpu.dma_semaphore, #tpu.memory_space<semaphore_mem>>
      %dma_start3A_2344 = arith.constant 0 : i32
      %dma_start3A_2345 = arith.constant 0 : i32
      %dma_start3A_2346 = tpu.memref_slice %arg8[%dma_start3A_2330, %dma_start3A_2344, %dma_start3A_2345] : memref<4x4x128xi32, #tpu.memory_space<vmem>> -> memref<1x4x128xi32, #tpu.memory_space<vmem>>
      %dma_start3A_2347 = tpu.memref_squeeze %dma_start3A_2346 : memref<1x4x128xi32, #tpu.memory_space<vmem>> -> memref<4x128xi32, #tpu.memory_space<vmem>>
      %dma_start3A_2348 = arith.constant 0 : i32
      %dma_start3A_2349 = arith.constant 0 : i32
      %dma_start3A_2350 = tpu.memref_slice %arg3[%arg0, %dma_start3A_2348, %dma_start3A_2349] : memref<2x6668x128xi32, #tpu.memory_space<hbm>> -> memref<1x6668x128xi32, #tpu.memory_space<hbm>>
      %dma_start3A_2351 = tpu.memref_squeeze %dma_start3A_2350 : memref<1x6668x128xi32, #tpu.memory_space<hbm>> -> memref<6668x128xi32, #tpu.memory_space<hbm>>
      %dma_start3A_2352 = arith.constant 0 : i32
      %dma_start3A_2353 = tpu.memref_slice %dma_start3A_2351[%add3A_2329, %dma_start3A_2352] : memref<6668x128xi32, #tpu.memory_space<hbm>> -> memref<4x128xi32, #tpu.memory_space<hbm>>
      tpu.enqueue_dma source(%dma_start3A_2353 : memref<4x128xi32, #tpu.memory_space<hbm>>) target(%dma_start3A_2347 : memref<4x128xi32, #tpu.memory_space<vmem>>) target_semaphore(%dma_start3A_2343 : memref<!tpu.dma_semaphore, #tpu.memory_space<semaphore_mem>>)
      %dma_start3A_2354 = arith.constant 2 : i32
      %dma_start3A_2355 = arith.constant 2 : i32
      %dma_start3A_2356 = arith.constant 0 : i32
      %dma_start3A_2357 = arith.constant 0 : i32
      %dma_start3A_2358 = tpu.memref_slice %arg9[%dma_start3A_2354, %dma_start3A_2356, %dma_start3A_2357] : memref<4x4x128xi32, #tpu.memory_space<vmem>> -> memref<1x4x128xi32, #tpu.memory_space<vmem>>
      %dma_start3A_2359 = tpu.memref_squeeze %dma_start3A_2358 : memref<1x4x128xi32, #tpu.memory_space<vmem>> -> memref<4x128xi32, #tpu.memory_space<vmem>>
      %dma_start3A_2360 = arith.constant 0 : i32
      %dma_start3A_2361 = arith.constant 0 : i32
      %dma_start3A_2362 = tpu.memref_slice %arg4[%arg0, %dma_start3A_2360, %dma_start3A_2361] : memref<2x6668x128xi32, #tpu.memory_space<hbm>> -> memref<1x6668x128xi32, #tpu.memory_space<hbm>>
      %dma_start3A_2363 = tpu.memref_squeeze %dma_start3A_2362 : memref<1x6668x128xi32, #tpu.memory_space<hbm>> -> memref<6668x128xi32, #tpu.memory_space<hbm>>
      %dma_start3A_2364 = arith.constant 0 : i32
      %dma_start3A_2365 = tpu.memref_slice %dma_start3A_2363[%add3A_2329, %dma_start3A_2364] : memref<6668x128xi32, #tpu.memory_space<hbm>> -> memref<4x128xi32, #tpu.memory_space<hbm>>
      %dma_start3A_2366 = tpu.memref_slice %arg11[%dma_start3A_2355] : memref<4x!tpu.dma_semaphore, #tpu.memory_space<semaphore_mem>> -> memref<1x!tpu.dma_semaphore, #tpu.memory_space<semaphore_mem>>
      %dma_start3A_2367 = tpu.memref_squeeze %dma_start3A_2366 : memref<1x!tpu.dma_semaphore, #tpu.memory_space<semaphore_mem>> -> memref<!tpu.dma_semaphore, #tpu.memory_space<semaphore_mem>>
      %dma_start3A_2368 = arith.constant 0 : i32
      %dma_start3A_2369 = arith.constant 0 : i32
      %dma_start3A_2370 = tpu.memref_slice %arg9[%dma_start3A_2354, %dma_start3A_2368, %dma_start3A_2369] : memref<4x4x128xi32, #tpu.memory_space<vmem>> -> memref<1x4x128xi32, #tpu.memory_space<vmem>>
      %dma_start3A_2371 = tpu.memref_squeeze %dma_start3A_2370 : memref<1x4x128xi32, #tpu.memory_space<vmem>> -> memref<4x128xi32, #tpu.memory_space<vmem>>
      %dma_start3A_2372 = arith.constant 0 : i32
      %dma_start3A_2373 = arith.constant 0 : i32
      %dma_start3A_2374 = tpu.memref_slice %arg4[%arg0, %dma_start3A_2372, %dma_start3A_2373] : memref<2x6668x128xi32, #tpu.memory_space<hbm>> -> memref<1x6668x128xi32, #tpu.memory_space<hbm>>
      %dma_start3A_2375 = tpu.memref_squeeze %dma_start3A_2374 : memref<1x6668x128xi32, #tpu.memory_space<hbm>> -> memref<6668x128xi32, #tpu.memory_space<hbm>>
      %dma_start3A_2376 = arith.constant 0 : i32
      %dma_start3A_2377 = tpu.memref_slice %dma_start3A_2375[%add3A_2329, %dma_start3A_2376] : memref<6668x128xi32, #tpu.memory_space<hbm>> -> memref<4x128xi32, #tpu.memory_space<hbm>>
      tpu.enqueue_dma source(%dma_start3A_2377 : memref<4x128xi32, #tpu.memory_space<hbm>>) target(%dma_start3A_2371 : memref<4x128xi32, #tpu.memory_space<vmem>>) target_semaphore(%dma_start3A_2367 : memref<!tpu.dma_semaphore, #tpu.memory_space<semaphore_mem>>)
      %dma_wait3A_2378 = arith.constant 3 : i32
      %dma_wait3A_2379 = arith.constant 0 : i32
      %dma_wait3A_2380 = arith.constant 1 : i32
      %dma_wait3A_2381 = arith.constant 1 : i32
      %dma_wait3A_2382 = arith.constant 0 : i32
      %dma_wait3A_2383 = arith.constant 0 : i32
      %dma_wait3A_2384 = tpu.memref_slice %arg10[%dma_wait3A_2380, %dma_wait3A_2382, %dma_wait3A_2383] : memref<2x512x16xf32, #tpu.memory_space<vmem>> -> memref<1x512x16xf32, #tpu.memory_space<vmem>>
      %dma_wait3A_2385 = tpu.memref_squeeze %dma_wait3A_2384 : memref<1x512x16xf32, #tpu.memory_space<vmem>> -> memref<512x16xf32, #tpu.memory_space<vmem>>
      %dma_wait3A_2386 = arith.constant 0 : i32
      %dma_wait3A_2387 = arith.constant 0 : i32
      %dma_wait3A_2388 = tpu.memref_slice %dma_wait3A_2385[%dma_wait3A_2386, %dma_wait3A_2387] : memref<512x16xf32, #tpu.memory_space<vmem>> -> memref<128x16xf32, #tpu.memory_space<vmem>>
      %dma_wait3A_2389 = arith.constant 0 : i32
      %dma_wait3A_2390 = arith.constant 0 : i32
      %dma_wait3A_2391 = tpu.memref_slice %arg8[%dma_wait3A_2378, %dma_wait3A_2389, %dma_wait3A_2390] : memref<4x4x128xi32, #tpu.memory_space<vmem>> -> memref<1x4x128xi32, #tpu.memory_space<vmem>>
      %dma_wait3A_2392 = tpu.memref_squeeze %dma_wait3A_2391 : memref<1x4x128xi32, #tpu.memory_space<vmem>> -> memref<4x128xi32, #tpu.memory_space<vmem>>
      %dma_wait3A_2393 = arith.constant 0 : i32
      %dma_wait3A_2394 = tpu.memref_slice %dma_wait3A_2392[%dma_wait3A_2379, %dma_wait3A_2393] : memref<4x128xi32, #tpu.memory_space<vmem>> -> memref<1x128xi32, #tpu.memory_space<vmem>>
      %dma_wait3A_2395 = tpu.memref_squeeze %dma_wait3A_2394 : memref<1x128xi32, #tpu.memory_space<vmem>> -> memref<128xi32, #tpu.memory_space<vmem>>
      %dma_wait3A_2396 = arith.constant 0 : i32
      %dma_wait3A_2397 = arith.constant 0 : i32
      %dma_wait3A_2398 = tpu.memref_slice %arg2[%arg0, %dma_wait3A_2396, %dma_wait3A_2397] : memref<2x51200x16xf32, #tpu.memory_space<hbm>> -> memref<1x51200x16xf32, #tpu.memory_space<hbm>>
      %dma_wait3A_2399 = tpu.memref_squeeze %dma_wait3A_2398 : memref<1x51200x16xf32, #tpu.memory_space<hbm>> -> memref<51200x16xf32, #tpu.memory_space<hbm>>
      %dma_wait3A_2400 = arith.constant 0 : i32
      %dma_wait3A_2401 = arith.constant 0 : i32
      %dma_wait3A_2402 = tpu.memref_slice %dma_wait3A_2399[%dma_wait3A_2400, %dma_wait3A_2401] : memref<51200x16xf32, #tpu.memory_space<hbm>> -> memref<51200x16xf32, #tpu.memory_space<hbm>>
      %dma_wait3A_2403 = tpu.memref_slice %arg12[%dma_wait3A_2381] : memref<2x!tpu.dma_semaphore, #tpu.memory_space<semaphore_mem>> -> memref<1x!tpu.dma_semaphore, #tpu.memory_space<semaphore_mem>>
      %dma_wait3A_2404 = tpu.memref_squeeze %dma_wait3A_2403 : memref<1x!tpu.dma_semaphore, #tpu.memory_space<semaphore_mem>> -> memref<!tpu.dma_semaphore, #tpu.memory_space<semaphore_mem>>
      tpu.wait_indirect_dma semaphore(%dma_wait3A_2404 : memref<!tpu.dma_semaphore, #tpu.memory_space<semaphore_mem>>) src(%dma_wait3A_2402 : memref<51200x16xf32, #tpu.memory_space<hbm>>) dst(%dma_wait3A_2388 : memref<128x16xf32, #tpu.memory_space<vmem>>)
      %dma_wait3A_2405 = arith.constant 3 : i32
      %dma_wait3A_2406 = arith.constant 1 : i32
      %dma_wait3A_2407 = arith.constant 1 : i32
      %dma_wait3A_2408 = arith.constant 1 : i32
      %dma_wait3A_2409 = arith.constant 0 : i32
      %dma_wait3A_2410 = arith.constant 0 : i32
      %dma_wait3A_2411 = tpu.memref_slice %arg10[%dma_wait3A_2407, %dma_wait3A_2409, %dma_wait3A_2410] : memref<2x512x16xf32, #tpu.memory_space<vmem>> -> memref<1x512x16xf32, #tpu.memory_space<vmem>>
      %dma_wait3A_2412 = tpu.memref_squeeze %dma_wait3A_2411 : memref<1x512x16xf32, #tpu.memory_space<vmem>> -> memref<512x16xf32, #tpu.memory_space<vmem>>
      %dma_wait3A_2413 = arith.constant 128 : i32
      %dma_wait3A_2414 = arith.constant 0 : i32
      %dma_wait3A_2415 = tpu.memref_slice %dma_wait3A_2412[%dma_wait3A_2413, %dma_wait3A_2414] : memref<512x16xf32, #tpu.memory_space<vmem>> -> memref<128x16xf32, #tpu.memory_space<vmem>>
      %dma_wait3A_2416 = arith.constant 0 : i32
      %dma_wait3A_2417 = arith.constant 0 : i32
      %dma_wait3A_2418 = tpu.memref_slice %arg8[%dma_wait3A_2405, %dma_wait3A_2416, %dma_wait3A_2417] : memref<4x4x128xi32, #tpu.memory_space<vmem>> -> memref<1x4x128xi32, #tpu.memory_space<vmem>>
      %dma_wait3A_2419 = tpu.memref_squeeze %dma_wait3A_2418 : memref<1x4x128xi32, #tpu.memory_space<vmem>> -> memref<4x128xi32, #tpu.memory_space<vmem>>
      %dma_wait3A_2420 = arith.constant 0 : i32
      %dma_wait3A_2421 = tpu.memref_slice %dma_wait3A_2419[%dma_wait3A_2406, %dma_wait3A_2420] : memref<4x128xi32, #tpu.memory_space<vmem>> -> memref<1x128xi32, #tpu.memory_space<vmem>>
      %dma_wait3A_2422 = tpu.memref_squeeze %dma_wait3A_2421 : memref<1x128xi32, #tpu.memory_space<vmem>> -> memref<128xi32, #tpu.memory_space<vmem>>
      %dma_wait3A_2423 = arith.constant 0 : i32
      %dma_wait3A_2424 = arith.constant 0 : i32
      %dma_wait3A_2425 = tpu.memref_slice %arg2[%arg0, %dma_wait3A_2423, %dma_wait3A_2424] : memref<2x51200x16xf32, #tpu.memory_space<hbm>> -> memref<1x51200x16xf32, #tpu.memory_space<hbm>>
      %dma_wait3A_2426 = tpu.memref_squeeze %dma_wait3A_2425 : memref<1x51200x16xf32, #tpu.memory_space<hbm>> -> memref<51200x16xf32, #tpu.memory_space<hbm>>
      %dma_wait3A_2427 = arith.constant 0 : i32
      %dma_wait3A_2428 = arith.constant 0 : i32
      %dma_wait3A_2429 = tpu.memref_slice %dma_wait3A_2426[%dma_wait3A_2427, %dma_wait3A_2428] : memref<51200x16xf32, #tpu.memory_space<hbm>> -> memref<51200x16xf32, #tpu.memory_space<hbm>>
      %dma_wait3A_2430 = tpu.memref_slice %arg12[%dma_wait3A_2408] : memref<2x!tpu.dma_semaphore, #tpu.memory_space<semaphore_mem>> -> memref<1x!tpu.dma_semaphore, #tpu.memory_space<semaphore_mem>>
      %dma_wait3A_2431 = tpu.memref_squeeze %dma_wait3A_2430 : memref<1x!tpu.dma_semaphore, #tpu.memory_space<semaphore_mem>> -> memref<!tpu.dma_semaphore, #tpu.memory_space<semaphore_mem>>
      tpu.wait_indirect_dma semaphore(%dma_wait3A_2431 : memref<!tpu.dma_semaphore, #tpu.memory_space<semaphore_mem>>) src(%dma_wait3A_2429 : memref<51200x16xf32, #tpu.memory_space<hbm>>) dst(%dma_wait3A_2415 : memref<128x16xf32, #tpu.memory_space<vmem>>)
      %dma_wait3A_2432 = arith.constant 3 : i32
      %dma_wait3A_2433 = arith.constant 2 : i32
      %dma_wait3A_2434 = arith.constant 1 : i32
      %dma_wait3A_2435 = arith.constant 1 : i32
      %dma_wait3A_2436 = arith.constant 0 : i32
      %dma_wait3A_2437 = arith.constant 0 : i32
      %dma_wait3A_2438 = tpu.memref_slice %arg10[%dma_wait3A_2434, %dma_wait3A_2436, %dma_wait3A_2437] : memref<2x512x16xf32, #tpu.memory_space<vmem>> -> memref<1x512x16xf32, #tpu.memory_space<vmem>>
      %dma_wait3A_2439 = tpu.memref_squeeze %dma_wait3A_2438 : memref<1x512x16xf32, #tpu.memory_space<vmem>> -> memref<512x16xf32, #tpu.memory_space<vmem>>
      %dma_wait3A_2440 = arith.constant 256 : i32
      %dma_wait3A_2441 = arith.constant 0 : i32
      %dma_wait3A_2442 = tpu.memref_slice %dma_wait3A_2439[%dma_wait3A_2440, %dma_wait3A_2441] : memref<512x16xf32, #tpu.memory_space<vmem>> -> memref<128x16xf32, #tpu.memory_space<vmem>>
      %dma_wait3A_2443 = arith.constant 0 : i32
      %dma_wait3A_2444 = arith.constant 0 : i32
      %dma_wait3A_2445 = tpu.memref_slice %arg8[%dma_wait3A_2432, %dma_wait3A_2443, %dma_wait3A_2444] : memref<4x4x128xi32, #tpu.memory_space<vmem>> -> memref<1x4x128xi32, #tpu.memory_space<vmem>>
      %dma_wait3A_2446 = tpu.memref_squeeze %dma_wait3A_2445 : memref<1x4x128xi32, #tpu.memory_space<vmem>> -> memref<4x128xi32, #tpu.memory_space<vmem>>
      %dma_wait3A_2447 = arith.constant 0 : i32
      %dma_wait3A_2448 = tpu.memref_slice %dma_wait3A_2446[%dma_wait3A_2433, %dma_wait3A_2447] : memref<4x128xi32, #tpu.memory_space<vmem>> -> memref<1x128xi32, #tpu.memory_space<vmem>>
      %dma_wait3A_2449 = tpu.memref_squeeze %dma_wait3A_2448 : memref<1x128xi32, #tpu.memory_space<vmem>> -> memref<128xi32, #tpu.memory_space<vmem>>
      %dma_wait3A_2450 = arith.constant 0 : i32
      %dma_wait3A_2451 = arith.constant 0 : i32
      %dma_wait3A_2452 = tpu.memref_slice %arg2[%arg0, %dma_wait3A_2450, %dma_wait3A_2451] : memref<2x51200x16xf32, #tpu.memory_space<hbm>> -> memref<1x51200x16xf32, #tpu.memory_space<hbm>>
      %dma_wait3A_2453 = tpu.memref_squeeze %dma_wait3A_2452 : memref<1x51200x16xf32, #tpu.memory_space<hbm>> -> memref<51200x16xf32, #tpu.memory_space<hbm>>
      %dma_wait3A_2454 = arith.constant 0 : i32
      %dma_wait3A_2455 = arith.constant 0 : i32
      %dma_wait3A_2456 = tpu.memref_slice %dma_wait3A_2453[%dma_wait3A_2454, %dma_wait3A_2455] : memref<51200x16xf32, #tpu.memory_space<hbm>> -> memref<51200x16xf32, #tpu.memory_space<hbm>>
      %dma_wait3A_2457 = tpu.memref_slice %arg12[%dma_wait3A_2435] : memref<2x!tpu.dma_semaphore, #tpu.memory_space<semaphore_mem>> -> memref<1x!tpu.dma_semaphore, #tpu.memory_space<semaphore_mem>>
      %dma_wait3A_2458 = tpu.memref_squeeze %dma_wait3A_2457 : memref<1x!tpu.dma_semaphore, #tpu.memory_space<semaphore_mem>> -> memref<!tpu.dma_semaphore, #tpu.memory_space<semaphore_mem>>
      tpu.wait_indirect_dma semaphore(%dma_wait3A_2458 : memref<!tpu.dma_semaphore, #tpu.memory_space<semaphore_mem>>) src(%dma_wait3A_2456 : memref<51200x16xf32, #tpu.memory_space<hbm>>) dst(%dma_wait3A_2442 : memref<128x16xf32, #tpu.memory_space<vmem>>)
      %dma_wait3A_2459 = arith.constant 3 : i32
      %dma_wait3A_2460 = arith.constant 3 : i32
      %dma_wait3A_2461 = arith.constant 1 : i32
      %dma_wait3A_2462 = arith.constant 1 : i32
      %dma_wait3A_2463 = arith.constant 0 : i32
      %dma_wait3A_2464 = arith.constant 0 : i32
      %dma_wait3A_2465 = tpu.memref_slice %arg10[%dma_wait3A_2461, %dma_wait3A_2463, %dma_wait3A_2464] : memref<2x512x16xf32, #tpu.memory_space<vmem>> -> memref<1x512x16xf32, #tpu.memory_space<vmem>>
      %dma_wait3A_2466 = tpu.memref_squeeze %dma_wait3A_2465 : memref<1x512x16xf32, #tpu.memory_space<vmem>> -> memref<512x16xf32, #tpu.memory_space<vmem>>
      %dma_wait3A_2467 = arith.constant 384 : i32
      %dma_wait3A_2468 = arith.constant 0 : i32
      %dma_wait3A_2469 = tpu.memref_slice %dma_wait3A_2466[%dma_wait3A_2467, %dma_wait3A_2468] : memref<512x16xf32, #tpu.memory_space<vmem>> -> memref<128x16xf32, #tpu.memory_space<vmem>>
      %dma_wait3A_2470 = arith.constant 0 : i32
      %dma_wait3A_2471 = arith.constant 0 : i32
      %dma_wait3A_2472 = tpu.memref_slice %arg8[%dma_wait3A_2459, %dma_wait3A_2470, %dma_wait3A_2471] : memref<4x4x128xi32, #tpu.memory_space<vmem>> -> memref<1x4x128xi32, #tpu.memory_space<vmem>>
      %dma_wait3A_2473 = tpu.memref_squeeze %dma_wait3A_2472 : memref<1x4x128xi32, #tpu.memory_space<vmem>> -> memref<4x128xi32, #tpu.memory_space<vmem>>
      %dma_wait3A_2474 = arith.constant 0 : i32
      %dma_wait3A_2475 = tpu.memref_slice %dma_wait3A_2473[%dma_wait3A_2460, %dma_wait3A_2474] : memref<4x128xi32, #tpu.memory_space<vmem>> -> memref<1x128xi32, #tpu.memory_space<vmem>>
      %dma_wait3A_2476 = tpu.memref_squeeze %dma_wait3A_2475 : memref<1x128xi32, #tpu.memory_space<vmem>> -> memref<128xi32, #tpu.memory_space<vmem>>
      %dma_wait3A_2477 = arith.constant 0 : i32
      %dma_wait3A_2478 = arith.constant 0 : i32
      %dma_wait3A_2479 = tpu.memref_slice %arg2[%arg0, %dma_wait3A_2477, %dma_wait3A_2478] : memref<2x51200x16xf32, #tpu.memory_space<hbm>> -> memref<1x51200x16xf32, #tpu.memory_space<hbm>>
      %dma_wait3A_2480 = tpu.memref_squeeze %dma_wait3A_2479 : memref<1x51200x16xf32, #tpu.memory_space<hbm>> -> memref<51200x16xf32, #tpu.memory_space<hbm>>
      %dma_wait3A_2481 = arith.constant 0 : i32
      %dma_wait3A_2482 = arith.constant 0 : i32
      %dma_wait3A_2483 = tpu.memref_slice %dma_wait3A_2480[%dma_wait3A_2481, %dma_wait3A_2482] : memref<51200x16xf32, #tpu.memory_space<hbm>> -> memref<51200x16xf32, #tpu.memory_space<hbm>>
      %dma_wait3A_2484 = tpu.memref_slice %arg12[%dma_wait3A_2462] : memref<2x!tpu.dma_semaphore, #tpu.memory_space<semaphore_mem>> -> memref<1x!tpu.dma_semaphore, #tpu.memory_space<semaphore_mem>>
      %dma_wait3A_2485 = tpu.memref_squeeze %dma_wait3A_2484 : memref<1x!tpu.dma_semaphore, #tpu.memory_space<semaphore_mem>> -> memref<!tpu.dma_semaphore, #tpu.memory_space<semaphore_mem>>
      tpu.wait_indirect_dma semaphore(%dma_wait3A_2485 : memref<!tpu.dma_semaphore, #tpu.memory_space<semaphore_mem>>) src(%dma_wait3A_2483 : memref<51200x16xf32, #tpu.memory_space<hbm>>) dst(%dma_wait3A_2469 : memref<128x16xf32, #tpu.memory_space<vmem>>)
      %dma_start3A_2486 = arith.constant 1 : i32
      %dma_start3A_2487 = arith.constant 3 : i32
      %dma_start3A_2488 = arith.constant 0 : i32
      %dma_start3A_2489 = arith.constant 1 : i32
      %dma_start3A_2490 = arith.constant 0 : i32
      %dma_start3A_2491 = arith.constant 0 : i32
      %dma_start3A_2492 = tpu.memref_slice %arg10[%dma_start3A_2486, %dma_start3A_2490, %dma_start3A_2491] : memref<2x512x16xf32, #tpu.memory_space<vmem>> -> memref<1x512x16xf32, #tpu.memory_space<vmem>>
      %dma_start3A_2493 = tpu.memref_squeeze %dma_start3A_2492 : memref<1x512x16xf32, #tpu.memory_space<vmem>> -> memref<512x16xf32, #tpu.memory_space<vmem>>
      %dma_start3A_2494 = arith.constant 0 : i32
      %dma_start3A_2495 = arith.constant 0 : i32
      %dma_start3A_2496 = tpu.memref_slice %dma_start3A_2493[%dma_start3A_2494, %dma_start3A_2495] : memref<512x16xf32, #tpu.memory_space<vmem>> -> memref<128x16xf32, #tpu.memory_space<vmem>>
      %dma_start3A_2497 = arith.constant 0 : i32
      %dma_start3A_2498 = arith.constant 0 : i32
      %dma_start3A_2499 = tpu.memref_slice %arg9[%dma_start3A_2487, %dma_start3A_2497, %dma_start3A_2498] : memref<4x4x128xi32, #tpu.memory_space<vmem>> -> memref<1x4x128xi32, #tpu.memory_space<vmem>>
      %dma_start3A_2500 = tpu.memref_squeeze %dma_start3A_2499 : memref<1x4x128xi32, #tpu.memory_space<vmem>> -> memref<4x128xi32, #tpu.memory_space<vmem>>
      %dma_start3A_2501 = arith.constant 0 : i32
      %dma_start3A_2502 = tpu.memref_slice %dma_start3A_2500[%dma_start3A_2488, %dma_start3A_2501] : memref<4x128xi32, #tpu.memory_space<vmem>> -> memref<1x128xi32, #tpu.memory_space<vmem>>
      %dma_start3A_2503 = tpu.memref_squeeze %dma_start3A_2502 : memref<1x128xi32, #tpu.memory_space<vmem>> -> memref<128xi32, #tpu.memory_space<vmem>>
      %dma_start3A_2504 = arith.constant 0 : i32
      %dma_start3A_2505 = arith.constant 0 : i32
      %dma_start3A_2506 = tpu.memref_slice %arg6[%dma_start3A_2504, %dma_start3A_2505] : memref<51200x16xf32, #tpu.memory_space<vmem_shared>> -> memref<51200x16xf32, #tpu.memory_space<vmem_shared>>
      %dma_start3A_2507 = tpu.memref_slice %arg13[%dma_start3A_2489] : memref<2x!tpu.dma_semaphore, #tpu.memory_space<semaphore_mem>> -> memref<1x!tpu.dma_semaphore, #tpu.memory_space<semaphore_mem>>
      %dma_start3A_2508 = tpu.memref_squeeze %dma_start3A_2507 : memref<1x!tpu.dma_semaphore, #tpu.memory_space<semaphore_mem>> -> memref<!tpu.dma_semaphore, #tpu.memory_space<semaphore_mem>>
      tpu.enqueue_indirect_dma source(%dma_start3A_2496 : memref<128x16xf32, #tpu.memory_space<vmem>>) target(%dma_start3A_2506 : memref<51200x16xf32, #tpu.memory_space<vmem_shared>>) offsets(%dma_start3A_2503 : memref<128xi32, #tpu.memory_space<vmem>>) semaphore(%dma_start3A_2508 : memref<!tpu.dma_semaphore, #tpu.memory_space<semaphore_mem>>) {add = true}
      %dma_start3A_2509 = arith.constant 1 : i32
      %dma_start3A_2510 = arith.constant 3 : i32
      %dma_start3A_2511 = arith.constant 1 : i32
      %dma_start3A_2512 = arith.constant 1 : i32
      %dma_start3A_2513 = arith.constant 0 : i32
      %dma_start3A_2514 = arith.constant 0 : i32
      %dma_start3A_2515 = tpu.memref_slice %arg10[%dma_start3A_2509, %dma_start3A_2513, %dma_start3A_2514] : memref<2x512x16xf32, #tpu.memory_space<vmem>> -> memref<1x512x16xf32, #tpu.memory_space<vmem>>
      %dma_start3A_2516 = tpu.memref_squeeze %dma_start3A_2515 : memref<1x512x16xf32, #tpu.memory_space<vmem>> -> memref<512x16xf32, #tpu.memory_space<vmem>>
      %dma_start3A_2517 = arith.constant 128 : i32
      %dma_start3A_2518 = arith.constant 0 : i32
      %dma_start3A_2519 = tpu.memref_slice %dma_start3A_2516[%dma_start3A_2517, %dma_start3A_2518] : memref<512x16xf32, #tpu.memory_space<vmem>> -> memref<128x16xf32, #tpu.memory_space<vmem>>
      %dma_start3A_2520 = arith.constant 0 : i32
      %dma_start3A_2521 = arith.constant 0 : i32
      %dma_start3A_2522 = tpu.memref_slice %arg9[%dma_start3A_2510, %dma_start3A_2520, %dma_start3A_2521] : memref<4x4x128xi32, #tpu.memory_space<vmem>> -> memref<1x4x128xi32, #tpu.memory_space<vmem>>
      %dma_start3A_2523 = tpu.memref_squeeze %dma_start3A_2522 : memref<1x4x128xi32, #tpu.memory_space<vmem>> -> memref<4x128xi32, #tpu.memory_space<vmem>>
      %dma_start3A_2524 = arith.constant 0 : i32
      %dma_start3A_2525 = tpu.memref_slice %dma_start3A_2523[%dma_start3A_2511, %dma_start3A_2524] : memref<4x128xi32, #tpu.memory_space<vmem>> -> memref<1x128xi32, #tpu.memory_space<vmem>>
      %dma_start3A_2526 = tpu.memref_squeeze %dma_start3A_2525 : memref<1x128xi32, #tpu.memory_space<vmem>> -> memref<128xi32, #tpu.memory_space<vmem>>
      %dma_start3A_2527 = arith.constant 0 : i32
      %dma_start3A_2528 = arith.constant 0 : i32
      %dma_start3A_2529 = tpu.memref_slice %arg6[%dma_start3A_2527, %dma_start3A_2528] : memref<51200x16xf32, #tpu.memory_space<vmem_shared>> -> memref<51200x16xf32, #tpu.memory_space<vmem_shared>>
      %dma_start3A_2530 = tpu.memref_slice %arg13[%dma_start3A_2512] : memref<2x!tpu.dma_semaphore, #tpu.memory_space<semaphore_mem>> -> memref<1x!tpu.dma_semaphore, #tpu.memory_space<semaphore_mem>>
      %dma_start3A_2531 = tpu.memref_squeeze %dma_start3A_2530 : memref<1x!tpu.dma_semaphore, #tpu.memory_space<semaphore_mem>> -> memref<!tpu.dma_semaphore, #tpu.memory_space<semaphore_mem>>
      tpu.enqueue_indirect_dma source(%dma_start3A_2519 : memref<128x16xf32, #tpu.memory_space<vmem>>) target(%dma_start3A_2529 : memref<51200x16xf32, #tpu.memory_space<vmem_shared>>) offsets(%dma_start3A_2526 : memref<128xi32, #tpu.memory_space<vmem>>) semaphore(%dma_start3A_2531 : memref<!tpu.dma_semaphore, #tpu.memory_space<semaphore_mem>>) {add = true}
      %dma_start3A_2532 = arith.constant 1 : i32
      %dma_start3A_2533 = arith.constant 3 : i32
      %dma_start3A_2534 = arith.constant 2 : i32
      %dma_start3A_2535 = arith.constant 1 : i32
      %dma_start3A_2536 = arith.constant 0 : i32
      %dma_start3A_2537 = arith.constant 0 : i32
      %dma_start3A_2538 = tpu.memref_slice %arg10[%dma_start3A_2532, %dma_start3A_2536, %dma_start3A_2537] : memref<2x512x16xf32, #tpu.memory_space<vmem>> -> memref<1x512x16xf32, #tpu.memory_space<vmem>>
      %dma_start3A_2539 = tpu.memref_squeeze %dma_start3A_2538 : memref<1x512x16xf32, #tpu.memory_space<vmem>> -> memref<512x16xf32, #tpu.memory_space<vmem>>
      %dma_start3A_2540 = arith.constant 256 : i32
      %dma_start3A_2541 = arith.constant 0 : i32
      %dma_start3A_2542 = tpu.memref_slice %dma_start3A_2539[%dma_start3A_2540, %dma_start3A_2541] : memref<512x16xf32, #tpu.memory_space<vmem>> -> memref<128x16xf32, #tpu.memory_space<vmem>>
      %dma_start3A_2543 = arith.constant 0 : i32
      %dma_start3A_2544 = arith.constant 0 : i32
      %dma_start3A_2545 = tpu.memref_slice %arg9[%dma_start3A_2533, %dma_start3A_2543, %dma_start3A_2544] : memref<4x4x128xi32, #tpu.memory_space<vmem>> -> memref<1x4x128xi32, #tpu.memory_space<vmem>>
      %dma_start3A_2546 = tpu.memref_squeeze %dma_start3A_2545 : memref<1x4x128xi32, #tpu.memory_space<vmem>> -> memref<4x128xi32, #tpu.memory_space<vmem>>
      %dma_start3A_2547 = arith.constant 0 : i32
      %dma_start3A_2548 = tpu.memref_slice %dma_start3A_2546[%dma_start3A_2534, %dma_start3A_2547] : memref<4x128xi32, #tpu.memory_space<vmem>> -> memref<1x128xi32, #tpu.memory_space<vmem>>
      %dma_start3A_2549 = tpu.memref_squeeze %dma_start3A_2548 : memref<1x128xi32, #tpu.memory_space<vmem>> -> memref<128xi32, #tpu.memory_space<vmem>>
      %dma_start3A_2550 = arith.constant 0 : i32
      %dma_start3A_2551 = arith.constant 0 : i32
      %dma_start3A_2552 = tpu.memref_slice %arg6[%dma_start3A_2550, %dma_start3A_2551] : memref<51200x16xf32, #tpu.memory_space<vmem_shared>> -> memref<51200x16xf32, #tpu.memory_space<vmem_shared>>
      %dma_start3A_2553 = tpu.memref_slice %arg13[%dma_start3A_2535] : memref<2x!tpu.dma_semaphore, #tpu.memory_space<semaphore_mem>> -> memref<1x!tpu.dma_semaphore, #tpu.memory_space<semaphore_mem>>
      %dma_start3A_2554 = tpu.memref_squeeze %dma_start3A_2553 : memref<1x!tpu.dma_semaphore, #tpu.memory_space<semaphore_mem>> -> memref<!tpu.dma_semaphore, #tpu.memory_space<semaphore_mem>>
      tpu.enqueue_indirect_dma source(%dma_start3A_2542 : memref<128x16xf32, #tpu.memory_space<vmem>>) target(%dma_start3A_2552 : memref<51200x16xf32, #tpu.memory_space<vmem_shared>>) offsets(%dma_start3A_2549 : memref<128xi32, #tpu.memory_space<vmem>>) semaphore(%dma_start3A_2554 : memref<!tpu.dma_semaphore, #tpu.memory_space<semaphore_mem>>) {add = true}
      %dma_start3A_2555 = arith.constant 1 : i32
      %dma_start3A_2556 = arith.constant 3 : i32
      %dma_start3A_2557 = arith.constant 3 : i32
      %dma_start3A_2558 = arith.constant 1 : i32
      %dma_start3A_2559 = arith.constant 0 : i32
      %dma_start3A_2560 = arith.constant 0 : i32
      %dma_start3A_2561 = tpu.memref_slice %arg10[%dma_start3A_2555, %dma_start3A_2559, %dma_start3A_2560] : memref<2x512x16xf32, #tpu.memory_space<vmem>> -> memref<1x512x16xf32, #tpu.memory_space<vmem>>
      %dma_start3A_2562 = tpu.memref_squeeze %dma_start3A_2561 : memref<1x512x16xf32, #tpu.memory_space<vmem>> -> memref<512x16xf32, #tpu.memory_space<vmem>>
      %dma_start3A_2563 = arith.constant 384 : i32
      %dma_start3A_2564 = arith.constant 0 : i32
      %dma_start3A_2565 = tpu.memref_slice %dma_start3A_2562[%dma_start3A_2563, %dma_start3A_2564] : memref<512x16xf32, #tpu.memory_space<vmem>> -> memref<128x16xf32, #tpu.memory_space<vmem>>
      %dma_start3A_2566 = arith.constant 0 : i32
      %dma_start3A_2567 = arith.constant 0 : i32
      %dma_start3A_2568 = tpu.memref_slice %arg9[%dma_start3A_2556, %dma_start3A_2566, %dma_start3A_2567] : memref<4x4x128xi32, #tpu.memory_space<vmem>> -> memref<1x4x128xi32, #tpu.memory_space<vmem>>
      %dma_start3A_2569 = tpu.memref_squeeze %dma_start3A_2568 : memref<1x4x128xi32, #tpu.memory_space<vmem>> -> memref<4x128xi32, #tpu.memory_space<vmem>>
      %dma_start3A_2570 = arith.constant 0 : i32
      %dma_start3A_2571 = tpu.memref_slice %dma_start3A_2569[%dma_start3A_2557, %dma_start3A_2570] : memref<4x128xi32, #tpu.memory_space<vmem>> -> memref<1x128xi32, #tpu.memory_space<vmem>>
      %dma_start3A_2572 = tpu.memref_squeeze %dma_start3A_2571 : memref<1x128xi32, #tpu.memory_space<vmem>> -> memref<128xi32, #tpu.memory_space<vmem>>
      %dma_start3A_2573 = arith.constant 0 : i32
      %dma_start3A_2574 = arith.constant 0 : i32
      %dma_start3A_2575 = tpu.memref_slice %arg6[%dma_start3A_2573, %dma_start3A_2574] : memref<51200x16xf32, #tpu.memory_space<vmem_shared>> -> memref<51200x16xf32, #tpu.memory_space<vmem_shared>>
      %dma_start3A_2576 = tpu.memref_slice %arg13[%dma_start3A_2558] : memref<2x!tpu.dma_semaphore, #tpu.memory_space<semaphore_mem>> -> memref<1x!tpu.dma_semaphore, #tpu.memory_space<semaphore_mem>>
      %dma_start3A_2577 = tpu.memref_squeeze %dma_start3A_2576 : memref<1x!tpu.dma_semaphore, #tpu.memory_space<semaphore_mem>> -> memref<!tpu.dma_semaphore, #tpu.memory_space<semaphore_mem>>
      tpu.enqueue_indirect_dma source(%dma_start3A_2565 : memref<128x16xf32, #tpu.memory_space<vmem>>) target(%dma_start3A_2575 : memref<51200x16xf32, #tpu.memory_space<vmem_shared>>) offsets(%dma_start3A_2572 : memref<128xi32, #tpu.memory_space<vmem>>) semaphore(%dma_start3A_2577 : memref<!tpu.dma_semaphore, #tpu.memory_space<semaphore_mem>>) {add = true}
    }
    %scan3A_332 = arith.constant 26 : i32
    %dma_wait3A_333 = arith.constant 1 : i32
    %dma_wait3A_334 = arith.constant 3 : i32
    %dma_wait3A_335 = arith.constant 0 : i32
    %dma_wait3A_336 = arith.constant 1 : i32
    %dma_wait3A_337 = arith.constant 0 : i32
    %dma_wait3A_338 = arith.constant 0 : i32
    %dma_wait3A_339 = tpu.memref_slice %arg10[%dma_wait3A_333, %dma_wait3A_337, %dma_wait3A_338] : memref<2x512x16xf32, #tpu.memory_space<vmem>> -> memref<1x512x16xf32, #tpu.memory_space<vmem>>
    %dma_wait3A_340 = tpu.memref_squeeze %dma_wait3A_339 : memref<1x512x16xf32, #tpu.memory_space<vmem>> -> memref<512x16xf32, #tpu.memory_space<vmem>>
    %dma_wait3A_341 = arith.constant 0 : i32
    %dma_wait3A_342 = arith.constant 0 : i32
    %dma_wait3A_343 = tpu.memref_slice %dma_wait3A_340[%dma_wait3A_341, %dma_wait3A_342] : memref<512x16xf32, #tpu.memory_space<vmem>> -> memref<128x16xf32, #tpu.memory_space<vmem>>
    %dma_wait3A_344 = arith.constant 0 : i32
    %dma_wait3A_345 = arith.constant 0 : i32
    %dma_wait3A_346 = tpu.memref_slice %arg9[%dma_wait3A_334, %dma_wait3A_344, %dma_wait3A_345] : memref<4x4x128xi32, #tpu.memory_space<vmem>> -> memref<1x4x128xi32, #tpu.memory_space<vmem>>
    %dma_wait3A_347 = tpu.memref_squeeze %dma_wait3A_346 : memref<1x4x128xi32, #tpu.memory_space<vmem>> -> memref<4x128xi32, #tpu.memory_space<vmem>>
    %dma_wait3A_348 = arith.constant 0 : i32
    %dma_wait3A_349 = tpu.memref_slice %dma_wait3A_347[%dma_wait3A_335, %dma_wait3A_348] : memref<4x128xi32, #tpu.memory_space<vmem>> -> memref<1x128xi32, #tpu.memory_space<vmem>>
    %dma_wait3A_350 = tpu.memref_squeeze %dma_wait3A_349 : memref<1x128xi32, #tpu.memory_space<vmem>> -> memref<128xi32, #tpu.memory_space<vmem>>
    %dma_wait3A_351 = arith.constant 0 : i32
    %dma_wait3A_352 = arith.constant 0 : i32
    %dma_wait3A_353 = tpu.memref_slice %arg6[%dma_wait3A_351, %dma_wait3A_352] : memref<51200x16xf32, #tpu.memory_space<vmem_shared>> -> memref<51200x16xf32, #tpu.memory_space<vmem_shared>>
    %dma_wait3A_354 = tpu.memref_slice %arg13[%dma_wait3A_336] : memref<2x!tpu.dma_semaphore, #tpu.memory_space<semaphore_mem>> -> memref<1x!tpu.dma_semaphore, #tpu.memory_space<semaphore_mem>>
    %dma_wait3A_355 = tpu.memref_squeeze %dma_wait3A_354 : memref<1x!tpu.dma_semaphore, #tpu.memory_space<semaphore_mem>> -> memref<!tpu.dma_semaphore, #tpu.memory_space<semaphore_mem>>
    tpu.wait_indirect_dma semaphore(%dma_wait3A_355 : memref<!tpu.dma_semaphore, #tpu.memory_space<semaphore_mem>>) src(%dma_wait3A_343 : memref<128x16xf32, #tpu.memory_space<vmem>>) dst(%dma_wait3A_353 : memref<51200x16xf32, #tpu.memory_space<vmem_shared>>)
    %dma_wait3A_356 = arith.constant 1 : i32
    %dma_wait3A_357 = arith.constant 3 : i32
    %dma_wait3A_358 = arith.constant 1 : i32
    %dma_wait3A_359 = arith.constant 1 : i32
    %dma_wait3A_360 = arith.constant 0 : i32
    %dma_wait3A_361 = arith.constant 0 : i32
    %dma_wait3A_362 = tpu.memref_slice %arg10[%dma_wait3A_356, %dma_wait3A_360, %dma_wait3A_361] : memref<2x512x16xf32, #tpu.memory_space<vmem>> -> memref<1x512x16xf32, #tpu.memory_space<vmem>>
    %dma_wait3A_363 = tpu.memref_squeeze %dma_wait3A_362 : memref<1x512x16xf32, #tpu.memory_space<vmem>> -> memref<512x16xf32, #tpu.memory_space<vmem>>
    %dma_wait3A_364 = arith.constant 128 : i32
    %dma_wait3A_365 = arith.constant 0 : i32
    %dma_wait3A_366 = tpu.memref_slice %dma_wait3A_363[%dma_wait3A_364, %dma_wait3A_365] : memref<512x16xf32, #tpu.memory_space<vmem>> -> memref<128x16xf32, #tpu.memory_space<vmem>>
    %dma_wait3A_367 = arith.constant 0 : i32
    %dma_wait3A_368 = arith.constant 0 : i32
    %dma_wait3A_369 = tpu.memref_slice %arg9[%dma_wait3A_357, %dma_wait3A_367, %dma_wait3A_368] : memref<4x4x128xi32, #tpu.memory_space<vmem>> -> memref<1x4x128xi32, #tpu.memory_space<vmem>>
    %dma_wait3A_370 = tpu.memref_squeeze %dma_wait3A_369 : memref<1x4x128xi32, #tpu.memory_space<vmem>> -> memref<4x128xi32, #tpu.memory_space<vmem>>
    %dma_wait3A_371 = arith.constant 0 : i32
    %dma_wait3A_372 = tpu.memref_slice %dma_wait3A_370[%dma_wait3A_358, %dma_wait3A_371] : memref<4x128xi32, #tpu.memory_space<vmem>> -> memref<1x128xi32, #tpu.memory_space<vmem>>
    %dma_wait3A_373 = tpu.memref_squeeze %dma_wait3A_372 : memref<1x128xi32, #tpu.memory_space<vmem>> -> memref<128xi32, #tpu.memory_space<vmem>>
    %dma_wait3A_374 = arith.constant 0 : i32
    %dma_wait3A_375 = arith.constant 0 : i32
    %dma_wait3A_376 = tpu.memref_slice %arg6[%dma_wait3A_374, %dma_wait3A_375] : memref<51200x16xf32, #tpu.memory_space<vmem_shared>> -> memref<51200x16xf32, #tpu.memory_space<vmem_shared>>
    %dma_wait3A_377 = tpu.memref_slice %arg13[%dma_wait3A_359] : memref<2x!tpu.dma_semaphore, #tpu.memory_space<semaphore_mem>> -> memref<1x!tpu.dma_semaphore, #tpu.memory_space<semaphore_mem>>
    %dma_wait3A_378 = tpu.memref_squeeze %dma_wait3A_377 : memref<1x!tpu.dma_semaphore, #tpu.memory_space<semaphore_mem>> -> memref<!tpu.dma_semaphore, #tpu.memory_space<semaphore_mem>>
    tpu.wait_indirect_dma semaphore(%dma_wait3A_378 : memref<!tpu.dma_semaphore, #tpu.memory_space<semaphore_mem>>) src(%dma_wait3A_366 : memref<128x16xf32, #tpu.memory_space<vmem>>) dst(%dma_wait3A_376 : memref<51200x16xf32, #tpu.memory_space<vmem_shared>>)
    %dma_wait3A_379 = arith.constant 1 : i32
    %dma_wait3A_380 = arith.constant 3 : i32
    %dma_wait3A_381 = arith.constant 2 : i32
    %dma_wait3A_382 = arith.constant 1 : i32
    %dma_wait3A_383 = arith.constant 0 : i32
    %dma_wait3A_384 = arith.constant 0 : i32
    %dma_wait3A_385 = tpu.memref_slice %arg10[%dma_wait3A_379, %dma_wait3A_383, %dma_wait3A_384] : memref<2x512x16xf32, #tpu.memory_space<vmem>> -> memref<1x512x16xf32, #tpu.memory_space<vmem>>
    %dma_wait3A_386 = tpu.memref_squeeze %dma_wait3A_385 : memref<1x512x16xf32, #tpu.memory_space<vmem>> -> memref<512x16xf32, #tpu.memory_space<vmem>>
    %dma_wait3A_387 = arith.constant 256 : i32
    %dma_wait3A_388 = arith.constant 0 : i32
    %dma_wait3A_389 = tpu.memref_slice %dma_wait3A_386[%dma_wait3A_387, %dma_wait3A_388] : memref<512x16xf32, #tpu.memory_space<vmem>> -> memref<128x16xf32, #tpu.memory_space<vmem>>
    %dma_wait3A_390 = arith.constant 0 : i32
    %dma_wait3A_391 = arith.constant 0 : i32
    %dma_wait3A_392 = tpu.memref_slice %arg9[%dma_wait3A_380, %dma_wait3A_390, %dma_wait3A_391] : memref<4x4x128xi32, #tpu.memory_space<vmem>> -> memref<1x4x128xi32, #tpu.memory_space<vmem>>
    %dma_wait3A_393 = tpu.memref_squeeze %dma_wait3A_392 : memref<1x4x128xi32, #tpu.memory_space<vmem>> -> memref<4x128xi32, #tpu.memory_space<vmem>>
    %dma_wait3A_394 = arith.constant 0 : i32
    %dma_wait3A_395 = tpu.memref_slice %dma_wait3A_393[%dma_wait3A_381, %dma_wait3A_394] : memref<4x128xi32, #tpu.memory_space<vmem>> -> memref<1x128xi32, #tpu.memory_space<vmem>>
    %dma_wait3A_396 = tpu.memref_squeeze %dma_wait3A_395 : memref<1x128xi32, #tpu.memory_space<vmem>> -> memref<128xi32, #tpu.memory_space<vmem>>
    %dma_wait3A_397 = arith.constant 0 : i32
    %dma_wait3A_398 = arith.constant 0 : i32
    %dma_wait3A_399 = tpu.memref_slice %arg6[%dma_wait3A_397, %dma_wait3A_398] : memref<51200x16xf32, #tpu.memory_space<vmem_shared>> -> memref<51200x16xf32, #tpu.memory_space<vmem_shared>>
    %dma_wait3A_400 = tpu.memref_slice %arg13[%dma_wait3A_382] : memref<2x!tpu.dma_semaphore, #tpu.memory_space<semaphore_mem>> -> memref<1x!tpu.dma_semaphore, #tpu.memory_space<semaphore_mem>>
    %dma_wait3A_401 = tpu.memref_squeeze %dma_wait3A_400 : memref<1x!tpu.dma_semaphore, #tpu.memory_space<semaphore_mem>> -> memref<!tpu.dma_semaphore, #tpu.memory_space<semaphore_mem>>
    tpu.wait_indirect_dma semaphore(%dma_wait3A_401 : memref<!tpu.dma_semaphore, #tpu.memory_space<semaphore_mem>>) src(%dma_wait3A_389 : memref<128x16xf32, #tpu.memory_space<vmem>>) dst(%dma_wait3A_399 : memref<51200x16xf32, #tpu.memory_space<vmem_shared>>)
    %dma_wait3A_402 = arith.constant 1 : i32
    %dma_wait3A_403 = arith.constant 3 : i32
    %dma_wait3A_404 = arith.constant 3 : i32
    %dma_wait3A_405 = arith.constant 1 : i32
    %dma_wait3A_406 = arith.constant 0 : i32
    %dma_wait3A_407 = arith.constant 0 : i32
    %dma_wait3A_408 = tpu.memref_slice %arg10[%dma_wait3A_402, %dma_wait3A_406, %dma_wait3A_407] : memref<2x512x16xf32, #tpu.memory_space<vmem>> -> memref<1x512x16xf32, #tpu.memory_space<vmem>>
    %dma_wait3A_409 = tpu.memref_squeeze %dma_wait3A_408 : memref<1x512x16xf32, #tpu.memory_space<vmem>> -> memref<512x16xf32, #tpu.memory_space<vmem>>
    %dma_wait3A_410 = arith.constant 384 : i32
    %dma_wait3A_411 = arith.constant 0 : i32
    %dma_wait3A_412 = tpu.memref_slice %dma_wait3A_409[%dma_wait3A_410, %dma_wait3A_411] : memref<512x16xf32, #tpu.memory_space<vmem>> -> memref<128x16xf32, #tpu.memory_space<vmem>>
    %dma_wait3A_413 = arith.constant 0 : i32
    %dma_wait3A_414 = arith.constant 0 : i32
    %dma_wait3A_415 = tpu.memref_slice %arg9[%dma_wait3A_403, %dma_wait3A_413, %dma_wait3A_414] : memref<4x4x128xi32, #tpu.memory_space<vmem>> -> memref<1x4x128xi32, #tpu.memory_space<vmem>>
    %dma_wait3A_416 = tpu.memref_squeeze %dma_wait3A_415 : memref<1x4x128xi32, #tpu.memory_space<vmem>> -> memref<4x128xi32, #tpu.memory_space<vmem>>
    %dma_wait3A_417 = arith.constant 0 : i32
    %dma_wait3A_418 = tpu.memref_slice %dma_wait3A_416[%dma_wait3A_404, %dma_wait3A_417] : memref<4x128xi32, #tpu.memory_space<vmem>> -> memref<1x128xi32, #tpu.memory_space<vmem>>
    %dma_wait3A_419 = tpu.memref_squeeze %dma_wait3A_418 : memref<1x128xi32, #tpu.memory_space<vmem>> -> memref<128xi32, #tpu.memory_space<vmem>>
    %dma_wait3A_420 = arith.constant 0 : i32
    %dma_wait3A_421 = arith.constant 0 : i32
    %dma_wait3A_422 = tpu.memref_slice %arg6[%dma_wait3A_420, %dma_wait3A_421] : memref<51200x16xf32, #tpu.memory_space<vmem_shared>> -> memref<51200x16xf32, #tpu.memory_space<vmem_shared>>
    %dma_wait3A_423 = tpu.memref_slice %arg13[%dma_wait3A_405] : memref<2x!tpu.dma_semaphore, #tpu.memory_space<semaphore_mem>> -> memref<1x!tpu.dma_semaphore, #tpu.memory_space<semaphore_mem>>
    %dma_wait3A_424 = tpu.memref_squeeze %dma_wait3A_423 : memref<1x!tpu.dma_semaphore, #tpu.memory_space<semaphore_mem>> -> memref<!tpu.dma_semaphore, #tpu.memory_space<semaphore_mem>>
    tpu.wait_indirect_dma semaphore(%dma_wait3A_424 : memref<!tpu.dma_semaphore, #tpu.memory_space<semaphore_mem>>) src(%dma_wait3A_412 : memref<128x16xf32, #tpu.memory_space<vmem>>) dst(%dma_wait3A_422 : memref<51200x16xf32, #tpu.memory_space<vmem_shared>>)
    %dma_wait3A_425 = arith.constant 0 : i32
    %dma_wait3A_426 = arith.constant 0 : i32
    %dma_wait3A_427 = arith.constant 0 : i32
    %dma_wait3A_428 = arith.constant 0 : i32
    %dma_wait3A_429 = arith.constant 0 : i32
    %dma_wait3A_430 = arith.constant 0 : i32
    %dma_wait3A_431 = tpu.memref_slice %arg10[%dma_wait3A_427, %dma_wait3A_429, %dma_wait3A_430] : memref<2x512x16xf32, #tpu.memory_space<vmem>> -> memref<1x512x16xf32, #tpu.memory_space<vmem>>
    %dma_wait3A_432 = tpu.memref_squeeze %dma_wait3A_431 : memref<1x512x16xf32, #tpu.memory_space<vmem>> -> memref<512x16xf32, #tpu.memory_space<vmem>>
    %dma_wait3A_433 = arith.constant 0 : i32
    %dma_wait3A_434 = arith.constant 0 : i32
    %dma_wait3A_435 = tpu.memref_slice %dma_wait3A_432[%dma_wait3A_433, %dma_wait3A_434] : memref<512x16xf32, #tpu.memory_space<vmem>> -> memref<128x16xf32, #tpu.memory_space<vmem>>
    %dma_wait3A_436 = arith.constant 0 : i32
    %dma_wait3A_437 = arith.constant 0 : i32
    %dma_wait3A_438 = tpu.memref_slice %arg8[%dma_wait3A_425, %dma_wait3A_436, %dma_wait3A_437] : memref<4x4x128xi32, #tpu.memory_space<vmem>> -> memref<1x4x128xi32, #tpu.memory_space<vmem>>
    %dma_wait3A_439 = tpu.memref_squeeze %dma_wait3A_438 : memref<1x4x128xi32, #tpu.memory_space<vmem>> -> memref<4x128xi32, #tpu.memory_space<vmem>>
    %dma_wait3A_440 = arith.constant 0 : i32
    %dma_wait3A_441 = tpu.memref_slice %dma_wait3A_439[%dma_wait3A_426, %dma_wait3A_440] : memref<4x128xi32, #tpu.memory_space<vmem>> -> memref<1x128xi32, #tpu.memory_space<vmem>>
    %dma_wait3A_442 = tpu.memref_squeeze %dma_wait3A_441 : memref<1x128xi32, #tpu.memory_space<vmem>> -> memref<128xi32, #tpu.memory_space<vmem>>
    %dma_wait3A_443 = arith.constant 0 : i32
    %dma_wait3A_444 = arith.constant 0 : i32
    %dma_wait3A_445 = tpu.memref_slice %arg2[%arg0, %dma_wait3A_443, %dma_wait3A_444] : memref<2x51200x16xf32, #tpu.memory_space<hbm>> -> memref<1x51200x16xf32, #tpu.memory_space<hbm>>
    %dma_wait3A_446 = tpu.memref_squeeze %dma_wait3A_445 : memref<1x51200x16xf32, #tpu.memory_space<hbm>> -> memref<51200x16xf32, #tpu.memory_space<hbm>>
    %dma_wait3A_447 = arith.constant 0 : i32
    %dma_wait3A_448 = arith.constant 0 : i32
    %dma_wait3A_449 = tpu.memref_slice %dma_wait3A_446[%dma_wait3A_447, %dma_wait3A_448] : memref<51200x16xf32, #tpu.memory_space<hbm>> -> memref<51200x16xf32, #tpu.memory_space<hbm>>
    %dma_wait3A_450 = tpu.memref_slice %arg12[%dma_wait3A_428] : memref<2x!tpu.dma_semaphore, #tpu.memory_space<semaphore_mem>> -> memref<1x!tpu.dma_semaphore, #tpu.memory_space<semaphore_mem>>
    %dma_wait3A_451 = tpu.memref_squeeze %dma_wait3A_450 : memref<1x!tpu.dma_semaphore, #tpu.memory_space<semaphore_mem>> -> memref<!tpu.dma_semaphore, #tpu.memory_space<semaphore_mem>>
    tpu.wait_indirect_dma semaphore(%dma_wait3A_451 : memref<!tpu.dma_semaphore, #tpu.memory_space<semaphore_mem>>) src(%dma_wait3A_449 : memref<51200x16xf32, #tpu.memory_space<hbm>>) dst(%dma_wait3A_435 : memref<128x16xf32, #tpu.memory_space<vmem>>)
    %dma_wait3A_452 = arith.constant 0 : i32
    %dma_wait3A_453 = arith.constant 1 : i32
    %dma_wait3A_454 = arith.constant 0 : i32
    %dma_wait3A_455 = arith.constant 0 : i32
    %dma_wait3A_456 = arith.constant 0 : i32
    %dma_wait3A_457 = arith.constant 0 : i32
    %dma_wait3A_458 = tpu.memref_slice %arg10[%dma_wait3A_454, %dma_wait3A_456, %dma_wait3A_457] : memref<2x512x16xf32, #tpu.memory_space<vmem>> -> memref<1x512x16xf32, #tpu.memory_space<vmem>>
    %dma_wait3A_459 = tpu.memref_squeeze %dma_wait3A_458 : memref<1x512x16xf32, #tpu.memory_space<vmem>> -> memref<512x16xf32, #tpu.memory_space<vmem>>
    %dma_wait3A_460 = arith.constant 128 : i32
    %dma_wait3A_461 = arith.constant 0 : i32
    %dma_wait3A_462 = tpu.memref_slice %dma_wait3A_459[%dma_wait3A_460, %dma_wait3A_461] : memref<512x16xf32, #tpu.memory_space<vmem>> -> memref<128x16xf32, #tpu.memory_space<vmem>>
    %dma_wait3A_463 = arith.constant 0 : i32
    %dma_wait3A_464 = arith.constant 0 : i32
    %dma_wait3A_465 = tpu.memref_slice %arg8[%dma_wait3A_452, %dma_wait3A_463, %dma_wait3A_464] : memref<4x4x128xi32, #tpu.memory_space<vmem>> -> memref<1x4x128xi32, #tpu.memory_space<vmem>>
    %dma_wait3A_466 = tpu.memref_squeeze %dma_wait3A_465 : memref<1x4x128xi32, #tpu.memory_space<vmem>> -> memref<4x128xi32, #tpu.memory_space<vmem>>
    %dma_wait3A_467 = arith.constant 0 : i32
    %dma_wait3A_468 = tpu.memref_slice %dma_wait3A_466[%dma_wait3A_453, %dma_wait3A_467] : memref<4x128xi32, #tpu.memory_space<vmem>> -> memref<1x128xi32, #tpu.memory_space<vmem>>
    %dma_wait3A_469 = tpu.memref_squeeze %dma_wait3A_468 : memref<1x128xi32, #tpu.memory_space<vmem>> -> memref<128xi32, #tpu.memory_space<vmem>>
    %dma_wait3A_470 = arith.constant 0 : i32
    %dma_wait3A_471 = arith.constant 0 : i32
    %dma_wait3A_472 = tpu.memref_slice %arg2[%arg0, %dma_wait3A_470, %dma_wait3A_471] : memref<2x51200x16xf32, #tpu.memory_space<hbm>> -> memref<1x51200x16xf32, #tpu.memory_space<hbm>>
    %dma_wait3A_473 = tpu.memref_squeeze %dma_wait3A_472 : memref<1x51200x16xf32, #tpu.memory_space<hbm>> -> memref<51200x16xf32, #tpu.memory_space<hbm>>
    %dma_wait3A_474 = arith.constant 0 : i32
    %dma_wait3A_475 = arith.constant 0 : i32
    %dma_wait3A_476 = tpu.memref_slice %dma_wait3A_473[%dma_wait3A_474, %dma_wait3A_475] : memref<51200x16xf32, #tpu.memory_space<hbm>> -> memref<51200x16xf32, #tpu.memory_space<hbm>>
    %dma_wait3A_477 = tpu.memref_slice %arg12[%dma_wait3A_455] : memref<2x!tpu.dma_semaphore, #tpu.memory_space<semaphore_mem>> -> memref<1x!tpu.dma_semaphore, #tpu.memory_space<semaphore_mem>>
    %dma_wait3A_478 = tpu.memref_squeeze %dma_wait3A_477 : memref<1x!tpu.dma_semaphore, #tpu.memory_space<semaphore_mem>> -> memref<!tpu.dma_semaphore, #tpu.memory_space<semaphore_mem>>
    tpu.wait_indirect_dma semaphore(%dma_wait3A_478 : memref<!tpu.dma_semaphore, #tpu.memory_space<semaphore_mem>>) src(%dma_wait3A_476 : memref<51200x16xf32, #tpu.memory_space<hbm>>) dst(%dma_wait3A_462 : memref<128x16xf32, #tpu.memory_space<vmem>>)
    %dma_wait3A_479 = arith.constant 0 : i32
    %dma_wait3A_480 = arith.constant 2 : i32
    %dma_wait3A_481 = arith.constant 0 : i32
    %dma_wait3A_482 = arith.constant 0 : i32
    %dma_wait3A_483 = arith.constant 0 : i32
    %dma_wait3A_484 = arith.constant 0 : i32
    %dma_wait3A_485 = tpu.memref_slice %arg10[%dma_wait3A_481, %dma_wait3A_483, %dma_wait3A_484] : memref<2x512x16xf32, #tpu.memory_space<vmem>> -> memref<1x512x16xf32, #tpu.memory_space<vmem>>
    %dma_wait3A_486 = tpu.memref_squeeze %dma_wait3A_485 : memref<1x512x16xf32, #tpu.memory_space<vmem>> -> memref<512x16xf32, #tpu.memory_space<vmem>>
    %dma_wait3A_487 = arith.constant 256 : i32
    %dma_wait3A_488 = arith.constant 0 : i32
    %dma_wait3A_489 = tpu.memref_slice %dma_wait3A_486[%dma_wait3A_487, %dma_wait3A_488] : memref<512x16xf32, #tpu.memory_space<vmem>> -> memref<128x16xf32, #tpu.memory_space<vmem>>
    %dma_wait3A_490 = arith.constant 0 : i32
    %dma_wait3A_491 = arith.constant 0 : i32
    %dma_wait3A_492 = tpu.memref_slice %arg8[%dma_wait3A_479, %dma_wait3A_490, %dma_wait3A_491] : memref<4x4x128xi32, #tpu.memory_space<vmem>> -> memref<1x4x128xi32, #tpu.memory_space<vmem>>
    %dma_wait3A_493 = tpu.memref_squeeze %dma_wait3A_492 : memref<1x4x128xi32, #tpu.memory_space<vmem>> -> memref<4x128xi32, #tpu.memory_space<vmem>>
    %dma_wait3A_494 = arith.constant 0 : i32
    %dma_wait3A_495 = tpu.memref_slice %dma_wait3A_493[%dma_wait3A_480, %dma_wait3A_494] : memref<4x128xi32, #tpu.memory_space<vmem>> -> memref<1x128xi32, #tpu.memory_space<vmem>>
    %dma_wait3A_496 = tpu.memref_squeeze %dma_wait3A_495 : memref<1x128xi32, #tpu.memory_space<vmem>> -> memref<128xi32, #tpu.memory_space<vmem>>
    %dma_wait3A_497 = arith.constant 0 : i32
    %dma_wait3A_498 = arith.constant 0 : i32
    %dma_wait3A_499 = tpu.memref_slice %arg2[%arg0, %dma_wait3A_497, %dma_wait3A_498] : memref<2x51200x16xf32, #tpu.memory_space<hbm>> -> memref<1x51200x16xf32, #tpu.memory_space<hbm>>
    %dma_wait3A_500 = tpu.memref_squeeze %dma_wait3A_499 : memref<1x51200x16xf32, #tpu.memory_space<hbm>> -> memref<51200x16xf32, #tpu.memory_space<hbm>>
    %dma_wait3A_501 = arith.constant 0 : i32
    %dma_wait3A_502 = arith.constant 0 : i32
    %dma_wait3A_503 = tpu.memref_slice %dma_wait3A_500[%dma_wait3A_501, %dma_wait3A_502] : memref<51200x16xf32, #tpu.memory_space<hbm>> -> memref<51200x16xf32, #tpu.memory_space<hbm>>
    %dma_wait3A_504 = tpu.memref_slice %arg12[%dma_wait3A_482] : memref<2x!tpu.dma_semaphore, #tpu.memory_space<semaphore_mem>> -> memref<1x!tpu.dma_semaphore, #tpu.memory_space<semaphore_mem>>
    %dma_wait3A_505 = tpu.memref_squeeze %dma_wait3A_504 : memref<1x!tpu.dma_semaphore, #tpu.memory_space<semaphore_mem>> -> memref<!tpu.dma_semaphore, #tpu.memory_space<semaphore_mem>>
    tpu.wait_indirect_dma semaphore(%dma_wait3A_505 : memref<!tpu.dma_semaphore, #tpu.memory_space<semaphore_mem>>) src(%dma_wait3A_503 : memref<51200x16xf32, #tpu.memory_space<hbm>>) dst(%dma_wait3A_489 : memref<128x16xf32, #tpu.memory_space<vmem>>)
    %dma_wait3A_506 = arith.constant 0 : i32
    %dma_wait3A_507 = arith.constant 3 : i32
    %dma_wait3A_508 = arith.constant 0 : i32
    %dma_wait3A_509 = arith.constant 0 : i32
    %dma_wait3A_510 = arith.constant 0 : i32
    %dma_wait3A_511 = arith.constant 0 : i32
    %dma_wait3A_512 = tpu.memref_slice %arg10[%dma_wait3A_508, %dma_wait3A_510, %dma_wait3A_511] : memref<2x512x16xf32, #tpu.memory_space<vmem>> -> memref<1x512x16xf32, #tpu.memory_space<vmem>>
    %dma_wait3A_513 = tpu.memref_squeeze %dma_wait3A_512 : memref<1x512x16xf32, #tpu.memory_space<vmem>> -> memref<512x16xf32, #tpu.memory_space<vmem>>
    %dma_wait3A_514 = arith.constant 384 : i32
    %dma_wait3A_515 = arith.constant 0 : i32
    %dma_wait3A_516 = tpu.memref_slice %dma_wait3A_513[%dma_wait3A_514, %dma_wait3A_515] : memref<512x16xf32, #tpu.memory_space<vmem>> -> memref<128x16xf32, #tpu.memory_space<vmem>>
    %dma_wait3A_517 = arith.constant 0 : i32
    %dma_wait3A_518 = arith.constant 0 : i32
    %dma_wait3A_519 = tpu.memref_slice %arg8[%dma_wait3A_506, %dma_wait3A_517, %dma_wait3A_518] : memref<4x4x128xi32, #tpu.memory_space<vmem>> -> memref<1x4x128xi32, #tpu.memory_space<vmem>>
    %dma_wait3A_520 = tpu.memref_squeeze %dma_wait3A_519 : memref<1x4x128xi32, #tpu.memory_space<vmem>> -> memref<4x128xi32, #tpu.memory_space<vmem>>
    %dma_wait3A_521 = arith.constant 0 : i32
    %dma_wait3A_522 = tpu.memref_slice %dma_wait3A_520[%dma_wait3A_507, %dma_wait3A_521] : memref<4x128xi32, #tpu.memory_space<vmem>> -> memref<1x128xi32, #tpu.memory_space<vmem>>
    %dma_wait3A_523 = tpu.memref_squeeze %dma_wait3A_522 : memref<1x128xi32, #tpu.memory_space<vmem>> -> memref<128xi32, #tpu.memory_space<vmem>>
    %dma_wait3A_524 = arith.constant 0 : i32
    %dma_wait3A_525 = arith.constant 0 : i32
    %dma_wait3A_526 = tpu.memref_slice %arg2[%arg0, %dma_wait3A_524, %dma_wait3A_525] : memref<2x51200x16xf32, #tpu.memory_space<hbm>> -> memref<1x51200x16xf32, #tpu.memory_space<hbm>>
    %dma_wait3A_527 = tpu.memref_squeeze %dma_wait3A_526 : memref<1x51200x16xf32, #tpu.memory_space<hbm>> -> memref<51200x16xf32, #tpu.memory_space<hbm>>
    %dma_wait3A_528 = arith.constant 0 : i32
    %dma_wait3A_529 = arith.constant 0 : i32
    %dma_wait3A_530 = tpu.memref_slice %dma_wait3A_527[%dma_wait3A_528, %dma_wait3A_529] : memref<51200x16xf32, #tpu.memory_space<hbm>> -> memref<51200x16xf32, #tpu.memory_space<hbm>>
    %dma_wait3A_531 = tpu.memref_slice %arg12[%dma_wait3A_509] : memref<2x!tpu.dma_semaphore, #tpu.memory_space<semaphore_mem>> -> memref<1x!tpu.dma_semaphore, #tpu.memory_space<semaphore_mem>>
    %dma_wait3A_532 = tpu.memref_squeeze %dma_wait3A_531 : memref<1x!tpu.dma_semaphore, #tpu.memory_space<semaphore_mem>> -> memref<!tpu.dma_semaphore, #tpu.memory_space<semaphore_mem>>
    tpu.wait_indirect_dma semaphore(%dma_wait3A_532 : memref<!tpu.dma_semaphore, #tpu.memory_space<semaphore_mem>>) src(%dma_wait3A_530 : memref<51200x16xf32, #tpu.memory_space<hbm>>) dst(%dma_wait3A_516 : memref<128x16xf32, #tpu.memory_space<vmem>>)
    %add3A_533 = arith.constant 420 : i32
    %add3A_534 = arith.addi %mul3A_0, %add3A_533 : i32
    %dma_wait3A_535 = arith.constant 1 : i32
    %dma_wait3A_536 = arith.constant 1 : i32
    %dma_wait3A_537 = arith.constant 0 : i32
    %dma_wait3A_538 = arith.constant 0 : i32
    %dma_wait3A_539 = tpu.memref_slice %arg8[%dma_wait3A_535, %dma_wait3A_537, %dma_wait3A_538] : memref<4x4x128xi32, #tpu.memory_space<vmem>> -> memref<1x4x128xi32, #tpu.memory_space<vmem>>
    %dma_wait3A_540 = tpu.memref_squeeze %dma_wait3A_539 : memref<1x4x128xi32, #tpu.memory_space<vmem>> -> memref<4x128xi32, #tpu.memory_space<vmem>>
    %dma_wait3A_541 = arith.constant 0 : i32
    %dma_wait3A_542 = arith.constant 0 : i32
    %dma_wait3A_543 = tpu.memref_slice %arg3[%arg0, %dma_wait3A_541, %dma_wait3A_542] : memref<2x6668x128xi32, #tpu.memory_space<hbm>> -> memref<1x6668x128xi32, #tpu.memory_space<hbm>>
    %dma_wait3A_544 = tpu.memref_squeeze %dma_wait3A_543 : memref<1x6668x128xi32, #tpu.memory_space<hbm>> -> memref<6668x128xi32, #tpu.memory_space<hbm>>
    %dma_wait3A_545 = arith.constant 0 : i32
    %dma_wait3A_546 = tpu.memref_slice %dma_wait3A_544[%add3A_534, %dma_wait3A_545] : memref<6668x128xi32, #tpu.memory_space<hbm>> -> memref<4x128xi32, #tpu.memory_space<hbm>>
    %dma_wait3A_547 = tpu.memref_slice %arg11[%dma_wait3A_536] : memref<4x!tpu.dma_semaphore, #tpu.memory_space<semaphore_mem>> -> memref<1x!tpu.dma_semaphore, #tpu.memory_space<semaphore_mem>>
    %dma_wait3A_548 = tpu.memref_squeeze %dma_wait3A_547 : memref<1x!tpu.dma_semaphore, #tpu.memory_space<semaphore_mem>> -> memref<!tpu.dma_semaphore, #tpu.memory_space<semaphore_mem>>
    %dma_wait3A_549 = arith.constant 0 : i32
    %dma_wait3A_550 = arith.constant 0 : i32
    %dma_wait3A_551 = tpu.memref_slice %arg8[%dma_wait3A_535, %dma_wait3A_549, %dma_wait3A_550] : memref<4x4x128xi32, #tpu.memory_space<vmem>> -> memref<1x4x128xi32, #tpu.memory_space<vmem>>
    %dma_wait3A_552 = tpu.memref_squeeze %dma_wait3A_551 : memref<1x4x128xi32, #tpu.memory_space<vmem>> -> memref<4x128xi32, #tpu.memory_space<vmem>>
    %dma_wait3A_553 = arith.constant 0 : i32
    %dma_wait3A_554 = arith.constant 0 : i32
    %dma_wait3A_555 = tpu.memref_slice %arg3[%arg0, %dma_wait3A_553, %dma_wait3A_554] : memref<2x6668x128xi32, #tpu.memory_space<hbm>> -> memref<1x6668x128xi32, #tpu.memory_space<hbm>>
    %dma_wait3A_556 = tpu.memref_squeeze %dma_wait3A_555 : memref<1x6668x128xi32, #tpu.memory_space<hbm>> -> memref<6668x128xi32, #tpu.memory_space<hbm>>
    %dma_wait3A_557 = arith.constant 0 : i32
    %dma_wait3A_558 = tpu.memref_slice %dma_wait3A_556[%add3A_534, %dma_wait3A_557] : memref<6668x128xi32, #tpu.memory_space<hbm>> -> memref<4x128xi32, #tpu.memory_space<hbm>>
    tpu.wait_dma2 semaphore(%dma_wait3A_548 : memref<!tpu.dma_semaphore, #tpu.memory_space<semaphore_mem>>) src(%dma_wait3A_558 : memref<4x128xi32, #tpu.memory_space<hbm>>) dst(%dma_wait3A_552 : memref<4x128xi32, #tpu.memory_space<vmem>>)
    %dma_wait3A_559 = arith.constant 1 : i32
    %dma_wait3A_560 = arith.constant 1 : i32
    %dma_wait3A_561 = arith.constant 0 : i32
    %dma_wait3A_562 = arith.constant 0 : i32
    %dma_wait3A_563 = tpu.memref_slice %arg9[%dma_wait3A_559, %dma_wait3A_561, %dma_wait3A_562] : memref<4x4x128xi32, #tpu.memory_space<vmem>> -> memref<1x4x128xi32, #tpu.memory_space<vmem>>
    %dma_wait3A_564 = tpu.memref_squeeze %dma_wait3A_563 : memref<1x4x128xi32, #tpu.memory_space<vmem>> -> memref<4x128xi32, #tpu.memory_space<vmem>>
    %dma_wait3A_565 = arith.constant 0 : i32
    %dma_wait3A_566 = arith.constant 0 : i32
    %dma_wait3A_567 = tpu.memref_slice %arg4[%arg0, %dma_wait3A_565, %dma_wait3A_566] : memref<2x6668x128xi32, #tpu.memory_space<hbm>> -> memref<1x6668x128xi32, #tpu.memory_space<hbm>>
    %dma_wait3A_568 = tpu.memref_squeeze %dma_wait3A_567 : memref<1x6668x128xi32, #tpu.memory_space<hbm>> -> memref<6668x128xi32, #tpu.memory_space<hbm>>
    %dma_wait3A_569 = arith.constant 0 : i32
    %dma_wait3A_570 = tpu.memref_slice %dma_wait3A_568[%add3A_534, %dma_wait3A_569] : memref<6668x128xi32, #tpu.memory_space<hbm>> -> memref<4x128xi32, #tpu.memory_space<hbm>>
    %dma_wait3A_571 = tpu.memref_slice %arg11[%dma_wait3A_560] : memref<4x!tpu.dma_semaphore, #tpu.memory_space<semaphore_mem>> -> memref<1x!tpu.dma_semaphore, #tpu.memory_space<semaphore_mem>>
    %dma_wait3A_572 = tpu.memref_squeeze %dma_wait3A_571 : memref<1x!tpu.dma_semaphore, #tpu.memory_space<semaphore_mem>> -> memref<!tpu.dma_semaphore, #tpu.memory_space<semaphore_mem>>
    %dma_wait3A_573 = arith.constant 0 : i32
    %dma_wait3A_574 = arith.constant 0 : i32
    %dma_wait3A_575 = tpu.memref_slice %arg9[%dma_wait3A_559, %dma_wait3A_573, %dma_wait3A_574] : memref<4x4x128xi32, #tpu.memory_space<vmem>> -> memref<1x4x128xi32, #tpu.memory_space<vmem>>
    %dma_wait3A_576 = tpu.memref_squeeze %dma_wait3A_575 : memref<1x4x128xi32, #tpu.memory_space<vmem>> -> memref<4x128xi32, #tpu.memory_space<vmem>>
    %dma_wait3A_577 = arith.constant 0 : i32
    %dma_wait3A_578 = arith.constant 0 : i32
    %dma_wait3A_579 = tpu.memref_slice %arg4[%arg0, %dma_wait3A_577, %dma_wait3A_578] : memref<2x6668x128xi32, #tpu.memory_space<hbm>> -> memref<1x6668x128xi32, #tpu.memory_space<hbm>>
    %dma_wait3A_580 = tpu.memref_squeeze %dma_wait3A_579 : memref<1x6668x128xi32, #tpu.memory_space<hbm>> -> memref<6668x128xi32, #tpu.memory_space<hbm>>
    %dma_wait3A_581 = arith.constant 0 : i32
    %dma_wait3A_582 = tpu.memref_slice %dma_wait3A_580[%add3A_534, %dma_wait3A_581] : memref<6668x128xi32, #tpu.memory_space<hbm>> -> memref<4x128xi32, #tpu.memory_space<hbm>>
    tpu.wait_dma2 semaphore(%dma_wait3A_572 : memref<!tpu.dma_semaphore, #tpu.memory_space<semaphore_mem>>) src(%dma_wait3A_582 : memref<4x128xi32, #tpu.memory_space<hbm>>) dst(%dma_wait3A_576 : memref<4x128xi32, #tpu.memory_space<vmem>>)
    %add3A_583 = arith.constant 424 : i32
    %add3A_584 = arith.addi %mul3A_0, %add3A_583 : i32
    %dma_wait3A_585 = arith.constant 2 : i32
    %dma_wait3A_586 = arith.constant 2 : i32
    %dma_wait3A_587 = arith.constant 0 : i32
    %dma_wait3A_588 = arith.constant 0 : i32
    %dma_wait3A_589 = tpu.memref_slice %arg8[%dma_wait3A_585, %dma_wait3A_587, %dma_wait3A_588] : memref<4x4x128xi32, #tpu.memory_space<vmem>> -> memref<1x4x128xi32, #tpu.memory_space<vmem>>
    %dma_wait3A_590 = tpu.memref_squeeze %dma_wait3A_589 : memref<1x4x128xi32, #tpu.memory_space<vmem>> -> memref<4x128xi32, #tpu.memory_space<vmem>>
    %dma_wait3A_591 = arith.constant 0 : i32
    %dma_wait3A_592 = arith.constant 0 : i32
    %dma_wait3A_593 = tpu.memref_slice %arg3[%arg0, %dma_wait3A_591, %dma_wait3A_592] : memref<2x6668x128xi32, #tpu.memory_space<hbm>> -> memref<1x6668x128xi32, #tpu.memory_space<hbm>>
    %dma_wait3A_594 = tpu.memref_squeeze %dma_wait3A_593 : memref<1x6668x128xi32, #tpu.memory_space<hbm>> -> memref<6668x128xi32, #tpu.memory_space<hbm>>
    %dma_wait3A_595 = arith.constant 0 : i32
    %dma_wait3A_596 = tpu.memref_slice %dma_wait3A_594[%add3A_584, %dma_wait3A_595] : memref<6668x128xi32, #tpu.memory_space<hbm>> -> memref<4x128xi32, #tpu.memory_space<hbm>>
    %dma_wait3A_597 = tpu.memref_slice %arg11[%dma_wait3A_586] : memref<4x!tpu.dma_semaphore, #tpu.memory_space<semaphore_mem>> -> memref<1x!tpu.dma_semaphore, #tpu.memory_space<semaphore_mem>>
    %dma_wait3A_598 = tpu.memref_squeeze %dma_wait3A_597 : memref<1x!tpu.dma_semaphore, #tpu.memory_space<semaphore_mem>> -> memref<!tpu.dma_semaphore, #tpu.memory_space<semaphore_mem>>
    %dma_wait3A_599 = arith.constant 0 : i32
    %dma_wait3A_600 = arith.constant 0 : i32
    %dma_wait3A_601 = tpu.memref_slice %arg8[%dma_wait3A_585, %dma_wait3A_599, %dma_wait3A_600] : memref<4x4x128xi32, #tpu.memory_space<vmem>> -> memref<1x4x128xi32, #tpu.memory_space<vmem>>
    %dma_wait3A_602 = tpu.memref_squeeze %dma_wait3A_601 : memref<1x4x128xi32, #tpu.memory_space<vmem>> -> memref<4x128xi32, #tpu.memory_space<vmem>>
    %dma_wait3A_603 = arith.constant 0 : i32
    %dma_wait3A_604 = arith.constant 0 : i32
    %dma_wait3A_605 = tpu.memref_slice %arg3[%arg0, %dma_wait3A_603, %dma_wait3A_604] : memref<2x6668x128xi32, #tpu.memory_space<hbm>> -> memref<1x6668x128xi32, #tpu.memory_space<hbm>>
    %dma_wait3A_606 = tpu.memref_squeeze %dma_wait3A_605 : memref<1x6668x128xi32, #tpu.memory_space<hbm>> -> memref<6668x128xi32, #tpu.memory_space<hbm>>
    %dma_wait3A_607 = arith.constant 0 : i32
    %dma_wait3A_608 = tpu.memref_slice %dma_wait3A_606[%add3A_584, %dma_wait3A_607] : memref<6668x128xi32, #tpu.memory_space<hbm>> -> memref<4x128xi32, #tpu.memory_space<hbm>>
    tpu.wait_dma2 semaphore(%dma_wait3A_598 : memref<!tpu.dma_semaphore, #tpu.memory_space<semaphore_mem>>) src(%dma_wait3A_608 : memref<4x128xi32, #tpu.memory_space<hbm>>) dst(%dma_wait3A_602 : memref<4x128xi32, #tpu.memory_space<vmem>>)
    %dma_wait3A_609 = arith.constant 2 : i32
    %dma_wait3A_610 = arith.constant 2 : i32
    %dma_wait3A_611 = arith.constant 0 : i32
    %dma_wait3A_612 = arith.constant 0 : i32
    %dma_wait3A_613 = tpu.memref_slice %arg9[%dma_wait3A_609, %dma_wait3A_611, %dma_wait3A_612] : memref<4x4x128xi32, #tpu.memory_space<vmem>> -> memref<1x4x128xi32, #tpu.memory_space<vmem>>
    %dma_wait3A_614 = tpu.memref_squeeze %dma_wait3A_613 : memref<1x4x128xi32, #tpu.memory_space<vmem>> -> memref<4x128xi32, #tpu.memory_space<vmem>>
    %dma_wait3A_615 = arith.constant 0 : i32
    %dma_wait3A_616 = arith.constant 0 : i32
    %dma_wait3A_617 = tpu.memref_slice %arg4[%arg0, %dma_wait3A_615, %dma_wait3A_616] : memref<2x6668x128xi32, #tpu.memory_space<hbm>> -> memref<1x6668x128xi32, #tpu.memory_space<hbm>>
    %dma_wait3A_618 = tpu.memref_squeeze %dma_wait3A_617 : memref<1x6668x128xi32, #tpu.memory_space<hbm>> -> memref<6668x128xi32, #tpu.memory_space<hbm>>
    %dma_wait3A_619 = arith.constant 0 : i32
    %dma_wait3A_620 = tpu.memref_slice %dma_wait3A_618[%add3A_584, %dma_wait3A_619] : memref<6668x128xi32, #tpu.memory_space<hbm>> -> memref<4x128xi32, #tpu.memory_space<hbm>>
    %dma_wait3A_621 = tpu.memref_slice %arg11[%dma_wait3A_610] : memref<4x!tpu.dma_semaphore, #tpu.memory_space<semaphore_mem>> -> memref<1x!tpu.dma_semaphore, #tpu.memory_space<semaphore_mem>>
    %dma_wait3A_622 = tpu.memref_squeeze %dma_wait3A_621 : memref<1x!tpu.dma_semaphore, #tpu.memory_space<semaphore_mem>> -> memref<!tpu.dma_semaphore, #tpu.memory_space<semaphore_mem>>
    %dma_wait3A_623 = arith.constant 0 : i32
    %dma_wait3A_624 = arith.constant 0 : i32
    %dma_wait3A_625 = tpu.memref_slice %arg9[%dma_wait3A_609, %dma_wait3A_623, %dma_wait3A_624] : memref<4x4x128xi32, #tpu.memory_space<vmem>> -> memref<1x4x128xi32, #tpu.memory_space<vmem>>
    %dma_wait3A_626 = tpu.memref_squeeze %dma_wait3A_625 : memref<1x4x128xi32, #tpu.memory_space<vmem>> -> memref<4x128xi32, #tpu.memory_space<vmem>>
    %dma_wait3A_627 = arith.constant 0 : i32
    %dma_wait3A_628 = arith.constant 0 : i32
    %dma_wait3A_629 = tpu.memref_slice %arg4[%arg0, %dma_wait3A_627, %dma_wait3A_628] : memref<2x6668x128xi32, #tpu.memory_space<hbm>> -> memref<1x6668x128xi32, #tpu.memory_space<hbm>>
    %dma_wait3A_630 = tpu.memref_squeeze %dma_wait3A_629 : memref<1x6668x128xi32, #tpu.memory_space<hbm>> -> memref<6668x128xi32, #tpu.memory_space<hbm>>
    %dma_wait3A_631 = arith.constant 0 : i32
    %dma_wait3A_632 = tpu.memref_slice %dma_wait3A_630[%add3A_584, %dma_wait3A_631] : memref<6668x128xi32, #tpu.memory_space<hbm>> -> memref<4x128xi32, #tpu.memory_space<hbm>>
    tpu.wait_dma2 semaphore(%dma_wait3A_622 : memref<!tpu.dma_semaphore, #tpu.memory_space<semaphore_mem>>) src(%dma_wait3A_632 : memref<4x128xi32, #tpu.memory_space<hbm>>) dst(%dma_wait3A_626 : memref<4x128xi32, #tpu.memory_space<vmem>>)
    %barrier3A_633 = arith.constant 0 : index
    tpu.barrier barrier_id(%barrier3A_633)
    "tpu.region"() ({
      %run_scoped3A = tpu.sem_alloc : memref<!tpu.dma_semaphore, #tpu.memory_space<semaphore_mem>>
      %dma_start3A_635 = arith.constant 0 : i32
      %dma_start3A_636 = arith.constant 0 : i32
      %dma_start3A_637 = tpu.memref_slice %arg5[%arg0, %dma_start3A_635, %dma_start3A_636] : memref<2x51200x16xf32, #tpu.memory_space<hbm>> -> memref<1x51200x16xf32, #tpu.memory_space<hbm>>
      %dma_start3A_638 = tpu.memref_squeeze %dma_start3A_637 : memref<1x51200x16xf32, #tpu.memory_space<hbm>> -> memref<51200x16xf32, #tpu.memory_space<hbm>>
      %dma_start3A_639 = arith.constant 0 : i32
      %dma_start3A_640 = tpu.memref_slice %dma_start3A_638[%mul3A_2, %dma_start3A_639] : memref<51200x16xf32, #tpu.memory_space<hbm>> -> memref<3200x16xf32, #tpu.memory_space<hbm>>
      %dma_start3A_641 = arith.constant 0 : i32
      %dma_start3A_642 = tpu.memref_slice %arg6[%mul3A_2, %dma_start3A_641] : memref<51200x16xf32, #tpu.memory_space<vmem_shared>> -> memref<3200x16xf32, #tpu.memory_space<vmem_shared>>
      tpu.enqueue_dma source(%dma_start3A_642 : memref<3200x16xf32, #tpu.memory_space<vmem_shared>>) target(%dma_start3A_640 : memref<3200x16xf32, #tpu.memory_space<hbm>>) target_semaphore(%run_scoped3A : memref<!tpu.dma_semaphore, #tpu.memory_space<semaphore_mem>>)
      %dma_wait3A_643 = arith.constant 0 : i32
      %dma_wait3A_644 = arith.constant 0 : i32
      %dma_wait3A_645 = tpu.memref_slice %arg5[%arg0, %dma_wait3A_643, %dma_wait3A_644] : memref<2x51200x16xf32, #tpu.memory_space<hbm>> -> memref<1x51200x16xf32, #tpu.memory_space<hbm>>
      %dma_wait3A_646 = tpu.memref_squeeze %dma_wait3A_645 : memref<1x51200x16xf32, #tpu.memory_space<hbm>> -> memref<51200x16xf32, #tpu.memory_space<hbm>>
      %dma_wait3A_647 = arith.constant 0 : i32
      %dma_wait3A_648 = tpu.memref_slice %dma_wait3A_646[%mul3A_2, %dma_wait3A_647] : memref<51200x16xf32, #tpu.memory_space<hbm>> -> memref<3200x16xf32, #tpu.memory_space<hbm>>
      %dma_wait3A_649 = arith.constant 0 : i32
      %dma_wait3A_650 = tpu.memref_slice %arg6[%mul3A_2, %dma_wait3A_649] : memref<51200x16xf32, #tpu.memory_space<vmem_shared>> -> memref<3200x16xf32, #tpu.memory_space<vmem_shared>>
      tpu.wait_dma2 semaphore(%run_scoped3A : memref<!tpu.dma_semaphore, #tpu.memory_space<semaphore_mem>>) src(%dma_wait3A_650 : memref<3200x16xf32, #tpu.memory_space<vmem_shared>>) dst(%dma_wait3A_648 : memref<3200x16xf32, #tpu.memory_space<hbm>>)
      tpu.yield
    }) : () -> ()
    %barrier3A_634 = arith.constant 0 : index
    tpu.barrier barrier_id(%barrier3A_634)
    return
  }
}

</mosaic_0001>

<sc_bundles>
// kernel: _sc_deg.3.cloned.1.call-start
scs
__scs_entry_jumppad:
0x0: {  	(pc) =	sbr.rel $0x88, $3  }
0x1: {  	(tag) =	ssettag $0x0;
	lr =	simm.s32 $0x1  }
0x2: {  	[smem:$0x3F9E] =	sst lr;
	_ =	strace $0xD0000000  }
0x3: {  	_ = 	snop  }
0x4: {  	_ = 	snop  }
0x5: {  	_ = 	snop  }
0x6: {  	_ = 	snop  }
0x7: {  	_ = 	snop  }
__scs_overlays_trampoline_lowered:
0x8: {  	[smem:$0x3FAD] =	sst s0  }
0x9: {  	[smem:$0x3FAE] =	sst s1  }
0xa: {  	[smem:$0x3FAF] =	sst s2  }
0xb: {  	[smem:$0x3FB0] =	sst s3  }
0xc: {  	[smem:$0x3FB1] =	sst s4  }
0xd: {  	[smem:$0x3FB2] =	sst s5  }
0xe: {  	[smem:$0x3FB3] =	sst s6  }
0xf: {  	[smem:$0x3FB4] =	sst s7  }
0x10: {  	[smem:$0x3FB5] =	sst s8  }
0x11: {  	[smem:$0x3FB6] =	sst s9;
	s0 =	simm.s32 @!p0 $0x0  }
0x12: {  	s1 =	sld [smem:$0x3F9C];
	s0 =	simm.s32 @p0 $0x1  }
0x13: {  	[smem:$0x3FB7] =	sst s0;
	s0 =	simm.s32 @!p1 $0x0  }
0x14: {  	s2 =	sld [smem:$0x3F9B];
	s0 =	simm.s32 @p1 $0x1  }
0x15: {  	[smem:$0x3FB8] =	sst s0;
	s0 =	simm.s32 @!p2 $0x0  }
0x16: {  	s3 =	sld [smem:$0x3FDB];
	s0 =	simm.s32 @p2 $0x1  }
0x17: {  	s4 =	simm.s32 $0x1BF5;
	[smem:$0x3FBA] =	sst s0  }
0x18: {  	s0 =	sld [smem:$0x3F9D];
	_ =	swait.ge [sflag:s4], $0x0  }
0x19: {  	s7 =	sld [smem:$0x3F9E]  }
0x1a: {  	s8 =	sadd.s32 $0xFFFFE003, lr  }
0x1b: {  	s9 =	sadd.s32 $0xFFFFFEF7, lr;
	s5 =	simm.s32 $0xFFFFFFFF;
	p2 =	slt.u32 s8, $0xFFFFF086  }
0x1c: {  	p1 =	slt.u32 s9, $0xF7A;
	s5 =	simm.s32 @!p2 $0x0  }
0x1d: {  	s5 =	simm.s32 @p1 $0x1;
	p0 =	seq.s32 s7, s2  }
0x1e: {  	s7 =	smul.u32 @!p0 $0xF7A, s2;
	p2 =	seq.s32 @!p0 s5, $0x0  }
0x1f: {  	s9 =	smul.u32 $0xF7A, s1;
	s8 =	simm.s32 @!p0 $0x1BF5;
	p2 =	por !p2, p0  }
0x20: {  	[sflag:s8] =	ssyncset.s32 @!p0 $0xFFFFF086;
	s6 =	sadd.s32 @!p0 s3, s7;
	s7 =	simm.s32 @!p0 $0x108  }
0x21: {  	s3 =	sadd.s32 s3, s9;
	s6 =	sadd.s32 @!p0 $0x88, s6;
	s7 =	simm.s32 @p2 $0x1082  }
0x22: {  	[simem:s7], [sflag:s8] =	dma.local @!p0 [hbm:s6], $0xF7A  }
0x23: {  	s9 =	sor.u32 $0xD0000000, s2;
	s6 =	simm.s32 $0x108;
	_ =	swait.ge @!p0 [sflag:s8], $0x0  }
0x24: {  	s3 =	sadd.s32 $0x88, s3;
	s6 =	simm.s32 @!p1 $0x1082;
	[sflag:s4] =	ssyncset.s32 $0xFFFFF086  }
0x25: {  	[simem:s6], [sflag:s4] =	dma.local [hbm:s3], $0xF7A  }
0x26: {  	[smem:$0x3F9E] =	sst s1;
	(tag) =	ssettag s2;
	_ =	strace s9  }
0x27: {  	s1 =	sld [smem:$0x3FAE]  }
0x28: {  	s2 =	sld [smem:$0x3FAF]  }
0x29: {  	s4 =	sld [smem:$0x3FB1]  }
0x2a: {  	p0 =	seq.s32 s5, $0x0;
	s5 =	sld [smem:$0x3FB2]  }
0x2b: {  	s6 =	sld [smem:$0x3FB3]  }
0x2c: {  	s7 =	sld [smem:$0x3FB4]  }
0x2d: {  	s3 =	simm.s32 $0x108;
	s8 =	sld [smem:$0x3FB5]  }
0x2e: {  	s3 =	simm.s32 @!p0 $0x1082;
	s9 =	sld [smem:$0x3FB6]  }
0x2f: {  	lr =	sadd.s32 s0, s3;
	s0 =	sld [smem:$0x3FAD]  }
0x30: {  	s3 =	sld [smem:$0x3FB0]  }
0x31: {  	[smem:$0x3FB9] =	sst s10  }
0x32: {  	s10 =	sld [smem:$0x3FB7];
	_ =	sdelay $0x3  }
0x33: {  	p0 =	seq.s32 s10, $0x1;
	s10 =	sld [smem:$0x3FB9];
	_ =	sdelay $0x3  }
0x34: {  	[smem:$0x3FB9] =	sst s10  }
0x35: {  	s10 =	sld [smem:$0x3FB8];
	_ =	sdelay $0x3  }
0x36: {  	p1 =	seq.s32 s10, $0x1;
	s10 =	sld [smem:$0x3FB9];
	_ =	sdelay $0x3  }
0x37: {  	[smem:$0x3FB9] =	sst s10  }
0x38: {  	s10 =	sld [smem:$0x3FBA]  }
0x39: {  	_ = 	snop;
	(pc) =	sbr.ind lr, $3  }
0x3a: {  	_ = 	snop  }
0x3b: {  	_ = 	snop  }
0x3c: {  	p2 =	seq.s32 s10, $0x1;
	s10 =	sld [smem:$0x3FB9]  }
0x3d: {  	_ =	shalt  }
0x3e: {  	_ =	shalt  }
0x3f: {  	_ =	shalt  }
0x40: {  	_ =	shalt  }
0x41: {  	_ =	shalt  }
0x42: {  	_ =	shalt  }
0x43: {  	_ =	shalt  }
0x44: {  	_ =	shalt  }
0x45: {  	_ =	shalt  }
0x46: {  	_ =	shalt  }
0x47: {  	_ =	shalt  }
0x48: {  	_ =	shalt  }
0x49: {  	_ =	shalt  }
0x4a: {  	_ =	shalt  }
0x4b: {  	_ =	shalt  }
0x4c: {  	_ =	shalt  }
0x4d: {  	_ =	shalt  }
0x4e: {  	_ =	shalt  }
0x4f: {  	_ =	shalt  }
0x50: {  	_ =	shalt  }
0x51: {  	_ =	shalt  }
0x52: {  	_ =	shalt  }
0x53: {  	_ =	shalt  }
0x54: {  	_ =	shalt  }
0x55: {  	_ =	shalt  }
0x56: {  	_ =	shalt  }
0x57: {  	_ =	shalt  }
0x58: {  	_ =	shalt  }
0x59: {  	_ =	shalt  }
0x5a: {  	_ =	shalt  }
0x5b: {  	_ =	shalt  }
0x5c: {  	_ =	shalt  }
0x5d: {  	_ =	shalt  }
0x5e: {  	_ =	shalt  }
0x5f: {  	_ =	shalt  }
0x60: {  	_ =	shalt  }
0x61: {  	_ =	shalt  }
0x62: {  	_ =	shalt  }
0x63: {  	_ =	shalt  }
0x64: {  	_ =	shalt  }
0x65: {  	_ =	shalt  }
0x66: {  	_ =	shalt  }
0x67: {  	_ =	shalt  }
0x68: {  	_ =	shalt  }
0x69: {  	_ =	shalt  }
0x6a: {  	_ =	shalt  }
0x6b: {  	_ =	shalt  }
0x6c: {  	_ =	shalt  }
0x6d: {  	_ =	shalt  }
0x6e: {  	_ =	shalt  }
0x6f: {  	_ =	shalt  }
0x70: {  	_ =	shalt  }
0x71: {  	_ =	shalt  }
0x72: {  	_ =	shalt  }
0x73: {  	_ =	shalt  }
0x74: {  	_ =	shalt  }
0x75: {  	_ =	shalt  }
0x76: {  	_ =	shalt  }
0x77: {  	_ =	shalt  }
0x78: {  	_ =	shalt  }
0x79: {  	_ =	shalt  }
0x7a: {  	_ =	shalt  }
0x7b: {  	_ =	shalt  }
0x7c: {  	_ =	shalt  }
0x7d: {  	_ =	shalt  }
0x7e: {  	_ =	shalt  }
0x7f: {  	_ =	shalt  }
0x80: {  	_ =	shalt  }
0x81: {  	_ =	shalt  }
0x82: {  	_ =	shalt  }
0x83: {  	_ =	shalt  }
0x84: {  	_ =	shalt  }
0x85: {  	_ =	shalt  }
0x86: {  	_ =	shalt  }
0x87: {  	_ =	shalt  }
.Lfunc_end0:
.L_simem_size_0:
called_computation_lowered:
.L_overlay_start_0:
0x88: {  	s2 =	sld [smem:$0x3FD9]  }
0x89: {  	s3 =	sld [smem:$0x3FFE];
	_ =	sdelay $0x1  }
0x8a: {  	s1 =	srdreg.scid  }
0x8b: {  	s0 =	sand.u32 $0x1, s1  }
0x8c: {  	s17 =	sshll.u32 s0, $0xA;
	s2 =	sadd.s32 s3, s2  }
0x8d: {  	s2 =	sadd.s32 s2, s17  }
0x8e: {  	[smem:$0x3FC5] =	sst s2  }
0x8f: {  	_ = 	snop  }
0x90: {  	s2 =	sld [smem:$0x3FD0];
	(tm) =	ssettm $0x1  }
0x91: {  	s18 =	sld [smem:$0x3FFB];
	_ =	sdelay $0x3  }
0x92: {  	_ =	strace s18  }
0x93: {  	s3 =	sld [smem:$0x3FFC];
	_ =	sdelay $0x3  }
0x94: {  	_ =	strace s3  }
0x95: {  	s3 =	sld [smem:$0x3FFD];
	_ =	sdelay $0x3  }
0x96: {  	_ =	strace s3  }
0x97: {  	_ =	strace $0x8FFFFFFF  }
0x98: {  	s19 =	sld [smem:$0x3FDB];
	_ =	sdelay $0x1  }
0x99: {  	s4 =	simm.s32 $_scs_section_size  }
0x9a: {  	s5 =	simm.s32 $_size__tile_overlayer_lowered;
	s6 =	simm.s32 $_tile_overlayer_lowered  }
0x9b: {  	s22 =	simm.s32 $0x1BFF;
	s21 =	sshll.u32 s6, $0x1;
	s3 =	sadd.s32 s4, s19  }
0x9c: {  	s7 =	simm.s32 $0x0;
	s20 =	sshll.u32 s5, $0x1;
	s5 =	sadd.s32 s21, s3  }
0x9d: {  	[timem:s7], [sflag:s22] =	dma.local [hbm:s5], s20  }
0x9e: {  	_ =	swait.ge [sflag:s22], s20  }
0x9f: {  	s4 =	ssub.s32 $0x0, s20;
	[sflag:s22] =	ssyncset.done $0x0  }
0xa0: {  	[sflag:s22] =	ssyncadd.s32 s4;
	_ =	sdelay $0x1  }
0xa1: {  	s23 =	simm.s32 $0x1B8B  }
0xa2: {  	_ =	swait.ge [sflag:s23], $0x1  }
0xa3: {  	[sflag:s23] =	ssyncset.done $0x0  }
0xa4: {  	s25 =	simm.s32 $0x1B8E;
	s24 =	sld [smem:$0x3FFE];
	[sflag:s23] =	ssyncadd.s32 $0xFFFFFFFF  }
0xa5: {  	s26 =	simm.s32 $execute0_lowered;
	[smem:$0x3FD2] =	sst s25  }
0xa6: {  	s5 =	sshll.u32 s26, $0x1;
	_ =	strace $0x80000046;
	[dreg:$0x1] =	wrdreg $0xFFFFFFFF  }
0xa7: {  	s28 =	simm.s32 $_size_execute0_lowered;
	s3 =	sadd.s32 s3, s5;
	[dreg:$0x0] =	wrdreg $0x0  }
0xa8: {  	s5 =	sshll.u32 s28, $0x1;
	[dreg:$0x2] =	wrdreg s3  }
0xa9: {  	[dreg:$0x3] =	wrdreg s5  }
0xaa: {  	[dreg:$0x4] =	wrdreg $0xC0  }
0xab: {  	_ =	task [dreg:s7], $0x5FFFF  }
0xac: {  	[dreg:$0x1] =	wrdreg $0xFFFFFFFF  }
0xad: {  	[dreg:$0x0] =	wrdreg $0x60  }
0xae: {  	[dreg:$0x2] =	wrdreg s2  }
0xaf: {  	[dreg:$0x3] =	wrdreg s24  }
0xb0: {  	[dreg:$0x4] =	wrdreg $0x0  }
0xb1: {  	[dreg:$0x5] =	wrdreg $0x9  }
0xb2: {  	_ =	task.clear_ibuf [dreg:s7], $0x6FFFF;
	_ =	strace $0x90000046  }
0xb3: {  	s29 =	simm.s32 $0x9;
	_ =	strace $0x80000048  }
0xb4: {  	_ =	swait.ge [sflag:s29], $0x1  }
0xb5: {  	[sflag:s29] =	ssyncadd.s32 $0xFFFFFFFF  }
0xb6: {  	_ =	strace $0x90000048  }
0xb7: {  	_ =	sfence  }
0xb8: {  	s30 =	sld [smem:$0x0];
	_ =	sdelay $0x2  }
0xb9: {  	s31 =	sshll.u32 s1, $0xD;
	s1 =	sshrl.u32 s1, $0x2  }
0xba: {  	s3 =	sand.u32 $0x4000, s31;
	s1 =	sadd.s32 s1, s30  }
0xbb: {  	s0 =	sor.u32 s3, s0;
	s1 =	sshll.u32 s1, $0x11  }
0xbc: {  	s0 =	sor.u32 s1, s0  }
0xbd: {  	s0 =	sadd.s32 $0x8F2B, s0  }
0xbe: {  	[sflag:s0] =	ssyncadd.remote.s32 $0x1  }
0xbf: {  	_ =	sfence.sel $0xFFFF  }
0xc0: {  	[dreg:$0x0] =	wrdreg $0xFFFFFFFF;
	(pc) =	sbr.abs _section_cstart, $3  }
0xc1: {  	[dreg:$0x1] =	wrdreg $0xFFFFFFFF  }
0xc2: {  	_ =	task.clear_ibuf [dreg:s7], $0x2FFFF;
	_ =	strace $0x9FFFFFFF  }
0xc3: {  	(tm) =	ssettm $0x7FFFFFFF  }
tec
execute0_lowered:
.L_overlay_start_1:
0x0: {  	(tag) =	ssettag $0x1  }
0x1: {  	s0 =	rddreg [dreg:$0x0]  }
0x2: {  	s2 =	rddreg [dreg:$0x1];
	s3 =	srdreg.scid  }
0x3: {  	s1 =	rddreg [dreg:$0x2];
	s4 =	sand.u32 $0x1, s3;
	s3 =	simm.s32 $0x0  }
0x4: {  	s13 =	simm.s32 $0xE980;
	[smem:$0x7FF] =	sst s3  }
0x5: {  	s14 =	simm.s32 $0xEA00;
	_ =	strace $0x80000047;
	[dreg:$0x6] =	wrdreg s13  }
0x6: {  	s15 =	simm.s32 $0xEA80;
	[dreg:$0x7] =	wrdreg s14  }
0x7: {  	s17 =	simm.s32 $0xE380;
	[dreg:$0x8] =	wrdreg s15  }
0x8: {  	s19 =	simm.s32 $0xE400;
	[dreg:$0x9] =	wrdreg s17  }
0x9: {  	s10 =	stileid.u32;
	s22 =	simm.s32 $0xE480;
	[dreg:$0xa] =	wrdreg s19  }
0xa: {  	s24 =	simm.s32 $0xE580;
	s7 =	smul.u32 $0xC800, s10;
	[dreg:$0xb] =	wrdreg s22  }
0xb: {  	s26 =	simm.s32 $0xE600;
	s9 =	smul.u32 $0x32000, s10;
	[dreg:$0xc] =	wrdreg s24  }
0xc: {  	s28 =	simm.s32 $0xE680;
	s10 =	smul.u32 $0x1A00, s10;
	[dreg:$0xd] =	wrdreg s26  }
0xd: {  	s29 =	simm.s32 $0x1;
	[dreg:$0xe] =	wrdreg s28  }
0xe: {  	s12 =	sshrl.u32 s9, $0x2;
	s9 =	simm.s32 $0xEB80;
	[smem:$0x7FA] =	sst s10  }
0xf: {  	s30 =	simm.s32 $0x80;
	s13 =	sor.u32 $0x40, s10;
	[dreg:$0xf] =	wrdreg s9  }
0x10: {  	s5 =	smul.u32 $0x1A0C0, s4;
	s15 =	sor.u32 $0x80, s10;
	[smem:$0x7F9] =	sst s13  }
0x11: {  	s6 =	smul.u32 $0x19000, s4;
	s14 =	simm.s32 $0xED80;
	[smem:$0x7FB] =	sst s15  }
0x12: {  	s4 =	ssub.s32 $0x2, s4;
	s19 =	simm.s32 $0xE780;
	[dreg:$0x12] =	wrdreg s14  }
0x13: {  	s8 =	sshrl.u32 s4, $0x1;
	s24 =	simm.s32 $0xE880;
	[dreg:$0x15] =	wrdreg s19  }
0x14: {  	s21 =	sadd.s32 s7, s1;
	s26 =	simm.s32 $0xF000;
	[dreg:$0x17] =	wrdreg s24  }
0x15: {  	s22 =	simm.s32 $0xE100;
	s28 =	simm.s32 $0xF080;
	[dreg:$0x19] =	wrdreg s26  }
0x16: {  	s10 =	simm.s32 $0x2;
	s4 =	ssub.s32 s4, s8;
	[dreg:$0x1a] =	wrdreg s28  }
0x17: {  	s8 =	sadd.s32 s12, s1;
	s12 =	simm.s32 $0xEC80;
	[dreg:$0x1b] =	wrdreg s21  }
0x18: {  	s5 =	sadd.s32 s5, s2;
	s11 =	sadd.s32 $0x1900, s8;
	[dreg:$0x11] =	wrdreg s12  }
0x19: {  	s2 =	sadd.s32 s6, s2;
	s16 =	sadd.s32 $0x3200, s8;
	[dreg:$0x1c] =	wrdreg s11  }
0x1a: {  	s17 =	sadd.s32 s0, s6;
	s18 =	sadd.s32 $0x4B00, s8;
	[dreg:$0x1d] =	wrdreg s16  }
0x1b: {  	s26 =	simm.s32 $0xF100;
	s20 =	sadd.s32 $0x6400, s8;
	[dreg:$0x1e] =	wrdreg s18  }
0x1c: {  	s6 =	simm.s32 $0x10100;
	s23 =	sadd.s32 $0x7D00, s8;
	[dreg:$0x1f] =	wrdreg s20  }
0x1d: {  	s9 =	simm.s32 $0x5;
	s25 =	sadd.s32 $0x9600, s8;
	[smem:$0x7F4] =	sst s23  }
0x1e: {  	s24 =	simm.s32 $0x12100;
	s8 =	sadd.s32 $0xAF00, s8;
	[smem:$0x7F5] =	sst s25  }
0x1f: {  	s14 =	simm.s32 $0x3;
	s31 =	sadd.s32 $0x35600, s5;
	[smem:$0x7F6] =	sst s8  }
0x20: {  	s13 =	simm.s32 $0x6;
	s5 =	sadd.s32 $0x1400, s5;
	[smem:$0x7F7] =	sst s31  }
0x21: {  	s19 =	simm.s32 $0x4;
	s4 =	smax.u32 s4, $0x1;
	[smem:$0x7F8] =	sst s5  }
0x22: {  	s2 =	sadd.s32 $0x69800, s2;
	s11 =	simm.s32 $0xEC00;
	[smem:$0x7FC] =	sst s4  }
0x23: {  	s12 =	simm.s32 $0x7;
	s16 =	simm.s32 $0xEE00;
	[dreg:$0x10] =	wrdreg s11  }
0x24: {  	s18 =	simm.s32 $0xEE80;
	s20 =	sshrl.u32 s7, $0x3;
	[dreg:$0x13] =	wrdreg s16  }
0x25: {  	s23 =	simm.s32 $0xE800;
	s25 =	simm.s32 $0xEF80;
	[dreg:$0x14] =	wrdreg s18  }
0x26: {  	s7 =	simm.s32 $0x9;
	s8 =	simm.s32 $0x10900;
	[dreg:$0x16] =	wrdreg s23  }
0x27: {  	s4 =	simm.s32 $0x12900;
	s5 =	simm.s32 $0x0;
	[dreg:$0x18] =	wrdreg s25  }
0x28: {  	s31 =	sadd.s32 s20, s2;
	s2 =	simm.s32 $0xF900;
	s11 =	simm.s32 $0x11100  }
0x29: {  	v0 =	vimm.f32 $0.0e+00;
	s18 =	simm.s32 $0x11900;
	s20 =	simm.s32 $0x8;
	[smem:$0x7FD] =	sst s31  }
.LBB2_1:
0x2a: {  	[smem:$0x7F3] =	sst s5;
	s0 =	simm.s32 $0x40;
	s5 =	simm.s32 $0x0  }
.LBB2_2:
0x2b: {  	p0 =	sne.s32 s0, $0x63C0;
	[tilespmem:s5+$0xC800] =	vst v0;
	s5 =	smov.u32 s0;
	s0 =	sadd.s32 $0x40, s0  }
.Ltmp0:
0x2c: {  	(pc) =	sbr.rel @p0 .LBB2_2-.Ltmp0, $2  }
0x2d: {  	_ =	sdelay $0x2  }
0x2e: {  	s5 =	sshra.s32 s5, $0x2  }
0x2f: {  	[tilespmem:s5+$0xC800] =	vst v0;
	s31 =	simm.s32 $0xC800  }
0x30: {  	[spmem:s21] =	stream.linear.scatter [tilespmem:s31], [sflag:$0x9], $0x1900, $0x38;
	[tilespmem:$0x13100] =	vst v63  }
0x31: {  	_ =	swait.ge [sflag:s7], $0x1900  }
0x32: {  	[sflag:s7] =	ssyncset.done $0x0  }
0x33: {  	s0 =	rddreg [dreg:$0x1c];
	[sflag:s7] =	ssyncadd.s32 $0xFFFFE700  }
0x34: {  	[spmem:s0] =	stream.linear.scatter [tilespmem:s31], [sflag:$0x9], $0x1900, $0x38;
	[tilespmem:$0x13100] =	vst v63  }
0x35: {  	_ =	swait.ge [sflag:s7], $0x1900  }
0x36: {  	[sflag:s7] =	ssyncset.done $0x0  }
0x37: {  	s15 =	rddreg [dreg:$0x1d];
	[sflag:s7] =	ssyncadd.s32 $0xFFFFE700  }
0x38: {  	[spmem:s15] =	stream.linear.scatter [tilespmem:s31], [sflag:$0x9], $0x1900, $0x38;
	[tilespmem:$0x13100] =	vst v63  }
0x39: {  	_ =	swait.ge [sflag:s7], $0x1900  }
0x3a: {  	[sflag:s7] =	ssyncset.done $0x0  }
0x3b: {  	s16 =	rddreg [dreg:$0x1e];
	[sflag:s7] =	ssyncadd.s32 $0xFFFFE700  }
0x3c: {  	[spmem:s16] =	stream.linear.scatter [tilespmem:s31], [sflag:$0x9], $0x1900, $0x38;
	[tilespmem:$0x13100] =	vst v63  }
0x3d: {  	_ =	swait.ge [sflag:s7], $0x1900  }
0x3e: {  	[sflag:s7] =	ssyncset.done $0x0  }
0x3f: {  	s21 =	rddreg [dreg:$0x1f];
	[sflag:s7] =	ssyncadd.s32 $0xFFFFE700  }
0x40: {  	[spmem:s21] =	stream.linear.scatter [tilespmem:s31], [sflag:$0x9], $0x1900, $0x38;
	[tilespmem:$0x13100] =	vst v63  }
0x41: {  	_ =	swait.ge [sflag:s7], $0x1900  }
0x42: {  	s23 =	sld [smem:$0x7F4]  }
0x43: {  	[sflag:s7] =	ssyncset.done $0x0  }
0x44: {  	[sflag:s7] =	ssyncadd.s32 $0xFFFFE700  }
0x45: {  	[spmem:s23] =	stream.linear.scatter [tilespmem:s31], [sflag:$0x9], $0x1900, $0x38;
	[tilespmem:$0x13100] =	vst v63  }
0x46: {  	_ =	swait.ge [sflag:s7], $0x1900  }
0x47: {  	s25 =	sld [smem:$0x7F5]  }
0x48: {  	[sflag:s7] =	ssyncset.done $0x0  }
0x49: {  	[sflag:s7] =	ssyncadd.s32 $0xFFFFE700  }
0x4a: {  	[spmem:s25] =	stream.linear.scatter [tilespmem:s31], [sflag:$0x9], $0x1900, $0x38;
	[tilespmem:$0x13100] =	vst v63  }
0x4b: {  	_ =	swait.ge [sflag:s7], $0x1900  }
0x4c: {  	s28 =	sld [smem:$0x7F6]  }
0x4d: {  	[sflag:s7] =	ssyncset.done $0x0  }
0x4e: {  	[sflag:s7] =	ssyncadd.s32 $0xFFFFE700  }
0x4f: {  	[spmem:s28] =	stream.linear.scatter [tilespmem:s31], [sflag:$0x9], $0x1900, $0x38;
	[tilespmem:$0x13100] =	vst v63  }
0x50: {  	_ =	swait.ge [sflag:s7], $0x1900  }
0x51: {  	[sflag:s7] =	ssyncset.done $0x0  }
0x52: {  	[sflag:s7] =	ssyncadd.s32 $0xFFFFE700  }
0x53: {  	[bflag:$0x0] =	sbarrier.arrive $0xFFFF  }
0x54: {  	s7 =	sld [smem:$0x7F7]  }
0x55: {  	s21 =	sld [smem:$0x7FA];
	_ =	sdelay $0x2  }
0x56: {  	s5 =	simm.s32 $0x0;
	s31 =	sadd.s32 s21, s7  }
0x57: {  	[tilespmem:s22], [sflag:$0x1] =	stream.linear.gather [hbm4b:s31+s5], $0x200, $0x38;
	[tilespmem:$0x13100] =	vst v63  }
0x58: {  	s22 =	sld [smem:$0x7F8];
	_ =	sdelay $0x1  }
0x59: {  	s16 =	sld [smem:$0x7F9]  }
0x5a: {  	s23 =	simm.s32 $0xE900;
	s25 =	simm.s32 $0xE300;
	s15 =	sadd.s32 s21, s22  }
0x5b: {  	[tilespmem:s23], [sflag:$0x1] =	stream.linear.gather [hbm4b:s15+s5], $0x200, $0x38;
	[tilespmem:$0x13100] =	vst v63  }
0x5c: {  	s28 =	sadd.s32 s16, s7;
	s31 =	sadd.s32 s16, s22;
	s16 =	sld [smem:$0x7FB]  }
0x5d: {  	[tilespmem:s25], [sflag:$0x2] =	stream.linear.gather [hbm4b:s28+s5], $0x200, $0x38;
	[tilespmem:$0x13100] =	vst v63  }
0x5e: {  	s15 =	simm.s32 $0xEB00  }
0x5f: {  	[tilespmem:s15], [sflag:$0x2] =	stream.linear.gather [hbm4b:s31+s5], $0x200, $0x38;
	[tilespmem:$0x13100] =	vst v63  }
0x60: {  	s25 =	sadd.s32 s16, s7;
	s28 =	simm.s32 $0xE500  }
0x61: {  	[tilespmem:s28], [sflag:$0x3] =	stream.linear.gather [hbm4b:s25+s5], $0x200, $0x38;
	[tilespmem:$0x13100] =	vst v63  }
0x62: {  	s31 =	sadd.s32 s16, s22;
	s28 =	simm.s32 $0xED00  }
0x63: {  	[tilespmem:s28], [sflag:$0x3] =	stream.linear.gather [hbm4b:s31+s5], $0x200, $0x38;
	[tilespmem:$0x13100] =	vst v63  }
0x64: {  	_ =	swait.ge [sflag:s29], $0x200  }
0x65: {  	[sflag:s29] =	ssyncset.done $0x0  }
0x66: {  	[sflag:s29] =	ssyncadd.s32 $0xFFFFFE00  }
0x67: {  	_ =	swait.ge [sflag:s29], $0x200  }
0x68: {  	[sflag:s29] =	ssyncset.done $0x0  }
0x69: {  	s15 =	simm.s32 $0xE100;
	[sflag:s29] =	ssyncadd.s32 $0xFFFFFE00  }
0x6a: {  	[tilespmem:s26], [sflag:$0x5] =	stream.indirect.gather [hbm4b:s17+s30], $0x10, s15, s30, $0xb8;
	[tilespmem:$0x13100] =	vst v63  }
0x6b: {  	s16 =	simm.s32 $0xE180;
	s15 =	sadd.s32 s22, s21  }
0x6c: {  	[tilespmem:s2], [sflag:$0x5] =	stream.indirect.gather [hbm4b:s17+s30], $0x10, s16, s30, $0xb8;
	[tilespmem:$0x13100] =	vst v63  }
0x6d: {  	s31 =	simm.s32 $0xE200;
	[dreg:$0x4] =	wrdreg s15;
	s16 =	sadd.s32 s7, s21  }
0x6e: {  	[tilespmem:s6], [sflag:$0x5] =	stream.indirect.gather [hbm4b:s17+s30], $0x10, s31, s30, $0xb8;
	[tilespmem:$0x13100] =	vst v63  }
0x6f: {  	s5 =	simm.s32 $0xE280;
	[dreg:$0x5] =	wrdreg s16  }
0x70: {  	[tilespmem:s8], [sflag:$0x5] =	stream.indirect.gather [hbm4b:s17+s30], $0x10, s5, s30, $0xb8;
	[tilespmem:$0x13100] =	vst v63  }
0x71: {  	_ =	swait.ge [sflag:s9], $0x800  }
0x72: {  	[sflag:s9] =	ssyncset.done $0x0  }
0x73: {  	[sflag:s9] =	ssyncadd.s32 $0xFFFFF800  }
0x74: {  	_ =	swait.ge [sflag:s9], $0x800  }
0x75: {  	[sflag:s9] =	ssyncset.done $0x0  }
0x76: {  	[sflag:s9] =	ssyncadd.s32 $0xFFFFF800  }
0x77: {  	_ =	swait.ge [sflag:s9], $0x800  }
0x78: {  	[sflag:s9] =	ssyncset.done $0x0  }
0x79: {  	[sflag:s9] =	ssyncadd.s32 $0xFFFFF800  }
0x7a: {  	_ =	swait.ge [sflag:s9], $0x800  }
0x7b: {  	[sflag:s9] =	ssyncset.done $0x0  }
0x7c: {  	s25 =	simm.s32 $0xE900;
	[sflag:s9] =	ssyncadd.s32 $0xFFFFF800  }
0x7d: {  	[spmem:s1] =	stream.indirect.scatter.add.f32 [tilespmem:s26], [sflag:$0x7], $0x10, s25, s30, $0xb8;
	[tilespmem:$0x13100] =	vst v63  }
0x7e: {  	s21 =	rddreg [dreg:$0x6]  }
0x7f: {  	[spmem:s1] =	stream.indirect.scatter.add.f32 [tilespmem:s2], [sflag:$0x7], $0x10, s21, s30, $0xb8;
	[tilespmem:$0x13100] =	vst v63  }
0x80: {  	s31 =	rddreg [dreg:$0x7]  }
0x81: {  	[spmem:s1] =	stream.indirect.scatter.add.f32 [tilespmem:s6], [sflag:$0x7], $0x10, s31, s30, $0xb8;
	[tilespmem:$0x13100] =	vst v63  }
0x82: {  	s7 =	rddreg [dreg:$0x8]  }
0x83: {  	[spmem:s1] =	stream.indirect.scatter.add.f32 [tilespmem:s8], [sflag:$0x7], $0x10, s7, s30, $0xb8;
	[tilespmem:$0x13100] =	vst v63  }
0x84: {  	_ =	swait.ge [sflag:s10], $0x200  }
0x85: {  	[sflag:s10] =	ssyncset.done $0x0  }
0x86: {  	[sflag:s10] =	ssyncadd.s32 $0xFFFFFE00  }
0x87: {  	_ =	swait.ge [sflag:s10], $0x200  }
0x88: {  	p0 =	por $0x1, $0x1;
	[sflag:s10] =	ssyncset.done $0x0  }
0x89: {  	s0 =	simm.s32 @!p0 $0x8;
	[sflag:s10] =	ssyncadd.s32 $0xFFFFFE00  }
0x8a: {  	_ =	swait.ge @!p0 [sflag:s0], $0x800  }
0x8b: {  	[sflag:s0] =	ssyncset.done @!p0 $0x0  }
0x8c: {  	[sflag:s0] =	ssyncadd.s32 @!p0 $0xFFFFF800  }
0x8d: {  	_ =	swait.ge @!p0 [sflag:s0], $0x800  }
0x8e: {  	[sflag:s0] =	ssyncset.done @!p0 $0x0  }
0x8f: {  	[sflag:s0] =	ssyncadd.s32 @!p0 $0xFFFFF800  }
0x90: {  	_ =	swait.ge @!p0 [sflag:s0], $0x800  }
0x91: {  	[sflag:s0] =	ssyncset.done @!p0 $0x0  }
0x92: {  	[sflag:s0] =	ssyncadd.s32 @!p0 $0xFFFFF800  }
0x93: {  	_ =	swait.ge @!p0 [sflag:s0], $0x800  }
0x94: {  	[sflag:s0] =	ssyncset.done @!p0 $0x0;
	s15 =	rddreg [dreg:$0x5]  }
0x95: {  	s23 =	simm.s32 $0xE300;
	s16 =	rddreg [dreg:$0x9];
	[sflag:s0] =	ssyncadd.s32 @!p0 $0xFFFFF800  }
0x96: {  	[tilespmem:s11], [sflag:$0x6] =	stream.indirect.gather [hbm4b:s17+s30], $0x10, s23, s30, $0xb8;
	[tilespmem:$0x13100] =	vst v63  }
0x97: {  	s21 =	rddreg [dreg:$0xa]  }
0x98: {  	[tilespmem:s18], [sflag:$0x6] =	stream.indirect.gather [hbm4b:s17+s30], $0x10, s16, s30, $0xb8;
	[tilespmem:$0x13100] =	vst v63  }
0x99: {  	s26 =	rddreg [dreg:$0xb]  }
0x9a: {  	[tilespmem:s24], [sflag:$0x6] =	stream.indirect.gather [hbm4b:s17+s30], $0x10, s21, s30, $0xb8;
	[tilespmem:$0x13100] =	vst v63  }
0x9b: {  	s31 =	rddreg [dreg:$0x4];
	s15 =	sadd.s32 $0x0, s15  }
0x9c: {  	[tilespmem:s4], [sflag:$0x6] =	stream.indirect.gather [hbm4b:s17+s30], $0x10, s26, s30, $0xb8;
	[tilespmem:$0x13100] =	vst v63  }
0x9d: {  	s7 =	sadd.s32 $0x0, s31;
	s2 =	sadd.s32 $0xC0, s15;
	s21 =	simm.s32 $0xE700  }
0x9e: {  	[tilespmem:s21], [sflag:$0x4] =	stream.linear.gather [hbm4b:s2+s3], $0x200, $0x38;
	[tilespmem:$0x13100] =	vst v63  }
0x9f: {  	s5 =	sadd.s32 $0xC0, s7;
	s26 =	simm.s32 $0xEF00  }
0xa0: {  	[tilespmem:s26], [sflag:$0x4] =	stream.linear.gather [hbm4b:s5+s3], $0x200, $0x38;
	[tilespmem:$0x13100] =	vst v63  }
0xa1: {  	_ =	swait.ge [sflag:s12], $0x800  }
0xa2: {  	[sflag:s12] =	ssyncset.done $0x0  }
0xa3: {  	[sflag:s12] =	ssyncadd.s32 $0xFFFFF800  }
0xa4: {  	_ =	swait.ge [sflag:s12], $0x800  }
0xa5: {  	[sflag:s12] =	ssyncset.done $0x0  }
0xa6: {  	[sflag:s12] =	ssyncadd.s32 $0xFFFFF800  }
0xa7: {  	_ =	swait.ge [sflag:s12], $0x800  }
0xa8: {  	[sflag:s12] =	ssyncset.done $0x0  }
0xa9: {  	[sflag:s12] =	ssyncadd.s32 $0xFFFFF800  }
0xaa: {  	_ =	swait.ge [sflag:s12], $0x800  }
0xab: {  	[sflag:s12] =	ssyncset.done $0x0  }
0xac: {  	[sflag:s12] =	ssyncadd.s32 $0xFFFFF800  }
0xad: {  	_ =	swait.ge [sflag:s14], $0x200  }
0xae: {  	[sflag:s14] =	ssyncset.done $0x0  }
0xaf: {  	[sflag:s14] =	ssyncadd.s32 $0xFFFFFE00  }
0xb0: {  	_ =	swait.ge [sflag:s14], $0x200  }
0xb1: {  	[sflag:s14] =	ssyncset.done $0x0  }
0xb2: {  	s16 =	simm.s32 $0xF100;
	s2 =	simm.s32 $0xE500;
	[sflag:s14] =	ssyncadd.s32 $0xFFFFFE00  }
0xb3: {  	[tilespmem:s16], [sflag:$0x5] =	stream.indirect.gather [hbm4b:s17+s30], $0x10, s2, s30, $0xb8;
	[tilespmem:$0x13100] =	vst v63  }
0xb4: {  	s31 =	simm.s32 $0xF900;
	s5 =	rddreg [dreg:$0xc]  }
0xb5: {  	[tilespmem:s31], [sflag:$0x5] =	stream.indirect.gather [hbm4b:s17+s30], $0x10, s5, s30, $0xb8;
	[tilespmem:$0x13100] =	vst v63  }
0xb6: {  	s0 =	rddreg [dreg:$0xd]  }
0xb7: {  	[tilespmem:s6], [sflag:$0x5] =	stream.indirect.gather [hbm4b:s17+s30], $0x10, s0, s30, $0xb8;
	[tilespmem:$0x13100] =	vst v63  }
0xb8: {  	s2 =	rddreg [dreg:$0xe]  }
0xb9: {  	[tilespmem:s8], [sflag:$0x5] =	stream.indirect.gather [hbm4b:s17+s30], $0x10, s2, s30, $0xb8;
	[tilespmem:$0x13100] =	vst v63  }
0xba: {  	s22 =	simm.s32 $0xE100;
	s2 =	sadd.s32 $0x100, s15  }
0xbb: {  	[tilespmem:s22], [sflag:$0x1] =	stream.linear.gather [hbm4b:s2+s3], $0x200, $0x38;
	[tilespmem:$0x13100] =	vst v63  }
0xbc: {  	s5 =	sadd.s32 $0x100, s7  }
0xbd: {  	[tilespmem:s25], [sflag:$0x1] =	stream.linear.gather [hbm4b:s5+s3], $0x200, $0x38;
	[tilespmem:$0x13100] =	vst v63  }
0xbe: {  	_ =	swait.ge [sflag:s13], $0x800  }
0xbf: {  	[sflag:s13] =	ssyncset.done $0x0  }
0xc0: {  	[sflag:s13] =	ssyncadd.s32 $0xFFFFF800  }
0xc1: {  	_ =	swait.ge [sflag:s13], $0x800  }
0xc2: {  	[sflag:s13] =	ssyncset.done $0x0  }
0xc3: {  	[sflag:s13] =	ssyncadd.s32 $0xFFFFF800  }
0xc4: {  	_ =	swait.ge [sflag:s13], $0x800  }
0xc5: {  	[sflag:s13] =	ssyncset.done $0x0  }
0xc6: {  	[sflag:s13] =	ssyncadd.s32 $0xFFFFF800  }
0xc7: {  	_ =	swait.ge [sflag:s13], $0x800  }
0xc8: {  	[sflag:s13] =	ssyncset.done $0x0  }
0xc9: {  	s2 =	simm.s32 $0xEB00;
	[sflag:s13] =	ssyncadd.s32 $0xFFFFF800  }
0xca: {  	[spmem:s1] =	stream.indirect.scatter.add.f32 [tilespmem:s11], [sflag:$0x8], $0x10, s2, s30, $0xb8;
	[tilespmem:$0x13100] =	vst v63  }
0xcb: {  	s0 =	rddreg [dreg:$0xf]  }
0xcc: {  	[spmem:s1] =	stream.indirect.scatter.add.f32 [tilespmem:s18], [sflag:$0x8], $0x10, s0, s30, $0xb8;
	[tilespmem:$0x13100] =	vst v63  }
0xcd: {  	s5 =	rddreg [dreg:$0x10]  }
0xce: {  	[spmem:s1] =	stream.indirect.scatter.add.f32 [tilespmem:s24], [sflag:$0x8], $0x10, s5, s30, $0xb8;
	[tilespmem:$0x13100] =	vst v63  }
0xcf: {  	s0 =	rddreg [dreg:$0x11]  }
0xd0: {  	[spmem:s1] =	stream.indirect.scatter.add.f32 [tilespmem:s4], [sflag:$0x8], $0x10, s0, s30, $0xb8;
	[tilespmem:$0x13100] =	vst v63  }
0xd1: {  	_ =	swait.ge [sflag:s9], $0x800  }
0xd2: {  	[sflag:s9] =	ssyncset.done $0x0  }
0xd3: {  	[sflag:s9] =	ssyncadd.s32 $0xFFFFF800  }
0xd4: {  	_ =	swait.ge [sflag:s9], $0x800  }
0xd5: {  	[sflag:s9] =	ssyncset.done $0x0  }
0xd6: {  	[sflag:s9] =	ssyncadd.s32 $0xFFFFF800  }
0xd7: {  	_ =	swait.ge [sflag:s9], $0x800  }
0xd8: {  	[sflag:s9] =	ssyncset.done $0x0  }
0xd9: {  	[sflag:s9] =	ssyncadd.s32 $0xFFFFF800  }
0xda: {  	_ =	swait.ge [sflag:s9], $0x800  }
0xdb: {  	[sflag:s9] =	ssyncset.done $0x0  }
0xdc: {  	[sflag:s9] =	ssyncadd.s32 $0xFFFFF800  }
0xdd: {  	[spmem:s1] =	stream.indirect.scatter.add.f32 [tilespmem:s16], [sflag:$0x7], $0x10, s28, s30, $0xb8;
	[tilespmem:$0x13100] =	vst v63  }
0xde: {  	s0 =	rddreg [dreg:$0x12]  }
0xdf: {  	[spmem:s1] =	stream.indirect.scatter.add.f32 [tilespmem:s31], [sflag:$0x7], $0x10, s0, s30, $0xb8;
	[tilespmem:$0x13100] =	vst v63  }
0xe0: {  	s5 =	rddreg [dreg:$0x13]  }
0xe1: {  	[spmem:s1] =	stream.indirect.scatter.add.f32 [tilespmem:s6], [sflag:$0x7], $0x10, s5, s30, $0xb8;
	[tilespmem:$0x13100] =	vst v63  }
0xe2: {  	s31 =	rddreg [dreg:$0x14]  }
0xe3: {  	[spmem:s1] =	stream.indirect.scatter.add.f32 [tilespmem:s8], [sflag:$0x7], $0x10, s31, s30, $0xb8;
	[tilespmem:$0x13100] =	vst v63  }
0xe4: {  	_ =	swait.ge [sflag:s19], $0x200  }
0xe5: {  	[sflag:s19] =	ssyncset.done $0x0  }
0xe6: {  	[sflag:s19] =	ssyncadd.s32 $0xFFFFFE00  }
0xe7: {  	_ =	swait.ge [sflag:s19], $0x200  }
0xe8: {  	[sflag:s19] =	ssyncset.done $0x0  }
0xe9: {  	[sflag:s19] =	ssyncadd.s32 $0xFFFFFE00  }
0xea: {  	_ =	swait.ge [sflag:s20], $0x800  }
0xeb: {  	[sflag:s20] =	ssyncset.done $0x0  }
0xec: {  	[sflag:s20] =	ssyncadd.s32 $0xFFFFF800  }
0xed: {  	_ =	swait.ge [sflag:s20], $0x800  }
0xee: {  	[sflag:s20] =	ssyncset.done $0x0  }
0xef: {  	[sflag:s20] =	ssyncadd.s32 $0xFFFFF800  }
0xf0: {  	_ =	swait.ge [sflag:s20], $0x800  }
0xf1: {  	[sflag:s20] =	ssyncset.done $0x0  }
0xf2: {  	[sflag:s20] =	ssyncadd.s32 $0xFFFFF800  }
0xf3: {  	_ =	swait.ge [sflag:s20], $0x800  }
0xf4: {  	[sflag:s20] =	ssyncset.done $0x0  }
0xf5: {  	[sflag:s20] =	ssyncadd.s32 $0xFFFFF800  }
0xf6: {  	[tilespmem:s11], [sflag:$0x6] =	stream.indirect.gather [hbm4b:s17+s30], $0x10, s21, s30, $0xb8;
	[tilespmem:$0x13100] =	vst v63  }
0xf7: {  	s5 =	rddreg [dreg:$0x15]  }
0xf8: {  	[tilespmem:s18], [sflag:$0x6] =	stream.indirect.gather [hbm4b:s17+s30], $0x10, s5, s30, $0xb8;
	[tilespmem:$0x13100] =	vst v63  }
0xf9: {  	s21 =	rddreg [dreg:$0x16]  }
0xfa: {  	[tilespmem:s24], [sflag:$0x6] =	stream.indirect.gather [hbm4b:s17+s30], $0x10, s21, s30, $0xb8;
	[tilespmem:$0x13100] =	vst v63  }
0xfb: {  	s31 =	rddreg [dreg:$0x17]  }
0xfc: {  	[tilespmem:s4], [sflag:$0x6] =	stream.indirect.gather [hbm4b:s17+s30], $0x10, s31, s30, $0xb8;
	[tilespmem:$0x13100] =	vst v63  }
0xfd: {  	s5 =	sadd.s32 $0x140, s15  }
0xfe: {  	[tilespmem:s23], [sflag:$0x2] =	stream.linear.gather [hbm4b:s5+s3], $0x200, $0x38;
	[tilespmem:$0x13100] =	vst v63  }
0xff: {  	s21 =	sadd.s32 $0x140, s7  }
0x100: {  	[tilespmem:s2], [sflag:$0x2] =	stream.linear.gather [hbm4b:s21+s3], $0x200, $0x38;
	[tilespmem:$0x13100] =	vst v63  }
0x101: {  	_ =	swait.ge [sflag:s12], $0x800  }
0x102: {  	[sflag:s12] =	ssyncset.done $0x0  }
0x103: {  	[sflag:s12] =	ssyncadd.s32 $0xFFFFF800  }
0x104: {  	_ =	swait.ge [sflag:s12], $0x800  }
0x105: {  	[sflag:s12] =	ssyncset.done $0x0  }
0x106: {  	[sflag:s12] =	ssyncadd.s32 $0xFFFFF800  }
0x107: {  	_ =	swait.ge [sflag:s12], $0x800  }
0x108: {  	[sflag:s12] =	ssyncset.done $0x0  }
0x109: {  	[sflag:s12] =	ssyncadd.s32 $0xFFFFF800  }
0x10a: {  	_ =	swait.ge [sflag:s12], $0x800  }
0x10b: {  	[sflag:s12] =	ssyncset.done $0x0  }
0x10c: {  	[sflag:s12] =	ssyncadd.s32 $0xFFFFF800  }
0x10d: {  	_ =	swait.ge [sflag:s29], $0x200  }
0x10e: {  	[sflag:s29] =	ssyncset.done $0x0  }
0x10f: {  	[sflag:s29] =	ssyncadd.s32 $0xFFFFFE00  }
0x110: {  	_ =	swait.ge [sflag:s29], $0x200  }
0x111: {  	[sflag:s29] =	ssyncset.done $0x0  }
0x112: {  	s22 =	simm.s32 $0xE100;
	[sflag:s29] =	ssyncadd.s32 $0xFFFFFE00  }
0x113: {  	[tilespmem:s16], [sflag:$0x5] =	stream.indirect.gather [hbm4b:s17+s30], $0x10, s22, s30, $0xb8;
	[tilespmem:$0x13100] =	vst v63  }
0x114: {  	s2 =	simm.s32 $0xF900;
	s22 =	simm.s32 $0xE180  }
0x115: {  	[tilespmem:s2], [sflag:$0x5] =	stream.indirect.gather [hbm4b:s17+s30], $0x10, s22, s30, $0xb8;
	[tilespmem:$0x13100] =	vst v63  }
0x116: {  	s31 =	simm.s32 $0xE200  }
0x117: {  	[tilespmem:s6], [sflag:$0x5] =	stream.indirect.gather [hbm4b:s17+s30], $0x10, s31, s30, $0xb8;
	[tilespmem:$0x13100] =	vst v63  }
0x118: {  	s5 =	simm.s32 $0xE280  }
0x119: {  	[tilespmem:s8], [sflag:$0x5] =	stream.indirect.gather [hbm4b:s17+s30], $0x10, s5, s30, $0xb8;
	[tilespmem:$0x13100] =	vst v63  }
0x11a: {  	s21 =	simm.s32 $0xE500;
	s16 =	sadd.s32 $0x180, s15  }
0x11b: {  	[tilespmem:s21], [sflag:$0x3] =	stream.linear.gather [hbm4b:s16+s3], $0x200, $0x38;
	[tilespmem:$0x13100] =	vst v63  }
0x11c: {  	s22 =	sadd.s32 $0x180, s7  }
0x11d: {  	[tilespmem:s28], [sflag:$0x3] =	stream.linear.gather [hbm4b:s22+s3], $0x200, $0x38;
	[tilespmem:$0x13100] =	vst v63  }
0x11e: {  	_ =	swait.ge [sflag:s13], $0x800  }
0x11f: {  	[sflag:s13] =	ssyncset.done $0x0  }
0x120: {  	[sflag:s13] =	ssyncadd.s32 $0xFFFFF800  }
0x121: {  	_ =	swait.ge [sflag:s13], $0x800  }
0x122: {  	[sflag:s13] =	ssyncset.done $0x0  }
0x123: {  	[sflag:s13] =	ssyncadd.s32 $0xFFFFF800  }
0x124: {  	_ =	swait.ge [sflag:s13], $0x800  }
0x125: {  	[sflag:s13] =	ssyncset.done $0x0  }
0x126: {  	[sflag:s13] =	ssyncadd.s32 $0xFFFFF800  }
0x127: {  	_ =	swait.ge [sflag:s13], $0x800  }
0x128: {  	[sflag:s13] =	ssyncset.done $0x0  }
0x129: {  	s28 =	rddreg [dreg:$0x18];
	[sflag:s13] =	ssyncadd.s32 $0xFFFFF800  }
0x12a: {  	[spmem:s1] =	stream.indirect.scatter.add.f32 [tilespmem:s11], [sflag:$0x8], $0x10, s26, s30, $0xb8;
	[tilespmem:$0x13100] =	vst v63  }
0x12b: {  	s31 =	rddreg [dreg:$0x19]  }
0x12c: {  	[spmem:s1] =	stream.indirect.scatter.add.f32 [tilespmem:s18], [sflag:$0x8], $0x10, s28, s30, $0xb8;
	[tilespmem:$0x13100] =	vst v63  }
0x12d: {  	s0 =	simm.s32 $0x100;
	s5 =	rddreg [dreg:$0x1a];
	s26 =	simm.s32 $0xF100  }
0x12e: {  	[spmem:s1] =	stream.indirect.scatter.add.f32 [tilespmem:s24], [sflag:$0x8], $0x10, s31, s30, $0xb8;
	[tilespmem:$0x13100] =	vst v63  }
.LBB2_4:
0x12f: {  	[spmem:s1] =	stream.indirect.scatter.add.f32 [tilespmem:s4], [sflag:$0x8], $0x10, s5, s30, $0xb8;
	[tilespmem:$0x13100] =	vst v63  }
0x130: {  	_ =	swait.ge [sflag:s9], $0x800  }
0x131: {  	[sflag:s9] =	ssyncset.done $0x0  }
0x132: {  	[sflag:s9] =	ssyncadd.s32 $0xFFFFF800  }
0x133: {  	_ =	swait.ge [sflag:s9], $0x800  }
0x134: {  	[sflag:s9] =	ssyncset.done $0x0  }
0x135: {  	[sflag:s9] =	ssyncadd.s32 $0xFFFFF800  }
0x136: {  	_ =	swait.ge [sflag:s9], $0x800  }
0x137: {  	[sflag:s9] =	ssyncset.done $0x0  }
0x138: {  	[sflag:s9] =	ssyncadd.s32 $0xFFFFF800  }
0x139: {  	_ =	swait.ge [sflag:s9], $0x800  }
0x13a: {  	[sflag:s9] =	ssyncset.done $0x0  }
0x13b: {  	[sflag:s9] =	ssyncadd.s32 $0xFFFFF800  }
0x13c: {  	[spmem:s1] =	stream.indirect.scatter.add.f32 [tilespmem:s26], [sflag:$0x7], $0x10, s25, s30, $0xb8;
	[tilespmem:$0x13100] =	vst v63  }
0x13d: {  	s31 =	rddreg [dreg:$0x6]  }
0x13e: {  	[spmem:s1] =	stream.indirect.scatter.add.f32 [tilespmem:s2], [sflag:$0x7], $0x10, s31, s30, $0xb8;
	[tilespmem:$0x13100] =	vst v63  }
0x13f: {  	s21 =	rddreg [dreg:$0x7]  }
0x140: {  	[spmem:s1] =	stream.indirect.scatter.add.f32 [tilespmem:s6], [sflag:$0x7], $0x10, s21, s30, $0xb8;
	[tilespmem:$0x13100] =	vst v63  }
0x141: {  	s2 =	rddreg [dreg:$0x8]  }
0x142: {  	[spmem:s1] =	stream.indirect.scatter.add.f32 [tilespmem:s8], [sflag:$0x7], $0x10, s2, s30, $0xb8;
	[tilespmem:$0x13100] =	vst v63  }
0x143: {  	_ =	swait.ge [sflag:s10], $0x200  }
0x144: {  	[sflag:s10] =	ssyncset.done $0x0  }
0x145: {  	[sflag:s10] =	ssyncadd.s32 $0xFFFFFE00  }
0x146: {  	s7 =	smov.u32 s0;
	_ =	swait.ge [sflag:s10], $0x200  }
0x147: {  	p1 =	seq.s32 s7, $0x0;
	[sflag:s10] =	ssyncset.done $0x0  }
0x148: {  	s5 =	simm.s32 @!p1 $0x8;
	[sflag:s10] =	ssyncadd.s32 $0xFFFFFE00  }
0x149: {  	_ =	swait.ge @!p1 [sflag:s5], $0x800  }
0x14a: {  	[sflag:s5] =	ssyncset.done @!p1 $0x0  }
0x14b: {  	[sflag:s5] =	ssyncadd.s32 @!p1 $0xFFFFF800  }
0x14c: {  	_ =	swait.ge @!p1 [sflag:s5], $0x800  }
0x14d: {  	[sflag:s5] =	ssyncset.done @!p1 $0x0  }
0x14e: {  	[sflag:s5] =	ssyncadd.s32 @!p1 $0xFFFFF800  }
0x14f: {  	_ =	swait.ge @!p1 [sflag:s5], $0x800  }
0x150: {  	[sflag:s5] =	ssyncset.done @!p1 $0x0  }
0x151: {  	[sflag:s5] =	ssyncadd.s32 @!p1 $0xFFFFF800  }
0x152: {  	_ =	swait.ge @!p1 [sflag:s5], $0x800  }
0x153: {  	[sflag:s5] =	ssyncset.done @!p1 $0x0;
	s15 =	rddreg [dreg:$0x5]  }
0x154: {  	s22 =	rddreg [dreg:$0x9];
	[sflag:s5] =	ssyncadd.s32 @!p1 $0xFFFFF800  }
0x155: {  	[tilespmem:s11], [sflag:$0x6] =	stream.indirect.gather [hbm4b:s17+s30], $0x10, s23, s30, $0xb8;
	[tilespmem:$0x13100] =	vst v63  }
0x156: {  	s16 =	rddreg [dreg:$0xa]  }
0x157: {  	[tilespmem:s18], [sflag:$0x6] =	stream.indirect.gather [hbm4b:s17+s30], $0x10, s22, s30, $0xb8;
	[tilespmem:$0x13100] =	vst v63  }
0x158: {  	s26 =	rddreg [dreg:$0xb]  }
0x159: {  	[tilespmem:s24], [sflag:$0x6] =	stream.indirect.gather [hbm4b:s17+s30], $0x10, s16, s30, $0xb8;
	[tilespmem:$0x13100] =	vst v63  }
0x15a: {  	s28 =	rddreg [dreg:$0x4];
	s5 =	sadd.s32 s7, s15  }
0x15b: {  	[tilespmem:s4], [sflag:$0x6] =	stream.indirect.gather [hbm4b:s17+s30], $0x10, s26, s30, $0xb8;
	[tilespmem:$0x13100] =	vst v63  }
0x15c: {  	s7 =	sadd.s32 s7, s28;
	s31 =	sadd.s32 $0xC0, s5;
	s26 =	simm.s32 $0xE700  }
0x15d: {  	[tilespmem:s26], [sflag:$0x4] =	stream.linear.gather [hbm4b:s31+s3], $0x200, $0x38;
	[tilespmem:$0x13100] =	vst v63  }
0x15e: {  	s15 =	sadd.s32 $0xC0, s7;
	s31 =	simm.s32 $0xEF00  }
0x15f: {  	[tilespmem:s31], [sflag:$0x4] =	stream.linear.gather [hbm4b:s15+s3], $0x200, $0x38;
	[tilespmem:$0x13100] =	vst v63  }
0x160: {  	_ =	swait.ge [sflag:s12], $0x800  }
0x161: {  	[sflag:s12] =	ssyncset.done $0x0  }
0x162: {  	[sflag:s12] =	ssyncadd.s32 $0xFFFFF800  }
0x163: {  	_ =	swait.ge [sflag:s12], $0x800  }
0x164: {  	[sflag:s12] =	ssyncset.done $0x0  }
0x165: {  	[sflag:s12] =	ssyncadd.s32 $0xFFFFF800  }
0x166: {  	_ =	swait.ge [sflag:s12], $0x800  }
0x167: {  	[sflag:s12] =	ssyncset.done $0x0  }
0x168: {  	[sflag:s12] =	ssyncadd.s32 $0xFFFFF800  }
0x169: {  	_ =	swait.ge [sflag:s12], $0x800  }
0x16a: {  	[sflag:s12] =	ssyncset.done $0x0  }
0x16b: {  	[sflag:s12] =	ssyncadd.s32 $0xFFFFF800  }
0x16c: {  	_ =	swait.ge [sflag:s14], $0x200  }
0x16d: {  	[sflag:s14] =	ssyncset.done $0x0  }
0x16e: {  	[sflag:s14] =	ssyncadd.s32 $0xFFFFFE00  }
0x16f: {  	_ =	swait.ge [sflag:s14], $0x200  }
0x170: {  	[sflag:s14] =	ssyncset.done $0x0  }
0x171: {  	s2 =	simm.s32 $0xF100;
	s15 =	simm.s32 $0xE500;
	[sflag:s14] =	ssyncadd.s32 $0xFFFFFE00  }
0x172: {  	[tilespmem:s2], [sflag:$0x5] =	stream.indirect.gather [hbm4b:s17+s30], $0x10, s15, s30, $0xb8;
	[tilespmem:$0x13100] =	vst v63  }
0x173: {  	s16 =	simm.s32 $0xF900;
	s22 =	rddreg [dreg:$0xc]  }
0x174: {  	[tilespmem:s16], [sflag:$0x5] =	stream.indirect.gather [hbm4b:s17+s30], $0x10, s22, s30, $0xb8;
	[tilespmem:$0x13100] =	vst v63  }
0x175: {  	s28 =	rddreg [dreg:$0xd]  }
0x176: {  	[tilespmem:s6], [sflag:$0x5] =	stream.indirect.gather [hbm4b:s17+s30], $0x10, s28, s30, $0xb8;
	[tilespmem:$0x13100] =	vst v63  }
0x177: {  	s23 =	rddreg [dreg:$0xe]  }
0x178: {  	[tilespmem:s8], [sflag:$0x5] =	stream.indirect.gather [hbm4b:s17+s30], $0x10, s23, s30, $0xb8;
	[tilespmem:$0x13100] =	vst v63  }
0x179: {  	s25 =	simm.s32 $0xE100;
	s28 =	sadd.s32 $0x100, s5  }
0x17a: {  	[tilespmem:s25], [sflag:$0x1] =	stream.linear.gather [hbm4b:s28+s3], $0x200, $0x38;
	[tilespmem:$0x13100] =	vst v63  }
0x17b: {  	s16 =	sadd.s32 $0x100, s7;
	s25 =	simm.s32 $0xE900  }
0x17c: {  	[tilespmem:s25], [sflag:$0x1] =	stream.linear.gather [hbm4b:s16+s3], $0x200, $0x38;
	[tilespmem:$0x13100] =	vst v63  }
0x17d: {  	_ =	swait.ge [sflag:s13], $0x800  }
0x17e: {  	[sflag:s13] =	ssyncset.done $0x0  }
0x17f: {  	[sflag:s13] =	ssyncadd.s32 $0xFFFFF800  }
0x180: {  	_ =	swait.ge [sflag:s13], $0x800  }
0x181: {  	[sflag:s13] =	ssyncset.done $0x0  }
0x182: {  	[sflag:s13] =	ssyncadd.s32 $0xFFFFF800  }
0x183: {  	_ =	swait.ge [sflag:s13], $0x800  }
0x184: {  	[sflag:s13] =	ssyncset.done $0x0  }
0x185: {  	[sflag:s13] =	ssyncadd.s32 $0xFFFFF800  }
0x186: {  	_ =	swait.ge [sflag:s13], $0x800  }
0x187: {  	[sflag:s13] =	ssyncset.done $0x0  }
0x188: {  	s28 =	simm.s32 $0xEB00;
	[sflag:s13] =	ssyncadd.s32 $0xFFFFF800  }
0x189: {  	[spmem:s1] =	stream.indirect.scatter.add.f32 [tilespmem:s11], [sflag:$0x8], $0x10, s28, s30, $0xb8;
	[tilespmem:$0x13100] =	vst v63  }
0x18a: {  	s22 =	rddreg [dreg:$0xf]  }
0x18b: {  	[spmem:s1] =	stream.indirect.scatter.add.f32 [tilespmem:s18], [sflag:$0x8], $0x10, s22, s30, $0xb8;
	[tilespmem:$0x13100] =	vst v63  }
0x18c: {  	s23 =	rddreg [dreg:$0x10]  }
0x18d: {  	[spmem:s1] =	stream.indirect.scatter.add.f32 [tilespmem:s24], [sflag:$0x8], $0x10, s23, s30, $0xb8;
	[tilespmem:$0x13100] =	vst v63  }
0x18e: {  	s16 =	rddreg [dreg:$0x11]  }
0x18f: {  	[spmem:s1] =	stream.indirect.scatter.add.f32 [tilespmem:s4], [sflag:$0x8], $0x10, s16, s30, $0xb8;
	[tilespmem:$0x13100] =	vst v63  }
0x190: {  	_ =	swait.ge [sflag:s9], $0x800  }
0x191: {  	[sflag:s9] =	ssyncset.done $0x0  }
0x192: {  	[sflag:s9] =	ssyncadd.s32 $0xFFFFF800  }
0x193: {  	_ =	swait.ge [sflag:s9], $0x800  }
0x194: {  	[sflag:s9] =	ssyncset.done $0x0  }
0x195: {  	[sflag:s9] =	ssyncadd.s32 $0xFFFFF800  }
0x196: {  	_ =	swait.ge [sflag:s9], $0x800  }
0x197: {  	[sflag:s9] =	ssyncset.done $0x0  }
0x198: {  	[sflag:s9] =	ssyncadd.s32 $0xFFFFF800  }
0x199: {  	_ =	swait.ge [sflag:s9], $0x800  }
0x19a: {  	[sflag:s9] =	ssyncset.done $0x0  }
0x19b: {  	s16 =	simm.s32 $0xED00;
	[sflag:s9] =	ssyncadd.s32 $0xFFFFF800  }
0x19c: {  	[spmem:s1] =	stream.indirect.scatter.add.f32 [tilespmem:s2], [sflag:$0x7], $0x10, s16, s30, $0xb8;
	[tilespmem:$0x13100] =	vst v63  }
0x19d: {  	s21 =	rddreg [dreg:$0x12];
	s2 =	simm.s32 $0xF900  }
0x19e: {  	[spmem:s1] =	stream.indirect.scatter.add.f32 [tilespmem:s2], [sflag:$0x7], $0x10, s21, s30, $0xb8;
	[tilespmem:$0x13100] =	vst v63  }
0x19f: {  	s22 =	rddreg [dreg:$0x13]  }
0x1a0: {  	[spmem:s1] =	stream.indirect.scatter.add.f32 [tilespmem:s6], [sflag:$0x7], $0x10, s22, s30, $0xb8;
	[tilespmem:$0x13100] =	vst v63  }
0x1a1: {  	s23 =	rddreg [dreg:$0x14]  }
0x1a2: {  	[spmem:s1] =	stream.indirect.scatter.add.f32 [tilespmem:s8], [sflag:$0x7], $0x10, s23, s30, $0xb8;
	[tilespmem:$0x13100] =	vst v63  }
0x1a3: {  	_ =	swait.ge [sflag:s19], $0x200  }
0x1a4: {  	[sflag:s19] =	ssyncset.done $0x0  }
0x1a5: {  	[sflag:s19] =	ssyncadd.s32 $0xFFFFFE00  }
0x1a6: {  	_ =	swait.ge [sflag:s19], $0x200  }
0x1a7: {  	[sflag:s19] =	ssyncset.done $0x0  }
0x1a8: {  	[sflag:s19] =	ssyncadd.s32 $0xFFFFFE00  }
0x1a9: {  	_ =	swait.ge [sflag:s20], $0x800  }
0x1aa: {  	[sflag:s20] =	ssyncset.done $0x0  }
0x1ab: {  	[sflag:s20] =	ssyncadd.s32 $0xFFFFF800  }
0x1ac: {  	_ =	swait.ge [sflag:s20], $0x800  }
0x1ad: {  	[sflag:s20] =	ssyncset.done $0x0  }
0x1ae: {  	[sflag:s20] =	ssyncadd.s32 $0xFFFFF800  }
0x1af: {  	_ =	swait.ge [sflag:s20], $0x800  }
0x1b0: {  	[sflag:s20] =	ssyncset.done $0x0  }
0x1b1: {  	[sflag:s20] =	ssyncadd.s32 $0xFFFFF800  }
0x1b2: {  	_ =	swait.ge [sflag:s20], $0x800  }
0x1b3: {  	[sflag:s20] =	ssyncset.done $0x0  }
0x1b4: {  	[sflag:s20] =	ssyncadd.s32 $0xFFFFF800  }
0x1b5: {  	[tilespmem:s11], [sflag:$0x6] =	stream.indirect.gather [hbm4b:s17+s30], $0x10, s26, s30, $0xb8;
	[tilespmem:$0x13100] =	vst v63  }
0x1b6: {  	s21 =	rddreg [dreg:$0x15]  }
0x1b7: {  	[tilespmem:s18], [sflag:$0x6] =	stream.indirect.gather [hbm4b:s17+s30], $0x10, s21, s30, $0xb8;
	[tilespmem:$0x13100] =	vst v63  }
0x1b8: {  	s22 =	rddreg [dreg:$0x16]  }
0x1b9: {  	[tilespmem:s24], [sflag:$0x6] =	stream.indirect.gather [hbm4b:s17+s30], $0x10, s22, s30, $0xb8;
	[tilespmem:$0x13100] =	vst v63  }
0x1ba: {  	s23 =	rddreg [dreg:$0x17]  }
0x1bb: {  	[tilespmem:s4], [sflag:$0x6] =	stream.indirect.gather [hbm4b:s17+s30], $0x10, s23, s30, $0xb8;
	[tilespmem:$0x13100] =	vst v63  }
0x1bc: {  	s21 =	sadd.s32 $0x140, s5;
	s23 =	simm.s32 $0xE300  }
0x1bd: {  	[tilespmem:s23], [sflag:$0x2] =	stream.linear.gather [hbm4b:s21+s3], $0x200, $0x38;
	[tilespmem:$0x13100] =	vst v63  }
0x1be: {  	s22 =	sadd.s32 $0x140, s7  }
0x1bf: {  	[tilespmem:s28], [sflag:$0x2] =	stream.linear.gather [hbm4b:s22+s3], $0x200, $0x38;
	[tilespmem:$0x13100] =	vst v63  }
0x1c0: {  	_ =	swait.ge [sflag:s12], $0x800  }
0x1c1: {  	[sflag:s12] =	ssyncset.done $0x0  }
0x1c2: {  	[sflag:s12] =	ssyncadd.s32 $0xFFFFF800  }
0x1c3: {  	_ =	swait.ge [sflag:s12], $0x800  }
0x1c4: {  	[sflag:s12] =	ssyncset.done $0x0  }
0x1c5: {  	[sflag:s12] =	ssyncadd.s32 $0xFFFFF800  }
0x1c6: {  	_ =	swait.ge [sflag:s12], $0x800  }
0x1c7: {  	[sflag:s12] =	ssyncset.done $0x0  }
0x1c8: {  	[sflag:s12] =	ssyncadd.s32 $0xFFFFF800  }
0x1c9: {  	_ =	swait.ge [sflag:s12], $0x800  }
0x1ca: {  	[sflag:s12] =	ssyncset.done $0x0  }
0x1cb: {  	[sflag:s12] =	ssyncadd.s32 $0xFFFFF800  }
0x1cc: {  	_ =	swait.ge [sflag:s29], $0x200  }
0x1cd: {  	[sflag:s29] =	ssyncset.done $0x0  }
0x1ce: {  	[sflag:s29] =	ssyncadd.s32 $0xFFFFFE00  }
0x1cf: {  	_ =	swait.ge [sflag:s29], $0x200  }
0x1d0: {  	[sflag:s29] =	ssyncset.done $0x0  }
0x1d1: {  	s26 =	simm.s32 $0xF100;
	s22 =	simm.s32 $0xE100;
	[sflag:s29] =	ssyncadd.s32 $0xFFFFFE00  }
0x1d2: {  	[tilespmem:s26], [sflag:$0x5] =	stream.indirect.gather [hbm4b:s17+s30], $0x10, s22, s30, $0xb8;
	[tilespmem:$0x13100] =	vst v63  }
0x1d3: {  	s28 =	simm.s32 $0xE180  }
0x1d4: {  	[tilespmem:s2], [sflag:$0x5] =	stream.indirect.gather [hbm4b:s17+s30], $0x10, s28, s30, $0xb8;
	[tilespmem:$0x13100] =	vst v63  }
0x1d5: {  	s28 =	simm.s32 $0xE200  }
0x1d6: {  	[tilespmem:s6], [sflag:$0x5] =	stream.indirect.gather [hbm4b:s17+s30], $0x10, s28, s30, $0xb8;
	[tilespmem:$0x13100] =	vst v63  }
0x1d7: {  	s28 =	simm.s32 $0xE280  }
0x1d8: {  	[tilespmem:s8], [sflag:$0x5] =	stream.indirect.gather [hbm4b:s17+s30], $0x10, s28, s30, $0xb8;
	[tilespmem:$0x13100] =	vst v63  }
0x1d9: {  	s5 =	sadd.s32 $0x180, s5  }
0x1da: {  	[tilespmem:s15], [sflag:$0x3] =	stream.linear.gather [hbm4b:s5+s3], $0x200, $0x38;
	[tilespmem:$0x13100] =	vst v63  }
0x1db: {  	s7 =	sadd.s32 $0x180, s7  }
0x1dc: {  	[tilespmem:s16], [sflag:$0x3] =	stream.linear.gather [hbm4b:s7+s3], $0x200, $0x38;
	[tilespmem:$0x13100] =	vst v63  }
0x1dd: {  	_ =	swait.ge [sflag:s13], $0x800  }
0x1de: {  	[sflag:s13] =	ssyncset.done $0x0  }
0x1df: {  	[sflag:s13] =	ssyncadd.s32 $0xFFFFF800  }
0x1e0: {  	_ =	swait.ge [sflag:s13], $0x800  }
0x1e1: {  	[sflag:s13] =	ssyncset.done $0x0  }
0x1e2: {  	[sflag:s13] =	ssyncadd.s32 $0xFFFFF800  }
0x1e3: {  	_ =	swait.ge [sflag:s13], $0x800  }
0x1e4: {  	[sflag:s13] =	ssyncset.done $0x0  }
0x1e5: {  	[sflag:s13] =	ssyncadd.s32 $0xFFFFF800  }
0x1e6: {  	_ =	swait.ge [sflag:s13], $0x800  }
0x1e7: {  	s0 =	sadd.s32 $0x100, s0;
	[sflag:s13] =	ssyncset.done $0x0  }
0x1e8: {  	p0 =	sne.s32 s0, $0x1A00;
	[sflag:s13] =	ssyncadd.s32 $0xFFFFF800  }
0x1e9: {  	[spmem:s1] =	stream.indirect.scatter.add.f32 [tilespmem:s11], [sflag:$0x8], $0x10, s31, s30, $0xb8;
	[tilespmem:$0x13100] =	vst v63  }
.Ltmp1:
0x1ea: {  	s21 =	rddreg [dreg:$0x18];
	(pc) =	sbr.rel @p0 .LBB2_4-.Ltmp1, $4  }
0x1eb: {  	s28 =	rddreg [dreg:$0x19]  }
0x1ec: {  	[spmem:s1] =	stream.indirect.scatter.add.f32 [tilespmem:s18], [sflag:$0x8], $0x10, s21, s30, $0xb8;
	[tilespmem:$0x13100] =	vst v63  }
0x1ed: {  	s5 =	rddreg [dreg:$0x1a]  }
0x1ee: {  	[spmem:s1] =	stream.indirect.scatter.add.f32 [tilespmem:s24], [sflag:$0x8], $0x10, s28, s30, $0xb8;
	[tilespmem:$0x13100] =	vst v63  }
0x1ef: {  	[spmem:s1] =	stream.indirect.scatter.add.f32 [tilespmem:s4], [sflag:$0x8], $0x10, s5, s30, $0xb8;
	[tilespmem:$0x13100] =	vst v63  }
0x1f0: {  	_ =	swait.ge [sflag:s20], $0x800  }
0x1f1: {  	[sflag:s20] =	ssyncset.done $0x0  }
0x1f2: {  	[sflag:s20] =	ssyncadd.s32 $0xFFFFF800  }
0x1f3: {  	_ =	swait.ge [sflag:s20], $0x800  }
0x1f4: {  	[sflag:s20] =	ssyncset.done $0x0  }
0x1f5: {  	[sflag:s20] =	ssyncadd.s32 $0xFFFFF800  }
0x1f6: {  	_ =	swait.ge [sflag:s20], $0x800  }
0x1f7: {  	[sflag:s20] =	ssyncset.done $0x0  }
0x1f8: {  	[sflag:s20] =	ssyncadd.s32 $0xFFFFF800  }
0x1f9: {  	_ =	swait.ge [sflag:s20], $0x800  }
0x1fa: {  	[sflag:s20] =	ssyncset.done $0x0  }
0x1fb: {  	[sflag:s20] =	ssyncadd.s32 $0xFFFFF800  }
0x1fc: {  	_ =	swait.ge [sflag:s9], $0x800  }
0x1fd: {  	[sflag:s9] =	ssyncset.done $0x0  }
0x1fe: {  	[sflag:s9] =	ssyncadd.s32 $0xFFFFF800  }
0x1ff: {  	_ =	swait.ge [sflag:s9], $0x800  }
0x200: {  	[sflag:s9] =	ssyncset.done $0x0  }
0x201: {  	[sflag:s9] =	ssyncadd.s32 $0xFFFFF800  }
0x202: {  	_ =	swait.ge [sflag:s9], $0x800  }
0x203: {  	[sflag:s9] =	ssyncset.done $0x0  }
0x204: {  	[sflag:s9] =	ssyncadd.s32 $0xFFFFF800  }
0x205: {  	_ =	swait.ge [sflag:s9], $0x800  }
0x206: {  	[sflag:s9] =	ssyncset.done $0x0  }
0x207: {  	[sflag:s9] =	ssyncadd.s32 $0xFFFFF800  }
0x208: {  	_ =	swait.ge [sflag:s10], $0x200  }
0x209: {  	[sflag:s10] =	ssyncset.done $0x0  }
0x20a: {  	[sflag:s10] =	ssyncadd.s32 $0xFFFFFE00  }
0x20b: {  	_ =	swait.ge [sflag:s10], $0x200  }
0x20c: {  	[sflag:s10] =	ssyncset.done $0x0  }
0x20d: {  	[sflag:s10] =	ssyncadd.s32 $0xFFFFFE00  }
0x20e: {  	_ =	swait.ge [sflag:s14], $0x200  }
0x20f: {  	[sflag:s14] =	ssyncset.done $0x0  }
0x210: {  	[sflag:s14] =	ssyncadd.s32 $0xFFFFFE00  }
0x211: {  	_ =	swait.ge [sflag:s14], $0x200  }
0x212: {  	[sflag:s14] =	ssyncset.done $0x0  }
0x213: {  	[sflag:s14] =	ssyncadd.s32 $0xFFFFFE00  }
0x214: {  	[bflag:$0x0] =	sbarrier.arrive $0xFFFF  }
0x215: {  	s0 =	stileid.u32;
	s7 =	sld [smem:$0x7FD]  }
0x216: {  	s0 =	sshll.u32 s0, $0x6;
	s21 =	rddreg [dreg:$0x1b]  }
0x217: {  	s0 =	sor.u32 $0x1C09, s0;
	s25 =	sshrl.u32 s21, $0x3  }
0x218: {  	[hbm:s7], [sflag:s0] =	dma.local [spmem:s25], $0x1900  }
0x219: {  	s7 =	simm.s32 $0x9  }
0x21a: {  	_ =	swait.ge [sflag:s7], $0x1900  }
0x21b: {  	s28 =	sld [smem:$0x7F3]  }
0x21c: {  	s31 =	sld [smem:$0x7FC];
	_ =	sdelay $0x1  }
0x21d: {  	s5 =	sadd.s32 $0x1, s28  }
0x21e: {  	p0 =	sne.s32 s5, s31  }
.Ltmp2:
0x21f: {  	_ = 	snop;
	(pc) =	sbr.rel @p0 .LBB2_1-.Ltmp2, $3  }
0x220: {  	[sflag:s7] =	ssyncset.done $0x0  }
0x221: {  	[sflag:s7] =	ssyncadd.s32 $0xFFFFE700  }
0x222: {  	[bflag:$0x0] =	sbarrier.arrive $0xFFFF;
	_ =	sdelay $0x1  }
0x223: {  	_ =	sfence.sel $0x180000  }
0x224: {  	[bflag:$0x0] =	sbarrier.arrive $0xFFFF  }
0x225: {  	_ =	strace $0x90000047  }
0x226: {  	s0 =	stileid.u32;
	[bflag:$0x2] =	sbarrier.arrive $0xFFFF  }
0x227: {  	p0 =	sne.s32 s0, $0x0;
	s0 =	rddreg [dreg:$0x3]  }
0x228: {  	s0 =	sadd.s32 @!p0 $0x100000, s0  }
0x229: {  	[sflag:s0] =	ssyncadd.tile.s32 @!p0 $0x1;
	_ =	shalt  }
.Lfunc_end2:
_tile_overlayer_lowered:
.L_overlay_start_2:
0x22a: {  	(tag) =	ssettag $0x2  }
0x22b: {  	s0 =	rddreg [dreg:$0x0];
	s2 =	stileid.u32  }
0x22c: {  	s1 =	rddreg [dreg:$0x1];
	p0 =	sne.s32 s2, $0x0  }
0x22d: {  	s3 =	rddreg [dreg:$0x2];
	[bflag:$0x3] =	sbarrier.arrive $0xFFFF;
	s2 =	simm.s32 @!p0 $0x1C09  }
0x22e: {  	[timem:s3], [sflag:s2] =	dma.local @!p0 [hbm:s0], s1  }
0x22f: {  	s0 =	simm.s32 @!p0 $0x9  }
0x230: {  	_ =	swait.ge @!p0 [sflag:s0], s1  }
0x231: {  	s1 =	ssub.s32 @!p0 $0x0, s1;
	[sflag:s0] =	ssyncset.done @!p0 $0x0  }
0x232: {  	[sflag:s0] =	ssyncadd.s32 @!p0 s1  }
0x233: {  	[bflag:$0x3] =	sbarrier.arrive $0xFFFF  }
0x234: {  	_ =	shalt  }

</sc_bundles>
